<compile_context>
chip_gen: v7x
topology: tpu7x:2x2x1
jax: 0.10.2.dev20260603
libtpu: 0.0.44.dev20260713+nightly
codegen_flags: <defaults>
</compile_context>

<pallas_src>
import jax
import jax.numpy as jnp
from jax import lax
from jax.experimental import pallas as pl
from jax.experimental.pallas import tpu as pltpu
from jax.experimental.pallas import tpu_sc as plsc

B, L, D = 1024, 200, 128
N = B * L
NW = 32
TPW = N // NW
CHUNK = 128
NCHUNK = TPW // CHUNK
GROUPS = CHUNK // 16
NV = D // 16
EPS = 1e-12


def _rsqrt(x):
    i = lax.bitcast_convert_type(x, jnp.int32)
    i = jnp.int32(0x5F3759DF) - lax.shift_right_logical(i, 1)
    y = lax.bitcast_convert_type(i, jnp.float32)
    for _ in range(3):
        y = y * (1.5 - 0.5 * x * y * y)
    return y


def _body(ids_hbm, ps_idx_hbm, tab_hbm, ps_hbm, gb_hbm, out_hbm,
          ps_v, gb_v, idx_v, psi_v, chunk_v, outb_v, sem):
    wid = lax.axis_index("s") * 2 + lax.axis_index("c")
    pltpu.sync_copy(ps_hbm, ps_v)
    pltpu.sync_copy(gb_hbm, gb_v)
    pltpu.sync_copy(ids_hbm.at[wid], idx_v)
    pltpu.sync_copy(ps_idx_hbm.at[wid], psi_v)

    def chunk_body(c, carry):
        pltpu.async_copy(tab_hbm.at[idx_v.at[c]], chunk_v, sem).wait()
        tok0 = wid * TPW + c * CHUNK

        def group_body(g, gcarry):
            gv = [gb_v[pl.ds(16 * i, 16)] for i in range(NV)]
            bv = [gb_v[pl.ds(D + 16 * i, 16)] for i in range(NV)]
            pr16 = psi_v[pl.ds(c * CHUNK + g * 16, 16)]
            for t in range(16):
                j = g * 16 + t
                pbase = pr16[t] * D
                x = [chunk_v[j, pl.ds(16 * i, 16)]
                     + ps_v[pl.ds(pbase + 16 * i, 16)] for i in range(NV)]
                s1 = x[0]
                for i in range(1, NV):
                    s1 = s1 + x[i]
                s2 = x[0] * x[0]
                for i in range(1, NV):
                    s2 = s2 + x[i] * x[i]
                tot1 = jnp.sum(s1)
                tot2 = jnp.sum(s2)
                mean = tot1 * (1.0 / D)
                var = tot2 * (1.0 / D) - mean * mean
                r = _rsqrt(var + EPS)
                for i in range(NV):
                    o = (x[i] - mean) * r * gv[i] + bv[i]
                    outb_v[j, pl.ds(16 * i, 16)] = o
            return gcarry

        lax.fori_loop(0, GROUPS, group_body, 0)
        pltpu.sync_copy(outb_v, out_hbm.at[pl.ds(tok0, CHUNK)])
        return carry

    lax.fori_loop(0, NCHUNK, chunk_body, 0)


def kernel(input_ids, token_type_ids, token_table, position_table,
           segment_table, gamma, beta):
    ids = input_ids.reshape(N).astype(jnp.int32).reshape(NW, NCHUNK, CHUNK)
    ps_idx = ((jnp.arange(N, dtype=jnp.int32) % L) * 2
              + token_type_ids.reshape(N).astype(jnp.int32)).reshape(NW, TPW)
    ps = (position_table[:L, None, :] + segment_table[None, :, :]).reshape(
        2 * L * D)
    gb = jnp.concatenate([gamma, beta])
    mesh = plsc.VectorSubcoreMesh(core_axis_name="c", subcore_axis_name="s")
    out = pl.kernel(
        _body,
        out_type=jax.ShapeDtypeStruct((N, D), jnp.float32),
        mesh=mesh,
        compiler_params=pltpu.CompilerParams(needs_layout_passes=False),
        scratch_types=[
            pltpu.VMEM((2 * L * D,), jnp.float32),
            pltpu.VMEM((2 * D,), jnp.float32),
            pltpu.VMEM((NCHUNK, CHUNK), jnp.int32),
            pltpu.VMEM((TPW,), jnp.int32),
            pltpu.VMEM((CHUNK, D), jnp.float32),
            pltpu.VMEM((CHUNK, D), jnp.float32),
            pltpu.SemaphoreType.DMA,
        ],
    )(ids, ps_idx, token_table, ps, gb)
    return out.reshape(B, L, D)

# --- scband reference (transcript-rebuilt; emitter-appended) ---
"""Pipeline reference for scband-bert-embedding-77515569758585 (READ-ONLY COPY).

The authoritative reference and input builder live on the scoring server;
editing this copy changes nothing except your own understanding.
"""

import jax, jax.numpy as jnp
import numpy as np

VOCAB = 100000
D = 128
TYPE_VOCAB = 2
MAX_POS = 512
B, L = 1024, 200
EPS = 1e-12


def setup_inputs(seed: int = 0) -> dict:
    key = jax.random.key(seed)
    k1, k2, k3, k4, k5 = jax.random.split(key, 5)
    input_ids = jax.random.randint(k1, (B, L), 0, VOCAB, dtype=jnp.int64) if jax.config.jax_enable_x64 else jax.random.randint(k1, (B, L), 0, VOCAB)
    token_type_ids = jax.random.randint(k2, (B, L), 0, TYPE_VOCAB)
    token_table = jax.random.normal(k3, (VOCAB, D), dtype=jnp.float32) * 0.02
    position_table = jax.random.normal(k4, (MAX_POS, D), dtype=jnp.float32) * 0.02
    segment_table = jax.random.normal(k5, (TYPE_VOCAB, D), dtype=jnp.float32) * 0.02
    gamma = jnp.ones((D,), dtype=jnp.float32)
    beta = jnp.zeros((D,), dtype=jnp.float32)
    return {
        "input_ids": input_ids,
        "token_type_ids": token_type_ids,
        "token_table": token_table,
        "position_table": position_table,
        "segment_table": segment_table,
        "gamma": gamma,
        "beta": beta,
    }


def reference(input_ids, token_type_ids, token_table, position_table, segment_table, gamma, beta):
    seq_len = input_ids.shape[1]
    position_ids = jnp.broadcast_to(jnp.arange(seq_len)[None, :], input_ids.shape)
    token_embeddings = jnp.take(token_table, input_ids, axis=0)
    position_embeddings = jnp.take(position_table, position_ids, axis=0)
    segment_embeddings = jnp.take(segment_table, token_type_ids, axis=0)
    embeddings = token_embeddings + position_embeddings + segment_embeddings
    mean = jnp.mean(embeddings, axis=-1, keepdims=True)
    var = jnp.mean((embeddings - mean) ** 2, axis=-1, keepdims=True)
    normed = (embeddings - mean) / jnp.sqrt(var + EPS)
    out = normed * gamma + beta
    # dropout is identity at inference time
    return out

if __name__ == "__main__":
    import jax
    _d = setup_inputs()
    print(jax.jit(kernel)(*tuple(_d.values())))

</pallas_src>

<mosaic_0001>
#map = affine_map<(d0, d1) -> (0, 0, 0)>
#map1 = affine_map<(d0, d1) -> (0, 0)>
#map2 = affine_map<(d0, d1) -> (0)>
module attributes {stable_mosaic.version = 14 : i64} {
  func.func @_body(%arg0: i32, %arg1: i32, %arg2: memref<32x50x128xi32, #tpu.memory_space<hbm>>, %arg3: memref<32x6400xi32, #tpu.memory_space<hbm>>, %arg4: memref<100000x128xf32, #tpu.memory_space<hbm>>, %arg5: memref<51200xf32, #tpu.memory_space<hbm>>, %arg6: memref<256xf32, #tpu.memory_space<hbm>>, %arg7: memref<204800x128xf32, #tpu.memory_space<hbm>>, %arg8: memref<51200xf32, #tpu.memory_space<vmem>>, %arg9: memref<256xf32, #tpu.memory_space<vmem>>, %arg10: memref<50x128xi32, #tpu.memory_space<vmem>>, %arg11: memref<6400xi32, #tpu.memory_space<vmem>>, %arg12: memref<128x128xf32, #tpu.memory_space<vmem>>, %arg13: memref<128x128xf32, #tpu.memory_space<vmem>>, %arg14: memref<!tpu.dma_semaphore, #tpu.memory_space<semaphore_mem>>) attributes {dimension_semantics = [#tpu.dimension_semantics<core_parallel>, #tpu.dimension_semantics<subcore_parallel>], iteration_bounds = array<i64: 2, 16>, scalar_prefetch = 0 : i64, scratch_operands = 7 : i64, tpu.core_type = #tpu.core_type<sc_vector_subcore>, window_params = [{transform_indices = #map}, {transform_indices = #map1}, {transform_indices = #map1}, {transform_indices = #map2}, {transform_indices = #map2}, {transform_indices = #map1}]} {
    %mul3A = arith.constant 2 : i32
    %mul3A_0 = arith.muli %arg1, %mul3A : i32
    %add3A = arith.addi %mul3A_0, %arg0 : i32
    "tpu.region"() ({
      %run_scoped3A = tpu.sem_alloc : memref<!tpu.dma_semaphore, #tpu.memory_space<semaphore_mem>>
      tpu.enqueue_dma source(%arg5 : memref<51200xf32, #tpu.memory_space<hbm>>) target(%arg8 : memref<51200xf32, #tpu.memory_space<vmem>>) target_semaphore(%run_scoped3A : memref<!tpu.dma_semaphore, #tpu.memory_space<semaphore_mem>>)
      tpu.wait_dma2 semaphore(%run_scoped3A : memref<!tpu.dma_semaphore, #tpu.memory_space<semaphore_mem>>) src(%arg5 : memref<51200xf32, #tpu.memory_space<hbm>>) dst(%arg8 : memref<51200xf32, #tpu.memory_space<vmem>>)
      tpu.yield
    }) : () -> ()
    "tpu.region"() ({
      %run_scoped3A = tpu.sem_alloc : memref<!tpu.dma_semaphore, #tpu.memory_space<semaphore_mem>>
      tpu.enqueue_dma source(%arg6 : memref<256xf32, #tpu.memory_space<hbm>>) target(%arg9 : memref<256xf32, #tpu.memory_space<vmem>>) target_semaphore(%run_scoped3A : memref<!tpu.dma_semaphore, #tpu.memory_space<semaphore_mem>>)
      tpu.wait_dma2 semaphore(%run_scoped3A : memref<!tpu.dma_semaphore, #tpu.memory_space<semaphore_mem>>) src(%arg6 : memref<256xf32, #tpu.memory_space<hbm>>) dst(%arg9 : memref<256xf32, #tpu.memory_space<vmem>>)
      tpu.yield
    }) : () -> ()
    "tpu.region"() ({
      %run_scoped3A = tpu.sem_alloc : memref<!tpu.dma_semaphore, #tpu.memory_space<semaphore_mem>>
      %dma_start3A = arith.constant 0 : i32
      %dma_start3A_6 = arith.constant 0 : i32
      %dma_start3A_7 = tpu.memref_slice %arg2[%add3A, %dma_start3A, %dma_start3A_6] : memref<32x50x128xi32, #tpu.memory_space<hbm>> -> memref<1x50x128xi32, #tpu.memory_space<hbm>>
      %dma_start3A_8 = tpu.memref_squeeze %dma_start3A_7 : memref<1x50x128xi32, #tpu.memory_space<hbm>> -> memref<50x128xi32, #tpu.memory_space<hbm>>
      %dma_start3A_9 = arith.constant 0 : i32
      %dma_start3A_10 = arith.constant 0 : i32
      %dma_start3A_11 = tpu.memref_slice %arg2[%add3A, %dma_start3A_9, %dma_start3A_10] : memref<32x50x128xi32, #tpu.memory_space<hbm>> -> memref<1x50x128xi32, #tpu.memory_space<hbm>>
      %dma_start3A_12 = tpu.memref_squeeze %dma_start3A_11 : memref<1x50x128xi32, #tpu.memory_space<hbm>> -> memref<50x128xi32, #tpu.memory_space<hbm>>
      tpu.enqueue_dma source(%dma_start3A_12 : memref<50x128xi32, #tpu.memory_space<hbm>>) target(%arg10 : memref<50x128xi32, #tpu.memory_space<vmem>>) target_semaphore(%run_scoped3A : memref<!tpu.dma_semaphore, #tpu.memory_space<semaphore_mem>>)
      %dma_wait3A = arith.constant 0 : i32
      %dma_wait3A_13 = arith.constant 0 : i32
      %dma_wait3A_14 = tpu.memref_slice %arg2[%add3A, %dma_wait3A, %dma_wait3A_13] : memref<32x50x128xi32, #tpu.memory_space<hbm>> -> memref<1x50x128xi32, #tpu.memory_space<hbm>>
      %dma_wait3A_15 = tpu.memref_squeeze %dma_wait3A_14 : memref<1x50x128xi32, #tpu.memory_space<hbm>> -> memref<50x128xi32, #tpu.memory_space<hbm>>
      %dma_wait3A_16 = arith.constant 0 : i32
      %dma_wait3A_17 = arith.constant 0 : i32
      %dma_wait3A_18 = tpu.memref_slice %arg2[%add3A, %dma_wait3A_16, %dma_wait3A_17] : memref<32x50x128xi32, #tpu.memory_space<hbm>> -> memref<1x50x128xi32, #tpu.memory_space<hbm>>
      %dma_wait3A_19 = tpu.memref_squeeze %dma_wait3A_18 : memref<1x50x128xi32, #tpu.memory_space<hbm>> -> memref<50x128xi32, #tpu.memory_space<hbm>>
      tpu.wait_dma2 semaphore(%run_scoped3A : memref<!tpu.dma_semaphore, #tpu.memory_space<semaphore_mem>>) src(%dma_wait3A_19 : memref<50x128xi32, #tpu.memory_space<hbm>>) dst(%arg10 : memref<50x128xi32, #tpu.memory_space<vmem>>)
      tpu.yield
    }) : () -> ()
    "tpu.region"() ({
      %run_scoped3A = tpu.sem_alloc : memref<!tpu.dma_semaphore, #tpu.memory_space<semaphore_mem>>
      %dma_start3A = arith.constant 0 : i32
      %dma_start3A_6 = tpu.memref_slice %arg3[%add3A, %dma_start3A] : memref<32x6400xi32, #tpu.memory_space<hbm>> -> memref<1x6400xi32, #tpu.memory_space<hbm>>
      %dma_start3A_7 = tpu.memref_squeeze %dma_start3A_6 : memref<1x6400xi32, #tpu.memory_space<hbm>> -> memref<6400xi32, #tpu.memory_space<hbm>>
      %dma_start3A_8 = arith.constant 0 : i32
      %dma_start3A_9 = tpu.memref_slice %arg3[%add3A, %dma_start3A_8] : memref<32x6400xi32, #tpu.memory_space<hbm>> -> memref<1x6400xi32, #tpu.memory_space<hbm>>
      %dma_start3A_10 = tpu.memref_squeeze %dma_start3A_9 : memref<1x6400xi32, #tpu.memory_space<hbm>> -> memref<6400xi32, #tpu.memory_space<hbm>>
      tpu.enqueue_dma source(%dma_start3A_10 : memref<6400xi32, #tpu.memory_space<hbm>>) target(%arg11 : memref<6400xi32, #tpu.memory_space<vmem>>) target_semaphore(%run_scoped3A : memref<!tpu.dma_semaphore, #tpu.memory_space<semaphore_mem>>)
      %dma_wait3A = arith.constant 0 : i32
      %dma_wait3A_11 = tpu.memref_slice %arg3[%add3A, %dma_wait3A] : memref<32x6400xi32, #tpu.memory_space<hbm>> -> memref<1x6400xi32, #tpu.memory_space<hbm>>
      %dma_wait3A_12 = tpu.memref_squeeze %dma_wait3A_11 : memref<1x6400xi32, #tpu.memory_space<hbm>> -> memref<6400xi32, #tpu.memory_space<hbm>>
      %dma_wait3A_13 = arith.constant 0 : i32
      %dma_wait3A_14 = tpu.memref_slice %arg3[%add3A, %dma_wait3A_13] : memref<32x6400xi32, #tpu.memory_space<hbm>> -> memref<1x6400xi32, #tpu.memory_space<hbm>>
      %dma_wait3A_15 = tpu.memref_squeeze %dma_wait3A_14 : memref<1x6400xi32, #tpu.memory_space<hbm>> -> memref<6400xi32, #tpu.memory_space<hbm>>
      tpu.wait_dma2 semaphore(%run_scoped3A : memref<!tpu.dma_semaphore, #tpu.memory_space<semaphore_mem>>) src(%dma_wait3A_15 : memref<6400xi32, #tpu.memory_space<hbm>>) dst(%arg11 : memref<6400xi32, #tpu.memory_space<vmem>>)
      tpu.yield
    }) : () -> ()
    %scan3A = arith.constant 0 : i32
    %scan3A_1 = arith.constant 0 : i32
    %scan3A_2 = arith.constant 50 : i32
    %scan3A_3 = arith.addi %scan3A_1, %scan3A_2 : i32
    %scan3A_4 = arith.constant 1 : i32
    scf.for %scan3A_6 = %scan3A_1 to %scan3A_3 step %scan3A_4  : i32 {
      %dma_start3A = arith.constant 0 : i32
      %dma_start3A_7 = tpu.memref_slice %arg10[%scan3A_6, %dma_start3A] : memref<50x128xi32, #tpu.memory_space<vmem>> -> memref<1x128xi32, #tpu.memory_space<vmem>>
      %dma_start3A_8 = tpu.memref_squeeze %dma_start3A_7 : memref<1x128xi32, #tpu.memory_space<vmem>> -> memref<128xi32, #tpu.memory_space<vmem>>
      %dma_start3A_9 = arith.constant 0 : i32
      %dma_start3A_10 = arith.constant 0 : i32
      %dma_start3A_11 = tpu.memref_slice %arg4[%dma_start3A_9, %dma_start3A_10] : memref<100000x128xf32, #tpu.memory_space<hbm>> -> memref<100000x128xf32, #tpu.memory_space<hbm>>
      tpu.enqueue_indirect_dma source(%dma_start3A_11 : memref<100000x128xf32, #tpu.memory_space<hbm>>) target(%arg12 : memref<128x128xf32, #tpu.memory_space<vmem>>) offsets(%dma_start3A_8 : memref<128xi32, #tpu.memory_space<vmem>>) semaphore(%arg14 : memref<!tpu.dma_semaphore, #tpu.memory_space<semaphore_mem>>)
      %dma_wait3A = arith.constant 0 : i32
      %dma_wait3A_12 = tpu.memref_slice %arg10[%scan3A_6, %dma_wait3A] : memref<50x128xi32, #tpu.memory_space<vmem>> -> memref<1x128xi32, #tpu.memory_space<vmem>>
      %dma_wait3A_13 = tpu.memref_squeeze %dma_wait3A_12 : memref<1x128xi32, #tpu.memory_space<vmem>> -> memref<128xi32, #tpu.memory_space<vmem>>
      %dma_wait3A_14 = arith.constant 0 : i32
      %dma_wait3A_15 = arith.constant 0 : i32
      %dma_wait3A_16 = tpu.memref_slice %arg4[%dma_wait3A_14, %dma_wait3A_15] : memref<100000x128xf32, #tpu.memory_space<hbm>> -> memref<100000x128xf32, #tpu.memory_space<hbm>>
      tpu.wait_indirect_dma semaphore(%arg14 : memref<!tpu.dma_semaphore, #tpu.memory_space<semaphore_mem>>) src(%dma_wait3A_16 : memref<100000x128xf32, #tpu.memory_space<hbm>>) dst(%arg12 : memref<128x128xf32, #tpu.memory_space<vmem>>)
      %mul3A_17 = arith.constant 6400 : i32
      %mul3A_18 = arith.muli %add3A, %mul3A_17 : i32
      %mul3A_19 = arith.constant 128 : i32
      %mul3A_20 = arith.muli %scan3A_6, %mul3A_19 : i32
      %add3A_21 = arith.addi %mul3A_18, %mul3A_20 : i32
      %scan3A_22 = arith.constant 0 : i32
      %scan3A_23 = arith.constant 0 : i32
      %scan3A_24 = arith.constant 8 : i32
      %scan3A_25 = arith.addi %scan3A_23, %scan3A_24 : i32
      %scan3A_26 = arith.constant 1 : i32
      scf.for %scan3A_28 = %scan3A_23 to %scan3A_25 step %scan3A_26  : i32 {
        %get3A = arith.constant 0 : index
        %get3A_29 = tpu.vector_load %arg9[%get3A] {strides = array<i32>} : memref<256xf32, #tpu.memory_space<vmem>>, vector<16xf32>,
        %get3A_30 = arith.constant 16 : index
        %get3A_31 = tpu.vector_load %arg9[%get3A_30] {strides = array<i32>} : memref<256xf32, #tpu.memory_space<vmem>>, vector<16xf32>,
        %get3A_32 = arith.constant 32 : index
        %get3A_33 = tpu.vector_load %arg9[%get3A_32] {strides = array<i32>} : memref<256xf32, #tpu.memory_space<vmem>>, vector<16xf32>,
        %get3A_34 = arith.constant 48 : index
        %get3A_35 = tpu.vector_load %arg9[%get3A_34] {strides = array<i32>} : memref<256xf32, #tpu.memory_space<vmem>>, vector<16xf32>,
        %get3A_36 = arith.constant 64 : index
        %get3A_37 = tpu.vector_load %arg9[%get3A_36] {strides = array<i32>} : memref<256xf32, #tpu.memory_space<vmem>>, vector<16xf32>,
        %get3A_38 = arith.constant 80 : index
        %get3A_39 = tpu.vector_load %arg9[%get3A_38] {strides = array<i32>} : memref<256xf32, #tpu.memory_space<vmem>>, vector<16xf32>,
        %get3A_40 = arith.constant 96 : index
        %get3A_41 = tpu.vector_load %arg9[%get3A_40] {strides = array<i32>} : memref<256xf32, #tpu.memory_space<vmem>>, vector<16xf32>,
        %get3A_42 = arith.constant 112 : index
        %get3A_43 = tpu.vector_load %arg9[%get3A_42] {strides = array<i32>} : memref<256xf32, #tpu.memory_space<vmem>>, vector<16xf32>,
        %get3A_44 = arith.constant 128 : index
        %get3A_45 = tpu.vector_load %arg9[%get3A_44] {strides = array<i32>} : memref<256xf32, #tpu.memory_space<vmem>>, vector<16xf32>,
        %get3A_46 = arith.constant 144 : index
        %get3A_47 = tpu.vector_load %arg9[%get3A_46] {strides = array<i32>} : memref<256xf32, #tpu.memory_space<vmem>>, vector<16xf32>,
        %get3A_48 = arith.constant 160 : index
        %get3A_49 = tpu.vector_load %arg9[%get3A_48] {strides = array<i32>} : memref<256xf32, #tpu.memory_space<vmem>>, vector<16xf32>,
        %get3A_50 = arith.constant 176 : index
        %get3A_51 = tpu.vector_load %arg9[%get3A_50] {strides = array<i32>} : memref<256xf32, #tpu.memory_space<vmem>>, vector<16xf32>,
        %get3A_52 = arith.constant 192 : index
        %get3A_53 = tpu.vector_load %arg9[%get3A_52] {strides = array<i32>} : memref<256xf32, #tpu.memory_space<vmem>>, vector<16xf32>,
        %get3A_54 = arith.constant 208 : index
        %get3A_55 = tpu.vector_load %arg9[%get3A_54] {strides = array<i32>} : memref<256xf32, #tpu.memory_space<vmem>>, vector<16xf32>,
        %get3A_56 = arith.constant 224 : index
        %get3A_57 = tpu.vector_load %arg9[%get3A_56] {strides = array<i32>} : memref<256xf32, #tpu.memory_space<vmem>>, vector<16xf32>,
        %get3A_58 = arith.constant 240 : index
        %get3A_59 = tpu.vector_load %arg9[%get3A_58] {strides = array<i32>} : memref<256xf32, #tpu.memory_space<vmem>>, vector<16xf32>,
        %mul3A_60 = arith.constant 128 : i32
        %mul3A_61 = arith.muli %scan3A_6, %mul3A_60 : i32
        %mul3A_62 = arith.constant 16 : i32
        %mul3A_63 = arith.muli %scan3A_28, %mul3A_62 : i32
        %add3A_64 = arith.addi %mul3A_61, %mul3A_63 : i32
        %get3A_65 = arith.index_cast %add3A_64 : i32 to index
        %get3A_66 = tpu.vector_load %arg11[%get3A_65] {strides = array<i32>} : memref<6400xi32, #tpu.memory_space<vmem>>, vector<16xi32>,
        %mul3A_67 = arith.constant 16 : i32
        %mul3A_68 = arith.muli %scan3A_28, %mul3A_67 : i32
        %add3A_69 = arith.constant 0 : i32
        %add3A_70 = arith.addi %mul3A_68, %add3A_69 : i32
        %slice3A = vector.extract_strided_slice %get3A_66 {offsets = [0], sizes = [1], strides = [1]} : vector<16xi32> to vector<1xi32>
        %squeeze3A = vector.extract %slice3A[0] : i32 from vector<1xi32>
        %mul3A_71 = arith.constant 128 : i32
        %mul3A_72 = arith.muli %squeeze3A, %mul3A_71 : i32
        %get3A_73 = arith.index_cast %add3A_70 : i32 to index
        %get3A_74 = arith.constant 0 : index
        %get3A_75 = tpu.vector_load %arg12[%get3A_73, %get3A_74] {strides = array<i32>} : memref<128x128xf32, #tpu.memory_space<vmem>>, vector<16xf32>,
        %add3A_76 = arith.constant 0 : i32
        %add3A_77 = arith.addi %mul3A_72, %add3A_76 : i32
        %get3A_78 = arith.index_cast %add3A_77 : i32 to index
        %get3A_79 = tpu.vector_load %arg8[%get3A_78] {strides = array<i32>} : memref<51200xf32, #tpu.memory_space<vmem>>, vector<16xf32>,
        %add3A_80 = arith.addf %get3A_75, %get3A_79 : vector<16xf32>
        %get3A_81 = arith.index_cast %add3A_70 : i32 to index
        %get3A_82 = arith.constant 16 : index
        %get3A_83 = tpu.vector_load %arg12[%get3A_81, %get3A_82] {strides = array<i32>} : memref<128x128xf32, #tpu.memory_space<vmem>>, vector<16xf32>,
        %add3A_84 = arith.constant 16 : i32
        %add3A_85 = arith.addi %mul3A_72, %add3A_84 : i32
        %get3A_86 = arith.index_cast %add3A_85 : i32 to index
        %get3A_87 = tpu.vector_load %arg8[%get3A_86] {strides = array<i32>} : memref<51200xf32, #tpu.memory_space<vmem>>, vector<16xf32>,
        %add3A_88 = arith.addf %get3A_83, %get3A_87 : vector<16xf32>
        %get3A_89 = arith.index_cast %add3A_70 : i32 to index
        %get3A_90 = arith.constant 32 : index
        %get3A_91 = tpu.vector_load %arg12[%get3A_89, %get3A_90] {strides = array<i32>} : memref<128x128xf32, #tpu.memory_space<vmem>>, vector<16xf32>,
        %add3A_92 = arith.constant 32 : i32
        %add3A_93 = arith.addi %mul3A_72, %add3A_92 : i32
        %get3A_94 = arith.index_cast %add3A_93 : i32 to index
        %get3A_95 = tpu.vector_load %arg8[%get3A_94] {strides = array<i32>} : memref<51200xf32, #tpu.memory_space<vmem>>, vector<16xf32>,
        %add3A_96 = arith.addf %get3A_91, %get3A_95 : vector<16xf32>
        %get3A_97 = arith.index_cast %add3A_70 : i32 to index
        %get3A_98 = arith.constant 48 : index
        %get3A_99 = tpu.vector_load %arg12[%get3A_97, %get3A_98] {strides = array<i32>} : memref<128x128xf32, #tpu.memory_space<vmem>>, vector<16xf32>,
        %add3A_100 = arith.constant 48 : i32
        %add3A_101 = arith.addi %mul3A_72, %add3A_100 : i32
        %get3A_102 = arith.index_cast %add3A_101 : i32 to index
        %get3A_103 = tpu.vector_load %arg8[%get3A_102] {strides = array<i32>} : memref<51200xf32, #tpu.memory_space<vmem>>, vector<16xf32>,
        %add3A_104 = arith.addf %get3A_99, %get3A_103 : vector<16xf32>
        %get3A_105 = arith.index_cast %add3A_70 : i32 to index
        %get3A_106 = arith.constant 64 : index
        %get3A_107 = tpu.vector_load %arg12[%get3A_105, %get3A_106] {strides = array<i32>} : memref<128x128xf32, #tpu.memory_space<vmem>>, vector<16xf32>,
        %add3A_108 = arith.constant 64 : i32
        %add3A_109 = arith.addi %mul3A_72, %add3A_108 : i32
        %get3A_110 = arith.index_cast %add3A_109 : i32 to index
        %get3A_111 = tpu.vector_load %arg8[%get3A_110] {strides = array<i32>} : memref<51200xf32, #tpu.memory_space<vmem>>, vector<16xf32>,
        %add3A_112 = arith.addf %get3A_107, %get3A_111 : vector<16xf32>
        %get3A_113 = arith.index_cast %add3A_70 : i32 to index
        %get3A_114 = arith.constant 80 : index
        %get3A_115 = tpu.vector_load %arg12[%get3A_113, %get3A_114] {strides = array<i32>} : memref<128x128xf32, #tpu.memory_space<vmem>>, vector<16xf32>,
        %add3A_116 = arith.constant 80 : i32
        %add3A_117 = arith.addi %mul3A_72, %add3A_116 : i32
        %get3A_118 = arith.index_cast %add3A_117 : i32 to index
        %get3A_119 = tpu.vector_load %arg8[%get3A_118] {strides = array<i32>} : memref<51200xf32, #tpu.memory_space<vmem>>, vector<16xf32>,
        %add3A_120 = arith.addf %get3A_115, %get3A_119 : vector<16xf32>
        %get3A_121 = arith.index_cast %add3A_70 : i32 to index
        %get3A_122 = arith.constant 96 : index
        %get3A_123 = tpu.vector_load %arg12[%get3A_121, %get3A_122] {strides = array<i32>} : memref<128x128xf32, #tpu.memory_space<vmem>>, vector<16xf32>,
        %add3A_124 = arith.constant 96 : i32
        %add3A_125 = arith.addi %mul3A_72, %add3A_124 : i32
        %get3A_126 = arith.index_cast %add3A_125 : i32 to index
        %get3A_127 = tpu.vector_load %arg8[%get3A_126] {strides = array<i32>} : memref<51200xf32, #tpu.memory_space<vmem>>, vector<16xf32>,
        %add3A_128 = arith.addf %get3A_123, %get3A_127 : vector<16xf32>
        %get3A_129 = arith.index_cast %add3A_70 : i32 to index
        %get3A_130 = arith.constant 112 : index
        %get3A_131 = tpu.vector_load %arg12[%get3A_129, %get3A_130] {strides = array<i32>} : memref<128x128xf32, #tpu.memory_space<vmem>>, vector<16xf32>,
        %add3A_132 = arith.constant 112 : i32
        %add3A_133 = arith.addi %mul3A_72, %add3A_132 : i32
        %get3A_134 = arith.index_cast %add3A_133 : i32 to index
        %get3A_135 = tpu.vector_load %arg8[%get3A_134] {strides = array<i32>} : memref<51200xf32, #tpu.memory_space<vmem>>, vector<16xf32>,
        %add3A_136 = arith.addf %get3A_131, %get3A_135 : vector<16xf32>
        %add3A_137 = arith.addf %add3A_80, %add3A_88 : vector<16xf32>
        %add3A_138 = arith.addf %add3A_137, %add3A_96 : vector<16xf32>
        %add3A_139 = arith.addf %add3A_138, %add3A_104 : vector<16xf32>
        %add3A_140 = arith.addf %add3A_139, %add3A_112 : vector<16xf32>
        %add3A_141 = arith.addf %add3A_140, %add3A_120 : vector<16xf32>
        %add3A_142 = arith.addf %add3A_141, %add3A_128 : vector<16xf32>
        %add3A_143 = arith.addf %add3A_142, %add3A_136 : vector<16xf32>
        %mul3A_144 = arith.mulf %add3A_80, %add3A_80 : vector<16xf32>
        %mul3A_145 = arith.mulf %add3A_88, %add3A_88 : vector<16xf32>
        %add3A_146 = arith.addf %mul3A_144, %mul3A_145 : vector<16xf32>
        %mul3A_147 = arith.mulf %add3A_96, %add3A_96 : vector<16xf32>
        %add3A_148 = arith.addf %add3A_146, %mul3A_147 : vector<16xf32>
        %mul3A_149 = arith.mulf %add3A_104, %add3A_104 : vector<16xf32>
        %add3A_150 = arith.addf %add3A_148, %mul3A_149 : vector<16xf32>
        %mul3A_151 = arith.mulf %add3A_112, %add3A_112 : vector<16xf32>
        %add3A_152 = arith.addf %add3A_150, %mul3A_151 : vector<16xf32>
        %mul3A_153 = arith.mulf %add3A_120, %add3A_120 : vector<16xf32>
        %add3A_154 = arith.addf %add3A_152, %mul3A_153 : vector<16xf32>
        %mul3A_155 = arith.mulf %add3A_128, %add3A_128 : vector<16xf32>
        %add3A_156 = arith.addf %add3A_154, %mul3A_155 : vector<16xf32>
        %mul3A_157 = arith.mulf %add3A_136, %add3A_136 : vector<16xf32>
        %add3A_158 = arith.addf %add3A_156, %mul3A_157 : vector<16xf32>
        %reduce_sum3A = arith.constant true
        %reduce_sum3A_159 = vector.broadcast %reduce_sum3A : i1 to vector<16xi1>
        %reduce_sum3A_160 = tpu.scan <sum>, %add3A_143 masked %reduce_sum3A_159 : vector<16xf32>, vector<16xi1> -> vector<16xf32>
        %reduce_sum3A_161 = vector.extract %reduce_sum3A_160[15] : f32 from vector<16xf32>
        %reduce_sum3A_162 = arith.constant true
        %reduce_sum3A_163 = vector.broadcast %reduce_sum3A_162 : i1 to vector<16xi1>
        %reduce_sum3A_164 = tpu.scan <sum>, %add3A_158 masked %reduce_sum3A_163 : vector<16xf32>, vector<16xi1> -> vector<16xf32>
        %reduce_sum3A_165 = vector.extract %reduce_sum3A_164[15] : f32 from vector<16xf32>
        %mul3A_166 = arith.constant 7.812500e-03 : f32
        %mul3A_167 = arith.mulf %reduce_sum3A_161, %mul3A_166 : f32
        %mul3A_168 = arith.constant 7.812500e-03 : f32
        %mul3A_169 = arith.mulf %reduce_sum3A_165, %mul3A_168 : f32
        %mul3A_170 = arith.mulf %mul3A_167, %mul3A_167 : f32
        %sub3A = arith.subf %mul3A_169, %mul3A_170 : f32
        %add3A_171 = arith.constant 9.99999996E-13 : f32
        %add3A_172 = arith.addf %sub3A, %add3A_171 : f32
        %bitcast_convert_type3A = arith.bitcast %add3A_172 : f32 to i32
        %shift_right_logical3A = arith.constant 1 : i32
        %shift_right_logical3A_173 = arith.shrui %bitcast_convert_type3A, %shift_right_logical3A : i32
        %sub3A_174 = arith.constant 1597463007 : i32
        %sub3A_175 = arith.subi %sub3A_174, %shift_right_logical3A_173 : i32
        %bitcast_convert_type3A_176 = arith.bitcast %sub3A_175 : i32 to f32
        %mul3A_177 = arith.constant 5.000000e-01 : f32
        %mul3A_178 = arith.mulf %mul3A_177, %add3A_172 : f32
        %mul3A_179 = arith.mulf %mul3A_178, %bitcast_convert_type3A_176 : f32
        %mul3A_180 = arith.mulf %mul3A_179, %bitcast_convert_type3A_176 : f32
        %sub3A_181 = arith.constant 1.500000e+00 : f32
        %sub3A_182 = arith.subf %sub3A_181, %mul3A_180 : f32
        %mul3A_183 = arith.mulf %bitcast_convert_type3A_176, %sub3A_182 : f32
        %mul3A_184 = arith.constant 5.000000e-01 : f32
        %mul3A_185 = arith.mulf %mul3A_184, %add3A_172 : f32
        %mul3A_186 = arith.mulf %mul3A_185, %mul3A_183 : f32
        %mul3A_187 = arith.mulf %mul3A_186, %mul3A_183 : f32
        %sub3A_188 = arith.constant 1.500000e+00 : f32
        %sub3A_189 = arith.subf %sub3A_188, %mul3A_187 : f32
        %mul3A_190 = arith.mulf %mul3A_183, %sub3A_189 : f32
        %mul3A_191 = arith.constant 5.000000e-01 : f32
        %mul3A_192 = arith.mulf %mul3A_191, %add3A_172 : f32
        %mul3A_193 = arith.mulf %mul3A_192, %mul3A_190 : f32
        %mul3A_194 = arith.mulf %mul3A_193, %mul3A_190 : f32
        %sub3A_195 = arith.constant 1.500000e+00 : f32
        %sub3A_196 = arith.subf %sub3A_195, %mul3A_194 : f32
        %mul3A_197 = arith.mulf %mul3A_190, %sub3A_196 : f32
        %sub3A_198 = vector.broadcast %mul3A_167 : f32 to vector<16xf32>
        %sub3A_199 = arith.subf %add3A_80, %sub3A_198 : vector<16xf32>
        %mul3A_200 = vector.broadcast %mul3A_197 : f32 to vector<16xf32>
        %mul3A_201 = arith.mulf %sub3A_199, %mul3A_200 : vector<16xf32>
        %mul3A_202 = arith.mulf %mul3A_201, %get3A_29 : vector<16xf32>
        %add3A_203 = arith.addf %mul3A_202, %get3A_45 : vector<16xf32>
        %swap3A = arith.index_cast %add3A_70 : i32 to index
        %swap3A_204 = arith.constant 0 : index
        %swap3A_205 = tpu.vector_load %arg13[%swap3A, %swap3A_204] {strides = array<i32>} : memref<128x128xf32, #tpu.memory_space<vmem>>, vector<16xf32>,
        tpu.vector_store %arg13[%swap3A, %swap3A_204], %add3A_203 {strides = array<i32>} : memref<128x128xf32, #tpu.memory_space<vmem>>, vector<16xf32>,
        %sub3A_206 = vector.broadcast %mul3A_167 : f32 to vector<16xf32>
        %sub3A_207 = arith.subf %add3A_88, %sub3A_206 : vector<16xf32>
        %mul3A_208 = vector.broadcast %mul3A_197 : f32 to vector<16xf32>
        %mul3A_209 = arith.mulf %sub3A_207, %mul3A_208 : vector<16xf32>
        %mul3A_210 = arith.mulf %mul3A_209, %get3A_31 : vector<16xf32>
        %add3A_211 = arith.addf %mul3A_210, %get3A_47 : vector<16xf32>
        %swap3A_212 = arith.index_cast %add3A_70 : i32 to index
        %swap3A_213 = arith.constant 16 : index
        %swap3A_214 = tpu.vector_load %arg13[%swap3A_212, %swap3A_213] {strides = array<i32>} : memref<128x128xf32, #tpu.memory_space<vmem>>, vector<16xf32>,
        tpu.vector_store %arg13[%swap3A_212, %swap3A_213], %add3A_211 {strides = array<i32>} : memref<128x128xf32, #tpu.memory_space<vmem>>, vector<16xf32>,
        %sub3A_215 = vector.broadcast %mul3A_167 : f32 to vector<16xf32>
        %sub3A_216 = arith.subf %add3A_96, %sub3A_215 : vector<16xf32>
        %mul3A_217 = vector.broadcast %mul3A_197 : f32 to vector<16xf32>
        %mul3A_218 = arith.mulf %sub3A_216, %mul3A_217 : vector<16xf32>
        %mul3A_219 = arith.mulf %mul3A_218, %get3A_33 : vector<16xf32>
        %add3A_220 = arith.addf %mul3A_219, %get3A_49 : vector<16xf32>
        %swap3A_221 = arith.index_cast %add3A_70 : i32 to index
        %swap3A_222 = arith.constant 32 : index
        %swap3A_223 = tpu.vector_load %arg13[%swap3A_221, %swap3A_222] {strides = array<i32>} : memref<128x128xf32, #tpu.memory_space<vmem>>, vector<16xf32>,
        tpu.vector_store %arg13[%swap3A_221, %swap3A_222], %add3A_220 {strides = array<i32>} : memref<128x128xf32, #tpu.memory_space<vmem>>, vector<16xf32>,
        %sub3A_224 = vector.broadcast %mul3A_167 : f32 to vector<16xf32>
        %sub3A_225 = arith.subf %add3A_104, %sub3A_224 : vector<16xf32>
        %mul3A_226 = vector.broadcast %mul3A_197 : f32 to vector<16xf32>
        %mul3A_227 = arith.mulf %sub3A_225, %mul3A_226 : vector<16xf32>
        %mul3A_228 = arith.mulf %mul3A_227, %get3A_35 : vector<16xf32>
        %add3A_229 = arith.addf %mul3A_228, %get3A_51 : vector<16xf32>
        %swap3A_230 = arith.index_cast %add3A_70 : i32 to index
        %swap3A_231 = arith.constant 48 : index
        %swap3A_232 = tpu.vector_load %arg13[%swap3A_230, %swap3A_231] {strides = array<i32>} : memref<128x128xf32, #tpu.memory_space<vmem>>, vector<16xf32>,
        tpu.vector_store %arg13[%swap3A_230, %swap3A_231], %add3A_229 {strides = array<i32>} : memref<128x128xf32, #tpu.memory_space<vmem>>, vector<16xf32>,
        %sub3A_233 = vector.broadcast %mul3A_167 : f32 to vector<16xf32>
        %sub3A_234 = arith.subf %add3A_112, %sub3A_233 : vector<16xf32>
        %mul3A_235 = vector.broadcast %mul3A_197 : f32 to vector<16xf32>
        %mul3A_236 = arith.mulf %sub3A_234, %mul3A_235 : vector<16xf32>
        %mul3A_237 = arith.mulf %mul3A_236, %get3A_37 : vector<16xf32>
        %add3A_238 = arith.addf %mul3A_237, %get3A_53 : vector<16xf32>
        %swap3A_239 = arith.index_cast %add3A_70 : i32 to index
        %swap3A_240 = arith.constant 64 : index
        %swap3A_241 = tpu.vector_load %arg13[%swap3A_239, %swap3A_240] {strides = array<i32>} : memref<128x128xf32, #tpu.memory_space<vmem>>, vector<16xf32>,
        tpu.vector_store %arg13[%swap3A_239, %swap3A_240], %add3A_238 {strides = array<i32>} : memref<128x128xf32, #tpu.memory_space<vmem>>, vector<16xf32>,
        %sub3A_242 = vector.broadcast %mul3A_167 : f32 to vector<16xf32>
        %sub3A_243 = arith.subf %add3A_120, %sub3A_242 : vector<16xf32>
        %mul3A_244 = vector.broadcast %mul3A_197 : f32 to vector<16xf32>
        %mul3A_245 = arith.mulf %sub3A_243, %mul3A_244 : vector<16xf32>
        %mul3A_246 = arith.mulf %mul3A_245, %get3A_39 : vector<16xf32>
        %add3A_247 = arith.addf %mul3A_246, %get3A_55 : vector<16xf32>
        %swap3A_248 = arith.index_cast %add3A_70 : i32 to index
        %swap3A_249 = arith.constant 80 : index
        %swap3A_250 = tpu.vector_load %arg13[%swap3A_248, %swap3A_249] {strides = array<i32>} : memref<128x128xf32, #tpu.memory_space<vmem>>, vector<16xf32>,
        tpu.vector_store %arg13[%swap3A_248, %swap3A_249], %add3A_247 {strides = array<i32>} : memref<128x128xf32, #tpu.memory_space<vmem>>, vector<16xf32>,
        %sub3A_251 = vector.broadcast %mul3A_167 : f32 to vector<16xf32>
        %sub3A_252 = arith.subf %add3A_128, %sub3A_251 : vector<16xf32>
        %mul3A_253 = vector.broadcast %mul3A_197 : f32 to vector<16xf32>
        %mul3A_254 = arith.mulf %sub3A_252, %mul3A_253 : vector<16xf32>
        %mul3A_255 = arith.mulf %mul3A_254, %get3A_41 : vector<16xf32>
        %add3A_256 = arith.addf %mul3A_255, %get3A_57 : vector<16xf32>
        %swap3A_257 = arith.index_cast %add3A_70 : i32 to index
        %swap3A_258 = arith.constant 96 : index
        %swap3A_259 = tpu.vector_load %arg13[%swap3A_257, %swap3A_258] {strides = array<i32>} : memref<128x128xf32, #tpu.memory_space<vmem>>, vector<16xf32>,
        tpu.vector_store %arg13[%swap3A_257, %swap3A_258], %add3A_256 {strides = array<i32>} : memref<128x128xf32, #tpu.memory_space<vmem>>, vector<16xf32>,
        %sub3A_260 = vector.broadcast %mul3A_167 : f32 to vector<16xf32>
        %sub3A_261 = arith.subf %add3A_136, %sub3A_260 : vector<16xf32>
        %mul3A_262 = vector.broadcast %mul3A_197 : f32 to vector<16xf32>
        %mul3A_263 = arith.mulf %sub3A_261, %mul3A_262 : vector<16xf32>
        %mul3A_264 = arith.mulf %mul3A_263, %get3A_43 : vector<16xf32>
        %add3A_265 = arith.addf %mul3A_264, %get3A_59 : vector<16xf32>
        %swap3A_266 = arith.index_cast %add3A_70 : i32 to index
        %swap3A_267 = arith.constant 112 : index
        %swap3A_268 = tpu.vector_load %arg13[%swap3A_266, %swap3A_267] {strides = array<i32>} : memref<128x128xf32, #tpu.memory_space<vmem>>, vector<16xf32>,
        tpu.vector_store %arg13[%swap3A_266, %swap3A_267], %add3A_265 {strides = array<i32>} : memref<128x128xf32, #tpu.memory_space<vmem>>, vector<16xf32>,
        %mul3A_269 = arith.constant 16 : i32
        %mul3A_270 = arith.muli %scan3A_28, %mul3A_269 : i32
        %add3A_271 = arith.constant 1 : i32
        %add3A_272 = arith.addi %mul3A_270, %add3A_271 : i32
        %slice3A_273 = vector.extract_strided_slice %get3A_66 {offsets = [1], sizes = [1], strides = [1]} : vector<16xi32> to vector<1xi32>
        %squeeze3A_274 = vector.extract %slice3A_273[0] : i32 from vector<1xi32>
        %mul3A_275 = arith.constant 128 : i32
        %mul3A_276 = arith.muli %squeeze3A_274, %mul3A_275 : i32
        %get3A_277 = arith.index_cast %add3A_272 : i32 to index
        %get3A_278 = arith.constant 0 : index
        %get3A_279 = tpu.vector_load %arg12[%get3A_277, %get3A_278] {strides = array<i32>} : memref<128x128xf32, #tpu.memory_space<vmem>>, vector<16xf32>,
        %add3A_280 = arith.constant 0 : i32
        %add3A_281 = arith.addi %mul3A_276, %add3A_280 : i32
        %get3A_282 = arith.index_cast %add3A_281 : i32 to index
        %get3A_283 = tpu.vector_load %arg8[%get3A_282] {strides = array<i32>} : memref<51200xf32, #tpu.memory_space<vmem>>, vector<16xf32>,
        %add3A_284 = arith.addf %get3A_279, %get3A_283 : vector<16xf32>
        %get3A_285 = arith.index_cast %add3A_272 : i32 to index
        %get3A_286 = arith.constant 16 : index
        %get3A_287 = tpu.vector_load %arg12[%get3A_285, %get3A_286] {strides = array<i32>} : memref<128x128xf32, #tpu.memory_space<vmem>>, vector<16xf32>,
        %add3A_288 = arith.constant 16 : i32
        %add3A_289 = arith.addi %mul3A_276, %add3A_288 : i32
        %get3A_290 = arith.index_cast %add3A_289 : i32 to index
        %get3A_291 = tpu.vector_load %arg8[%get3A_290] {strides = array<i32>} : memref<51200xf32, #tpu.memory_space<vmem>>, vector<16xf32>,
        %add3A_292 = arith.addf %get3A_287, %get3A_291 : vector<16xf32>
        %get3A_293 = arith.index_cast %add3A_272 : i32 to index
        %get3A_294 = arith.constant 32 : index
        %get3A_295 = tpu.vector_load %arg12[%get3A_293, %get3A_294] {strides = array<i32>} : memref<128x128xf32, #tpu.memory_space<vmem>>, vector<16xf32>,
        %add3A_296 = arith.constant 32 : i32
        %add3A_297 = arith.addi %mul3A_276, %add3A_296 : i32
        %get3A_298 = arith.index_cast %add3A_297 : i32 to index
        %get3A_299 = tpu.vector_load %arg8[%get3A_298] {strides = array<i32>} : memref<51200xf32, #tpu.memory_space<vmem>>, vector<16xf32>,
        %add3A_300 = arith.addf %get3A_295, %get3A_299 : vector<16xf32>
        %get3A_301 = arith.index_cast %add3A_272 : i32 to index
        %get3A_302 = arith.constant 48 : index
        %get3A_303 = tpu.vector_load %arg12[%get3A_301, %get3A_302] {strides = array<i32>} : memref<128x128xf32, #tpu.memory_space<vmem>>, vector<16xf32>,
        %add3A_304 = arith.constant 48 : i32
        %add3A_305 = arith.addi %mul3A_276, %add3A_304 : i32
        %get3A_306 = arith.index_cast %add3A_305 : i32 to index
        %get3A_307 = tpu.vector_load %arg8[%get3A_306] {strides = array<i32>} : memref<51200xf32, #tpu.memory_space<vmem>>, vector<16xf32>,
        %add3A_308 = arith.addf %get3A_303, %get3A_307 : vector<16xf32>
        %get3A_309 = arith.index_cast %add3A_272 : i32 to index
        %get3A_310 = arith.constant 64 : index
        %get3A_311 = tpu.vector_load %arg12[%get3A_309, %get3A_310] {strides = array<i32>} : memref<128x128xf32, #tpu.memory_space<vmem>>, vector<16xf32>,
        %add3A_312 = arith.constant 64 : i32
        %add3A_313 = arith.addi %mul3A_276, %add3A_312 : i32
        %get3A_314 = arith.index_cast %add3A_313 : i32 to index
        %get3A_315 = tpu.vector_load %arg8[%get3A_314] {strides = array<i32>} : memref<51200xf32, #tpu.memory_space<vmem>>, vector<16xf32>,
        %add3A_316 = arith.addf %get3A_311, %get3A_315 : vector<16xf32>
        %get3A_317 = arith.index_cast %add3A_272 : i32 to index
        %get3A_318 = arith.constant 80 : index
        %get3A_319 = tpu.vector_load %arg12[%get3A_317, %get3A_318] {strides = array<i32>} : memref<128x128xf32, #tpu.memory_space<vmem>>, vector<16xf32>,
        %add3A_320 = arith.constant 80 : i32
        %add3A_321 = arith.addi %mul3A_276, %add3A_320 : i32
        %get3A_322 = arith.index_cast %add3A_321 : i32 to index
        %get3A_323 = tpu.vector_load %arg8[%get3A_322] {strides = array<i32>} : memref<51200xf32, #tpu.memory_space<vmem>>, vector<16xf32>,
        %add3A_324 = arith.addf %get3A_319, %get3A_323 : vector<16xf32>
        %get3A_325 = arith.index_cast %add3A_272 : i32 to index
        %get3A_326 = arith.constant 96 : index
        %get3A_327 = tpu.vector_load %arg12[%get3A_325, %get3A_326] {strides = array<i32>} : memref<128x128xf32, #tpu.memory_space<vmem>>, vector<16xf32>,
        %add3A_328 = arith.constant 96 : i32
        %add3A_329 = arith.addi %mul3A_276, %add3A_328 : i32
        %get3A_330 = arith.index_cast %add3A_329 : i32 to index
        %get3A_331 = tpu.vector_load %arg8[%get3A_330] {strides = array<i32>} : memref<51200xf32, #tpu.memory_space<vmem>>, vector<16xf32>,
        %add3A_332 = arith.addf %get3A_327, %get3A_331 : vector<16xf32>
        %get3A_333 = arith.index_cast %add3A_272 : i32 to index
        %get3A_334 = arith.constant 112 : index
        %get3A_335 = tpu.vector_load %arg12[%get3A_333, %get3A_334] {strides = array<i32>} : memref<128x128xf32, #tpu.memory_space<vmem>>, vector<16xf32>,
        %add3A_336 = arith.constant 112 : i32
        %add3A_337 = arith.addi %mul3A_276, %add3A_336 : i32
        %get3A_338 = arith.index_cast %add3A_337 : i32 to index
        %get3A_339 = tpu.vector_load %arg8[%get3A_338] {strides = array<i32>} : memref<51200xf32, #tpu.memory_space<vmem>>, vector<16xf32>,
        %add3A_340 = arith.addf %get3A_335, %get3A_339 : vector<16xf32>
        %add3A_341 = arith.addf %add3A_284, %add3A_292 : vector<16xf32>
        %add3A_342 = arith.addf %add3A_341, %add3A_300 : vector<16xf32>
        %add3A_343 = arith.addf %add3A_342, %add3A_308 : vector<16xf32>
        %add3A_344 = arith.addf %add3A_343, %add3A_316 : vector<16xf32>
        %add3A_345 = arith.addf %add3A_344, %add3A_324 : vector<16xf32>
        %add3A_346 = arith.addf %add3A_345, %add3A_332 : vector<16xf32>
        %add3A_347 = arith.addf %add3A_346, %add3A_340 : vector<16xf32>
        %mul3A_348 = arith.mulf %add3A_284, %add3A_284 : vector<16xf32>
        %mul3A_349 = arith.mulf %add3A_292, %add3A_292 : vector<16xf32>
        %add3A_350 = arith.addf %mul3A_348, %mul3A_349 : vector<16xf32>
        %mul3A_351 = arith.mulf %add3A_300, %add3A_300 : vector<16xf32>
        %add3A_352 = arith.addf %add3A_350, %mul3A_351 : vector<16xf32>
        %mul3A_353 = arith.mulf %add3A_308, %add3A_308 : vector<16xf32>
        %add3A_354 = arith.addf %add3A_352, %mul3A_353 : vector<16xf32>
        %mul3A_355 = arith.mulf %add3A_316, %add3A_316 : vector<16xf32>
        %add3A_356 = arith.addf %add3A_354, %mul3A_355 : vector<16xf32>
        %mul3A_357 = arith.mulf %add3A_324, %add3A_324 : vector<16xf32>
        %add3A_358 = arith.addf %add3A_356, %mul3A_357 : vector<16xf32>
        %mul3A_359 = arith.mulf %add3A_332, %add3A_332 : vector<16xf32>
        %add3A_360 = arith.addf %add3A_358, %mul3A_359 : vector<16xf32>
        %mul3A_361 = arith.mulf %add3A_340, %add3A_340 : vector<16xf32>
        %add3A_362 = arith.addf %add3A_360, %mul3A_361 : vector<16xf32>
        %reduce_sum3A_363 = arith.constant true
        %reduce_sum3A_364 = vector.broadcast %reduce_sum3A_363 : i1 to vector<16xi1>
        %reduce_sum3A_365 = tpu.scan <sum>, %add3A_347 masked %reduce_sum3A_364 : vector<16xf32>, vector<16xi1> -> vector<16xf32>
        %reduce_sum3A_366 = vector.extract %reduce_sum3A_365[15] : f32 from vector<16xf32>
        %reduce_sum3A_367 = arith.constant true
        %reduce_sum3A_368 = vector.broadcast %reduce_sum3A_367 : i1 to vector<16xi1>
        %reduce_sum3A_369 = tpu.scan <sum>, %add3A_362 masked %reduce_sum3A_368 : vector<16xf32>, vector<16xi1> -> vector<16xf32>
        %reduce_sum3A_370 = vector.extract %reduce_sum3A_369[15] : f32 from vector<16xf32>
        %mul3A_371 = arith.constant 7.812500e-03 : f32
        %mul3A_372 = arith.mulf %reduce_sum3A_366, %mul3A_371 : f32
        %mul3A_373 = arith.constant 7.812500e-03 : f32
        %mul3A_374 = arith.mulf %reduce_sum3A_370, %mul3A_373 : f32
        %mul3A_375 = arith.mulf %mul3A_372, %mul3A_372 : f32
        %sub3A_376 = arith.subf %mul3A_374, %mul3A_375 : f32
        %add3A_377 = arith.constant 9.99999996E-13 : f32
        %add3A_378 = arith.addf %sub3A_376, %add3A_377 : f32
        %bitcast_convert_type3A_379 = arith.bitcast %add3A_378 : f32 to i32
        %shift_right_logical3A_380 = arith.constant 1 : i32
        %shift_right_logical3A_381 = arith.shrui %bitcast_convert_type3A_379, %shift_right_logical3A_380 : i32
        %sub3A_382 = arith.constant 1597463007 : i32
        %sub3A_383 = arith.subi %sub3A_382, %shift_right_logical3A_381 : i32
        %bitcast_convert_type3A_384 = arith.bitcast %sub3A_383 : i32 to f32
        %mul3A_385 = arith.constant 5.000000e-01 : f32
        %mul3A_386 = arith.mulf %mul3A_385, %add3A_378 : f32
        %mul3A_387 = arith.mulf %mul3A_386, %bitcast_convert_type3A_384 : f32
        %mul3A_388 = arith.mulf %mul3A_387, %bitcast_convert_type3A_384 : f32
        %sub3A_389 = arith.constant 1.500000e+00 : f32
        %sub3A_390 = arith.subf %sub3A_389, %mul3A_388 : f32
        %mul3A_391 = arith.mulf %bitcast_convert_type3A_384, %sub3A_390 : f32
        %mul3A_392 = arith.constant 5.000000e-01 : f32
        %mul3A_393 = arith.mulf %mul3A_392, %add3A_378 : f32
        %mul3A_394 = arith.mulf %mul3A_393, %mul3A_391 : f32
        %mul3A_395 = arith.mulf %mul3A_394, %mul3A_391 : f32
        %sub3A_396 = arith.constant 1.500000e+00 : f32
        %sub3A_397 = arith.subf %sub3A_396, %mul3A_395 : f32
        %mul3A_398 = arith.mulf %mul3A_391, %sub3A_397 : f32
        %mul3A_399 = arith.constant 5.000000e-01 : f32
        %mul3A_400 = arith.mulf %mul3A_399, %add3A_378 : f32
        %mul3A_401 = arith.mulf %mul3A_400, %mul3A_398 : f32
        %mul3A_402 = arith.mulf %mul3A_401, %mul3A_398 : f32
        %sub3A_403 = arith.constant 1.500000e+00 : f32
        %sub3A_404 = arith.subf %sub3A_403, %mul3A_402 : f32
        %mul3A_405 = arith.mulf %mul3A_398, %sub3A_404 : f32
        %sub3A_406 = vector.broadcast %mul3A_372 : f32 to vector<16xf32>
        %sub3A_407 = arith.subf %add3A_284, %sub3A_406 : vector<16xf32>
        %mul3A_408 = vector.broadcast %mul3A_405 : f32 to vector<16xf32>
        %mul3A_409 = arith.mulf %sub3A_407, %mul3A_408 : vector<16xf32>
        %mul3A_410 = arith.mulf %mul3A_409, %get3A_29 : vector<16xf32>
        %add3A_411 = arith.addf %mul3A_410, %get3A_45 : vector<16xf32>
        %swap3A_412 = arith.index_cast %add3A_272 : i32 to index
        %swap3A_413 = arith.constant 0 : index
        %swap3A_414 = tpu.vector_load %arg13[%swap3A_412, %swap3A_413] {strides = array<i32>} : memref<128x128xf32, #tpu.memory_space<vmem>>, vector<16xf32>,
        tpu.vector_store %arg13[%swap3A_412, %swap3A_413], %add3A_411 {strides = array<i32>} : memref<128x128xf32, #tpu.memory_space<vmem>>, vector<16xf32>,
        %sub3A_415 = vector.broadcast %mul3A_372 : f32 to vector<16xf32>
        %sub3A_416 = arith.subf %add3A_292, %sub3A_415 : vector<16xf32>
        %mul3A_417 = vector.broadcast %mul3A_405 : f32 to vector<16xf32>
        %mul3A_418 = arith.mulf %sub3A_416, %mul3A_417 : vector<16xf32>
        %mul3A_419 = arith.mulf %mul3A_418, %get3A_31 : vector<16xf32>
        %add3A_420 = arith.addf %mul3A_419, %get3A_47 : vector<16xf32>
        %swap3A_421 = arith.index_cast %add3A_272 : i32 to index
        %swap3A_422 = arith.constant 16 : index
        %swap3A_423 = tpu.vector_load %arg13[%swap3A_421, %swap3A_422] {strides = array<i32>} : memref<128x128xf32, #tpu.memory_space<vmem>>, vector<16xf32>,
        tpu.vector_store %arg13[%swap3A_421, %swap3A_422], %add3A_420 {strides = array<i32>} : memref<128x128xf32, #tpu.memory_space<vmem>>, vector<16xf32>,
        %sub3A_424 = vector.broadcast %mul3A_372 : f32 to vector<16xf32>
        %sub3A_425 = arith.subf %add3A_300, %sub3A_424 : vector<16xf32>
        %mul3A_426 = vector.broadcast %mul3A_405 : f32 to vector<16xf32>
        %mul3A_427 = arith.mulf %sub3A_425, %mul3A_426 : vector<16xf32>
        %mul3A_428 = arith.mulf %mul3A_427, %get3A_33 : vector<16xf32>
        %add3A_429 = arith.addf %mul3A_428, %get3A_49 : vector<16xf32>
        %swap3A_430 = arith.index_cast %add3A_272 : i32 to index
        %swap3A_431 = arith.constant 32 : index
        %swap3A_432 = tpu.vector_load %arg13[%swap3A_430, %swap3A_431] {strides = array<i32>} : memref<128x128xf32, #tpu.memory_space<vmem>>, vector<16xf32>,
        tpu.vector_store %arg13[%swap3A_430, %swap3A_431], %add3A_429 {strides = array<i32>} : memref<128x128xf32, #tpu.memory_space<vmem>>, vector<16xf32>,
        %sub3A_433 = vector.broadcast %mul3A_372 : f32 to vector<16xf32>
        %sub3A_434 = arith.subf %add3A_308, %sub3A_433 : vector<16xf32>
        %mul3A_435 = vector.broadcast %mul3A_405 : f32 to vector<16xf32>
        %mul3A_436 = arith.mulf %sub3A_434, %mul3A_435 : vector<16xf32>
        %mul3A_437 = arith.mulf %mul3A_436, %get3A_35 : vector<16xf32>
        %add3A_438 = arith.addf %mul3A_437, %get3A_51 : vector<16xf32>
        %swap3A_439 = arith.index_cast %add3A_272 : i32 to index
        %swap3A_440 = arith.constant 48 : index
        %swap3A_441 = tpu.vector_load %arg13[%swap3A_439, %swap3A_440] {strides = array<i32>} : memref<128x128xf32, #tpu.memory_space<vmem>>, vector<16xf32>,
        tpu.vector_store %arg13[%swap3A_439, %swap3A_440], %add3A_438 {strides = array<i32>} : memref<128x128xf32, #tpu.memory_space<vmem>>, vector<16xf32>,
        %sub3A_442 = vector.broadcast %mul3A_372 : f32 to vector<16xf32>
        %sub3A_443 = arith.subf %add3A_316, %sub3A_442 : vector<16xf32>
        %mul3A_444 = vector.broadcast %mul3A_405 : f32 to vector<16xf32>
        %mul3A_445 = arith.mulf %sub3A_443, %mul3A_444 : vector<16xf32>
        %mul3A_446 = arith.mulf %mul3A_445, %get3A_37 : vector<16xf32>
        %add3A_447 = arith.addf %mul3A_446, %get3A_53 : vector<16xf32>
        %swap3A_448 = arith.index_cast %add3A_272 : i32 to index
        %swap3A_449 = arith.constant 64 : index
        %swap3A_450 = tpu.vector_load %arg13[%swap3A_448, %swap3A_449] {strides = array<i32>} : memref<128x128xf32, #tpu.memory_space<vmem>>, vector<16xf32>,
        tpu.vector_store %arg13[%swap3A_448, %swap3A_449], %add3A_447 {strides = array<i32>} : memref<128x128xf32, #tpu.memory_space<vmem>>, vector<16xf32>,
        %sub3A_451 = vector.broadcast %mul3A_372 : f32 to vector<16xf32>
        %sub3A_452 = arith.subf %add3A_324, %sub3A_451 : vector<16xf32>
        %mul3A_453 = vector.broadcast %mul3A_405 : f32 to vector<16xf32>
        %mul3A_454 = arith.mulf %sub3A_452, %mul3A_453 : vector<16xf32>
        %mul3A_455 = arith.mulf %mul3A_454, %get3A_39 : vector<16xf32>
        %add3A_456 = arith.addf %mul3A_455, %get3A_55 : vector<16xf32>
        %swap3A_457 = arith.index_cast %add3A_272 : i32 to index
        %swap3A_458 = arith.constant 80 : index
        %swap3A_459 = tpu.vector_load %arg13[%swap3A_457, %swap3A_458] {strides = array<i32>} : memref<128x128xf32, #tpu.memory_space<vmem>>, vector<16xf32>,
        tpu.vector_store %arg13[%swap3A_457, %swap3A_458], %add3A_456 {strides = array<i32>} : memref<128x128xf32, #tpu.memory_space<vmem>>, vector<16xf32>,
        %sub3A_460 = vector.broadcast %mul3A_372 : f32 to vector<16xf32>
        %sub3A_461 = arith.subf %add3A_332, %sub3A_460 : vector<16xf32>
        %mul3A_462 = vector.broadcast %mul3A_405 : f32 to vector<16xf32>
        %mul3A_463 = arith.mulf %sub3A_461, %mul3A_462 : vector<16xf32>
        %mul3A_464 = arith.mulf %mul3A_463, %get3A_41 : vector<16xf32>
        %add3A_465 = arith.addf %mul3A_464, %get3A_57 : vector<16xf32>
        %swap3A_466 = arith.index_cast %add3A_272 : i32 to index
        %swap3A_467 = arith.constant 96 : index
        %swap3A_468 = tpu.vector_load %arg13[%swap3A_466, %swap3A_467] {strides = array<i32>} : memref<128x128xf32, #tpu.memory_space<vmem>>, vector<16xf32>,
        tpu.vector_store %arg13[%swap3A_466, %swap3A_467], %add3A_465 {strides = array<i32>} : memref<128x128xf32, #tpu.memory_space<vmem>>, vector<16xf32>,
        %sub3A_469 = vector.broadcast %mul3A_372 : f32 to vector<16xf32>
        %sub3A_470 = arith.subf %add3A_340, %sub3A_469 : vector<16xf32>
        %mul3A_471 = vector.broadcast %mul3A_405 : f32 to vector<16xf32>
        %mul3A_472 = arith.mulf %sub3A_470, %mul3A_471 : vector<16xf32>
        %mul3A_473 = arith.mulf %mul3A_472, %get3A_43 : vector<16xf32>
        %add3A_474 = arith.addf %mul3A_473, %get3A_59 : vector<16xf32>
        %swap3A_475 = arith.index_cast %add3A_272 : i32 to index
        %swap3A_476 = arith.constant 112 : index
        %swap3A_477 = tpu.vector_load %arg13[%swap3A_475, %swap3A_476] {strides = array<i32>} : memref<128x128xf32, #tpu.memory_space<vmem>>, vector<16xf32>,
        tpu.vector_store %arg13[%swap3A_475, %swap3A_476], %add3A_474 {strides = array<i32>} : memref<128x128xf32, #tpu.memory_space<vmem>>, vector<16xf32>,
        %mul3A_478 = arith.constant 16 : i32
        %mul3A_479 = arith.muli %scan3A_28, %mul3A_478 : i32
        %add3A_480 = arith.constant 2 : i32
        %add3A_481 = arith.addi %mul3A_479, %add3A_480 : i32
        %slice3A_482 = vector.extract_strided_slice %get3A_66 {offsets = [2], sizes = [1], strides = [1]} : vector<16xi32> to vector<1xi32>
        %squeeze3A_483 = vector.extract %slice3A_482[0] : i32 from vector<1xi32>
        %mul3A_484 = arith.constant 128 : i32
        %mul3A_485 = arith.muli %squeeze3A_483, %mul3A_484 : i32
        %get3A_486 = arith.index_cast %add3A_481 : i32 to index
        %get3A_487 = arith.constant 0 : index
        %get3A_488 = tpu.vector_load %arg12[%get3A_486, %get3A_487] {strides = array<i32>} : memref<128x128xf32, #tpu.memory_space<vmem>>, vector<16xf32>,
        %add3A_489 = arith.constant 0 : i32
        %add3A_490 = arith.addi %mul3A_485, %add3A_489 : i32
        %get3A_491 = arith.index_cast %add3A_490 : i32 to index
        %get3A_492 = tpu.vector_load %arg8[%get3A_491] {strides = array<i32>} : memref<51200xf32, #tpu.memory_space<vmem>>, vector<16xf32>,
        %add3A_493 = arith.addf %get3A_488, %get3A_492 : vector<16xf32>
        %get3A_494 = arith.index_cast %add3A_481 : i32 to index
        %get3A_495 = arith.constant 16 : index
        %get3A_496 = tpu.vector_load %arg12[%get3A_494, %get3A_495] {strides = array<i32>} : memref<128x128xf32, #tpu.memory_space<vmem>>, vector<16xf32>,
        %add3A_497 = arith.constant 16 : i32
        %add3A_498 = arith.addi %mul3A_485, %add3A_497 : i32
        %get3A_499 = arith.index_cast %add3A_498 : i32 to index
        %get3A_500 = tpu.vector_load %arg8[%get3A_499] {strides = array<i32>} : memref<51200xf32, #tpu.memory_space<vmem>>, vector<16xf32>,
        %add3A_501 = arith.addf %get3A_496, %get3A_500 : vector<16xf32>
        %get3A_502 = arith.index_cast %add3A_481 : i32 to index
        %get3A_503 = arith.constant 32 : index
        %get3A_504 = tpu.vector_load %arg12[%get3A_502, %get3A_503] {strides = array<i32>} : memref<128x128xf32, #tpu.memory_space<vmem>>, vector<16xf32>,
        %add3A_505 = arith.constant 32 : i32
        %add3A_506 = arith.addi %mul3A_485, %add3A_505 : i32
        %get3A_507 = arith.index_cast %add3A_506 : i32 to index
        %get3A_508 = tpu.vector_load %arg8[%get3A_507] {strides = array<i32>} : memref<51200xf32, #tpu.memory_space<vmem>>, vector<16xf32>,
        %add3A_509 = arith.addf %get3A_504, %get3A_508 : vector<16xf32>
        %get3A_510 = arith.index_cast %add3A_481 : i32 to index
        %get3A_511 = arith.constant 48 : index
        %get3A_512 = tpu.vector_load %arg12[%get3A_510, %get3A_511] {strides = array<i32>} : memref<128x128xf32, #tpu.memory_space<vmem>>, vector<16xf32>,
        %add3A_513 = arith.constant 48 : i32
        %add3A_514 = arith.addi %mul3A_485, %add3A_513 : i32
        %get3A_515 = arith.index_cast %add3A_514 : i32 to index
        %get3A_516 = tpu.vector_load %arg8[%get3A_515] {strides = array<i32>} : memref<51200xf32, #tpu.memory_space<vmem>>, vector<16xf32>,
        %add3A_517 = arith.addf %get3A_512, %get3A_516 : vector<16xf32>
        %get3A_518 = arith.index_cast %add3A_481 : i32 to index
        %get3A_519 = arith.constant 64 : index
        %get3A_520 = tpu.vector_load %arg12[%get3A_518, %get3A_519] {strides = array<i32>} : memref<128x128xf32, #tpu.memory_space<vmem>>, vector<16xf32>,
        %add3A_521 = arith.constant 64 : i32
        %add3A_522 = arith.addi %mul3A_485, %add3A_521 : i32
        %get3A_523 = arith.index_cast %add3A_522 : i32 to index
        %get3A_524 = tpu.vector_load %arg8[%get3A_523] {strides = array<i32>} : memref<51200xf32, #tpu.memory_space<vmem>>, vector<16xf32>,
        %add3A_525 = arith.addf %get3A_520, %get3A_524 : vector<16xf32>
        %get3A_526 = arith.index_cast %add3A_481 : i32 to index
        %get3A_527 = arith.constant 80 : index
        %get3A_528 = tpu.vector_load %arg12[%get3A_526, %get3A_527] {strides = array<i32>} : memref<128x128xf32, #tpu.memory_space<vmem>>, vector<16xf32>,
        %add3A_529 = arith.constant 80 : i32
        %add3A_530 = arith.addi %mul3A_485, %add3A_529 : i32
        %get3A_531 = arith.index_cast %add3A_530 : i32 to index
        %get3A_532 = tpu.vector_load %arg8[%get3A_531] {strides = array<i32>} : memref<51200xf32, #tpu.memory_space<vmem>>, vector<16xf32>,
        %add3A_533 = arith.addf %get3A_528, %get3A_532 : vector<16xf32>
        %get3A_534 = arith.index_cast %add3A_481 : i32 to index
        %get3A_535 = arith.constant 96 : index
        %get3A_536 = tpu.vector_load %arg12[%get3A_534, %get3A_535] {strides = array<i32>} : memref<128x128xf32, #tpu.memory_space<vmem>>, vector<16xf32>,
        %add3A_537 = arith.constant 96 : i32
        %add3A_538 = arith.addi %mul3A_485, %add3A_537 : i32
        %get3A_539 = arith.index_cast %add3A_538 : i32 to index
        %get3A_540 = tpu.vector_load %arg8[%get3A_539] {strides = array<i32>} : memref<51200xf32, #tpu.memory_space<vmem>>, vector<16xf32>,
        %add3A_541 = arith.addf %get3A_536, %get3A_540 : vector<16xf32>
        %get3A_542 = arith.index_cast %add3A_481 : i32 to index
        %get3A_543 = arith.constant 112 : index
        %get3A_544 = tpu.vector_load %arg12[%get3A_542, %get3A_543] {strides = array<i32>} : memref<128x128xf32, #tpu.memory_space<vmem>>, vector<16xf32>,
        %add3A_545 = arith.constant 112 : i32
        %add3A_546 = arith.addi %mul3A_485, %add3A_545 : i32
        %get3A_547 = arith.index_cast %add3A_546 : i32 to index
        %get3A_548 = tpu.vector_load %arg8[%get3A_547] {strides = array<i32>} : memref<51200xf32, #tpu.memory_space<vmem>>, vector<16xf32>,
        %add3A_549 = arith.addf %get3A_544, %get3A_548 : vector<16xf32>
        %add3A_550 = arith.addf %add3A_493, %add3A_501 : vector<16xf32>
        %add3A_551 = arith.addf %add3A_550, %add3A_509 : vector<16xf32>
        %add3A_552 = arith.addf %add3A_551, %add3A_517 : vector<16xf32>
        %add3A_553 = arith.addf %add3A_552, %add3A_525 : vector<16xf32>
        %add3A_554 = arith.addf %add3A_553, %add3A_533 : vector<16xf32>
        %add3A_555 = arith.addf %add3A_554, %add3A_541 : vector<16xf32>
        %add3A_556 = arith.addf %add3A_555, %add3A_549 : vector<16xf32>
        %mul3A_557 = arith.mulf %add3A_493, %add3A_493 : vector<16xf32>
        %mul3A_558 = arith.mulf %add3A_501, %add3A_501 : vector<16xf32>
        %add3A_559 = arith.addf %mul3A_557, %mul3A_558 : vector<16xf32>
        %mul3A_560 = arith.mulf %add3A_509, %add3A_509 : vector<16xf32>
        %add3A_561 = arith.addf %add3A_559, %mul3A_560 : vector<16xf32>
        %mul3A_562 = arith.mulf %add3A_517, %add3A_517 : vector<16xf32>
        %add3A_563 = arith.addf %add3A_561, %mul3A_562 : vector<16xf32>
        %mul3A_564 = arith.mulf %add3A_525, %add3A_525 : vector<16xf32>
        %add3A_565 = arith.addf %add3A_563, %mul3A_564 : vector<16xf32>
        %mul3A_566 = arith.mulf %add3A_533, %add3A_533 : vector<16xf32>
        %add3A_567 = arith.addf %add3A_565, %mul3A_566 : vector<16xf32>
        %mul3A_568 = arith.mulf %add3A_541, %add3A_541 : vector<16xf32>
        %add3A_569 = arith.addf %add3A_567, %mul3A_568 : vector<16xf32>
        %mul3A_570 = arith.mulf %add3A_549, %add3A_549 : vector<16xf32>
        %add3A_571 = arith.addf %add3A_569, %mul3A_570 : vector<16xf32>
        %reduce_sum3A_572 = arith.constant true
        %reduce_sum3A_573 = vector.broadcast %reduce_sum3A_572 : i1 to vector<16xi1>
        %reduce_sum3A_574 = tpu.scan <sum>, %add3A_556 masked %reduce_sum3A_573 : vector<16xf32>, vector<16xi1> -> vector<16xf32>
        %reduce_sum3A_575 = vector.extract %reduce_sum3A_574[15] : f32 from vector<16xf32>
        %reduce_sum3A_576 = arith.constant true
        %reduce_sum3A_577 = vector.broadcast %reduce_sum3A_576 : i1 to vector<16xi1>
        %reduce_sum3A_578 = tpu.scan <sum>, %add3A_571 masked %reduce_sum3A_577 : vector<16xf32>, vector<16xi1> -> vector<16xf32>
        %reduce_sum3A_579 = vector.extract %reduce_sum3A_578[15] : f32 from vector<16xf32>
        %mul3A_580 = arith.constant 7.812500e-03 : f32
        %mul3A_581 = arith.mulf %reduce_sum3A_575, %mul3A_580 : f32
        %mul3A_582 = arith.constant 7.812500e-03 : f32
        %mul3A_583 = arith.mulf %reduce_sum3A_579, %mul3A_582 : f32
        %mul3A_584 = arith.mulf %mul3A_581, %mul3A_581 : f32
        %sub3A_585 = arith.subf %mul3A_583, %mul3A_584 : f32
        %add3A_586 = arith.constant 9.99999996E-13 : f32
        %add3A_587 = arith.addf %sub3A_585, %add3A_586 : f32
        %bitcast_convert_type3A_588 = arith.bitcast %add3A_587 : f32 to i32
        %shift_right_logical3A_589 = arith.constant 1 : i32
        %shift_right_logical3A_590 = arith.shrui %bitcast_convert_type3A_588, %shift_right_logical3A_589 : i32
        %sub3A_591 = arith.constant 1597463007 : i32
        %sub3A_592 = arith.subi %sub3A_591, %shift_right_logical3A_590 : i32
        %bitcast_convert_type3A_593 = arith.bitcast %sub3A_592 : i32 to f32
        %mul3A_594 = arith.constant 5.000000e-01 : f32
        %mul3A_595 = arith.mulf %mul3A_594, %add3A_587 : f32
        %mul3A_596 = arith.mulf %mul3A_595, %bitcast_convert_type3A_593 : f32
        %mul3A_597 = arith.mulf %mul3A_596, %bitcast_convert_type3A_593 : f32
        %sub3A_598 = arith.constant 1.500000e+00 : f32
        %sub3A_599 = arith.subf %sub3A_598, %mul3A_597 : f32
        %mul3A_600 = arith.mulf %bitcast_convert_type3A_593, %sub3A_599 : f32
        %mul3A_601 = arith.constant 5.000000e-01 : f32
        %mul3A_602 = arith.mulf %mul3A_601, %add3A_587 : f32
        %mul3A_603 = arith.mulf %mul3A_602, %mul3A_600 : f32
        %mul3A_604 = arith.mulf %mul3A_603, %mul3A_600 : f32
        %sub3A_605 = arith.constant 1.500000e+00 : f32
        %sub3A_606 = arith.subf %sub3A_605, %mul3A_604 : f32
        %mul3A_607 = arith.mulf %mul3A_600, %sub3A_606 : f32
        %mul3A_608 = arith.constant 5.000000e-01 : f32
        %mul3A_609 = arith.mulf %mul3A_608, %add3A_587 : f32
        %mul3A_610 = arith.mulf %mul3A_609, %mul3A_607 : f32
        %mul3A_611 = arith.mulf %mul3A_610, %mul3A_607 : f32
        %sub3A_612 = arith.constant 1.500000e+00 : f32
        %sub3A_613 = arith.subf %sub3A_612, %mul3A_611 : f32
        %mul3A_614 = arith.mulf %mul3A_607, %sub3A_613 : f32
        %sub3A_615 = vector.broadcast %mul3A_581 : f32 to vector<16xf32>
        %sub3A_616 = arith.subf %add3A_493, %sub3A_615 : vector<16xf32>
        %mul3A_617 = vector.broadcast %mul3A_614 : f32 to vector<16xf32>
        %mul3A_618 = arith.mulf %sub3A_616, %mul3A_617 : vector<16xf32>
        %mul3A_619 = arith.mulf %mul3A_618, %get3A_29 : vector<16xf32>
        %add3A_620 = arith.addf %mul3A_619, %get3A_45 : vector<16xf32>
        %swap3A_621 = arith.index_cast %add3A_481 : i32 to index
        %swap3A_622 = arith.constant 0 : index
        %swap3A_623 = tpu.vector_load %arg13[%swap3A_621, %swap3A_622] {strides = array<i32>} : memref<128x128xf32, #tpu.memory_space<vmem>>, vector<16xf32>,
        tpu.vector_store %arg13[%swap3A_621, %swap3A_622], %add3A_620 {strides = array<i32>} : memref<128x128xf32, #tpu.memory_space<vmem>>, vector<16xf32>,
        %sub3A_624 = vector.broadcast %mul3A_581 : f32 to vector<16xf32>
        %sub3A_625 = arith.subf %add3A_501, %sub3A_624 : vector<16xf32>
        %mul3A_626 = vector.broadcast %mul3A_614 : f32 to vector<16xf32>
        %mul3A_627 = arith.mulf %sub3A_625, %mul3A_626 : vector<16xf32>
        %mul3A_628 = arith.mulf %mul3A_627, %get3A_31 : vector<16xf32>
        %add3A_629 = arith.addf %mul3A_628, %get3A_47 : vector<16xf32>
        %swap3A_630 = arith.index_cast %add3A_481 : i32 to index
        %swap3A_631 = arith.constant 16 : index
        %swap3A_632 = tpu.vector_load %arg13[%swap3A_630, %swap3A_631] {strides = array<i32>} : memref<128x128xf32, #tpu.memory_space<vmem>>, vector<16xf32>,
        tpu.vector_store %arg13[%swap3A_630, %swap3A_631], %add3A_629 {strides = array<i32>} : memref<128x128xf32, #tpu.memory_space<vmem>>, vector<16xf32>,
        %sub3A_633 = vector.broadcast %mul3A_581 : f32 to vector<16xf32>
        %sub3A_634 = arith.subf %add3A_509, %sub3A_633 : vector<16xf32>
        %mul3A_635 = vector.broadcast %mul3A_614 : f32 to vector<16xf32>
        %mul3A_636 = arith.mulf %sub3A_634, %mul3A_635 : vector<16xf32>
        %mul3A_637 = arith.mulf %mul3A_636, %get3A_33 : vector<16xf32>
        %add3A_638 = arith.addf %mul3A_637, %get3A_49 : vector<16xf32>
        %swap3A_639 = arith.index_cast %add3A_481 : i32 to index
        %swap3A_640 = arith.constant 32 : index
        %swap3A_641 = tpu.vector_load %arg13[%swap3A_639, %swap3A_640] {strides = array<i32>} : memref<128x128xf32, #tpu.memory_space<vmem>>, vector<16xf32>,
        tpu.vector_store %arg13[%swap3A_639, %swap3A_640], %add3A_638 {strides = array<i32>} : memref<128x128xf32, #tpu.memory_space<vmem>>, vector<16xf32>,
        %sub3A_642 = vector.broadcast %mul3A_581 : f32 to vector<16xf32>
        %sub3A_643 = arith.subf %add3A_517, %sub3A_642 : vector<16xf32>
        %mul3A_644 = vector.broadcast %mul3A_614 : f32 to vector<16xf32>
        %mul3A_645 = arith.mulf %sub3A_643, %mul3A_644 : vector<16xf32>
        %mul3A_646 = arith.mulf %mul3A_645, %get3A_35 : vector<16xf32>
        %add3A_647 = arith.addf %mul3A_646, %get3A_51 : vector<16xf32>
        %swap3A_648 = arith.index_cast %add3A_481 : i32 to index
        %swap3A_649 = arith.constant 48 : index
        %swap3A_650 = tpu.vector_load %arg13[%swap3A_648, %swap3A_649] {strides = array<i32>} : memref<128x128xf32, #tpu.memory_space<vmem>>, vector<16xf32>,
        tpu.vector_store %arg13[%swap3A_648, %swap3A_649], %add3A_647 {strides = array<i32>} : memref<128x128xf32, #tpu.memory_space<vmem>>, vector<16xf32>,
        %sub3A_651 = vector.broadcast %mul3A_581 : f32 to vector<16xf32>
        %sub3A_652 = arith.subf %add3A_525, %sub3A_651 : vector<16xf32>
        %mul3A_653 = vector.broadcast %mul3A_614 : f32 to vector<16xf32>
        %mul3A_654 = arith.mulf %sub3A_652, %mul3A_653 : vector<16xf32>
        %mul3A_655 = arith.mulf %mul3A_654, %get3A_37 : vector<16xf32>
        %add3A_656 = arith.addf %mul3A_655, %get3A_53 : vector<16xf32>
        %swap3A_657 = arith.index_cast %add3A_481 : i32 to index
        %swap3A_658 = arith.constant 64 : index
        %swap3A_659 = tpu.vector_load %arg13[%swap3A_657, %swap3A_658] {strides = array<i32>} : memref<128x128xf32, #tpu.memory_space<vmem>>, vector<16xf32>,
        tpu.vector_store %arg13[%swap3A_657, %swap3A_658], %add3A_656 {strides = array<i32>} : memref<128x128xf32, #tpu.memory_space<vmem>>, vector<16xf32>,
        %sub3A_660 = vector.broadcast %mul3A_581 : f32 to vector<16xf32>
        %sub3A_661 = arith.subf %add3A_533, %sub3A_660 : vector<16xf32>
        %mul3A_662 = vector.broadcast %mul3A_614 : f32 to vector<16xf32>
        %mul3A_663 = arith.mulf %sub3A_661, %mul3A_662 : vector<16xf32>
        %mul3A_664 = arith.mulf %mul3A_663, %get3A_39 : vector<16xf32>
        %add3A_665 = arith.addf %mul3A_664, %get3A_55 : vector<16xf32>
        %swap3A_666 = arith.index_cast %add3A_481 : i32 to index
        %swap3A_667 = arith.constant 80 : index
        %swap3A_668 = tpu.vector_load %arg13[%swap3A_666, %swap3A_667] {strides = array<i32>} : memref<128x128xf32, #tpu.memory_space<vmem>>, vector<16xf32>,
        tpu.vector_store %arg13[%swap3A_666, %swap3A_667], %add3A_665 {strides = array<i32>} : memref<128x128xf32, #tpu.memory_space<vmem>>, vector<16xf32>,
        %sub3A_669 = vector.broadcast %mul3A_581 : f32 to vector<16xf32>
        %sub3A_670 = arith.subf %add3A_541, %sub3A_669 : vector<16xf32>
        %mul3A_671 = vector.broadcast %mul3A_614 : f32 to vector<16xf32>
        %mul3A_672 = arith.mulf %sub3A_670, %mul3A_671 : vector<16xf32>
        %mul3A_673 = arith.mulf %mul3A_672, %get3A_41 : vector<16xf32>
        %add3A_674 = arith.addf %mul3A_673, %get3A_57 : vector<16xf32>
        %swap3A_675 = arith.index_cast %add3A_481 : i32 to index
        %swap3A_676 = arith.constant 96 : index
        %swap3A_677 = tpu.vector_load %arg13[%swap3A_675, %swap3A_676] {strides = array<i32>} : memref<128x128xf32, #tpu.memory_space<vmem>>, vector<16xf32>,
        tpu.vector_store %arg13[%swap3A_675, %swap3A_676], %add3A_674 {strides = array<i32>} : memref<128x128xf32, #tpu.memory_space<vmem>>, vector<16xf32>,
        %sub3A_678 = vector.broadcast %mul3A_581 : f32 to vector<16xf32>
        %sub3A_679 = arith.subf %add3A_549, %sub3A_678 : vector<16xf32>
        %mul3A_680 = vector.broadcast %mul3A_614 : f32 to vector<16xf32>
        %mul3A_681 = arith.mulf %sub3A_679, %mul3A_680 : vector<16xf32>
        %mul3A_682 = arith.mulf %mul3A_681, %get3A_43 : vector<16xf32>
        %add3A_683 = arith.addf %mul3A_682, %get3A_59 : vector<16xf32>
        %swap3A_684 = arith.index_cast %add3A_481 : i32 to index
        %swap3A_685 = arith.constant 112 : index
        %swap3A_686 = tpu.vector_load %arg13[%swap3A_684, %swap3A_685] {strides = array<i32>} : memref<128x128xf32, #tpu.memory_space<vmem>>, vector<16xf32>,
        tpu.vector_store %arg13[%swap3A_684, %swap3A_685], %add3A_683 {strides = array<i32>} : memref<128x128xf32, #tpu.memory_space<vmem>>, vector<16xf32>,
        %mul3A_687 = arith.constant 16 : i32
        %mul3A_688 = arith.muli %scan3A_28, %mul3A_687 : i32
        %add3A_689 = arith.constant 3 : i32
        %add3A_690 = arith.addi %mul3A_688, %add3A_689 : i32
        %slice3A_691 = vector.extract_strided_slice %get3A_66 {offsets = [3], sizes = [1], strides = [1]} : vector<16xi32> to vector<1xi32>
        %squeeze3A_692 = vector.extract %slice3A_691[0] : i32 from vector<1xi32>
        %mul3A_693 = arith.constant 128 : i32
        %mul3A_694 = arith.muli %squeeze3A_692, %mul3A_693 : i32
        %get3A_695 = arith.index_cast %add3A_690 : i32 to index
        %get3A_696 = arith.constant 0 : index
        %get3A_697 = tpu.vector_load %arg12[%get3A_695, %get3A_696] {strides = array<i32>} : memref<128x128xf32, #tpu.memory_space<vmem>>, vector<16xf32>,
        %add3A_698 = arith.constant 0 : i32
        %add3A_699 = arith.addi %mul3A_694, %add3A_698 : i32
        %get3A_700 = arith.index_cast %add3A_699 : i32 to index
        %get3A_701 = tpu.vector_load %arg8[%get3A_700] {strides = array<i32>} : memref<51200xf32, #tpu.memory_space<vmem>>, vector<16xf32>,
        %add3A_702 = arith.addf %get3A_697, %get3A_701 : vector<16xf32>
        %get3A_703 = arith.index_cast %add3A_690 : i32 to index
        %get3A_704 = arith.constant 16 : index
        %get3A_705 = tpu.vector_load %arg12[%get3A_703, %get3A_704] {strides = array<i32>} : memref<128x128xf32, #tpu.memory_space<vmem>>, vector<16xf32>,
        %add3A_706 = arith.constant 16 : i32
        %add3A_707 = arith.addi %mul3A_694, %add3A_706 : i32
        %get3A_708 = arith.index_cast %add3A_707 : i32 to index
        %get3A_709 = tpu.vector_load %arg8[%get3A_708] {strides = array<i32>} : memref<51200xf32, #tpu.memory_space<vmem>>, vector<16xf32>,
        %add3A_710 = arith.addf %get3A_705, %get3A_709 : vector<16xf32>
        %get3A_711 = arith.index_cast %add3A_690 : i32 to index
        %get3A_712 = arith.constant 32 : index
        %get3A_713 = tpu.vector_load %arg12[%get3A_711, %get3A_712] {strides = array<i32>} : memref<128x128xf32, #tpu.memory_space<vmem>>, vector<16xf32>,
        %add3A_714 = arith.constant 32 : i32
        %add3A_715 = arith.addi %mul3A_694, %add3A_714 : i32
        %get3A_716 = arith.index_cast %add3A_715 : i32 to index
        %get3A_717 = tpu.vector_load %arg8[%get3A_716] {strides = array<i32>} : memref<51200xf32, #tpu.memory_space<vmem>>, vector<16xf32>,
        %add3A_718 = arith.addf %get3A_713, %get3A_717 : vector<16xf32>
        %get3A_719 = arith.index_cast %add3A_690 : i32 to index
        %get3A_720 = arith.constant 48 : index
        %get3A_721 = tpu.vector_load %arg12[%get3A_719, %get3A_720] {strides = array<i32>} : memref<128x128xf32, #tpu.memory_space<vmem>>, vector<16xf32>,
        %add3A_722 = arith.constant 48 : i32
        %add3A_723 = arith.addi %mul3A_694, %add3A_722 : i32
        %get3A_724 = arith.index_cast %add3A_723 : i32 to index
        %get3A_725 = tpu.vector_load %arg8[%get3A_724] {strides = array<i32>} : memref<51200xf32, #tpu.memory_space<vmem>>, vector<16xf32>,
        %add3A_726 = arith.addf %get3A_721, %get3A_725 : vector<16xf32>
        %get3A_727 = arith.index_cast %add3A_690 : i32 to index
        %get3A_728 = arith.constant 64 : index
        %get3A_729 = tpu.vector_load %arg12[%get3A_727, %get3A_728] {strides = array<i32>} : memref<128x128xf32, #tpu.memory_space<vmem>>, vector<16xf32>,
        %add3A_730 = arith.constant 64 : i32
        %add3A_731 = arith.addi %mul3A_694, %add3A_730 : i32
        %get3A_732 = arith.index_cast %add3A_731 : i32 to index
        %get3A_733 = tpu.vector_load %arg8[%get3A_732] {strides = array<i32>} : memref<51200xf32, #tpu.memory_space<vmem>>, vector<16xf32>,
        %add3A_734 = arith.addf %get3A_729, %get3A_733 : vector<16xf32>
        %get3A_735 = arith.index_cast %add3A_690 : i32 to index
        %get3A_736 = arith.constant 80 : index
        %get3A_737 = tpu.vector_load %arg12[%get3A_735, %get3A_736] {strides = array<i32>} : memref<128x128xf32, #tpu.memory_space<vmem>>, vector<16xf32>,
        %add3A_738 = arith.constant 80 : i32
        %add3A_739 = arith.addi %mul3A_694, %add3A_738 : i32
        %get3A_740 = arith.index_cast %add3A_739 : i32 to index
        %get3A_741 = tpu.vector_load %arg8[%get3A_740] {strides = array<i32>} : memref<51200xf32, #tpu.memory_space<vmem>>, vector<16xf32>,
        %add3A_742 = arith.addf %get3A_737, %get3A_741 : vector<16xf32>
        %get3A_743 = arith.index_cast %add3A_690 : i32 to index
        %get3A_744 = arith.constant 96 : index
        %get3A_745 = tpu.vector_load %arg12[%get3A_743, %get3A_744] {strides = array<i32>} : memref<128x128xf32, #tpu.memory_space<vmem>>, vector<16xf32>,
        %add3A_746 = arith.constant 96 : i32
        %add3A_747 = arith.addi %mul3A_694, %add3A_746 : i32
        %get3A_748 = arith.index_cast %add3A_747 : i32 to index
        %get3A_749 = tpu.vector_load %arg8[%get3A_748] {strides = array<i32>} : memref<51200xf32, #tpu.memory_space<vmem>>, vector<16xf32>,
        %add3A_750 = arith.addf %get3A_745, %get3A_749 : vector<16xf32>
        %get3A_751 = arith.index_cast %add3A_690 : i32 to index
        %get3A_752 = arith.constant 112 : index
        %get3A_753 = tpu.vector_load %arg12[%get3A_751, %get3A_752] {strides = array<i32>} : memref<128x128xf32, #tpu.memory_space<vmem>>, vector<16xf32>,
        %add3A_754 = arith.constant 112 : i32
        %add3A_755 = arith.addi %mul3A_694, %add3A_754 : i32
        %get3A_756 = arith.index_cast %add3A_755 : i32 to index
        %get3A_757 = tpu.vector_load %arg8[%get3A_756] {strides = array<i32>} : memref<51200xf32, #tpu.memory_space<vmem>>, vector<16xf32>,
        %add3A_758 = arith.addf %get3A_753, %get3A_757 : vector<16xf32>
        %add3A_759 = arith.addf %add3A_702, %add3A_710 : vector<16xf32>
        %add3A_760 = arith.addf %add3A_759, %add3A_718 : vector<16xf32>
        %add3A_761 = arith.addf %add3A_760, %add3A_726 : vector<16xf32>
        %add3A_762 = arith.addf %add3A_761, %add3A_734 : vector<16xf32>
        %add3A_763 = arith.addf %add3A_762, %add3A_742 : vector<16xf32>
        %add3A_764 = arith.addf %add3A_763, %add3A_750 : vector<16xf32>
        %add3A_765 = arith.addf %add3A_764, %add3A_758 : vector<16xf32>
        %mul3A_766 = arith.mulf %add3A_702, %add3A_702 : vector<16xf32>
        %mul3A_767 = arith.mulf %add3A_710, %add3A_710 : vector<16xf32>
        %add3A_768 = arith.addf %mul3A_766, %mul3A_767 : vector<16xf32>
        %mul3A_769 = arith.mulf %add3A_718, %add3A_718 : vector<16xf32>
        %add3A_770 = arith.addf %add3A_768, %mul3A_769 : vector<16xf32>
        %mul3A_771 = arith.mulf %add3A_726, %add3A_726 : vector<16xf32>
        %add3A_772 = arith.addf %add3A_770, %mul3A_771 : vector<16xf32>
        %mul3A_773 = arith.mulf %add3A_734, %add3A_734 : vector<16xf32>
        %add3A_774 = arith.addf %add3A_772, %mul3A_773 : vector<16xf32>
        %mul3A_775 = arith.mulf %add3A_742, %add3A_742 : vector<16xf32>
        %add3A_776 = arith.addf %add3A_774, %mul3A_775 : vector<16xf32>
        %mul3A_777 = arith.mulf %add3A_750, %add3A_750 : vector<16xf32>
        %add3A_778 = arith.addf %add3A_776, %mul3A_777 : vector<16xf32>
        %mul3A_779 = arith.mulf %add3A_758, %add3A_758 : vector<16xf32>
        %add3A_780 = arith.addf %add3A_778, %mul3A_779 : vector<16xf32>
        %reduce_sum3A_781 = arith.constant true
        %reduce_sum3A_782 = vector.broadcast %reduce_sum3A_781 : i1 to vector<16xi1>
        %reduce_sum3A_783 = tpu.scan <sum>, %add3A_765 masked %reduce_sum3A_782 : vector<16xf32>, vector<16xi1> -> vector<16xf32>
        %reduce_sum3A_784 = vector.extract %reduce_sum3A_783[15] : f32 from vector<16xf32>
        %reduce_sum3A_785 = arith.constant true
        %reduce_sum3A_786 = vector.broadcast %reduce_sum3A_785 : i1 to vector<16xi1>
        %reduce_sum3A_787 = tpu.scan <sum>, %add3A_780 masked %reduce_sum3A_786 : vector<16xf32>, vector<16xi1> -> vector<16xf32>
        %reduce_sum3A_788 = vector.extract %reduce_sum3A_787[15] : f32 from vector<16xf32>
        %mul3A_789 = arith.constant 7.812500e-03 : f32
        %mul3A_790 = arith.mulf %reduce_sum3A_784, %mul3A_789 : f32
        %mul3A_791 = arith.constant 7.812500e-03 : f32
        %mul3A_792 = arith.mulf %reduce_sum3A_788, %mul3A_791 : f32
        %mul3A_793 = arith.mulf %mul3A_790, %mul3A_790 : f32
        %sub3A_794 = arith.subf %mul3A_792, %mul3A_793 : f32
        %add3A_795 = arith.constant 9.99999996E-13 : f32
        %add3A_796 = arith.addf %sub3A_794, %add3A_795 : f32
        %bitcast_convert_type3A_797 = arith.bitcast %add3A_796 : f32 to i32
        %shift_right_logical3A_798 = arith.constant 1 : i32
        %shift_right_logical3A_799 = arith.shrui %bitcast_convert_type3A_797, %shift_right_logical3A_798 : i32
        %sub3A_800 = arith.constant 1597463007 : i32
        %sub3A_801 = arith.subi %sub3A_800, %shift_right_logical3A_799 : i32
        %bitcast_convert_type3A_802 = arith.bitcast %sub3A_801 : i32 to f32
        %mul3A_803 = arith.constant 5.000000e-01 : f32
        %mul3A_804 = arith.mulf %mul3A_803, %add3A_796 : f32
        %mul3A_805 = arith.mulf %mul3A_804, %bitcast_convert_type3A_802 : f32
        %mul3A_806 = arith.mulf %mul3A_805, %bitcast_convert_type3A_802 : f32
        %sub3A_807 = arith.constant 1.500000e+00 : f32
        %sub3A_808 = arith.subf %sub3A_807, %mul3A_806 : f32
        %mul3A_809 = arith.mulf %bitcast_convert_type3A_802, %sub3A_808 : f32
        %mul3A_810 = arith.constant 5.000000e-01 : f32
        %mul3A_811 = arith.mulf %mul3A_810, %add3A_796 : f32
        %mul3A_812 = arith.mulf %mul3A_811, %mul3A_809 : f32
        %mul3A_813 = arith.mulf %mul3A_812, %mul3A_809 : f32
        %sub3A_814 = arith.constant 1.500000e+00 : f32
        %sub3A_815 = arith.subf %sub3A_814, %mul3A_813 : f32
        %mul3A_816 = arith.mulf %mul3A_809, %sub3A_815 : f32
        %mul3A_817 = arith.constant 5.000000e-01 : f32
        %mul3A_818 = arith.mulf %mul3A_817, %add3A_796 : f32
        %mul3A_819 = arith.mulf %mul3A_818, %mul3A_816 : f32
        %mul3A_820 = arith.mulf %mul3A_819, %mul3A_816 : f32
        %sub3A_821 = arith.constant 1.500000e+00 : f32
        %sub3A_822 = arith.subf %sub3A_821, %mul3A_820 : f32
        %mul3A_823 = arith.mulf %mul3A_816, %sub3A_822 : f32
        %sub3A_824 = vector.broadcast %mul3A_790 : f32 to vector<16xf32>
        %sub3A_825 = arith.subf %add3A_702, %sub3A_824 : vector<16xf32>
        %mul3A_826 = vector.broadcast %mul3A_823 : f32 to vector<16xf32>
        %mul3A_827 = arith.mulf %sub3A_825, %mul3A_826 : vector<16xf32>
        %mul3A_828 = arith.mulf %mul3A_827, %get3A_29 : vector<16xf32>
        %add3A_829 = arith.addf %mul3A_828, %get3A_45 : vector<16xf32>
        %swap3A_830 = arith.index_cast %add3A_690 : i32 to index
        %swap3A_831 = arith.constant 0 : index
        %swap3A_832 = tpu.vector_load %arg13[%swap3A_830, %swap3A_831] {strides = array<i32>} : memref<128x128xf32, #tpu.memory_space<vmem>>, vector<16xf32>,
        tpu.vector_store %arg13[%swap3A_830, %swap3A_831], %add3A_829 {strides = array<i32>} : memref<128x128xf32, #tpu.memory_space<vmem>>, vector<16xf32>,
        %sub3A_833 = vector.broadcast %mul3A_790 : f32 to vector<16xf32>
        %sub3A_834 = arith.subf %add3A_710, %sub3A_833 : vector<16xf32>
        %mul3A_835 = vector.broadcast %mul3A_823 : f32 to vector<16xf32>
        %mul3A_836 = arith.mulf %sub3A_834, %mul3A_835 : vector<16xf32>
        %mul3A_837 = arith.mulf %mul3A_836, %get3A_31 : vector<16xf32>
        %add3A_838 = arith.addf %mul3A_837, %get3A_47 : vector<16xf32>
        %swap3A_839 = arith.index_cast %add3A_690 : i32 to index
        %swap3A_840 = arith.constant 16 : index
        %swap3A_841 = tpu.vector_load %arg13[%swap3A_839, %swap3A_840] {strides = array<i32>} : memref<128x128xf32, #tpu.memory_space<vmem>>, vector<16xf32>,
        tpu.vector_store %arg13[%swap3A_839, %swap3A_840], %add3A_838 {strides = array<i32>} : memref<128x128xf32, #tpu.memory_space<vmem>>, vector<16xf32>,
        %sub3A_842 = vector.broadcast %mul3A_790 : f32 to vector<16xf32>
        %sub3A_843 = arith.subf %add3A_718, %sub3A_842 : vector<16xf32>
        %mul3A_844 = vector.broadcast %mul3A_823 : f32 to vector<16xf32>
        %mul3A_845 = arith.mulf %sub3A_843, %mul3A_844 : vector<16xf32>
        %mul3A_846 = arith.mulf %mul3A_845, %get3A_33 : vector<16xf32>
        %add3A_847 = arith.addf %mul3A_846, %get3A_49 : vector<16xf32>
        %swap3A_848 = arith.index_cast %add3A_690 : i32 to index
        %swap3A_849 = arith.constant 32 : index
        %swap3A_850 = tpu.vector_load %arg13[%swap3A_848, %swap3A_849] {strides = array<i32>} : memref<128x128xf32, #tpu.memory_space<vmem>>, vector<16xf32>,
        tpu.vector_store %arg13[%swap3A_848, %swap3A_849], %add3A_847 {strides = array<i32>} : memref<128x128xf32, #tpu.memory_space<vmem>>, vector<16xf32>,
        %sub3A_851 = vector.broadcast %mul3A_790 : f32 to vector<16xf32>
        %sub3A_852 = arith.subf %add3A_726, %sub3A_851 : vector<16xf32>
        %mul3A_853 = vector.broadcast %mul3A_823 : f32 to vector<16xf32>
        %mul3A_854 = arith.mulf %sub3A_852, %mul3A_853 : vector<16xf32>
        %mul3A_855 = arith.mulf %mul3A_854, %get3A_35 : vector<16xf32>
        %add3A_856 = arith.addf %mul3A_855, %get3A_51 : vector<16xf32>
        %swap3A_857 = arith.index_cast %add3A_690 : i32 to index
        %swap3A_858 = arith.constant 48 : index
        %swap3A_859 = tpu.vector_load %arg13[%swap3A_857, %swap3A_858] {strides = array<i32>} : memref<128x128xf32, #tpu.memory_space<vmem>>, vector<16xf32>,
        tpu.vector_store %arg13[%swap3A_857, %swap3A_858], %add3A_856 {strides = array<i32>} : memref<128x128xf32, #tpu.memory_space<vmem>>, vector<16xf32>,
        %sub3A_860 = vector.broadcast %mul3A_790 : f32 to vector<16xf32>
        %sub3A_861 = arith.subf %add3A_734, %sub3A_860 : vector<16xf32>
        %mul3A_862 = vector.broadcast %mul3A_823 : f32 to vector<16xf32>
        %mul3A_863 = arith.mulf %sub3A_861, %mul3A_862 : vector<16xf32>
        %mul3A_864 = arith.mulf %mul3A_863, %get3A_37 : vector<16xf32>
        %add3A_865 = arith.addf %mul3A_864, %get3A_53 : vector<16xf32>
        %swap3A_866 = arith.index_cast %add3A_690 : i32 to index
        %swap3A_867 = arith.constant 64 : index
        %swap3A_868 = tpu.vector_load %arg13[%swap3A_866, %swap3A_867] {strides = array<i32>} : memref<128x128xf32, #tpu.memory_space<vmem>>, vector<16xf32>,
        tpu.vector_store %arg13[%swap3A_866, %swap3A_867], %add3A_865 {strides = array<i32>} : memref<128x128xf32, #tpu.memory_space<vmem>>, vector<16xf32>,
        %sub3A_869 = vector.broadcast %mul3A_790 : f32 to vector<16xf32>
        %sub3A_870 = arith.subf %add3A_742, %sub3A_869 : vector<16xf32>
        %mul3A_871 = vector.broadcast %mul3A_823 : f32 to vector<16xf32>
        %mul3A_872 = arith.mulf %sub3A_870, %mul3A_871 : vector<16xf32>
        %mul3A_873 = arith.mulf %mul3A_872, %get3A_39 : vector<16xf32>
        %add3A_874 = arith.addf %mul3A_873, %get3A_55 : vector<16xf32>
        %swap3A_875 = arith.index_cast %add3A_690 : i32 to index
        %swap3A_876 = arith.constant 80 : index
        %swap3A_877 = tpu.vector_load %arg13[%swap3A_875, %swap3A_876] {strides = array<i32>} : memref<128x128xf32, #tpu.memory_space<vmem>>, vector<16xf32>,
        tpu.vector_store %arg13[%swap3A_875, %swap3A_876], %add3A_874 {strides = array<i32>} : memref<128x128xf32, #tpu.memory_space<vmem>>, vector<16xf32>,
        %sub3A_878 = vector.broadcast %mul3A_790 : f32 to vector<16xf32>
        %sub3A_879 = arith.subf %add3A_750, %sub3A_878 : vector<16xf32>
        %mul3A_880 = vector.broadcast %mul3A_823 : f32 to vector<16xf32>
        %mul3A_881 = arith.mulf %sub3A_879, %mul3A_880 : vector<16xf32>
        %mul3A_882 = arith.mulf %mul3A_881, %get3A_41 : vector<16xf32>
        %add3A_883 = arith.addf %mul3A_882, %get3A_57 : vector<16xf32>
        %swap3A_884 = arith.index_cast %add3A_690 : i32 to index
        %swap3A_885 = arith.constant 96 : index
        %swap3A_886 = tpu.vector_load %arg13[%swap3A_884, %swap3A_885] {strides = array<i32>} : memref<128x128xf32, #tpu.memory_space<vmem>>, vector<16xf32>,
        tpu.vector_store %arg13[%swap3A_884, %swap3A_885], %add3A_883 {strides = array<i32>} : memref<128x128xf32, #tpu.memory_space<vmem>>, vector<16xf32>,
        %sub3A_887 = vector.broadcast %mul3A_790 : f32 to vector<16xf32>
        %sub3A_888 = arith.subf %add3A_758, %sub3A_887 : vector<16xf32>
        %mul3A_889 = vector.broadcast %mul3A_823 : f32 to vector<16xf32>
        %mul3A_890 = arith.mulf %sub3A_888, %mul3A_889 : vector<16xf32>
        %mul3A_891 = arith.mulf %mul3A_890, %get3A_43 : vector<16xf32>
        %add3A_892 = arith.addf %mul3A_891, %get3A_59 : vector<16xf32>
        %swap3A_893 = arith.index_cast %add3A_690 : i32 to index
        %swap3A_894 = arith.constant 112 : index
        %swap3A_895 = tpu.vector_load %arg13[%swap3A_893, %swap3A_894] {strides = array<i32>} : memref<128x128xf32, #tpu.memory_space<vmem>>, vector<16xf32>,
        tpu.vector_store %arg13[%swap3A_893, %swap3A_894], %add3A_892 {strides = array<i32>} : memref<128x128xf32, #tpu.memory_space<vmem>>, vector<16xf32>,
        %mul3A_896 = arith.constant 16 : i32
        %mul3A_897 = arith.muli %scan3A_28, %mul3A_896 : i32
        %add3A_898 = arith.constant 4 : i32
        %add3A_899 = arith.addi %mul3A_897, %add3A_898 : i32
        %slice3A_900 = vector.extract_strided_slice %get3A_66 {offsets = [4], sizes = [1], strides = [1]} : vector<16xi32> to vector<1xi32>
        %squeeze3A_901 = vector.extract %slice3A_900[0] : i32 from vector<1xi32>
        %mul3A_902 = arith.constant 128 : i32
        %mul3A_903 = arith.muli %squeeze3A_901, %mul3A_902 : i32
        %get3A_904 = arith.index_cast %add3A_899 : i32 to index
        %get3A_905 = arith.constant 0 : index
        %get3A_906 = tpu.vector_load %arg12[%get3A_904, %get3A_905] {strides = array<i32>} : memref<128x128xf32, #tpu.memory_space<vmem>>, vector<16xf32>,
        %add3A_907 = arith.constant 0 : i32
        %add3A_908 = arith.addi %mul3A_903, %add3A_907 : i32
        %get3A_909 = arith.index_cast %add3A_908 : i32 to index
        %get3A_910 = tpu.vector_load %arg8[%get3A_909] {strides = array<i32>} : memref<51200xf32, #tpu.memory_space<vmem>>, vector<16xf32>,
        %add3A_911 = arith.addf %get3A_906, %get3A_910 : vector<16xf32>
        %get3A_912 = arith.index_cast %add3A_899 : i32 to index
        %get3A_913 = arith.constant 16 : index
        %get3A_914 = tpu.vector_load %arg12[%get3A_912, %get3A_913] {strides = array<i32>} : memref<128x128xf32, #tpu.memory_space<vmem>>, vector<16xf32>,
        %add3A_915 = arith.constant 16 : i32
        %add3A_916 = arith.addi %mul3A_903, %add3A_915 : i32
        %get3A_917 = arith.index_cast %add3A_916 : i32 to index
        %get3A_918 = tpu.vector_load %arg8[%get3A_917] {strides = array<i32>} : memref<51200xf32, #tpu.memory_space<vmem>>, vector<16xf32>,
        %add3A_919 = arith.addf %get3A_914, %get3A_918 : vector<16xf32>
        %get3A_920 = arith.index_cast %add3A_899 : i32 to index
        %get3A_921 = arith.constant 32 : index
        %get3A_922 = tpu.vector_load %arg12[%get3A_920, %get3A_921] {strides = array<i32>} : memref<128x128xf32, #tpu.memory_space<vmem>>, vector<16xf32>,
        %add3A_923 = arith.constant 32 : i32
        %add3A_924 = arith.addi %mul3A_903, %add3A_923 : i32
        %get3A_925 = arith.index_cast %add3A_924 : i32 to index
        %get3A_926 = tpu.vector_load %arg8[%get3A_925] {strides = array<i32>} : memref<51200xf32, #tpu.memory_space<vmem>>, vector<16xf32>,
        %add3A_927 = arith.addf %get3A_922, %get3A_926 : vector<16xf32>
        %get3A_928 = arith.index_cast %add3A_899 : i32 to index
        %get3A_929 = arith.constant 48 : index
        %get3A_930 = tpu.vector_load %arg12[%get3A_928, %get3A_929] {strides = array<i32>} : memref<128x128xf32, #tpu.memory_space<vmem>>, vector<16xf32>,
        %add3A_931 = arith.constant 48 : i32
        %add3A_932 = arith.addi %mul3A_903, %add3A_931 : i32
        %get3A_933 = arith.index_cast %add3A_932 : i32 to index
        %get3A_934 = tpu.vector_load %arg8[%get3A_933] {strides = array<i32>} : memref<51200xf32, #tpu.memory_space<vmem>>, vector<16xf32>,
        %add3A_935 = arith.addf %get3A_930, %get3A_934 : vector<16xf32>
        %get3A_936 = arith.index_cast %add3A_899 : i32 to index
        %get3A_937 = arith.constant 64 : index
        %get3A_938 = tpu.vector_load %arg12[%get3A_936, %get3A_937] {strides = array<i32>} : memref<128x128xf32, #tpu.memory_space<vmem>>, vector<16xf32>,
        %add3A_939 = arith.constant 64 : i32
        %add3A_940 = arith.addi %mul3A_903, %add3A_939 : i32
        %get3A_941 = arith.index_cast %add3A_940 : i32 to index
        %get3A_942 = tpu.vector_load %arg8[%get3A_941] {strides = array<i32>} : memref<51200xf32, #tpu.memory_space<vmem>>, vector<16xf32>,
        %add3A_943 = arith.addf %get3A_938, %get3A_942 : vector<16xf32>
        %get3A_944 = arith.index_cast %add3A_899 : i32 to index
        %get3A_945 = arith.constant 80 : index
        %get3A_946 = tpu.vector_load %arg12[%get3A_944, %get3A_945] {strides = array<i32>} : memref<128x128xf32, #tpu.memory_space<vmem>>, vector<16xf32>,
        %add3A_947 = arith.constant 80 : i32
        %add3A_948 = arith.addi %mul3A_903, %add3A_947 : i32
        %get3A_949 = arith.index_cast %add3A_948 : i32 to index
        %get3A_950 = tpu.vector_load %arg8[%get3A_949] {strides = array<i32>} : memref<51200xf32, #tpu.memory_space<vmem>>, vector<16xf32>,
        %add3A_951 = arith.addf %get3A_946, %get3A_950 : vector<16xf32>
        %get3A_952 = arith.index_cast %add3A_899 : i32 to index
        %get3A_953 = arith.constant 96 : index
        %get3A_954 = tpu.vector_load %arg12[%get3A_952, %get3A_953] {strides = array<i32>} : memref<128x128xf32, #tpu.memory_space<vmem>>, vector<16xf32>,
        %add3A_955 = arith.constant 96 : i32
        %add3A_956 = arith.addi %mul3A_903, %add3A_955 : i32
        %get3A_957 = arith.index_cast %add3A_956 : i32 to index
        %get3A_958 = tpu.vector_load %arg8[%get3A_957] {strides = array<i32>} : memref<51200xf32, #tpu.memory_space<vmem>>, vector<16xf32>,
        %add3A_959 = arith.addf %get3A_954, %get3A_958 : vector<16xf32>
        %get3A_960 = arith.index_cast %add3A_899 : i32 to index
        %get3A_961 = arith.constant 112 : index
        %get3A_962 = tpu.vector_load %arg12[%get3A_960, %get3A_961] {strides = array<i32>} : memref<128x128xf32, #tpu.memory_space<vmem>>, vector<16xf32>,
        %add3A_963 = arith.constant 112 : i32
        %add3A_964 = arith.addi %mul3A_903, %add3A_963 : i32
        %get3A_965 = arith.index_cast %add3A_964 : i32 to index
        %get3A_966 = tpu.vector_load %arg8[%get3A_965] {strides = array<i32>} : memref<51200xf32, #tpu.memory_space<vmem>>, vector<16xf32>,
        %add3A_967 = arith.addf %get3A_962, %get3A_966 : vector<16xf32>
        %add3A_968 = arith.addf %add3A_911, %add3A_919 : vector<16xf32>
        %add3A_969 = arith.addf %add3A_968, %add3A_927 : vector<16xf32>
        %add3A_970 = arith.addf %add3A_969, %add3A_935 : vector<16xf32>
        %add3A_971 = arith.addf %add3A_970, %add3A_943 : vector<16xf32>
        %add3A_972 = arith.addf %add3A_971, %add3A_951 : vector<16xf32>
        %add3A_973 = arith.addf %add3A_972, %add3A_959 : vector<16xf32>
        %add3A_974 = arith.addf %add3A_973, %add3A_967 : vector<16xf32>
        %mul3A_975 = arith.mulf %add3A_911, %add3A_911 : vector<16xf32>
        %mul3A_976 = arith.mulf %add3A_919, %add3A_919 : vector<16xf32>
        %add3A_977 = arith.addf %mul3A_975, %mul3A_976 : vector<16xf32>
        %mul3A_978 = arith.mulf %add3A_927, %add3A_927 : vector<16xf32>
        %add3A_979 = arith.addf %add3A_977, %mul3A_978 : vector<16xf32>
        %mul3A_980 = arith.mulf %add3A_935, %add3A_935 : vector<16xf32>
        %add3A_981 = arith.addf %add3A_979, %mul3A_980 : vector<16xf32>
        %mul3A_982 = arith.mulf %add3A_943, %add3A_943 : vector<16xf32>
        %add3A_983 = arith.addf %add3A_981, %mul3A_982 : vector<16xf32>
        %mul3A_984 = arith.mulf %add3A_951, %add3A_951 : vector<16xf32>
        %add3A_985 = arith.addf %add3A_983, %mul3A_984 : vector<16xf32>
        %mul3A_986 = arith.mulf %add3A_959, %add3A_959 : vector<16xf32>
        %add3A_987 = arith.addf %add3A_985, %mul3A_986 : vector<16xf32>
        %mul3A_988 = arith.mulf %add3A_967, %add3A_967 : vector<16xf32>
        %add3A_989 = arith.addf %add3A_987, %mul3A_988 : vector<16xf32>
        %reduce_sum3A_990 = arith.constant true
        %reduce_sum3A_991 = vector.broadcast %reduce_sum3A_990 : i1 to vector<16xi1>
        %reduce_sum3A_992 = tpu.scan <sum>, %add3A_974 masked %reduce_sum3A_991 : vector<16xf32>, vector<16xi1> -> vector<16xf32>
        %reduce_sum3A_993 = vector.extract %reduce_sum3A_992[15] : f32 from vector<16xf32>
        %reduce_sum3A_994 = arith.constant true
        %reduce_sum3A_995 = vector.broadcast %reduce_sum3A_994 : i1 to vector<16xi1>
        %reduce_sum3A_996 = tpu.scan <sum>, %add3A_989 masked %reduce_sum3A_995 : vector<16xf32>, vector<16xi1> -> vector<16xf32>
        %reduce_sum3A_997 = vector.extract %reduce_sum3A_996[15] : f32 from vector<16xf32>
        %mul3A_998 = arith.constant 7.812500e-03 : f32
        %mul3A_999 = arith.mulf %reduce_sum3A_993, %mul3A_998 : f32
        %mul3A_1000 = arith.constant 7.812500e-03 : f32
        %mul3A_1001 = arith.mulf %reduce_sum3A_997, %mul3A_1000 : f32
        %mul3A_1002 = arith.mulf %mul3A_999, %mul3A_999 : f32
        %sub3A_1003 = arith.subf %mul3A_1001, %mul3A_1002 : f32
        %add3A_1004 = arith.constant 9.99999996E-13 : f32
        %add3A_1005 = arith.addf %sub3A_1003, %add3A_1004 : f32
        %bitcast_convert_type3A_1006 = arith.bitcast %add3A_1005 : f32 to i32
        %shift_right_logical3A_1007 = arith.constant 1 : i32
        %shift_right_logical3A_1008 = arith.shrui %bitcast_convert_type3A_1006, %shift_right_logical3A_1007 : i32
        %sub3A_1009 = arith.constant 1597463007 : i32
        %sub3A_1010 = arith.subi %sub3A_1009, %shift_right_logical3A_1008 : i32
        %bitcast_convert_type3A_1011 = arith.bitcast %sub3A_1010 : i32 to f32
        %mul3A_1012 = arith.constant 5.000000e-01 : f32
        %mul3A_1013 = arith.mulf %mul3A_1012, %add3A_1005 : f32
        %mul3A_1014 = arith.mulf %mul3A_1013, %bitcast_convert_type3A_1011 : f32
        %mul3A_1015 = arith.mulf %mul3A_1014, %bitcast_convert_type3A_1011 : f32
        %sub3A_1016 = arith.constant 1.500000e+00 : f32
        %sub3A_1017 = arith.subf %sub3A_1016, %mul3A_1015 : f32
        %mul3A_1018 = arith.mulf %bitcast_convert_type3A_1011, %sub3A_1017 : f32
        %mul3A_1019 = arith.constant 5.000000e-01 : f32
        %mul3A_1020 = arith.mulf %mul3A_1019, %add3A_1005 : f32
        %mul3A_1021 = arith.mulf %mul3A_1020, %mul3A_1018 : f32
        %mul3A_1022 = arith.mulf %mul3A_1021, %mul3A_1018 : f32
        %sub3A_1023 = arith.constant 1.500000e+00 : f32
        %sub3A_1024 = arith.subf %sub3A_1023, %mul3A_1022 : f32
        %mul3A_1025 = arith.mulf %mul3A_1018, %sub3A_1024 : f32
        %mul3A_1026 = arith.constant 5.000000e-01 : f32
        %mul3A_1027 = arith.mulf %mul3A_1026, %add3A_1005 : f32
        %mul3A_1028 = arith.mulf %mul3A_1027, %mul3A_1025 : f32
        %mul3A_1029 = arith.mulf %mul3A_1028, %mul3A_1025 : f32
        %sub3A_1030 = arith.constant 1.500000e+00 : f32
        %sub3A_1031 = arith.subf %sub3A_1030, %mul3A_1029 : f32
        %mul3A_1032 = arith.mulf %mul3A_1025, %sub3A_1031 : f32
        %sub3A_1033 = vector.broadcast %mul3A_999 : f32 to vector<16xf32>
        %sub3A_1034 = arith.subf %add3A_911, %sub3A_1033 : vector<16xf32>
        %mul3A_1035 = vector.broadcast %mul3A_1032 : f32 to vector<16xf32>
        %mul3A_1036 = arith.mulf %sub3A_1034, %mul3A_1035 : vector<16xf32>
        %mul3A_1037 = arith.mulf %mul3A_1036, %get3A_29 : vector<16xf32>
        %add3A_1038 = arith.addf %mul3A_1037, %get3A_45 : vector<16xf32>
        %swap3A_1039 = arith.index_cast %add3A_899 : i32 to index
        %swap3A_1040 = arith.constant 0 : index
        %swap3A_1041 = tpu.vector_load %arg13[%swap3A_1039, %swap3A_1040] {strides = array<i32>} : memref<128x128xf32, #tpu.memory_space<vmem>>, vector<16xf32>,
        tpu.vector_store %arg13[%swap3A_1039, %swap3A_1040], %add3A_1038 {strides = array<i32>} : memref<128x128xf32, #tpu.memory_space<vmem>>, vector<16xf32>,
        %sub3A_1042 = vector.broadcast %mul3A_999 : f32 to vector<16xf32>
        %sub3A_1043 = arith.subf %add3A_919, %sub3A_1042 : vector<16xf32>
        %mul3A_1044 = vector.broadcast %mul3A_1032 : f32 to vector<16xf32>
        %mul3A_1045 = arith.mulf %sub3A_1043, %mul3A_1044 : vector<16xf32>
        %mul3A_1046 = arith.mulf %mul3A_1045, %get3A_31 : vector<16xf32>
        %add3A_1047 = arith.addf %mul3A_1046, %get3A_47 : vector<16xf32>
        %swap3A_1048 = arith.index_cast %add3A_899 : i32 to index
        %swap3A_1049 = arith.constant 16 : index
        %swap3A_1050 = tpu.vector_load %arg13[%swap3A_1048, %swap3A_1049] {strides = array<i32>} : memref<128x128xf32, #tpu.memory_space<vmem>>, vector<16xf32>,
        tpu.vector_store %arg13[%swap3A_1048, %swap3A_1049], %add3A_1047 {strides = array<i32>} : memref<128x128xf32, #tpu.memory_space<vmem>>, vector<16xf32>,
        %sub3A_1051 = vector.broadcast %mul3A_999 : f32 to vector<16xf32>
        %sub3A_1052 = arith.subf %add3A_927, %sub3A_1051 : vector<16xf32>
        %mul3A_1053 = vector.broadcast %mul3A_1032 : f32 to vector<16xf32>
        %mul3A_1054 = arith.mulf %sub3A_1052, %mul3A_1053 : vector<16xf32>
        %mul3A_1055 = arith.mulf %mul3A_1054, %get3A_33 : vector<16xf32>
        %add3A_1056 = arith.addf %mul3A_1055, %get3A_49 : vector<16xf32>
        %swap3A_1057 = arith.index_cast %add3A_899 : i32 to index
        %swap3A_1058 = arith.constant 32 : index
        %swap3A_1059 = tpu.vector_load %arg13[%swap3A_1057, %swap3A_1058] {strides = array<i32>} : memref<128x128xf32, #tpu.memory_space<vmem>>, vector<16xf32>,
        tpu.vector_store %arg13[%swap3A_1057, %swap3A_1058], %add3A_1056 {strides = array<i32>} : memref<128x128xf32, #tpu.memory_space<vmem>>, vector<16xf32>,
        %sub3A_1060 = vector.broadcast %mul3A_999 : f32 to vector<16xf32>
        %sub3A_1061 = arith.subf %add3A_935, %sub3A_1060 : vector<16xf32>
        %mul3A_1062 = vector.broadcast %mul3A_1032 : f32 to vector<16xf32>
        %mul3A_1063 = arith.mulf %sub3A_1061, %mul3A_1062 : vector<16xf32>
        %mul3A_1064 = arith.mulf %mul3A_1063, %get3A_35 : vector<16xf32>
        %add3A_1065 = arith.addf %mul3A_1064, %get3A_51 : vector<16xf32>
        %swap3A_1066 = arith.index_cast %add3A_899 : i32 to index
        %swap3A_1067 = arith.constant 48 : index
        %swap3A_1068 = tpu.vector_load %arg13[%swap3A_1066, %swap3A_1067] {strides = array<i32>} : memref<128x128xf32, #tpu.memory_space<vmem>>, vector<16xf32>,
        tpu.vector_store %arg13[%swap3A_1066, %swap3A_1067], %add3A_1065 {strides = array<i32>} : memref<128x128xf32, #tpu.memory_space<vmem>>, vector<16xf32>,
        %sub3A_1069 = vector.broadcast %mul3A_999 : f32 to vector<16xf32>
        %sub3A_1070 = arith.subf %add3A_943, %sub3A_1069 : vector<16xf32>
        %mul3A_1071 = vector.broadcast %mul3A_1032 : f32 to vector<16xf32>
        %mul3A_1072 = arith.mulf %sub3A_1070, %mul3A_1071 : vector<16xf32>
        %mul3A_1073 = arith.mulf %mul3A_1072, %get3A_37 : vector<16xf32>
        %add3A_1074 = arith.addf %mul3A_1073, %get3A_53 : vector<16xf32>
        %swap3A_1075 = arith.index_cast %add3A_899 : i32 to index
        %swap3A_1076 = arith.constant 64 : index
        %swap3A_1077 = tpu.vector_load %arg13[%swap3A_1075, %swap3A_1076] {strides = array<i32>} : memref<128x128xf32, #tpu.memory_space<vmem>>, vector<16xf32>,
        tpu.vector_store %arg13[%swap3A_1075, %swap3A_1076], %add3A_1074 {strides = array<i32>} : memref<128x128xf32, #tpu.memory_space<vmem>>, vector<16xf32>,
        %sub3A_1078 = vector.broadcast %mul3A_999 : f32 to vector<16xf32>
        %sub3A_1079 = arith.subf %add3A_951, %sub3A_1078 : vector<16xf32>
        %mul3A_1080 = vector.broadcast %mul3A_1032 : f32 to vector<16xf32>
        %mul3A_1081 = arith.mulf %sub3A_1079, %mul3A_1080 : vector<16xf32>
        %mul3A_1082 = arith.mulf %mul3A_1081, %get3A_39 : vector<16xf32>
        %add3A_1083 = arith.addf %mul3A_1082, %get3A_55 : vector<16xf32>
        %swap3A_1084 = arith.index_cast %add3A_899 : i32 to index
        %swap3A_1085 = arith.constant 80 : index
        %swap3A_1086 = tpu.vector_load %arg13[%swap3A_1084, %swap3A_1085] {strides = array<i32>} : memref<128x128xf32, #tpu.memory_space<vmem>>, vector<16xf32>,
        tpu.vector_store %arg13[%swap3A_1084, %swap3A_1085], %add3A_1083 {strides = array<i32>} : memref<128x128xf32, #tpu.memory_space<vmem>>, vector<16xf32>,
        %sub3A_1087 = vector.broadcast %mul3A_999 : f32 to vector<16xf32>
        %sub3A_1088 = arith.subf %add3A_959, %sub3A_1087 : vector<16xf32>
        %mul3A_1089 = vector.broadcast %mul3A_1032 : f32 to vector<16xf32>
        %mul3A_1090 = arith.mulf %sub3A_1088, %mul3A_1089 : vector<16xf32>
        %mul3A_1091 = arith.mulf %mul3A_1090, %get3A_41 : vector<16xf32>
        %add3A_1092 = arith.addf %mul3A_1091, %get3A_57 : vector<16xf32>
        %swap3A_1093 = arith.index_cast %add3A_899 : i32 to index
        %swap3A_1094 = arith.constant 96 : index
        %swap3A_1095 = tpu.vector_load %arg13[%swap3A_1093, %swap3A_1094] {strides = array<i32>} : memref<128x128xf32, #tpu.memory_space<vmem>>, vector<16xf32>,
        tpu.vector_store %arg13[%swap3A_1093, %swap3A_1094], %add3A_1092 {strides = array<i32>} : memref<128x128xf32, #tpu.memory_space<vmem>>, vector<16xf32>,
        %sub3A_1096 = vector.broadcast %mul3A_999 : f32 to vector<16xf32>
        %sub3A_1097 = arith.subf %add3A_967, %sub3A_1096 : vector<16xf32>
        %mul3A_1098 = vector.broadcast %mul3A_1032 : f32 to vector<16xf32>
        %mul3A_1099 = arith.mulf %sub3A_1097, %mul3A_1098 : vector<16xf32>
        %mul3A_1100 = arith.mulf %mul3A_1099, %get3A_43 : vector<16xf32>
        %add3A_1101 = arith.addf %mul3A_1100, %get3A_59 : vector<16xf32>
        %swap3A_1102 = arith.index_cast %add3A_899 : i32 to index
        %swap3A_1103 = arith.constant 112 : index
        %swap3A_1104 = tpu.vector_load %arg13[%swap3A_1102, %swap3A_1103] {strides = array<i32>} : memref<128x128xf32, #tpu.memory_space<vmem>>, vector<16xf32>,
        tpu.vector_store %arg13[%swap3A_1102, %swap3A_1103], %add3A_1101 {strides = array<i32>} : memref<128x128xf32, #tpu.memory_space<vmem>>, vector<16xf32>,
        %mul3A_1105 = arith.constant 16 : i32
        %mul3A_1106 = arith.muli %scan3A_28, %mul3A_1105 : i32
        %add3A_1107 = arith.constant 5 : i32
        %add3A_1108 = arith.addi %mul3A_1106, %add3A_1107 : i32
        %slice3A_1109 = vector.extract_strided_slice %get3A_66 {offsets = [5], sizes = [1], strides = [1]} : vector<16xi32> to vector<1xi32>
        %squeeze3A_1110 = vector.extract %slice3A_1109[0] : i32 from vector<1xi32>
        %mul3A_1111 = arith.constant 128 : i32
        %mul3A_1112 = arith.muli %squeeze3A_1110, %mul3A_1111 : i32
        %get3A_1113 = arith.index_cast %add3A_1108 : i32 to index
        %get3A_1114 = arith.constant 0 : index
        %get3A_1115 = tpu.vector_load %arg12[%get3A_1113, %get3A_1114] {strides = array<i32>} : memref<128x128xf32, #tpu.memory_space<vmem>>, vector<16xf32>,
        %add3A_1116 = arith.constant 0 : i32
        %add3A_1117 = arith.addi %mul3A_1112, %add3A_1116 : i32
        %get3A_1118 = arith.index_cast %add3A_1117 : i32 to index
        %get3A_1119 = tpu.vector_load %arg8[%get3A_1118] {strides = array<i32>} : memref<51200xf32, #tpu.memory_space<vmem>>, vector<16xf32>,
        %add3A_1120 = arith.addf %get3A_1115, %get3A_1119 : vector<16xf32>
        %get3A_1121 = arith.index_cast %add3A_1108 : i32 to index
        %get3A_1122 = arith.constant 16 : index
        %get3A_1123 = tpu.vector_load %arg12[%get3A_1121, %get3A_1122] {strides = array<i32>} : memref<128x128xf32, #tpu.memory_space<vmem>>, vector<16xf32>,
        %add3A_1124 = arith.constant 16 : i32
        %add3A_1125 = arith.addi %mul3A_1112, %add3A_1124 : i32
        %get3A_1126 = arith.index_cast %add3A_1125 : i32 to index
        %get3A_1127 = tpu.vector_load %arg8[%get3A_1126] {strides = array<i32>} : memref<51200xf32, #tpu.memory_space<vmem>>, vector<16xf32>,
        %add3A_1128 = arith.addf %get3A_1123, %get3A_1127 : vector<16xf32>
        %get3A_1129 = arith.index_cast %add3A_1108 : i32 to index
        %get3A_1130 = arith.constant 32 : index
        %get3A_1131 = tpu.vector_load %arg12[%get3A_1129, %get3A_1130] {strides = array<i32>} : memref<128x128xf32, #tpu.memory_space<vmem>>, vector<16xf32>,
        %add3A_1132 = arith.constant 32 : i32
        %add3A_1133 = arith.addi %mul3A_1112, %add3A_1132 : i32
        %get3A_1134 = arith.index_cast %add3A_1133 : i32 to index
        %get3A_1135 = tpu.vector_load %arg8[%get3A_1134] {strides = array<i32>} : memref<51200xf32, #tpu.memory_space<vmem>>, vector<16xf32>,
        %add3A_1136 = arith.addf %get3A_1131, %get3A_1135 : vector<16xf32>
        %get3A_1137 = arith.index_cast %add3A_1108 : i32 to index
        %get3A_1138 = arith.constant 48 : index
        %get3A_1139 = tpu.vector_load %arg12[%get3A_1137, %get3A_1138] {strides = array<i32>} : memref<128x128xf32, #tpu.memory_space<vmem>>, vector<16xf32>,
        %add3A_1140 = arith.constant 48 : i32
        %add3A_1141 = arith.addi %mul3A_1112, %add3A_1140 : i32
        %get3A_1142 = arith.index_cast %add3A_1141 : i32 to index
        %get3A_1143 = tpu.vector_load %arg8[%get3A_1142] {strides = array<i32>} : memref<51200xf32, #tpu.memory_space<vmem>>, vector<16xf32>,
        %add3A_1144 = arith.addf %get3A_1139, %get3A_1143 : vector<16xf32>
        %get3A_1145 = arith.index_cast %add3A_1108 : i32 to index
        %get3A_1146 = arith.constant 64 : index
        %get3A_1147 = tpu.vector_load %arg12[%get3A_1145, %get3A_1146] {strides = array<i32>} : memref<128x128xf32, #tpu.memory_space<vmem>>, vector<16xf32>,
        %add3A_1148 = arith.constant 64 : i32
        %add3A_1149 = arith.addi %mul3A_1112, %add3A_1148 : i32
        %get3A_1150 = arith.index_cast %add3A_1149 : i32 to index
        %get3A_1151 = tpu.vector_load %arg8[%get3A_1150] {strides = array<i32>} : memref<51200xf32, #tpu.memory_space<vmem>>, vector<16xf32>,
        %add3A_1152 = arith.addf %get3A_1147, %get3A_1151 : vector<16xf32>
        %get3A_1153 = arith.index_cast %add3A_1108 : i32 to index
        %get3A_1154 = arith.constant 80 : index
        %get3A_1155 = tpu.vector_load %arg12[%get3A_1153, %get3A_1154] {strides = array<i32>} : memref<128x128xf32, #tpu.memory_space<vmem>>, vector<16xf32>,
        %add3A_1156 = arith.constant 80 : i32
        %add3A_1157 = arith.addi %mul3A_1112, %add3A_1156 : i32
        %get3A_1158 = arith.index_cast %add3A_1157 : i32 to index
        %get3A_1159 = tpu.vector_load %arg8[%get3A_1158] {strides = array<i32>} : memref<51200xf32, #tpu.memory_space<vmem>>, vector<16xf32>,
        %add3A_1160 = arith.addf %get3A_1155, %get3A_1159 : vector<16xf32>
        %get3A_1161 = arith.index_cast %add3A_1108 : i32 to index
        %get3A_1162 = arith.constant 96 : index
        %get3A_1163 = tpu.vector_load %arg12[%get3A_1161, %get3A_1162] {strides = array<i32>} : memref<128x128xf32, #tpu.memory_space<vmem>>, vector<16xf32>,
        %add3A_1164 = arith.constant 96 : i32
        %add3A_1165 = arith.addi %mul3A_1112, %add3A_1164 : i32
        %get3A_1166 = arith.index_cast %add3A_1165 : i32 to index
        %get3A_1167 = tpu.vector_load %arg8[%get3A_1166] {strides = array<i32>} : memref<51200xf32, #tpu.memory_space<vmem>>, vector<16xf32>,
        %add3A_1168 = arith.addf %get3A_1163, %get3A_1167 : vector<16xf32>
        %get3A_1169 = arith.index_cast %add3A_1108 : i32 to index
        %get3A_1170 = arith.constant 112 : index
        %get3A_1171 = tpu.vector_load %arg12[%get3A_1169, %get3A_1170] {strides = array<i32>} : memref<128x128xf32, #tpu.memory_space<vmem>>, vector<16xf32>,
        %add3A_1172 = arith.constant 112 : i32
        %add3A_1173 = arith.addi %mul3A_1112, %add3A_1172 : i32
        %get3A_1174 = arith.index_cast %add3A_1173 : i32 to index
        %get3A_1175 = tpu.vector_load %arg8[%get3A_1174] {strides = array<i32>} : memref<51200xf32, #tpu.memory_space<vmem>>, vector<16xf32>,
        %add3A_1176 = arith.addf %get3A_1171, %get3A_1175 : vector<16xf32>
        %add3A_1177 = arith.addf %add3A_1120, %add3A_1128 : vector<16xf32>
        %add3A_1178 = arith.addf %add3A_1177, %add3A_1136 : vector<16xf32>
        %add3A_1179 = arith.addf %add3A_1178, %add3A_1144 : vector<16xf32>
        %add3A_1180 = arith.addf %add3A_1179, %add3A_1152 : vector<16xf32>
        %add3A_1181 = arith.addf %add3A_1180, %add3A_1160 : vector<16xf32>
        %add3A_1182 = arith.addf %add3A_1181, %add3A_1168 : vector<16xf32>
        %add3A_1183 = arith.addf %add3A_1182, %add3A_1176 : vector<16xf32>
        %mul3A_1184 = arith.mulf %add3A_1120, %add3A_1120 : vector<16xf32>
        %mul3A_1185 = arith.mulf %add3A_1128, %add3A_1128 : vector<16xf32>
        %add3A_1186 = arith.addf %mul3A_1184, %mul3A_1185 : vector<16xf32>
        %mul3A_1187 = arith.mulf %add3A_1136, %add3A_1136 : vector<16xf32>
        %add3A_1188 = arith.addf %add3A_1186, %mul3A_1187 : vector<16xf32>
        %mul3A_1189 = arith.mulf %add3A_1144, %add3A_1144 : vector<16xf32>
        %add3A_1190 = arith.addf %add3A_1188, %mul3A_1189 : vector<16xf32>
        %mul3A_1191 = arith.mulf %add3A_1152, %add3A_1152 : vector<16xf32>
        %add3A_1192 = arith.addf %add3A_1190, %mul3A_1191 : vector<16xf32>
        %mul3A_1193 = arith.mulf %add3A_1160, %add3A_1160 : vector<16xf32>
        %add3A_1194 = arith.addf %add3A_1192, %mul3A_1193 : vector<16xf32>
        %mul3A_1195 = arith.mulf %add3A_1168, %add3A_1168 : vector<16xf32>
        %add3A_1196 = arith.addf %add3A_1194, %mul3A_1195 : vector<16xf32>
        %mul3A_1197 = arith.mulf %add3A_1176, %add3A_1176 : vector<16xf32>
        %add3A_1198 = arith.addf %add3A_1196, %mul3A_1197 : vector<16xf32>
        %reduce_sum3A_1199 = arith.constant true
        %reduce_sum3A_1200 = vector.broadcast %reduce_sum3A_1199 : i1 to vector<16xi1>
        %reduce_sum3A_1201 = tpu.scan <sum>, %add3A_1183 masked %reduce_sum3A_1200 : vector<16xf32>, vector<16xi1> -> vector<16xf32>
        %reduce_sum3A_1202 = vector.extract %reduce_sum3A_1201[15] : f32 from vector<16xf32>
        %reduce_sum3A_1203 = arith.constant true
        %reduce_sum3A_1204 = vector.broadcast %reduce_sum3A_1203 : i1 to vector<16xi1>
        %reduce_sum3A_1205 = tpu.scan <sum>, %add3A_1198 masked %reduce_sum3A_1204 : vector<16xf32>, vector<16xi1> -> vector<16xf32>
        %reduce_sum3A_1206 = vector.extract %reduce_sum3A_1205[15] : f32 from vector<16xf32>
        %mul3A_1207 = arith.constant 7.812500e-03 : f32
        %mul3A_1208 = arith.mulf %reduce_sum3A_1202, %mul3A_1207 : f32
        %mul3A_1209 = arith.constant 7.812500e-03 : f32
        %mul3A_1210 = arith.mulf %reduce_sum3A_1206, %mul3A_1209 : f32
        %mul3A_1211 = arith.mulf %mul3A_1208, %mul3A_1208 : f32
        %sub3A_1212 = arith.subf %mul3A_1210, %mul3A_1211 : f32
        %add3A_1213 = arith.constant 9.99999996E-13 : f32
        %add3A_1214 = arith.addf %sub3A_1212, %add3A_1213 : f32
        %bitcast_convert_type3A_1215 = arith.bitcast %add3A_1214 : f32 to i32
        %shift_right_logical3A_1216 = arith.constant 1 : i32
        %shift_right_logical3A_1217 = arith.shrui %bitcast_convert_type3A_1215, %shift_right_logical3A_1216 : i32
        %sub3A_1218 = arith.constant 1597463007 : i32
        %sub3A_1219 = arith.subi %sub3A_1218, %shift_right_logical3A_1217 : i32
        %bitcast_convert_type3A_1220 = arith.bitcast %sub3A_1219 : i32 to f32
        %mul3A_1221 = arith.constant 5.000000e-01 : f32
        %mul3A_1222 = arith.mulf %mul3A_1221, %add3A_1214 : f32
        %mul3A_1223 = arith.mulf %mul3A_1222, %bitcast_convert_type3A_1220 : f32
        %mul3A_1224 = arith.mulf %mul3A_1223, %bitcast_convert_type3A_1220 : f32
        %sub3A_1225 = arith.constant 1.500000e+00 : f32
        %sub3A_1226 = arith.subf %sub3A_1225, %mul3A_1224 : f32
        %mul3A_1227 = arith.mulf %bitcast_convert_type3A_1220, %sub3A_1226 : f32
        %mul3A_1228 = arith.constant 5.000000e-01 : f32
        %mul3A_1229 = arith.mulf %mul3A_1228, %add3A_1214 : f32
        %mul3A_1230 = arith.mulf %mul3A_1229, %mul3A_1227 : f32
        %mul3A_1231 = arith.mulf %mul3A_1230, %mul3A_1227 : f32
        %sub3A_1232 = arith.constant 1.500000e+00 : f32
        %sub3A_1233 = arith.subf %sub3A_1232, %mul3A_1231 : f32
        %mul3A_1234 = arith.mulf %mul3A_1227, %sub3A_1233 : f32
        %mul3A_1235 = arith.constant 5.000000e-01 : f32
        %mul3A_1236 = arith.mulf %mul3A_1235, %add3A_1214 : f32
        %mul3A_1237 = arith.mulf %mul3A_1236, %mul3A_1234 : f32
        %mul3A_1238 = arith.mulf %mul3A_1237, %mul3A_1234 : f32
        %sub3A_1239 = arith.constant 1.500000e+00 : f32
        %sub3A_1240 = arith.subf %sub3A_1239, %mul3A_1238 : f32
        %mul3A_1241 = arith.mulf %mul3A_1234, %sub3A_1240 : f32
        %sub3A_1242 = vector.broadcast %mul3A_1208 : f32 to vector<16xf32>
        %sub3A_1243 = arith.subf %add3A_1120, %sub3A_1242 : vector<16xf32>
        %mul3A_1244 = vector.broadcast %mul3A_1241 : f32 to vector<16xf32>
        %mul3A_1245 = arith.mulf %sub3A_1243, %mul3A_1244 : vector<16xf32>
        %mul3A_1246 = arith.mulf %mul3A_1245, %get3A_29 : vector<16xf32>
        %add3A_1247 = arith.addf %mul3A_1246, %get3A_45 : vector<16xf32>
        %swap3A_1248 = arith.index_cast %add3A_1108 : i32 to index
        %swap3A_1249 = arith.constant 0 : index
        %swap3A_1250 = tpu.vector_load %arg13[%swap3A_1248, %swap3A_1249] {strides = array<i32>} : memref<128x128xf32, #tpu.memory_space<vmem>>, vector<16xf32>,
        tpu.vector_store %arg13[%swap3A_1248, %swap3A_1249], %add3A_1247 {strides = array<i32>} : memref<128x128xf32, #tpu.memory_space<vmem>>, vector<16xf32>,
        %sub3A_1251 = vector.broadcast %mul3A_1208 : f32 to vector<16xf32>
        %sub3A_1252 = arith.subf %add3A_1128, %sub3A_1251 : vector<16xf32>
        %mul3A_1253 = vector.broadcast %mul3A_1241 : f32 to vector<16xf32>
        %mul3A_1254 = arith.mulf %sub3A_1252, %mul3A_1253 : vector<16xf32>
        %mul3A_1255 = arith.mulf %mul3A_1254, %get3A_31 : vector<16xf32>
        %add3A_1256 = arith.addf %mul3A_1255, %get3A_47 : vector<16xf32>
        %swap3A_1257 = arith.index_cast %add3A_1108 : i32 to index
        %swap3A_1258 = arith.constant 16 : index
        %swap3A_1259 = tpu.vector_load %arg13[%swap3A_1257, %swap3A_1258] {strides = array<i32>} : memref<128x128xf32, #tpu.memory_space<vmem>>, vector<16xf32>,
        tpu.vector_store %arg13[%swap3A_1257, %swap3A_1258], %add3A_1256 {strides = array<i32>} : memref<128x128xf32, #tpu.memory_space<vmem>>, vector<16xf32>,
        %sub3A_1260 = vector.broadcast %mul3A_1208 : f32 to vector<16xf32>
        %sub3A_1261 = arith.subf %add3A_1136, %sub3A_1260 : vector<16xf32>
        %mul3A_1262 = vector.broadcast %mul3A_1241 : f32 to vector<16xf32>
        %mul3A_1263 = arith.mulf %sub3A_1261, %mul3A_1262 : vector<16xf32>
        %mul3A_1264 = arith.mulf %mul3A_1263, %get3A_33 : vector<16xf32>
        %add3A_1265 = arith.addf %mul3A_1264, %get3A_49 : vector<16xf32>
        %swap3A_1266 = arith.index_cast %add3A_1108 : i32 to index
        %swap3A_1267 = arith.constant 32 : index
        %swap3A_1268 = tpu.vector_load %arg13[%swap3A_1266, %swap3A_1267] {strides = array<i32>} : memref<128x128xf32, #tpu.memory_space<vmem>>, vector<16xf32>,
        tpu.vector_store %arg13[%swap3A_1266, %swap3A_1267], %add3A_1265 {strides = array<i32>} : memref<128x128xf32, #tpu.memory_space<vmem>>, vector<16xf32>,
        %sub3A_1269 = vector.broadcast %mul3A_1208 : f32 to vector<16xf32>
        %sub3A_1270 = arith.subf %add3A_1144, %sub3A_1269 : vector<16xf32>
        %mul3A_1271 = vector.broadcast %mul3A_1241 : f32 to vector<16xf32>
        %mul3A_1272 = arith.mulf %sub3A_1270, %mul3A_1271 : vector<16xf32>
        %mul3A_1273 = arith.mulf %mul3A_1272, %get3A_35 : vector<16xf32>
        %add3A_1274 = arith.addf %mul3A_1273, %get3A_51 : vector<16xf32>
        %swap3A_1275 = arith.index_cast %add3A_1108 : i32 to index
        %swap3A_1276 = arith.constant 48 : index
        %swap3A_1277 = tpu.vector_load %arg13[%swap3A_1275, %swap3A_1276] {strides = array<i32>} : memref<128x128xf32, #tpu.memory_space<vmem>>, vector<16xf32>,
        tpu.vector_store %arg13[%swap3A_1275, %swap3A_1276], %add3A_1274 {strides = array<i32>} : memref<128x128xf32, #tpu.memory_space<vmem>>, vector<16xf32>,
        %sub3A_1278 = vector.broadcast %mul3A_1208 : f32 to vector<16xf32>
        %sub3A_1279 = arith.subf %add3A_1152, %sub3A_1278 : vector<16xf32>
        %mul3A_1280 = vector.broadcast %mul3A_1241 : f32 to vector<16xf32>
        %mul3A_1281 = arith.mulf %sub3A_1279, %mul3A_1280 : vector<16xf32>
        %mul3A_1282 = arith.mulf %mul3A_1281, %get3A_37 : vector<16xf32>
        %add3A_1283 = arith.addf %mul3A_1282, %get3A_53 : vector<16xf32>
        %swap3A_1284 = arith.index_cast %add3A_1108 : i32 to index
        %swap3A_1285 = arith.constant 64 : index
        %swap3A_1286 = tpu.vector_load %arg13[%swap3A_1284, %swap3A_1285] {strides = array<i32>} : memref<128x128xf32, #tpu.memory_space<vmem>>, vector<16xf32>,
        tpu.vector_store %arg13[%swap3A_1284, %swap3A_1285], %add3A_1283 {strides = array<i32>} : memref<128x128xf32, #tpu.memory_space<vmem>>, vector<16xf32>,
        %sub3A_1287 = vector.broadcast %mul3A_1208 : f32 to vector<16xf32>
        %sub3A_1288 = arith.subf %add3A_1160, %sub3A_1287 : vector<16xf32>
        %mul3A_1289 = vector.broadcast %mul3A_1241 : f32 to vector<16xf32>
        %mul3A_1290 = arith.mulf %sub3A_1288, %mul3A_1289 : vector<16xf32>
        %mul3A_1291 = arith.mulf %mul3A_1290, %get3A_39 : vector<16xf32>
        %add3A_1292 = arith.addf %mul3A_1291, %get3A_55 : vector<16xf32>
        %swap3A_1293 = arith.index_cast %add3A_1108 : i32 to index
        %swap3A_1294 = arith.constant 80 : index
        %swap3A_1295 = tpu.vector_load %arg13[%swap3A_1293, %swap3A_1294] {strides = array<i32>} : memref<128x128xf32, #tpu.memory_space<vmem>>, vector<16xf32>,
        tpu.vector_store %arg13[%swap3A_1293, %swap3A_1294], %add3A_1292 {strides = array<i32>} : memref<128x128xf32, #tpu.memory_space<vmem>>, vector<16xf32>,
        %sub3A_1296 = vector.broadcast %mul3A_1208 : f32 to vector<16xf32>
        %sub3A_1297 = arith.subf %add3A_1168, %sub3A_1296 : vector<16xf32>
        %mul3A_1298 = vector.broadcast %mul3A_1241 : f32 to vector<16xf32>
        %mul3A_1299 = arith.mulf %sub3A_1297, %mul3A_1298 : vector<16xf32>
        %mul3A_1300 = arith.mulf %mul3A_1299, %get3A_41 : vector<16xf32>
        %add3A_1301 = arith.addf %mul3A_1300, %get3A_57 : vector<16xf32>
        %swap3A_1302 = arith.index_cast %add3A_1108 : i32 to index
        %swap3A_1303 = arith.constant 96 : index
        %swap3A_1304 = tpu.vector_load %arg13[%swap3A_1302, %swap3A_1303] {strides = array<i32>} : memref<128x128xf32, #tpu.memory_space<vmem>>, vector<16xf32>,
        tpu.vector_store %arg13[%swap3A_1302, %swap3A_1303], %add3A_1301 {strides = array<i32>} : memref<128x128xf32, #tpu.memory_space<vmem>>, vector<16xf32>,
        %sub3A_1305 = vector.broadcast %mul3A_1208 : f32 to vector<16xf32>
        %sub3A_1306 = arith.subf %add3A_1176, %sub3A_1305 : vector<16xf32>
        %mul3A_1307 = vector.broadcast %mul3A_1241 : f32 to vector<16xf32>
        %mul3A_1308 = arith.mulf %sub3A_1306, %mul3A_1307 : vector<16xf32>
        %mul3A_1309 = arith.mulf %mul3A_1308, %get3A_43 : vector<16xf32>
        %add3A_1310 = arith.addf %mul3A_1309, %get3A_59 : vector<16xf32>
        %swap3A_1311 = arith.index_cast %add3A_1108 : i32 to index
        %swap3A_1312 = arith.constant 112 : index
        %swap3A_1313 = tpu.vector_load %arg13[%swap3A_1311, %swap3A_1312] {strides = array<i32>} : memref<128x128xf32, #tpu.memory_space<vmem>>, vector<16xf32>,
        tpu.vector_store %arg13[%swap3A_1311, %swap3A_1312], %add3A_1310 {strides = array<i32>} : memref<128x128xf32, #tpu.memory_space<vmem>>, vector<16xf32>,
        %mul3A_1314 = arith.constant 16 : i32
        %mul3A_1315 = arith.muli %scan3A_28, %mul3A_1314 : i32
        %add3A_1316 = arith.constant 6 : i32
        %add3A_1317 = arith.addi %mul3A_1315, %add3A_1316 : i32
        %slice3A_1318 = vector.extract_strided_slice %get3A_66 {offsets = [6], sizes = [1], strides = [1]} : vector<16xi32> to vector<1xi32>
        %squeeze3A_1319 = vector.extract %slice3A_1318[0] : i32 from vector<1xi32>
        %mul3A_1320 = arith.constant 128 : i32
        %mul3A_1321 = arith.muli %squeeze3A_1319, %mul3A_1320 : i32
        %get3A_1322 = arith.index_cast %add3A_1317 : i32 to index
        %get3A_1323 = arith.constant 0 : index
        %get3A_1324 = tpu.vector_load %arg12[%get3A_1322, %get3A_1323] {strides = array<i32>} : memref<128x128xf32, #tpu.memory_space<vmem>>, vector<16xf32>,
        %add3A_1325 = arith.constant 0 : i32
        %add3A_1326 = arith.addi %mul3A_1321, %add3A_1325 : i32
        %get3A_1327 = arith.index_cast %add3A_1326 : i32 to index
        %get3A_1328 = tpu.vector_load %arg8[%get3A_1327] {strides = array<i32>} : memref<51200xf32, #tpu.memory_space<vmem>>, vector<16xf32>,
        %add3A_1329 = arith.addf %get3A_1324, %get3A_1328 : vector<16xf32>
        %get3A_1330 = arith.index_cast %add3A_1317 : i32 to index
        %get3A_1331 = arith.constant 16 : index
        %get3A_1332 = tpu.vector_load %arg12[%get3A_1330, %get3A_1331] {strides = array<i32>} : memref<128x128xf32, #tpu.memory_space<vmem>>, vector<16xf32>,
        %add3A_1333 = arith.constant 16 : i32
        %add3A_1334 = arith.addi %mul3A_1321, %add3A_1333 : i32
        %get3A_1335 = arith.index_cast %add3A_1334 : i32 to index
        %get3A_1336 = tpu.vector_load %arg8[%get3A_1335] {strides = array<i32>} : memref<51200xf32, #tpu.memory_space<vmem>>, vector<16xf32>,
        %add3A_1337 = arith.addf %get3A_1332, %get3A_1336 : vector<16xf32>
        %get3A_1338 = arith.index_cast %add3A_1317 : i32 to index
        %get3A_1339 = arith.constant 32 : index
        %get3A_1340 = tpu.vector_load %arg12[%get3A_1338, %get3A_1339] {strides = array<i32>} : memref<128x128xf32, #tpu.memory_space<vmem>>, vector<16xf32>,
        %add3A_1341 = arith.constant 32 : i32
        %add3A_1342 = arith.addi %mul3A_1321, %add3A_1341 : i32
        %get3A_1343 = arith.index_cast %add3A_1342 : i32 to index
        %get3A_1344 = tpu.vector_load %arg8[%get3A_1343] {strides = array<i32>} : memref<51200xf32, #tpu.memory_space<vmem>>, vector<16xf32>,
        %add3A_1345 = arith.addf %get3A_1340, %get3A_1344 : vector<16xf32>
        %get3A_1346 = arith.index_cast %add3A_1317 : i32 to index
        %get3A_1347 = arith.constant 48 : index
        %get3A_1348 = tpu.vector_load %arg12[%get3A_1346, %get3A_1347] {strides = array<i32>} : memref<128x128xf32, #tpu.memory_space<vmem>>, vector<16xf32>,
        %add3A_1349 = arith.constant 48 : i32
        %add3A_1350 = arith.addi %mul3A_1321, %add3A_1349 : i32
        %get3A_1351 = arith.index_cast %add3A_1350 : i32 to index
        %get3A_1352 = tpu.vector_load %arg8[%get3A_1351] {strides = array<i32>} : memref<51200xf32, #tpu.memory_space<vmem>>, vector<16xf32>,
        %add3A_1353 = arith.addf %get3A_1348, %get3A_1352 : vector<16xf32>
        %get3A_1354 = arith.index_cast %add3A_1317 : i32 to index
        %get3A_1355 = arith.constant 64 : index
        %get3A_1356 = tpu.vector_load %arg12[%get3A_1354, %get3A_1355] {strides = array<i32>} : memref<128x128xf32, #tpu.memory_space<vmem>>, vector<16xf32>,
        %add3A_1357 = arith.constant 64 : i32
        %add3A_1358 = arith.addi %mul3A_1321, %add3A_1357 : i32
        %get3A_1359 = arith.index_cast %add3A_1358 : i32 to index
        %get3A_1360 = tpu.vector_load %arg8[%get3A_1359] {strides = array<i32>} : memref<51200xf32, #tpu.memory_space<vmem>>, vector<16xf32>,
        %add3A_1361 = arith.addf %get3A_1356, %get3A_1360 : vector<16xf32>
        %get3A_1362 = arith.index_cast %add3A_1317 : i32 to index
        %get3A_1363 = arith.constant 80 : index
        %get3A_1364 = tpu.vector_load %arg12[%get3A_1362, %get3A_1363] {strides = array<i32>} : memref<128x128xf32, #tpu.memory_space<vmem>>, vector<16xf32>,
        %add3A_1365 = arith.constant 80 : i32
        %add3A_1366 = arith.addi %mul3A_1321, %add3A_1365 : i32
        %get3A_1367 = arith.index_cast %add3A_1366 : i32 to index
        %get3A_1368 = tpu.vector_load %arg8[%get3A_1367] {strides = array<i32>} : memref<51200xf32, #tpu.memory_space<vmem>>, vector<16xf32>,
        %add3A_1369 = arith.addf %get3A_1364, %get3A_1368 : vector<16xf32>
        %get3A_1370 = arith.index_cast %add3A_1317 : i32 to index
        %get3A_1371 = arith.constant 96 : index
        %get3A_1372 = tpu.vector_load %arg12[%get3A_1370, %get3A_1371] {strides = array<i32>} : memref<128x128xf32, #tpu.memory_space<vmem>>, vector<16xf32>,
        %add3A_1373 = arith.constant 96 : i32
        %add3A_1374 = arith.addi %mul3A_1321, %add3A_1373 : i32
        %get3A_1375 = arith.index_cast %add3A_1374 : i32 to index
        %get3A_1376 = tpu.vector_load %arg8[%get3A_1375] {strides = array<i32>} : memref<51200xf32, #tpu.memory_space<vmem>>, vector<16xf32>,
        %add3A_1377 = arith.addf %get3A_1372, %get3A_1376 : vector<16xf32>
        %get3A_1378 = arith.index_cast %add3A_1317 : i32 to index
        %get3A_1379 = arith.constant 112 : index
        %get3A_1380 = tpu.vector_load %arg12[%get3A_1378, %get3A_1379] {strides = array<i32>} : memref<128x128xf32, #tpu.memory_space<vmem>>, vector<16xf32>,
        %add3A_1381 = arith.constant 112 : i32
        %add3A_1382 = arith.addi %mul3A_1321, %add3A_1381 : i32
        %get3A_1383 = arith.index_cast %add3A_1382 : i32 to index
        %get3A_1384 = tpu.vector_load %arg8[%get3A_1383] {strides = array<i32>} : memref<51200xf32, #tpu.memory_space<vmem>>, vector<16xf32>,
        %add3A_1385 = arith.addf %get3A_1380, %get3A_1384 : vector<16xf32>
        %add3A_1386 = arith.addf %add3A_1329, %add3A_1337 : vector<16xf32>
        %add3A_1387 = arith.addf %add3A_1386, %add3A_1345 : vector<16xf32>
        %add3A_1388 = arith.addf %add3A_1387, %add3A_1353 : vector<16xf32>
        %add3A_1389 = arith.addf %add3A_1388, %add3A_1361 : vector<16xf32>
        %add3A_1390 = arith.addf %add3A_1389, %add3A_1369 : vector<16xf32>
        %add3A_1391 = arith.addf %add3A_1390, %add3A_1377 : vector<16xf32>
        %add3A_1392 = arith.addf %add3A_1391, %add3A_1385 : vector<16xf32>
        %mul3A_1393 = arith.mulf %add3A_1329, %add3A_1329 : vector<16xf32>
        %mul3A_1394 = arith.mulf %add3A_1337, %add3A_1337 : vector<16xf32>
        %add3A_1395 = arith.addf %mul3A_1393, %mul3A_1394 : vector<16xf32>
        %mul3A_1396 = arith.mulf %add3A_1345, %add3A_1345 : vector<16xf32>
        %add3A_1397 = arith.addf %add3A_1395, %mul3A_1396 : vector<16xf32>
        %mul3A_1398 = arith.mulf %add3A_1353, %add3A_1353 : vector<16xf32>
        %add3A_1399 = arith.addf %add3A_1397, %mul3A_1398 : vector<16xf32>
        %mul3A_1400 = arith.mulf %add3A_1361, %add3A_1361 : vector<16xf32>
        %add3A_1401 = arith.addf %add3A_1399, %mul3A_1400 : vector<16xf32>
        %mul3A_1402 = arith.mulf %add3A_1369, %add3A_1369 : vector<16xf32>
        %add3A_1403 = arith.addf %add3A_1401, %mul3A_1402 : vector<16xf32>
        %mul3A_1404 = arith.mulf %add3A_1377, %add3A_1377 : vector<16xf32>
        %add3A_1405 = arith.addf %add3A_1403, %mul3A_1404 : vector<16xf32>
        %mul3A_1406 = arith.mulf %add3A_1385, %add3A_1385 : vector<16xf32>
        %add3A_1407 = arith.addf %add3A_1405, %mul3A_1406 : vector<16xf32>
        %reduce_sum3A_1408 = arith.constant true
        %reduce_sum3A_1409 = vector.broadcast %reduce_sum3A_1408 : i1 to vector<16xi1>
        %reduce_sum3A_1410 = tpu.scan <sum>, %add3A_1392 masked %reduce_sum3A_1409 : vector<16xf32>, vector<16xi1> -> vector<16xf32>
        %reduce_sum3A_1411 = vector.extract %reduce_sum3A_1410[15] : f32 from vector<16xf32>
        %reduce_sum3A_1412 = arith.constant true
        %reduce_sum3A_1413 = vector.broadcast %reduce_sum3A_1412 : i1 to vector<16xi1>
        %reduce_sum3A_1414 = tpu.scan <sum>, %add3A_1407 masked %reduce_sum3A_1413 : vector<16xf32>, vector<16xi1> -> vector<16xf32>
        %reduce_sum3A_1415 = vector.extract %reduce_sum3A_1414[15] : f32 from vector<16xf32>
        %mul3A_1416 = arith.constant 7.812500e-03 : f32
        %mul3A_1417 = arith.mulf %reduce_sum3A_1411, %mul3A_1416 : f32
        %mul3A_1418 = arith.constant 7.812500e-03 : f32
        %mul3A_1419 = arith.mulf %reduce_sum3A_1415, %mul3A_1418 : f32
        %mul3A_1420 = arith.mulf %mul3A_1417, %mul3A_1417 : f32
        %sub3A_1421 = arith.subf %mul3A_1419, %mul3A_1420 : f32
        %add3A_1422 = arith.constant 9.99999996E-13 : f32
        %add3A_1423 = arith.addf %sub3A_1421, %add3A_1422 : f32
        %bitcast_convert_type3A_1424 = arith.bitcast %add3A_1423 : f32 to i32
        %shift_right_logical3A_1425 = arith.constant 1 : i32
        %shift_right_logical3A_1426 = arith.shrui %bitcast_convert_type3A_1424, %shift_right_logical3A_1425 : i32
        %sub3A_1427 = arith.constant 1597463007 : i32
        %sub3A_1428 = arith.subi %sub3A_1427, %shift_right_logical3A_1426 : i32
        %bitcast_convert_type3A_1429 = arith.bitcast %sub3A_1428 : i32 to f32
        %mul3A_1430 = arith.constant 5.000000e-01 : f32
        %mul3A_1431 = arith.mulf %mul3A_1430, %add3A_1423 : f32
        %mul3A_1432 = arith.mulf %mul3A_1431, %bitcast_convert_type3A_1429 : f32
        %mul3A_1433 = arith.mulf %mul3A_1432, %bitcast_convert_type3A_1429 : f32
        %sub3A_1434 = arith.constant 1.500000e+00 : f32
        %sub3A_1435 = arith.subf %sub3A_1434, %mul3A_1433 : f32
        %mul3A_1436 = arith.mulf %bitcast_convert_type3A_1429, %sub3A_1435 : f32
        %mul3A_1437 = arith.constant 5.000000e-01 : f32
        %mul3A_1438 = arith.mulf %mul3A_1437, %add3A_1423 : f32
        %mul3A_1439 = arith.mulf %mul3A_1438, %mul3A_1436 : f32
        %mul3A_1440 = arith.mulf %mul3A_1439, %mul3A_1436 : f32
        %sub3A_1441 = arith.constant 1.500000e+00 : f32
        %sub3A_1442 = arith.subf %sub3A_1441, %mul3A_1440 : f32
        %mul3A_1443 = arith.mulf %mul3A_1436, %sub3A_1442 : f32
        %mul3A_1444 = arith.constant 5.000000e-01 : f32
        %mul3A_1445 = arith.mulf %mul3A_1444, %add3A_1423 : f32
        %mul3A_1446 = arith.mulf %mul3A_1445, %mul3A_1443 : f32
        %mul3A_1447 = arith.mulf %mul3A_1446, %mul3A_1443 : f32
        %sub3A_1448 = arith.constant 1.500000e+00 : f32
        %sub3A_1449 = arith.subf %sub3A_1448, %mul3A_1447 : f32
        %mul3A_1450 = arith.mulf %mul3A_1443, %sub3A_1449 : f32
        %sub3A_1451 = vector.broadcast %mul3A_1417 : f32 to vector<16xf32>
        %sub3A_1452 = arith.subf %add3A_1329, %sub3A_1451 : vector<16xf32>
        %mul3A_1453 = vector.broadcast %mul3A_1450 : f32 to vector<16xf32>
        %mul3A_1454 = arith.mulf %sub3A_1452, %mul3A_1453 : vector<16xf32>
        %mul3A_1455 = arith.mulf %mul3A_1454, %get3A_29 : vector<16xf32>
        %add3A_1456 = arith.addf %mul3A_1455, %get3A_45 : vector<16xf32>
        %swap3A_1457 = arith.index_cast %add3A_1317 : i32 to index
        %swap3A_1458 = arith.constant 0 : index
        %swap3A_1459 = tpu.vector_load %arg13[%swap3A_1457, %swap3A_1458] {strides = array<i32>} : memref<128x128xf32, #tpu.memory_space<vmem>>, vector<16xf32>,
        tpu.vector_store %arg13[%swap3A_1457, %swap3A_1458], %add3A_1456 {strides = array<i32>} : memref<128x128xf32, #tpu.memory_space<vmem>>, vector<16xf32>,
        %sub3A_1460 = vector.broadcast %mul3A_1417 : f32 to vector<16xf32>
        %sub3A_1461 = arith.subf %add3A_1337, %sub3A_1460 : vector<16xf32>
        %mul3A_1462 = vector.broadcast %mul3A_1450 : f32 to vector<16xf32>
        %mul3A_1463 = arith.mulf %sub3A_1461, %mul3A_1462 : vector<16xf32>
        %mul3A_1464 = arith.mulf %mul3A_1463, %get3A_31 : vector<16xf32>
        %add3A_1465 = arith.addf %mul3A_1464, %get3A_47 : vector<16xf32>
        %swap3A_1466 = arith.index_cast %add3A_1317 : i32 to index
        %swap3A_1467 = arith.constant 16 : index
        %swap3A_1468 = tpu.vector_load %arg13[%swap3A_1466, %swap3A_1467] {strides = array<i32>} : memref<128x128xf32, #tpu.memory_space<vmem>>, vector<16xf32>,
        tpu.vector_store %arg13[%swap3A_1466, %swap3A_1467], %add3A_1465 {strides = array<i32>} : memref<128x128xf32, #tpu.memory_space<vmem>>, vector<16xf32>,
        %sub3A_1469 = vector.broadcast %mul3A_1417 : f32 to vector<16xf32>
        %sub3A_1470 = arith.subf %add3A_1345, %sub3A_1469 : vector<16xf32>
        %mul3A_1471 = vector.broadcast %mul3A_1450 : f32 to vector<16xf32>
        %mul3A_1472 = arith.mulf %sub3A_1470, %mul3A_1471 : vector<16xf32>
        %mul3A_1473 = arith.mulf %mul3A_1472, %get3A_33 : vector<16xf32>
        %add3A_1474 = arith.addf %mul3A_1473, %get3A_49 : vector<16xf32>
        %swap3A_1475 = arith.index_cast %add3A_1317 : i32 to index
        %swap3A_1476 = arith.constant 32 : index
        %swap3A_1477 = tpu.vector_load %arg13[%swap3A_1475, %swap3A_1476] {strides = array<i32>} : memref<128x128xf32, #tpu.memory_space<vmem>>, vector<16xf32>,
        tpu.vector_store %arg13[%swap3A_1475, %swap3A_1476], %add3A_1474 {strides = array<i32>} : memref<128x128xf32, #tpu.memory_space<vmem>>, vector<16xf32>,
        %sub3A_1478 = vector.broadcast %mul3A_1417 : f32 to vector<16xf32>
        %sub3A_1479 = arith.subf %add3A_1353, %sub3A_1478 : vector<16xf32>
        %mul3A_1480 = vector.broadcast %mul3A_1450 : f32 to vector<16xf32>
        %mul3A_1481 = arith.mulf %sub3A_1479, %mul3A_1480 : vector<16xf32>
        %mul3A_1482 = arith.mulf %mul3A_1481, %get3A_35 : vector<16xf32>
        %add3A_1483 = arith.addf %mul3A_1482, %get3A_51 : vector<16xf32>
        %swap3A_1484 = arith.index_cast %add3A_1317 : i32 to index
        %swap3A_1485 = arith.constant 48 : index
        %swap3A_1486 = tpu.vector_load %arg13[%swap3A_1484, %swap3A_1485] {strides = array<i32>} : memref<128x128xf32, #tpu.memory_space<vmem>>, vector<16xf32>,
        tpu.vector_store %arg13[%swap3A_1484, %swap3A_1485], %add3A_1483 {strides = array<i32>} : memref<128x128xf32, #tpu.memory_space<vmem>>, vector<16xf32>,
        %sub3A_1487 = vector.broadcast %mul3A_1417 : f32 to vector<16xf32>
        %sub3A_1488 = arith.subf %add3A_1361, %sub3A_1487 : vector<16xf32>
        %mul3A_1489 = vector.broadcast %mul3A_1450 : f32 to vector<16xf32>
        %mul3A_1490 = arith.mulf %sub3A_1488, %mul3A_1489 : vector<16xf32>
        %mul3A_1491 = arith.mulf %mul3A_1490, %get3A_37 : vector<16xf32>
        %add3A_1492 = arith.addf %mul3A_1491, %get3A_53 : vector<16xf32>
        %swap3A_1493 = arith.index_cast %add3A_1317 : i32 to index
        %swap3A_1494 = arith.constant 64 : index
        %swap3A_1495 = tpu.vector_load %arg13[%swap3A_1493, %swap3A_1494] {strides = array<i32>} : memref<128x128xf32, #tpu.memory_space<vmem>>, vector<16xf32>,
        tpu.vector_store %arg13[%swap3A_1493, %swap3A_1494], %add3A_1492 {strides = array<i32>} : memref<128x128xf32, #tpu.memory_space<vmem>>, vector<16xf32>,
        %sub3A_1496 = vector.broadcast %mul3A_1417 : f32 to vector<16xf32>
        %sub3A_1497 = arith.subf %add3A_1369, %sub3A_1496 : vector<16xf32>
        %mul3A_1498 = vector.broadcast %mul3A_1450 : f32 to vector<16xf32>
        %mul3A_1499 = arith.mulf %sub3A_1497, %mul3A_1498 : vector<16xf32>
        %mul3A_1500 = arith.mulf %mul3A_1499, %get3A_39 : vector<16xf32>
        %add3A_1501 = arith.addf %mul3A_1500, %get3A_55 : vector<16xf32>
        %swap3A_1502 = arith.index_cast %add3A_1317 : i32 to index
        %swap3A_1503 = arith.constant 80 : index
        %swap3A_1504 = tpu.vector_load %arg13[%swap3A_1502, %swap3A_1503] {strides = array<i32>} : memref<128x128xf32, #tpu.memory_space<vmem>>, vector<16xf32>,
        tpu.vector_store %arg13[%swap3A_1502, %swap3A_1503], %add3A_1501 {strides = array<i32>} : memref<128x128xf32, #tpu.memory_space<vmem>>, vector<16xf32>,
        %sub3A_1505 = vector.broadcast %mul3A_1417 : f32 to vector<16xf32>
        %sub3A_1506 = arith.subf %add3A_1377, %sub3A_1505 : vector<16xf32>
        %mul3A_1507 = vector.broadcast %mul3A_1450 : f32 to vector<16xf32>
        %mul3A_1508 = arith.mulf %sub3A_1506, %mul3A_1507 : vector<16xf32>
        %mul3A_1509 = arith.mulf %mul3A_1508, %get3A_41 : vector<16xf32>
        %add3A_1510 = arith.addf %mul3A_1509, %get3A_57 : vector<16xf32>
        %swap3A_1511 = arith.index_cast %add3A_1317 : i32 to index
        %swap3A_1512 = arith.constant 96 : index
        %swap3A_1513 = tpu.vector_load %arg13[%swap3A_1511, %swap3A_1512] {strides = array<i32>} : memref<128x128xf32, #tpu.memory_space<vmem>>, vector<16xf32>,
        tpu.vector_store %arg13[%swap3A_1511, %swap3A_1512], %add3A_1510 {strides = array<i32>} : memref<128x128xf32, #tpu.memory_space<vmem>>, vector<16xf32>,
        %sub3A_1514 = vector.broadcast %mul3A_1417 : f32 to vector<16xf32>
        %sub3A_1515 = arith.subf %add3A_1385, %sub3A_1514 : vector<16xf32>
        %mul3A_1516 = vector.broadcast %mul3A_1450 : f32 to vector<16xf32>
        %mul3A_1517 = arith.mulf %sub3A_1515, %mul3A_1516 : vector<16xf32>
        %mul3A_1518 = arith.mulf %mul3A_1517, %get3A_43 : vector<16xf32>
        %add3A_1519 = arith.addf %mul3A_1518, %get3A_59 : vector<16xf32>
        %swap3A_1520 = arith.index_cast %add3A_1317 : i32 to index
        %swap3A_1521 = arith.constant 112 : index
        %swap3A_1522 = tpu.vector_load %arg13[%swap3A_1520, %swap3A_1521] {strides = array<i32>} : memref<128x128xf32, #tpu.memory_space<vmem>>, vector<16xf32>,
        tpu.vector_store %arg13[%swap3A_1520, %swap3A_1521], %add3A_1519 {strides = array<i32>} : memref<128x128xf32, #tpu.memory_space<vmem>>, vector<16xf32>,
        %mul3A_1523 = arith.constant 16 : i32
        %mul3A_1524 = arith.muli %scan3A_28, %mul3A_1523 : i32
        %add3A_1525 = arith.constant 7 : i32
        %add3A_1526 = arith.addi %mul3A_1524, %add3A_1525 : i32
        %slice3A_1527 = vector.extract_strided_slice %get3A_66 {offsets = [7], sizes = [1], strides = [1]} : vector<16xi32> to vector<1xi32>
        %squeeze3A_1528 = vector.extract %slice3A_1527[0] : i32 from vector<1xi32>
        %mul3A_1529 = arith.constant 128 : i32
        %mul3A_1530 = arith.muli %squeeze3A_1528, %mul3A_1529 : i32
        %get3A_1531 = arith.index_cast %add3A_1526 : i32 to index
        %get3A_1532 = arith.constant 0 : index
        %get3A_1533 = tpu.vector_load %arg12[%get3A_1531, %get3A_1532] {strides = array<i32>} : memref<128x128xf32, #tpu.memory_space<vmem>>, vector<16xf32>,
        %add3A_1534 = arith.constant 0 : i32
        %add3A_1535 = arith.addi %mul3A_1530, %add3A_1534 : i32
        %get3A_1536 = arith.index_cast %add3A_1535 : i32 to index
        %get3A_1537 = tpu.vector_load %arg8[%get3A_1536] {strides = array<i32>} : memref<51200xf32, #tpu.memory_space<vmem>>, vector<16xf32>,
        %add3A_1538 = arith.addf %get3A_1533, %get3A_1537 : vector<16xf32>
        %get3A_1539 = arith.index_cast %add3A_1526 : i32 to index
        %get3A_1540 = arith.constant 16 : index
        %get3A_1541 = tpu.vector_load %arg12[%get3A_1539, %get3A_1540] {strides = array<i32>} : memref<128x128xf32, #tpu.memory_space<vmem>>, vector<16xf32>,
        %add3A_1542 = arith.constant 16 : i32
        %add3A_1543 = arith.addi %mul3A_1530, %add3A_1542 : i32
        %get3A_1544 = arith.index_cast %add3A_1543 : i32 to index
        %get3A_1545 = tpu.vector_load %arg8[%get3A_1544] {strides = array<i32>} : memref<51200xf32, #tpu.memory_space<vmem>>, vector<16xf32>,
        %add3A_1546 = arith.addf %get3A_1541, %get3A_1545 : vector<16xf32>
        %get3A_1547 = arith.index_cast %add3A_1526 : i32 to index
        %get3A_1548 = arith.constant 32 : index
        %get3A_1549 = tpu.vector_load %arg12[%get3A_1547, %get3A_1548] {strides = array<i32>} : memref<128x128xf32, #tpu.memory_space<vmem>>, vector<16xf32>,
        %add3A_1550 = arith.constant 32 : i32
        %add3A_1551 = arith.addi %mul3A_1530, %add3A_1550 : i32
        %get3A_1552 = arith.index_cast %add3A_1551 : i32 to index
        %get3A_1553 = tpu.vector_load %arg8[%get3A_1552] {strides = array<i32>} : memref<51200xf32, #tpu.memory_space<vmem>>, vector<16xf32>,
        %add3A_1554 = arith.addf %get3A_1549, %get3A_1553 : vector<16xf32>
        %get3A_1555 = arith.index_cast %add3A_1526 : i32 to index
        %get3A_1556 = arith.constant 48 : index
        %get3A_1557 = tpu.vector_load %arg12[%get3A_1555, %get3A_1556] {strides = array<i32>} : memref<128x128xf32, #tpu.memory_space<vmem>>, vector<16xf32>,
        %add3A_1558 = arith.constant 48 : i32
        %add3A_1559 = arith.addi %mul3A_1530, %add3A_1558 : i32
        %get3A_1560 = arith.index_cast %add3A_1559 : i32 to index
        %get3A_1561 = tpu.vector_load %arg8[%get3A_1560] {strides = array<i32>} : memref<51200xf32, #tpu.memory_space<vmem>>, vector<16xf32>,
        %add3A_1562 = arith.addf %get3A_1557, %get3A_1561 : vector<16xf32>
        %get3A_1563 = arith.index_cast %add3A_1526 : i32 to index
        %get3A_1564 = arith.constant 64 : index
        %get3A_1565 = tpu.vector_load %arg12[%get3A_1563, %get3A_1564] {strides = array<i32>} : memref<128x128xf32, #tpu.memory_space<vmem>>, vector<16xf32>,
        %add3A_1566 = arith.constant 64 : i32
        %add3A_1567 = arith.addi %mul3A_1530, %add3A_1566 : i32
        %get3A_1568 = arith.index_cast %add3A_1567 : i32 to index
        %get3A_1569 = tpu.vector_load %arg8[%get3A_1568] {strides = array<i32>} : memref<51200xf32, #tpu.memory_space<vmem>>, vector<16xf32>,
        %add3A_1570 = arith.addf %get3A_1565, %get3A_1569 : vector<16xf32>
        %get3A_1571 = arith.index_cast %add3A_1526 : i32 to index
        %get3A_1572 = arith.constant 80 : index
        %get3A_1573 = tpu.vector_load %arg12[%get3A_1571, %get3A_1572] {strides = array<i32>} : memref<128x128xf32, #tpu.memory_space<vmem>>, vector<16xf32>,
        %add3A_1574 = arith.constant 80 : i32
        %add3A_1575 = arith.addi %mul3A_1530, %add3A_1574 : i32
        %get3A_1576 = arith.index_cast %add3A_1575 : i32 to index
        %get3A_1577 = tpu.vector_load %arg8[%get3A_1576] {strides = array<i32>} : memref<51200xf32, #tpu.memory_space<vmem>>, vector<16xf32>,
        %add3A_1578 = arith.addf %get3A_1573, %get3A_1577 : vector<16xf32>
        %get3A_1579 = arith.index_cast %add3A_1526 : i32 to index
        %get3A_1580 = arith.constant 96 : index
        %get3A_1581 = tpu.vector_load %arg12[%get3A_1579, %get3A_1580] {strides = array<i32>} : memref<128x128xf32, #tpu.memory_space<vmem>>, vector<16xf32>,
        %add3A_1582 = arith.constant 96 : i32
        %add3A_1583 = arith.addi %mul3A_1530, %add3A_1582 : i32
        %get3A_1584 = arith.index_cast %add3A_1583 : i32 to index
        %get3A_1585 = tpu.vector_load %arg8[%get3A_1584] {strides = array<i32>} : memref<51200xf32, #tpu.memory_space<vmem>>, vector<16xf32>,
        %add3A_1586 = arith.addf %get3A_1581, %get3A_1585 : vector<16xf32>
        %get3A_1587 = arith.index_cast %add3A_1526 : i32 to index
        %get3A_1588 = arith.constant 112 : index
        %get3A_1589 = tpu.vector_load %arg12[%get3A_1587, %get3A_1588] {strides = array<i32>} : memref<128x128xf32, #tpu.memory_space<vmem>>, vector<16xf32>,
        %add3A_1590 = arith.constant 112 : i32
        %add3A_1591 = arith.addi %mul3A_1530, %add3A_1590 : i32
        %get3A_1592 = arith.index_cast %add3A_1591 : i32 to index
        %get3A_1593 = tpu.vector_load %arg8[%get3A_1592] {strides = array<i32>} : memref<51200xf32, #tpu.memory_space<vmem>>, vector<16xf32>,
        %add3A_1594 = arith.addf %get3A_1589, %get3A_1593 : vector<16xf32>
        %add3A_1595 = arith.addf %add3A_1538, %add3A_1546 : vector<16xf32>
        %add3A_1596 = arith.addf %add3A_1595, %add3A_1554 : vector<16xf32>
        %add3A_1597 = arith.addf %add3A_1596, %add3A_1562 : vector<16xf32>
        %add3A_1598 = arith.addf %add3A_1597, %add3A_1570 : vector<16xf32>
        %add3A_1599 = arith.addf %add3A_1598, %add3A_1578 : vector<16xf32>
        %add3A_1600 = arith.addf %add3A_1599, %add3A_1586 : vector<16xf32>
        %add3A_1601 = arith.addf %add3A_1600, %add3A_1594 : vector<16xf32>
        %mul3A_1602 = arith.mulf %add3A_1538, %add3A_1538 : vector<16xf32>
        %mul3A_1603 = arith.mulf %add3A_1546, %add3A_1546 : vector<16xf32>
        %add3A_1604 = arith.addf %mul3A_1602, %mul3A_1603 : vector<16xf32>
        %mul3A_1605 = arith.mulf %add3A_1554, %add3A_1554 : vector<16xf32>
        %add3A_1606 = arith.addf %add3A_1604, %mul3A_1605 : vector<16xf32>
        %mul3A_1607 = arith.mulf %add3A_1562, %add3A_1562 : vector<16xf32>
        %add3A_1608 = arith.addf %add3A_1606, %mul3A_1607 : vector<16xf32>
        %mul3A_1609 = arith.mulf %add3A_1570, %add3A_1570 : vector<16xf32>
        %add3A_1610 = arith.addf %add3A_1608, %mul3A_1609 : vector<16xf32>
        %mul3A_1611 = arith.mulf %add3A_1578, %add3A_1578 : vector<16xf32>
        %add3A_1612 = arith.addf %add3A_1610, %mul3A_1611 : vector<16xf32>
        %mul3A_1613 = arith.mulf %add3A_1586, %add3A_1586 : vector<16xf32>
        %add3A_1614 = arith.addf %add3A_1612, %mul3A_1613 : vector<16xf32>
        %mul3A_1615 = arith.mulf %add3A_1594, %add3A_1594 : vector<16xf32>
        %add3A_1616 = arith.addf %add3A_1614, %mul3A_1615 : vector<16xf32>
        %reduce_sum3A_1617 = arith.constant true
        %reduce_sum3A_1618 = vector.broadcast %reduce_sum3A_1617 : i1 to vector<16xi1>
        %reduce_sum3A_1619 = tpu.scan <sum>, %add3A_1601 masked %reduce_sum3A_1618 : vector<16xf32>, vector<16xi1> -> vector<16xf32>
        %reduce_sum3A_1620 = vector.extract %reduce_sum3A_1619[15] : f32 from vector<16xf32>
        %reduce_sum3A_1621 = arith.constant true
        %reduce_sum3A_1622 = vector.broadcast %reduce_sum3A_1621 : i1 to vector<16xi1>
        %reduce_sum3A_1623 = tpu.scan <sum>, %add3A_1616 masked %reduce_sum3A_1622 : vector<16xf32>, vector<16xi1> -> vector<16xf32>
        %reduce_sum3A_1624 = vector.extract %reduce_sum3A_1623[15] : f32 from vector<16xf32>
        %mul3A_1625 = arith.constant 7.812500e-03 : f32
        %mul3A_1626 = arith.mulf %reduce_sum3A_1620, %mul3A_1625 : f32
        %mul3A_1627 = arith.constant 7.812500e-03 : f32
        %mul3A_1628 = arith.mulf %reduce_sum3A_1624, %mul3A_1627 : f32
        %mul3A_1629 = arith.mulf %mul3A_1626, %mul3A_1626 : f32
        %sub3A_1630 = arith.subf %mul3A_1628, %mul3A_1629 : f32
        %add3A_1631 = arith.constant 9.99999996E-13 : f32
        %add3A_1632 = arith.addf %sub3A_1630, %add3A_1631 : f32
        %bitcast_convert_type3A_1633 = arith.bitcast %add3A_1632 : f32 to i32
        %shift_right_logical3A_1634 = arith.constant 1 : i32
        %shift_right_logical3A_1635 = arith.shrui %bitcast_convert_type3A_1633, %shift_right_logical3A_1634 : i32
        %sub3A_1636 = arith.constant 1597463007 : i32
        %sub3A_1637 = arith.subi %sub3A_1636, %shift_right_logical3A_1635 : i32
        %bitcast_convert_type3A_1638 = arith.bitcast %sub3A_1637 : i32 to f32
        %mul3A_1639 = arith.constant 5.000000e-01 : f32
        %mul3A_1640 = arith.mulf %mul3A_1639, %add3A_1632 : f32
        %mul3A_1641 = arith.mulf %mul3A_1640, %bitcast_convert_type3A_1638 : f32
        %mul3A_1642 = arith.mulf %mul3A_1641, %bitcast_convert_type3A_1638 : f32
        %sub3A_1643 = arith.constant 1.500000e+00 : f32
        %sub3A_1644 = arith.subf %sub3A_1643, %mul3A_1642 : f32
        %mul3A_1645 = arith.mulf %bitcast_convert_type3A_1638, %sub3A_1644 : f32
        %mul3A_1646 = arith.constant 5.000000e-01 : f32
        %mul3A_1647 = arith.mulf %mul3A_1646, %add3A_1632 : f32
        %mul3A_1648 = arith.mulf %mul3A_1647, %mul3A_1645 : f32
        %mul3A_1649 = arith.mulf %mul3A_1648, %mul3A_1645 : f32
        %sub3A_1650 = arith.constant 1.500000e+00 : f32
        %sub3A_1651 = arith.subf %sub3A_1650, %mul3A_1649 : f32
        %mul3A_1652 = arith.mulf %mul3A_1645, %sub3A_1651 : f32
        %mul3A_1653 = arith.constant 5.000000e-01 : f32
        %mul3A_1654 = arith.mulf %mul3A_1653, %add3A_1632 : f32
        %mul3A_1655 = arith.mulf %mul3A_1654, %mul3A_1652 : f32
        %mul3A_1656 = arith.mulf %mul3A_1655, %mul3A_1652 : f32
        %sub3A_1657 = arith.constant 1.500000e+00 : f32
        %sub3A_1658 = arith.subf %sub3A_1657, %mul3A_1656 : f32
        %mul3A_1659 = arith.mulf %mul3A_1652, %sub3A_1658 : f32
        %sub3A_1660 = vector.broadcast %mul3A_1626 : f32 to vector<16xf32>
        %sub3A_1661 = arith.subf %add3A_1538, %sub3A_1660 : vector<16xf32>
        %mul3A_1662 = vector.broadcast %mul3A_1659 : f32 to vector<16xf32>
        %mul3A_1663 = arith.mulf %sub3A_1661, %mul3A_1662 : vector<16xf32>
        %mul3A_1664 = arith.mulf %mul3A_1663, %get3A_29 : vector<16xf32>
        %add3A_1665 = arith.addf %mul3A_1664, %get3A_45 : vector<16xf32>
        %swap3A_1666 = arith.index_cast %add3A_1526 : i32 to index
        %swap3A_1667 = arith.constant 0 : index
        %swap3A_1668 = tpu.vector_load %arg13[%swap3A_1666, %swap3A_1667] {strides = array<i32>} : memref<128x128xf32, #tpu.memory_space<vmem>>, vector<16xf32>,
        tpu.vector_store %arg13[%swap3A_1666, %swap3A_1667], %add3A_1665 {strides = array<i32>} : memref<128x128xf32, #tpu.memory_space<vmem>>, vector<16xf32>,
        %sub3A_1669 = vector.broadcast %mul3A_1626 : f32 to vector<16xf32>
        %sub3A_1670 = arith.subf %add3A_1546, %sub3A_1669 : vector<16xf32>
        %mul3A_1671 = vector.broadcast %mul3A_1659 : f32 to vector<16xf32>
        %mul3A_1672 = arith.mulf %sub3A_1670, %mul3A_1671 : vector<16xf32>
        %mul3A_1673 = arith.mulf %mul3A_1672, %get3A_31 : vector<16xf32>
        %add3A_1674 = arith.addf %mul3A_1673, %get3A_47 : vector<16xf32>
        %swap3A_1675 = arith.index_cast %add3A_1526 : i32 to index
        %swap3A_1676 = arith.constant 16 : index
        %swap3A_1677 = tpu.vector_load %arg13[%swap3A_1675, %swap3A_1676] {strides = array<i32>} : memref<128x128xf32, #tpu.memory_space<vmem>>, vector<16xf32>,
        tpu.vector_store %arg13[%swap3A_1675, %swap3A_1676], %add3A_1674 {strides = array<i32>} : memref<128x128xf32, #tpu.memory_space<vmem>>, vector<16xf32>,
        %sub3A_1678 = vector.broadcast %mul3A_1626 : f32 to vector<16xf32>
        %sub3A_1679 = arith.subf %add3A_1554, %sub3A_1678 : vector<16xf32>
        %mul3A_1680 = vector.broadcast %mul3A_1659 : f32 to vector<16xf32>
        %mul3A_1681 = arith.mulf %sub3A_1679, %mul3A_1680 : vector<16xf32>
        %mul3A_1682 = arith.mulf %mul3A_1681, %get3A_33 : vector<16xf32>
        %add3A_1683 = arith.addf %mul3A_1682, %get3A_49 : vector<16xf32>
        %swap3A_1684 = arith.index_cast %add3A_1526 : i32 to index
        %swap3A_1685 = arith.constant 32 : index
        %swap3A_1686 = tpu.vector_load %arg13[%swap3A_1684, %swap3A_1685] {strides = array<i32>} : memref<128x128xf32, #tpu.memory_space<vmem>>, vector<16xf32>,
        tpu.vector_store %arg13[%swap3A_1684, %swap3A_1685], %add3A_1683 {strides = array<i32>} : memref<128x128xf32, #tpu.memory_space<vmem>>, vector<16xf32>,
        %sub3A_1687 = vector.broadcast %mul3A_1626 : f32 to vector<16xf32>
        %sub3A_1688 = arith.subf %add3A_1562, %sub3A_1687 : vector<16xf32>
        %mul3A_1689 = vector.broadcast %mul3A_1659 : f32 to vector<16xf32>
        %mul3A_1690 = arith.mulf %sub3A_1688, %mul3A_1689 : vector<16xf32>
        %mul3A_1691 = arith.mulf %mul3A_1690, %get3A_35 : vector<16xf32>
        %add3A_1692 = arith.addf %mul3A_1691, %get3A_51 : vector<16xf32>
        %swap3A_1693 = arith.index_cast %add3A_1526 : i32 to index
        %swap3A_1694 = arith.constant 48 : index
        %swap3A_1695 = tpu.vector_load %arg13[%swap3A_1693, %swap3A_1694] {strides = array<i32>} : memref<128x128xf32, #tpu.memory_space<vmem>>, vector<16xf32>,
        tpu.vector_store %arg13[%swap3A_1693, %swap3A_1694], %add3A_1692 {strides = array<i32>} : memref<128x128xf32, #tpu.memory_space<vmem>>, vector<16xf32>,
        %sub3A_1696 = vector.broadcast %mul3A_1626 : f32 to vector<16xf32>
        %sub3A_1697 = arith.subf %add3A_1570, %sub3A_1696 : vector<16xf32>
        %mul3A_1698 = vector.broadcast %mul3A_1659 : f32 to vector<16xf32>
        %mul3A_1699 = arith.mulf %sub3A_1697, %mul3A_1698 : vector<16xf32>
        %mul3A_1700 = arith.mulf %mul3A_1699, %get3A_37 : vector<16xf32>
        %add3A_1701 = arith.addf %mul3A_1700, %get3A_53 : vector<16xf32>
        %swap3A_1702 = arith.index_cast %add3A_1526 : i32 to index
        %swap3A_1703 = arith.constant 64 : index
        %swap3A_1704 = tpu.vector_load %arg13[%swap3A_1702, %swap3A_1703] {strides = array<i32>} : memref<128x128xf32, #tpu.memory_space<vmem>>, vector<16xf32>,
        tpu.vector_store %arg13[%swap3A_1702, %swap3A_1703], %add3A_1701 {strides = array<i32>} : memref<128x128xf32, #tpu.memory_space<vmem>>, vector<16xf32>,
        %sub3A_1705 = vector.broadcast %mul3A_1626 : f32 to vector<16xf32>
        %sub3A_1706 = arith.subf %add3A_1578, %sub3A_1705 : vector<16xf32>
        %mul3A_1707 = vector.broadcast %mul3A_1659 : f32 to vector<16xf32>
        %mul3A_1708 = arith.mulf %sub3A_1706, %mul3A_1707 : vector<16xf32>
        %mul3A_1709 = arith.mulf %mul3A_1708, %get3A_39 : vector<16xf32>
        %add3A_1710 = arith.addf %mul3A_1709, %get3A_55 : vector<16xf32>
        %swap3A_1711 = arith.index_cast %add3A_1526 : i32 to index
        %swap3A_1712 = arith.constant 80 : index
        %swap3A_1713 = tpu.vector_load %arg13[%swap3A_1711, %swap3A_1712] {strides = array<i32>} : memref<128x128xf32, #tpu.memory_space<vmem>>, vector<16xf32>,
        tpu.vector_store %arg13[%swap3A_1711, %swap3A_1712], %add3A_1710 {strides = array<i32>} : memref<128x128xf32, #tpu.memory_space<vmem>>, vector<16xf32>,
        %sub3A_1714 = vector.broadcast %mul3A_1626 : f32 to vector<16xf32>
        %sub3A_1715 = arith.subf %add3A_1586, %sub3A_1714 : vector<16xf32>
        %mul3A_1716 = vector.broadcast %mul3A_1659 : f32 to vector<16xf32>
        %mul3A_1717 = arith.mulf %sub3A_1715, %mul3A_1716 : vector<16xf32>
        %mul3A_1718 = arith.mulf %mul3A_1717, %get3A_41 : vector<16xf32>
        %add3A_1719 = arith.addf %mul3A_1718, %get3A_57 : vector<16xf32>
        %swap3A_1720 = arith.index_cast %add3A_1526 : i32 to index
        %swap3A_1721 = arith.constant 96 : index
        %swap3A_1722 = tpu.vector_load %arg13[%swap3A_1720, %swap3A_1721] {strides = array<i32>} : memref<128x128xf32, #tpu.memory_space<vmem>>, vector<16xf32>,
        tpu.vector_store %arg13[%swap3A_1720, %swap3A_1721], %add3A_1719 {strides = array<i32>} : memref<128x128xf32, #tpu.memory_space<vmem>>, vector<16xf32>,
        %sub3A_1723 = vector.broadcast %mul3A_1626 : f32 to vector<16xf32>
        %sub3A_1724 = arith.subf %add3A_1594, %sub3A_1723 : vector<16xf32>
        %mul3A_1725 = vector.broadcast %mul3A_1659 : f32 to vector<16xf32>
        %mul3A_1726 = arith.mulf %sub3A_1724, %mul3A_1725 : vector<16xf32>
        %mul3A_1727 = arith.mulf %mul3A_1726, %get3A_43 : vector<16xf32>
        %add3A_1728 = arith.addf %mul3A_1727, %get3A_59 : vector<16xf32>
        %swap3A_1729 = arith.index_cast %add3A_1526 : i32 to index
        %swap3A_1730 = arith.constant 112 : index
        %swap3A_1731 = tpu.vector_load %arg13[%swap3A_1729, %swap3A_1730] {strides = array<i32>} : memref<128x128xf32, #tpu.memory_space<vmem>>, vector<16xf32>,
        tpu.vector_store %arg13[%swap3A_1729, %swap3A_1730], %add3A_1728 {strides = array<i32>} : memref<128x128xf32, #tpu.memory_space<vmem>>, vector<16xf32>,
        %mul3A_1732 = arith.constant 16 : i32
        %mul3A_1733 = arith.muli %scan3A_28, %mul3A_1732 : i32
        %add3A_1734 = arith.constant 8 : i32
        %add3A_1735 = arith.addi %mul3A_1733, %add3A_1734 : i32
        %slice3A_1736 = vector.extract_strided_slice %get3A_66 {offsets = [8], sizes = [1], strides = [1]} : vector<16xi32> to vector<1xi32>
        %squeeze3A_1737 = vector.extract %slice3A_1736[0] : i32 from vector<1xi32>
        %mul3A_1738 = arith.constant 128 : i32
        %mul3A_1739 = arith.muli %squeeze3A_1737, %mul3A_1738 : i32
        %get3A_1740 = arith.index_cast %add3A_1735 : i32 to index
        %get3A_1741 = arith.constant 0 : index
        %get3A_1742 = tpu.vector_load %arg12[%get3A_1740, %get3A_1741] {strides = array<i32>} : memref<128x128xf32, #tpu.memory_space<vmem>>, vector<16xf32>,
        %add3A_1743 = arith.constant 0 : i32
        %add3A_1744 = arith.addi %mul3A_1739, %add3A_1743 : i32
        %get3A_1745 = arith.index_cast %add3A_1744 : i32 to index
        %get3A_1746 = tpu.vector_load %arg8[%get3A_1745] {strides = array<i32>} : memref<51200xf32, #tpu.memory_space<vmem>>, vector<16xf32>,
        %add3A_1747 = arith.addf %get3A_1742, %get3A_1746 : vector<16xf32>
        %get3A_1748 = arith.index_cast %add3A_1735 : i32 to index
        %get3A_1749 = arith.constant 16 : index
        %get3A_1750 = tpu.vector_load %arg12[%get3A_1748, %get3A_1749] {strides = array<i32>} : memref<128x128xf32, #tpu.memory_space<vmem>>, vector<16xf32>,
        %add3A_1751 = arith.constant 16 : i32
        %add3A_1752 = arith.addi %mul3A_1739, %add3A_1751 : i32
        %get3A_1753 = arith.index_cast %add3A_1752 : i32 to index
        %get3A_1754 = tpu.vector_load %arg8[%get3A_1753] {strides = array<i32>} : memref<51200xf32, #tpu.memory_space<vmem>>, vector<16xf32>,
        %add3A_1755 = arith.addf %get3A_1750, %get3A_1754 : vector<16xf32>
        %get3A_1756 = arith.index_cast %add3A_1735 : i32 to index
        %get3A_1757 = arith.constant 32 : index
        %get3A_1758 = tpu.vector_load %arg12[%get3A_1756, %get3A_1757] {strides = array<i32>} : memref<128x128xf32, #tpu.memory_space<vmem>>, vector<16xf32>,
        %add3A_1759 = arith.constant 32 : i32
        %add3A_1760 = arith.addi %mul3A_1739, %add3A_1759 : i32
        %get3A_1761 = arith.index_cast %add3A_1760 : i32 to index
        %get3A_1762 = tpu.vector_load %arg8[%get3A_1761] {strides = array<i32>} : memref<51200xf32, #tpu.memory_space<vmem>>, vector<16xf32>,
        %add3A_1763 = arith.addf %get3A_1758, %get3A_1762 : vector<16xf32>
        %get3A_1764 = arith.index_cast %add3A_1735 : i32 to index
        %get3A_1765 = arith.constant 48 : index
        %get3A_1766 = tpu.vector_load %arg12[%get3A_1764, %get3A_1765] {strides = array<i32>} : memref<128x128xf32, #tpu.memory_space<vmem>>, vector<16xf32>,
        %add3A_1767 = arith.constant 48 : i32
        %add3A_1768 = arith.addi %mul3A_1739, %add3A_1767 : i32
        %get3A_1769 = arith.index_cast %add3A_1768 : i32 to index
        %get3A_1770 = tpu.vector_load %arg8[%get3A_1769] {strides = array<i32>} : memref<51200xf32, #tpu.memory_space<vmem>>, vector<16xf32>,
        %add3A_1771 = arith.addf %get3A_1766, %get3A_1770 : vector<16xf32>
        %get3A_1772 = arith.index_cast %add3A_1735 : i32 to index
        %get3A_1773 = arith.constant 64 : index
        %get3A_1774 = tpu.vector_load %arg12[%get3A_1772, %get3A_1773] {strides = array<i32>} : memref<128x128xf32, #tpu.memory_space<vmem>>, vector<16xf32>,
        %add3A_1775 = arith.constant 64 : i32
        %add3A_1776 = arith.addi %mul3A_1739, %add3A_1775 : i32
        %get3A_1777 = arith.index_cast %add3A_1776 : i32 to index
        %get3A_1778 = tpu.vector_load %arg8[%get3A_1777] {strides = array<i32>} : memref<51200xf32, #tpu.memory_space<vmem>>, vector<16xf32>,
        %add3A_1779 = arith.addf %get3A_1774, %get3A_1778 : vector<16xf32>
        %get3A_1780 = arith.index_cast %add3A_1735 : i32 to index
        %get3A_1781 = arith.constant 80 : index
        %get3A_1782 = tpu.vector_load %arg12[%get3A_1780, %get3A_1781] {strides = array<i32>} : memref<128x128xf32, #tpu.memory_space<vmem>>, vector<16xf32>,
        %add3A_1783 = arith.constant 80 : i32
        %add3A_1784 = arith.addi %mul3A_1739, %add3A_1783 : i32
        %get3A_1785 = arith.index_cast %add3A_1784 : i32 to index
        %get3A_1786 = tpu.vector_load %arg8[%get3A_1785] {strides = array<i32>} : memref<51200xf32, #tpu.memory_space<vmem>>, vector<16xf32>,
        %add3A_1787 = arith.addf %get3A_1782, %get3A_1786 : vector<16xf32>
        %get3A_1788 = arith.index_cast %add3A_1735 : i32 to index
        %get3A_1789 = arith.constant 96 : index
        %get3A_1790 = tpu.vector_load %arg12[%get3A_1788, %get3A_1789] {strides = array<i32>} : memref<128x128xf32, #tpu.memory_space<vmem>>, vector<16xf32>,
        %add3A_1791 = arith.constant 96 : i32
        %add3A_1792 = arith.addi %mul3A_1739, %add3A_1791 : i32
        %get3A_1793 = arith.index_cast %add3A_1792 : i32 to index
        %get3A_1794 = tpu.vector_load %arg8[%get3A_1793] {strides = array<i32>} : memref<51200xf32, #tpu.memory_space<vmem>>, vector<16xf32>,
        %add3A_1795 = arith.addf %get3A_1790, %get3A_1794 : vector<16xf32>
        %get3A_1796 = arith.index_cast %add3A_1735 : i32 to index
        %get3A_1797 = arith.constant 112 : index
        %get3A_1798 = tpu.vector_load %arg12[%get3A_1796, %get3A_1797] {strides = array<i32>} : memref<128x128xf32, #tpu.memory_space<vmem>>, vector<16xf32>,
        %add3A_1799 = arith.constant 112 : i32
        %add3A_1800 = arith.addi %mul3A_1739, %add3A_1799 : i32
        %get3A_1801 = arith.index_cast %add3A_1800 : i32 to index
        %get3A_1802 = tpu.vector_load %arg8[%get3A_1801] {strides = array<i32>} : memref<51200xf32, #tpu.memory_space<vmem>>, vector<16xf32>,
        %add3A_1803 = arith.addf %get3A_1798, %get3A_1802 : vector<16xf32>
        %add3A_1804 = arith.addf %add3A_1747, %add3A_1755 : vector<16xf32>
        %add3A_1805 = arith.addf %add3A_1804, %add3A_1763 : vector<16xf32>
        %add3A_1806 = arith.addf %add3A_1805, %add3A_1771 : vector<16xf32>
        %add3A_1807 = arith.addf %add3A_1806, %add3A_1779 : vector<16xf32>
        %add3A_1808 = arith.addf %add3A_1807, %add3A_1787 : vector<16xf32>
        %add3A_1809 = arith.addf %add3A_1808, %add3A_1795 : vector<16xf32>
        %add3A_1810 = arith.addf %add3A_1809, %add3A_1803 : vector<16xf32>
        %mul3A_1811 = arith.mulf %add3A_1747, %add3A_1747 : vector<16xf32>
        %mul3A_1812 = arith.mulf %add3A_1755, %add3A_1755 : vector<16xf32>
        %add3A_1813 = arith.addf %mul3A_1811, %mul3A_1812 : vector<16xf32>
        %mul3A_1814 = arith.mulf %add3A_1763, %add3A_1763 : vector<16xf32>
        %add3A_1815 = arith.addf %add3A_1813, %mul3A_1814 : vector<16xf32>
        %mul3A_1816 = arith.mulf %add3A_1771, %add3A_1771 : vector<16xf32>
        %add3A_1817 = arith.addf %add3A_1815, %mul3A_1816 : vector<16xf32>
        %mul3A_1818 = arith.mulf %add3A_1779, %add3A_1779 : vector<16xf32>
        %add3A_1819 = arith.addf %add3A_1817, %mul3A_1818 : vector<16xf32>
        %mul3A_1820 = arith.mulf %add3A_1787, %add3A_1787 : vector<16xf32>
        %add3A_1821 = arith.addf %add3A_1819, %mul3A_1820 : vector<16xf32>
        %mul3A_1822 = arith.mulf %add3A_1795, %add3A_1795 : vector<16xf32>
        %add3A_1823 = arith.addf %add3A_1821, %mul3A_1822 : vector<16xf32>
        %mul3A_1824 = arith.mulf %add3A_1803, %add3A_1803 : vector<16xf32>
        %add3A_1825 = arith.addf %add3A_1823, %mul3A_1824 : vector<16xf32>
        %reduce_sum3A_1826 = arith.constant true
        %reduce_sum3A_1827 = vector.broadcast %reduce_sum3A_1826 : i1 to vector<16xi1>
        %reduce_sum3A_1828 = tpu.scan <sum>, %add3A_1810 masked %reduce_sum3A_1827 : vector<16xf32>, vector<16xi1> -> vector<16xf32>
        %reduce_sum3A_1829 = vector.extract %reduce_sum3A_1828[15] : f32 from vector<16xf32>
        %reduce_sum3A_1830 = arith.constant true
        %reduce_sum3A_1831 = vector.broadcast %reduce_sum3A_1830 : i1 to vector<16xi1>
        %reduce_sum3A_1832 = tpu.scan <sum>, %add3A_1825 masked %reduce_sum3A_1831 : vector<16xf32>, vector<16xi1> -> vector<16xf32>
        %reduce_sum3A_1833 = vector.extract %reduce_sum3A_1832[15] : f32 from vector<16xf32>
        %mul3A_1834 = arith.constant 7.812500e-03 : f32
        %mul3A_1835 = arith.mulf %reduce_sum3A_1829, %mul3A_1834 : f32
        %mul3A_1836 = arith.constant 7.812500e-03 : f32
        %mul3A_1837 = arith.mulf %reduce_sum3A_1833, %mul3A_1836 : f32
        %mul3A_1838 = arith.mulf %mul3A_1835, %mul3A_1835 : f32
        %sub3A_1839 = arith.subf %mul3A_1837, %mul3A_1838 : f32
        %add3A_1840 = arith.constant 9.99999996E-13 : f32
        %add3A_1841 = arith.addf %sub3A_1839, %add3A_1840 : f32
        %bitcast_convert_type3A_1842 = arith.bitcast %add3A_1841 : f32 to i32
        %shift_right_logical3A_1843 = arith.constant 1 : i32
        %shift_right_logical3A_1844 = arith.shrui %bitcast_convert_type3A_1842, %shift_right_logical3A_1843 : i32
        %sub3A_1845 = arith.constant 1597463007 : i32
        %sub3A_1846 = arith.subi %sub3A_1845, %shift_right_logical3A_1844 : i32
        %bitcast_convert_type3A_1847 = arith.bitcast %sub3A_1846 : i32 to f32
        %mul3A_1848 = arith.constant 5.000000e-01 : f32
        %mul3A_1849 = arith.mulf %mul3A_1848, %add3A_1841 : f32
        %mul3A_1850 = arith.mulf %mul3A_1849, %bitcast_convert_type3A_1847 : f32
        %mul3A_1851 = arith.mulf %mul3A_1850, %bitcast_convert_type3A_1847 : f32
        %sub3A_1852 = arith.constant 1.500000e+00 : f32
        %sub3A_1853 = arith.subf %sub3A_1852, %mul3A_1851 : f32
        %mul3A_1854 = arith.mulf %bitcast_convert_type3A_1847, %sub3A_1853 : f32
        %mul3A_1855 = arith.constant 5.000000e-01 : f32
        %mul3A_1856 = arith.mulf %mul3A_1855, %add3A_1841 : f32
        %mul3A_1857 = arith.mulf %mul3A_1856, %mul3A_1854 : f32
        %mul3A_1858 = arith.mulf %mul3A_1857, %mul3A_1854 : f32
        %sub3A_1859 = arith.constant 1.500000e+00 : f32
        %sub3A_1860 = arith.subf %sub3A_1859, %mul3A_1858 : f32
        %mul3A_1861 = arith.mulf %mul3A_1854, %sub3A_1860 : f32
        %mul3A_1862 = arith.constant 5.000000e-01 : f32
        %mul3A_1863 = arith.mulf %mul3A_1862, %add3A_1841 : f32
        %mul3A_1864 = arith.mulf %mul3A_1863, %mul3A_1861 : f32
        %mul3A_1865 = arith.mulf %mul3A_1864, %mul3A_1861 : f32
        %sub3A_1866 = arith.constant 1.500000e+00 : f32
        %sub3A_1867 = arith.subf %sub3A_1866, %mul3A_1865 : f32
        %mul3A_1868 = arith.mulf %mul3A_1861, %sub3A_1867 : f32
        %sub3A_1869 = vector.broadcast %mul3A_1835 : f32 to vector<16xf32>
        %sub3A_1870 = arith.subf %add3A_1747, %sub3A_1869 : vector<16xf32>
        %mul3A_1871 = vector.broadcast %mul3A_1868 : f32 to vector<16xf32>
        %mul3A_1872 = arith.mulf %sub3A_1870, %mul3A_1871 : vector<16xf32>
        %mul3A_1873 = arith.mulf %mul3A_1872, %get3A_29 : vector<16xf32>
        %add3A_1874 = arith.addf %mul3A_1873, %get3A_45 : vector<16xf32>
        %swap3A_1875 = arith.index_cast %add3A_1735 : i32 to index
        %swap3A_1876 = arith.constant 0 : index
        %swap3A_1877 = tpu.vector_load %arg13[%swap3A_1875, %swap3A_1876] {strides = array<i32>} : memref<128x128xf32, #tpu.memory_space<vmem>>, vector<16xf32>,
        tpu.vector_store %arg13[%swap3A_1875, %swap3A_1876], %add3A_1874 {strides = array<i32>} : memref<128x128xf32, #tpu.memory_space<vmem>>, vector<16xf32>,
        %sub3A_1878 = vector.broadcast %mul3A_1835 : f32 to vector<16xf32>
        %sub3A_1879 = arith.subf %add3A_1755, %sub3A_1878 : vector<16xf32>
        %mul3A_1880 = vector.broadcast %mul3A_1868 : f32 to vector<16xf32>
        %mul3A_1881 = arith.mulf %sub3A_1879, %mul3A_1880 : vector<16xf32>
        %mul3A_1882 = arith.mulf %mul3A_1881, %get3A_31 : vector<16xf32>
        %add3A_1883 = arith.addf %mul3A_1882, %get3A_47 : vector<16xf32>
        %swap3A_1884 = arith.index_cast %add3A_1735 : i32 to index
        %swap3A_1885 = arith.constant 16 : index
        %swap3A_1886 = tpu.vector_load %arg13[%swap3A_1884, %swap3A_1885] {strides = array<i32>} : memref<128x128xf32, #tpu.memory_space<vmem>>, vector<16xf32>,
        tpu.vector_store %arg13[%swap3A_1884, %swap3A_1885], %add3A_1883 {strides = array<i32>} : memref<128x128xf32, #tpu.memory_space<vmem>>, vector<16xf32>,
        %sub3A_1887 = vector.broadcast %mul3A_1835 : f32 to vector<16xf32>
        %sub3A_1888 = arith.subf %add3A_1763, %sub3A_1887 : vector<16xf32>
        %mul3A_1889 = vector.broadcast %mul3A_1868 : f32 to vector<16xf32>
        %mul3A_1890 = arith.mulf %sub3A_1888, %mul3A_1889 : vector<16xf32>
        %mul3A_1891 = arith.mulf %mul3A_1890, %get3A_33 : vector<16xf32>
        %add3A_1892 = arith.addf %mul3A_1891, %get3A_49 : vector<16xf32>
        %swap3A_1893 = arith.index_cast %add3A_1735 : i32 to index
        %swap3A_1894 = arith.constant 32 : index
        %swap3A_1895 = tpu.vector_load %arg13[%swap3A_1893, %swap3A_1894] {strides = array<i32>} : memref<128x128xf32, #tpu.memory_space<vmem>>, vector<16xf32>,
        tpu.vector_store %arg13[%swap3A_1893, %swap3A_1894], %add3A_1892 {strides = array<i32>} : memref<128x128xf32, #tpu.memory_space<vmem>>, vector<16xf32>,
        %sub3A_1896 = vector.broadcast %mul3A_1835 : f32 to vector<16xf32>
        %sub3A_1897 = arith.subf %add3A_1771, %sub3A_1896 : vector<16xf32>
        %mul3A_1898 = vector.broadcast %mul3A_1868 : f32 to vector<16xf32>
        %mul3A_1899 = arith.mulf %sub3A_1897, %mul3A_1898 : vector<16xf32>
        %mul3A_1900 = arith.mulf %mul3A_1899, %get3A_35 : vector<16xf32>
        %add3A_1901 = arith.addf %mul3A_1900, %get3A_51 : vector<16xf32>
        %swap3A_1902 = arith.index_cast %add3A_1735 : i32 to index
        %swap3A_1903 = arith.constant 48 : index
        %swap3A_1904 = tpu.vector_load %arg13[%swap3A_1902, %swap3A_1903] {strides = array<i32>} : memref<128x128xf32, #tpu.memory_space<vmem>>, vector<16xf32>,
        tpu.vector_store %arg13[%swap3A_1902, %swap3A_1903], %add3A_1901 {strides = array<i32>} : memref<128x128xf32, #tpu.memory_space<vmem>>, vector<16xf32>,
        %sub3A_1905 = vector.broadcast %mul3A_1835 : f32 to vector<16xf32>
        %sub3A_1906 = arith.subf %add3A_1779, %sub3A_1905 : vector<16xf32>
        %mul3A_1907 = vector.broadcast %mul3A_1868 : f32 to vector<16xf32>
        %mul3A_1908 = arith.mulf %sub3A_1906, %mul3A_1907 : vector<16xf32>
        %mul3A_1909 = arith.mulf %mul3A_1908, %get3A_37 : vector<16xf32>
        %add3A_1910 = arith.addf %mul3A_1909, %get3A_53 : vector<16xf32>
        %swap3A_1911 = arith.index_cast %add3A_1735 : i32 to index
        %swap3A_1912 = arith.constant 64 : index
        %swap3A_1913 = tpu.vector_load %arg13[%swap3A_1911, %swap3A_1912] {strides = array<i32>} : memref<128x128xf32, #tpu.memory_space<vmem>>, vector<16xf32>,
        tpu.vector_store %arg13[%swap3A_1911, %swap3A_1912], %add3A_1910 {strides = array<i32>} : memref<128x128xf32, #tpu.memory_space<vmem>>, vector<16xf32>,
        %sub3A_1914 = vector.broadcast %mul3A_1835 : f32 to vector<16xf32>
        %sub3A_1915 = arith.subf %add3A_1787, %sub3A_1914 : vector<16xf32>
        %mul3A_1916 = vector.broadcast %mul3A_1868 : f32 to vector<16xf32>
        %mul3A_1917 = arith.mulf %sub3A_1915, %mul3A_1916 : vector<16xf32>
        %mul3A_1918 = arith.mulf %mul3A_1917, %get3A_39 : vector<16xf32>
        %add3A_1919 = arith.addf %mul3A_1918, %get3A_55 : vector<16xf32>
        %swap3A_1920 = arith.index_cast %add3A_1735 : i32 to index
        %swap3A_1921 = arith.constant 80 : index
        %swap3A_1922 = tpu.vector_load %arg13[%swap3A_1920, %swap3A_1921] {strides = array<i32>} : memref<128x128xf32, #tpu.memory_space<vmem>>, vector<16xf32>,
        tpu.vector_store %arg13[%swap3A_1920, %swap3A_1921], %add3A_1919 {strides = array<i32>} : memref<128x128xf32, #tpu.memory_space<vmem>>, vector<16xf32>,
        %sub3A_1923 = vector.broadcast %mul3A_1835 : f32 to vector<16xf32>
        %sub3A_1924 = arith.subf %add3A_1795, %sub3A_1923 : vector<16xf32>
        %mul3A_1925 = vector.broadcast %mul3A_1868 : f32 to vector<16xf32>
        %mul3A_1926 = arith.mulf %sub3A_1924, %mul3A_1925 : vector<16xf32>
        %mul3A_1927 = arith.mulf %mul3A_1926, %get3A_41 : vector<16xf32>
        %add3A_1928 = arith.addf %mul3A_1927, %get3A_57 : vector<16xf32>
        %swap3A_1929 = arith.index_cast %add3A_1735 : i32 to index
        %swap3A_1930 = arith.constant 96 : index
        %swap3A_1931 = tpu.vector_load %arg13[%swap3A_1929, %swap3A_1930] {strides = array<i32>} : memref<128x128xf32, #tpu.memory_space<vmem>>, vector<16xf32>,
        tpu.vector_store %arg13[%swap3A_1929, %swap3A_1930], %add3A_1928 {strides = array<i32>} : memref<128x128xf32, #tpu.memory_space<vmem>>, vector<16xf32>,
        %sub3A_1932 = vector.broadcast %mul3A_1835 : f32 to vector<16xf32>
        %sub3A_1933 = arith.subf %add3A_1803, %sub3A_1932 : vector<16xf32>
        %mul3A_1934 = vector.broadcast %mul3A_1868 : f32 to vector<16xf32>
        %mul3A_1935 = arith.mulf %sub3A_1933, %mul3A_1934 : vector<16xf32>
        %mul3A_1936 = arith.mulf %mul3A_1935, %get3A_43 : vector<16xf32>
        %add3A_1937 = arith.addf %mul3A_1936, %get3A_59 : vector<16xf32>
        %swap3A_1938 = arith.index_cast %add3A_1735 : i32 to index
        %swap3A_1939 = arith.constant 112 : index
        %swap3A_1940 = tpu.vector_load %arg13[%swap3A_1938, %swap3A_1939] {strides = array<i32>} : memref<128x128xf32, #tpu.memory_space<vmem>>, vector<16xf32>,
        tpu.vector_store %arg13[%swap3A_1938, %swap3A_1939], %add3A_1937 {strides = array<i32>} : memref<128x128xf32, #tpu.memory_space<vmem>>, vector<16xf32>,
        %mul3A_1941 = arith.constant 16 : i32
        %mul3A_1942 = arith.muli %scan3A_28, %mul3A_1941 : i32
        %add3A_1943 = arith.constant 9 : i32
        %add3A_1944 = arith.addi %mul3A_1942, %add3A_1943 : i32
        %slice3A_1945 = vector.extract_strided_slice %get3A_66 {offsets = [9], sizes = [1], strides = [1]} : vector<16xi32> to vector<1xi32>
        %squeeze3A_1946 = vector.extract %slice3A_1945[0] : i32 from vector<1xi32>
        %mul3A_1947 = arith.constant 128 : i32
        %mul3A_1948 = arith.muli %squeeze3A_1946, %mul3A_1947 : i32
        %get3A_1949 = arith.index_cast %add3A_1944 : i32 to index
        %get3A_1950 = arith.constant 0 : index
        %get3A_1951 = tpu.vector_load %arg12[%get3A_1949, %get3A_1950] {strides = array<i32>} : memref<128x128xf32, #tpu.memory_space<vmem>>, vector<16xf32>,
        %add3A_1952 = arith.constant 0 : i32
        %add3A_1953 = arith.addi %mul3A_1948, %add3A_1952 : i32
        %get3A_1954 = arith.index_cast %add3A_1953 : i32 to index
        %get3A_1955 = tpu.vector_load %arg8[%get3A_1954] {strides = array<i32>} : memref<51200xf32, #tpu.memory_space<vmem>>, vector<16xf32>,
        %add3A_1956 = arith.addf %get3A_1951, %get3A_1955 : vector<16xf32>
        %get3A_1957 = arith.index_cast %add3A_1944 : i32 to index
        %get3A_1958 = arith.constant 16 : index
        %get3A_1959 = tpu.vector_load %arg12[%get3A_1957, %get3A_1958] {strides = array<i32>} : memref<128x128xf32, #tpu.memory_space<vmem>>, vector<16xf32>,
        %add3A_1960 = arith.constant 16 : i32
        %add3A_1961 = arith.addi %mul3A_1948, %add3A_1960 : i32
        %get3A_1962 = arith.index_cast %add3A_1961 : i32 to index
        %get3A_1963 = tpu.vector_load %arg8[%get3A_1962] {strides = array<i32>} : memref<51200xf32, #tpu.memory_space<vmem>>, vector<16xf32>,
        %add3A_1964 = arith.addf %get3A_1959, %get3A_1963 : vector<16xf32>
        %get3A_1965 = arith.index_cast %add3A_1944 : i32 to index
        %get3A_1966 = arith.constant 32 : index
        %get3A_1967 = tpu.vector_load %arg12[%get3A_1965, %get3A_1966] {strides = array<i32>} : memref<128x128xf32, #tpu.memory_space<vmem>>, vector<16xf32>,
        %add3A_1968 = arith.constant 32 : i32
        %add3A_1969 = arith.addi %mul3A_1948, %add3A_1968 : i32
        %get3A_1970 = arith.index_cast %add3A_1969 : i32 to index
        %get3A_1971 = tpu.vector_load %arg8[%get3A_1970] {strides = array<i32>} : memref<51200xf32, #tpu.memory_space<vmem>>, vector<16xf32>,
        %add3A_1972 = arith.addf %get3A_1967, %get3A_1971 : vector<16xf32>
        %get3A_1973 = arith.index_cast %add3A_1944 : i32 to index
        %get3A_1974 = arith.constant 48 : index
        %get3A_1975 = tpu.vector_load %arg12[%get3A_1973, %get3A_1974] {strides = array<i32>} : memref<128x128xf32, #tpu.memory_space<vmem>>, vector<16xf32>,
        %add3A_1976 = arith.constant 48 : i32
        %add3A_1977 = arith.addi %mul3A_1948, %add3A_1976 : i32
        %get3A_1978 = arith.index_cast %add3A_1977 : i32 to index
        %get3A_1979 = tpu.vector_load %arg8[%get3A_1978] {strides = array<i32>} : memref<51200xf32, #tpu.memory_space<vmem>>, vector<16xf32>,
        %add3A_1980 = arith.addf %get3A_1975, %get3A_1979 : vector<16xf32>
        %get3A_1981 = arith.index_cast %add3A_1944 : i32 to index
        %get3A_1982 = arith.constant 64 : index
        %get3A_1983 = tpu.vector_load %arg12[%get3A_1981, %get3A_1982] {strides = array<i32>} : memref<128x128xf32, #tpu.memory_space<vmem>>, vector<16xf32>,
        %add3A_1984 = arith.constant 64 : i32
        %add3A_1985 = arith.addi %mul3A_1948, %add3A_1984 : i32
        %get3A_1986 = arith.index_cast %add3A_1985 : i32 to index
        %get3A_1987 = tpu.vector_load %arg8[%get3A_1986] {strides = array<i32>} : memref<51200xf32, #tpu.memory_space<vmem>>, vector<16xf32>,
        %add3A_1988 = arith.addf %get3A_1983, %get3A_1987 : vector<16xf32>
        %get3A_1989 = arith.index_cast %add3A_1944 : i32 to index
        %get3A_1990 = arith.constant 80 : index
        %get3A_1991 = tpu.vector_load %arg12[%get3A_1989, %get3A_1990] {strides = array<i32>} : memref<128x128xf32, #tpu.memory_space<vmem>>, vector<16xf32>,
        %add3A_1992 = arith.constant 80 : i32
        %add3A_1993 = arith.addi %mul3A_1948, %add3A_1992 : i32
        %get3A_1994 = arith.index_cast %add3A_1993 : i32 to index
        %get3A_1995 = tpu.vector_load %arg8[%get3A_1994] {strides = array<i32>} : memref<51200xf32, #tpu.memory_space<vmem>>, vector<16xf32>,
        %add3A_1996 = arith.addf %get3A_1991, %get3A_1995 : vector<16xf32>
        %get3A_1997 = arith.index_cast %add3A_1944 : i32 to index
        %get3A_1998 = arith.constant 96 : index
        %get3A_1999 = tpu.vector_load %arg12[%get3A_1997, %get3A_1998] {strides = array<i32>} : memref<128x128xf32, #tpu.memory_space<vmem>>, vector<16xf32>,
        %add3A_2000 = arith.constant 96 : i32
        %add3A_2001 = arith.addi %mul3A_1948, %add3A_2000 : i32
        %get3A_2002 = arith.index_cast %add3A_2001 : i32 to index
        %get3A_2003 = tpu.vector_load %arg8[%get3A_2002] {strides = array<i32>} : memref<51200xf32, #tpu.memory_space<vmem>>, vector<16xf32>,
        %add3A_2004 = arith.addf %get3A_1999, %get3A_2003 : vector<16xf32>
        %get3A_2005 = arith.index_cast %add3A_1944 : i32 to index
        %get3A_2006 = arith.constant 112 : index
        %get3A_2007 = tpu.vector_load %arg12[%get3A_2005, %get3A_2006] {strides = array<i32>} : memref<128x128xf32, #tpu.memory_space<vmem>>, vector<16xf32>,
        %add3A_2008 = arith.constant 112 : i32
        %add3A_2009 = arith.addi %mul3A_1948, %add3A_2008 : i32
        %get3A_2010 = arith.index_cast %add3A_2009 : i32 to index
        %get3A_2011 = tpu.vector_load %arg8[%get3A_2010] {strides = array<i32>} : memref<51200xf32, #tpu.memory_space<vmem>>, vector<16xf32>,
        %add3A_2012 = arith.addf %get3A_2007, %get3A_2011 : vector<16xf32>
        %add3A_2013 = arith.addf %add3A_1956, %add3A_1964 : vector<16xf32>
        %add3A_2014 = arith.addf %add3A_2013, %add3A_1972 : vector<16xf32>
        %add3A_2015 = arith.addf %add3A_2014, %add3A_1980 : vector<16xf32>
        %add3A_2016 = arith.addf %add3A_2015, %add3A_1988 : vector<16xf32>
        %add3A_2017 = arith.addf %add3A_2016, %add3A_1996 : vector<16xf32>
        %add3A_2018 = arith.addf %add3A_2017, %add3A_2004 : vector<16xf32>
        %add3A_2019 = arith.addf %add3A_2018, %add3A_2012 : vector<16xf32>
        %mul3A_2020 = arith.mulf %add3A_1956, %add3A_1956 : vector<16xf32>
        %mul3A_2021 = arith.mulf %add3A_1964, %add3A_1964 : vector<16xf32>
        %add3A_2022 = arith.addf %mul3A_2020, %mul3A_2021 : vector<16xf32>
        %mul3A_2023 = arith.mulf %add3A_1972, %add3A_1972 : vector<16xf32>
        %add3A_2024 = arith.addf %add3A_2022, %mul3A_2023 : vector<16xf32>
        %mul3A_2025 = arith.mulf %add3A_1980, %add3A_1980 : vector<16xf32>
        %add3A_2026 = arith.addf %add3A_2024, %mul3A_2025 : vector<16xf32>
        %mul3A_2027 = arith.mulf %add3A_1988, %add3A_1988 : vector<16xf32>
        %add3A_2028 = arith.addf %add3A_2026, %mul3A_2027 : vector<16xf32>
        %mul3A_2029 = arith.mulf %add3A_1996, %add3A_1996 : vector<16xf32>
        %add3A_2030 = arith.addf %add3A_2028, %mul3A_2029 : vector<16xf32>
        %mul3A_2031 = arith.mulf %add3A_2004, %add3A_2004 : vector<16xf32>
        %add3A_2032 = arith.addf %add3A_2030, %mul3A_2031 : vector<16xf32>
        %mul3A_2033 = arith.mulf %add3A_2012, %add3A_2012 : vector<16xf32>
        %add3A_2034 = arith.addf %add3A_2032, %mul3A_2033 : vector<16xf32>
        %reduce_sum3A_2035 = arith.constant true
        %reduce_sum3A_2036 = vector.broadcast %reduce_sum3A_2035 : i1 to vector<16xi1>
        %reduce_sum3A_2037 = tpu.scan <sum>, %add3A_2019 masked %reduce_sum3A_2036 : vector<16xf32>, vector<16xi1> -> vector<16xf32>
        %reduce_sum3A_2038 = vector.extract %reduce_sum3A_2037[15] : f32 from vector<16xf32>
        %reduce_sum3A_2039 = arith.constant true
        %reduce_sum3A_2040 = vector.broadcast %reduce_sum3A_2039 : i1 to vector<16xi1>
        %reduce_sum3A_2041 = tpu.scan <sum>, %add3A_2034 masked %reduce_sum3A_2040 : vector<16xf32>, vector<16xi1> -> vector<16xf32>
        %reduce_sum3A_2042 = vector.extract %reduce_sum3A_2041[15] : f32 from vector<16xf32>
        %mul3A_2043 = arith.constant 7.812500e-03 : f32
        %mul3A_2044 = arith.mulf %reduce_sum3A_2038, %mul3A_2043 : f32
        %mul3A_2045 = arith.constant 7.812500e-03 : f32
        %mul3A_2046 = arith.mulf %reduce_sum3A_2042, %mul3A_2045 : f32
        %mul3A_2047 = arith.mulf %mul3A_2044, %mul3A_2044 : f32
        %sub3A_2048 = arith.subf %mul3A_2046, %mul3A_2047 : f32
        %add3A_2049 = arith.constant 9.99999996E-13 : f32
        %add3A_2050 = arith.addf %sub3A_2048, %add3A_2049 : f32
        %bitcast_convert_type3A_2051 = arith.bitcast %add3A_2050 : f32 to i32
        %shift_right_logical3A_2052 = arith.constant 1 : i32
        %shift_right_logical3A_2053 = arith.shrui %bitcast_convert_type3A_2051, %shift_right_logical3A_2052 : i32
        %sub3A_2054 = arith.constant 1597463007 : i32
        %sub3A_2055 = arith.subi %sub3A_2054, %shift_right_logical3A_2053 : i32
        %bitcast_convert_type3A_2056 = arith.bitcast %sub3A_2055 : i32 to f32
        %mul3A_2057 = arith.constant 5.000000e-01 : f32
        %mul3A_2058 = arith.mulf %mul3A_2057, %add3A_2050 : f32
        %mul3A_2059 = arith.mulf %mul3A_2058, %bitcast_convert_type3A_2056 : f32
        %mul3A_2060 = arith.mulf %mul3A_2059, %bitcast_convert_type3A_2056 : f32
        %sub3A_2061 = arith.constant 1.500000e+00 : f32
        %sub3A_2062 = arith.subf %sub3A_2061, %mul3A_2060 : f32
        %mul3A_2063 = arith.mulf %bitcast_convert_type3A_2056, %sub3A_2062 : f32
        %mul3A_2064 = arith.constant 5.000000e-01 : f32
        %mul3A_2065 = arith.mulf %mul3A_2064, %add3A_2050 : f32
        %mul3A_2066 = arith.mulf %mul3A_2065, %mul3A_2063 : f32
        %mul3A_2067 = arith.mulf %mul3A_2066, %mul3A_2063 : f32
        %sub3A_2068 = arith.constant 1.500000e+00 : f32
        %sub3A_2069 = arith.subf %sub3A_2068, %mul3A_2067 : f32
        %mul3A_2070 = arith.mulf %mul3A_2063, %sub3A_2069 : f32
        %mul3A_2071 = arith.constant 5.000000e-01 : f32
        %mul3A_2072 = arith.mulf %mul3A_2071, %add3A_2050 : f32
        %mul3A_2073 = arith.mulf %mul3A_2072, %mul3A_2070 : f32
        %mul3A_2074 = arith.mulf %mul3A_2073, %mul3A_2070 : f32
        %sub3A_2075 = arith.constant 1.500000e+00 : f32
        %sub3A_2076 = arith.subf %sub3A_2075, %mul3A_2074 : f32
        %mul3A_2077 = arith.mulf %mul3A_2070, %sub3A_2076 : f32
        %sub3A_2078 = vector.broadcast %mul3A_2044 : f32 to vector<16xf32>
        %sub3A_2079 = arith.subf %add3A_1956, %sub3A_2078 : vector<16xf32>
        %mul3A_2080 = vector.broadcast %mul3A_2077 : f32 to vector<16xf32>
        %mul3A_2081 = arith.mulf %sub3A_2079, %mul3A_2080 : vector<16xf32>
        %mul3A_2082 = arith.mulf %mul3A_2081, %get3A_29 : vector<16xf32>
        %add3A_2083 = arith.addf %mul3A_2082, %get3A_45 : vector<16xf32>
        %swap3A_2084 = arith.index_cast %add3A_1944 : i32 to index
        %swap3A_2085 = arith.constant 0 : index
        %swap3A_2086 = tpu.vector_load %arg13[%swap3A_2084, %swap3A_2085] {strides = array<i32>} : memref<128x128xf32, #tpu.memory_space<vmem>>, vector<16xf32>,
        tpu.vector_store %arg13[%swap3A_2084, %swap3A_2085], %add3A_2083 {strides = array<i32>} : memref<128x128xf32, #tpu.memory_space<vmem>>, vector<16xf32>,
        %sub3A_2087 = vector.broadcast %mul3A_2044 : f32 to vector<16xf32>
        %sub3A_2088 = arith.subf %add3A_1964, %sub3A_2087 : vector<16xf32>
        %mul3A_2089 = vector.broadcast %mul3A_2077 : f32 to vector<16xf32>
        %mul3A_2090 = arith.mulf %sub3A_2088, %mul3A_2089 : vector<16xf32>
        %mul3A_2091 = arith.mulf %mul3A_2090, %get3A_31 : vector<16xf32>
        %add3A_2092 = arith.addf %mul3A_2091, %get3A_47 : vector<16xf32>
        %swap3A_2093 = arith.index_cast %add3A_1944 : i32 to index
        %swap3A_2094 = arith.constant 16 : index
        %swap3A_2095 = tpu.vector_load %arg13[%swap3A_2093, %swap3A_2094] {strides = array<i32>} : memref<128x128xf32, #tpu.memory_space<vmem>>, vector<16xf32>,
        tpu.vector_store %arg13[%swap3A_2093, %swap3A_2094], %add3A_2092 {strides = array<i32>} : memref<128x128xf32, #tpu.memory_space<vmem>>, vector<16xf32>,
        %sub3A_2096 = vector.broadcast %mul3A_2044 : f32 to vector<16xf32>
        %sub3A_2097 = arith.subf %add3A_1972, %sub3A_2096 : vector<16xf32>
        %mul3A_2098 = vector.broadcast %mul3A_2077 : f32 to vector<16xf32>
        %mul3A_2099 = arith.mulf %sub3A_2097, %mul3A_2098 : vector<16xf32>
        %mul3A_2100 = arith.mulf %mul3A_2099, %get3A_33 : vector<16xf32>
        %add3A_2101 = arith.addf %mul3A_2100, %get3A_49 : vector<16xf32>
        %swap3A_2102 = arith.index_cast %add3A_1944 : i32 to index
        %swap3A_2103 = arith.constant 32 : index
        %swap3A_2104 = tpu.vector_load %arg13[%swap3A_2102, %swap3A_2103] {strides = array<i32>} : memref<128x128xf32, #tpu.memory_space<vmem>>, vector<16xf32>,
        tpu.vector_store %arg13[%swap3A_2102, %swap3A_2103], %add3A_2101 {strides = array<i32>} : memref<128x128xf32, #tpu.memory_space<vmem>>, vector<16xf32>,
        %sub3A_2105 = vector.broadcast %mul3A_2044 : f32 to vector<16xf32>
        %sub3A_2106 = arith.subf %add3A_1980, %sub3A_2105 : vector<16xf32>
        %mul3A_2107 = vector.broadcast %mul3A_2077 : f32 to vector<16xf32>
        %mul3A_2108 = arith.mulf %sub3A_2106, %mul3A_2107 : vector<16xf32>
        %mul3A_2109 = arith.mulf %mul3A_2108, %get3A_35 : vector<16xf32>
        %add3A_2110 = arith.addf %mul3A_2109, %get3A_51 : vector<16xf32>
        %swap3A_2111 = arith.index_cast %add3A_1944 : i32 to index
        %swap3A_2112 = arith.constant 48 : index
        %swap3A_2113 = tpu.vector_load %arg13[%swap3A_2111, %swap3A_2112] {strides = array<i32>} : memref<128x128xf32, #tpu.memory_space<vmem>>, vector<16xf32>,
        tpu.vector_store %arg13[%swap3A_2111, %swap3A_2112], %add3A_2110 {strides = array<i32>} : memref<128x128xf32, #tpu.memory_space<vmem>>, vector<16xf32>,
        %sub3A_2114 = vector.broadcast %mul3A_2044 : f32 to vector<16xf32>
        %sub3A_2115 = arith.subf %add3A_1988, %sub3A_2114 : vector<16xf32>
        %mul3A_2116 = vector.broadcast %mul3A_2077 : f32 to vector<16xf32>
        %mul3A_2117 = arith.mulf %sub3A_2115, %mul3A_2116 : vector<16xf32>
        %mul3A_2118 = arith.mulf %mul3A_2117, %get3A_37 : vector<16xf32>
        %add3A_2119 = arith.addf %mul3A_2118, %get3A_53 : vector<16xf32>
        %swap3A_2120 = arith.index_cast %add3A_1944 : i32 to index
        %swap3A_2121 = arith.constant 64 : index
        %swap3A_2122 = tpu.vector_load %arg13[%swap3A_2120, %swap3A_2121] {strides = array<i32>} : memref<128x128xf32, #tpu.memory_space<vmem>>, vector<16xf32>,
        tpu.vector_store %arg13[%swap3A_2120, %swap3A_2121], %add3A_2119 {strides = array<i32>} : memref<128x128xf32, #tpu.memory_space<vmem>>, vector<16xf32>,
        %sub3A_2123 = vector.broadcast %mul3A_2044 : f32 to vector<16xf32>
        %sub3A_2124 = arith.subf %add3A_1996, %sub3A_2123 : vector<16xf32>
        %mul3A_2125 = vector.broadcast %mul3A_2077 : f32 to vector<16xf32>
        %mul3A_2126 = arith.mulf %sub3A_2124, %mul3A_2125 : vector<16xf32>
        %mul3A_2127 = arith.mulf %mul3A_2126, %get3A_39 : vector<16xf32>
        %add3A_2128 = arith.addf %mul3A_2127, %get3A_55 : vector<16xf32>
        %swap3A_2129 = arith.index_cast %add3A_1944 : i32 to index
        %swap3A_2130 = arith.constant 80 : index
        %swap3A_2131 = tpu.vector_load %arg13[%swap3A_2129, %swap3A_2130] {strides = array<i32>} : memref<128x128xf32, #tpu.memory_space<vmem>>, vector<16xf32>,
        tpu.vector_store %arg13[%swap3A_2129, %swap3A_2130], %add3A_2128 {strides = array<i32>} : memref<128x128xf32, #tpu.memory_space<vmem>>, vector<16xf32>,
        %sub3A_2132 = vector.broadcast %mul3A_2044 : f32 to vector<16xf32>
        %sub3A_2133 = arith.subf %add3A_2004, %sub3A_2132 : vector<16xf32>
        %mul3A_2134 = vector.broadcast %mul3A_2077 : f32 to vector<16xf32>
        %mul3A_2135 = arith.mulf %sub3A_2133, %mul3A_2134 : vector<16xf32>
        %mul3A_2136 = arith.mulf %mul3A_2135, %get3A_41 : vector<16xf32>
        %add3A_2137 = arith.addf %mul3A_2136, %get3A_57 : vector<16xf32>
        %swap3A_2138 = arith.index_cast %add3A_1944 : i32 to index
        %swap3A_2139 = arith.constant 96 : index
        %swap3A_2140 = tpu.vector_load %arg13[%swap3A_2138, %swap3A_2139] {strides = array<i32>} : memref<128x128xf32, #tpu.memory_space<vmem>>, vector<16xf32>,
        tpu.vector_store %arg13[%swap3A_2138, %swap3A_2139], %add3A_2137 {strides = array<i32>} : memref<128x128xf32, #tpu.memory_space<vmem>>, vector<16xf32>,
        %sub3A_2141 = vector.broadcast %mul3A_2044 : f32 to vector<16xf32>
        %sub3A_2142 = arith.subf %add3A_2012, %sub3A_2141 : vector<16xf32>
        %mul3A_2143 = vector.broadcast %mul3A_2077 : f32 to vector<16xf32>
        %mul3A_2144 = arith.mulf %sub3A_2142, %mul3A_2143 : vector<16xf32>
        %mul3A_2145 = arith.mulf %mul3A_2144, %get3A_43 : vector<16xf32>
        %add3A_2146 = arith.addf %mul3A_2145, %get3A_59 : vector<16xf32>
        %swap3A_2147 = arith.index_cast %add3A_1944 : i32 to index
        %swap3A_2148 = arith.constant 112 : index
        %swap3A_2149 = tpu.vector_load %arg13[%swap3A_2147, %swap3A_2148] {strides = array<i32>} : memref<128x128xf32, #tpu.memory_space<vmem>>, vector<16xf32>,
        tpu.vector_store %arg13[%swap3A_2147, %swap3A_2148], %add3A_2146 {strides = array<i32>} : memref<128x128xf32, #tpu.memory_space<vmem>>, vector<16xf32>,
        %mul3A_2150 = arith.constant 16 : i32
        %mul3A_2151 = arith.muli %scan3A_28, %mul3A_2150 : i32
        %add3A_2152 = arith.constant 10 : i32
        %add3A_2153 = arith.addi %mul3A_2151, %add3A_2152 : i32
        %slice3A_2154 = vector.extract_strided_slice %get3A_66 {offsets = [10], sizes = [1], strides = [1]} : vector<16xi32> to vector<1xi32>
        %squeeze3A_2155 = vector.extract %slice3A_2154[0] : i32 from vector<1xi32>
        %mul3A_2156 = arith.constant 128 : i32
        %mul3A_2157 = arith.muli %squeeze3A_2155, %mul3A_2156 : i32
        %get3A_2158 = arith.index_cast %add3A_2153 : i32 to index
        %get3A_2159 = arith.constant 0 : index
        %get3A_2160 = tpu.vector_load %arg12[%get3A_2158, %get3A_2159] {strides = array<i32>} : memref<128x128xf32, #tpu.memory_space<vmem>>, vector<16xf32>,
        %add3A_2161 = arith.constant 0 : i32
        %add3A_2162 = arith.addi %mul3A_2157, %add3A_2161 : i32
        %get3A_2163 = arith.index_cast %add3A_2162 : i32 to index
        %get3A_2164 = tpu.vector_load %arg8[%get3A_2163] {strides = array<i32>} : memref<51200xf32, #tpu.memory_space<vmem>>, vector<16xf32>,
        %add3A_2165 = arith.addf %get3A_2160, %get3A_2164 : vector<16xf32>
        %get3A_2166 = arith.index_cast %add3A_2153 : i32 to index
        %get3A_2167 = arith.constant 16 : index
        %get3A_2168 = tpu.vector_load %arg12[%get3A_2166, %get3A_2167] {strides = array<i32>} : memref<128x128xf32, #tpu.memory_space<vmem>>, vector<16xf32>,
        %add3A_2169 = arith.constant 16 : i32
        %add3A_2170 = arith.addi %mul3A_2157, %add3A_2169 : i32
        %get3A_2171 = arith.index_cast %add3A_2170 : i32 to index
        %get3A_2172 = tpu.vector_load %arg8[%get3A_2171] {strides = array<i32>} : memref<51200xf32, #tpu.memory_space<vmem>>, vector<16xf32>,
        %add3A_2173 = arith.addf %get3A_2168, %get3A_2172 : vector<16xf32>
        %get3A_2174 = arith.index_cast %add3A_2153 : i32 to index
        %get3A_2175 = arith.constant 32 : index
        %get3A_2176 = tpu.vector_load %arg12[%get3A_2174, %get3A_2175] {strides = array<i32>} : memref<128x128xf32, #tpu.memory_space<vmem>>, vector<16xf32>,
        %add3A_2177 = arith.constant 32 : i32
        %add3A_2178 = arith.addi %mul3A_2157, %add3A_2177 : i32
        %get3A_2179 = arith.index_cast %add3A_2178 : i32 to index
        %get3A_2180 = tpu.vector_load %arg8[%get3A_2179] {strides = array<i32>} : memref<51200xf32, #tpu.memory_space<vmem>>, vector<16xf32>,
        %add3A_2181 = arith.addf %get3A_2176, %get3A_2180 : vector<16xf32>
        %get3A_2182 = arith.index_cast %add3A_2153 : i32 to index
        %get3A_2183 = arith.constant 48 : index
        %get3A_2184 = tpu.vector_load %arg12[%get3A_2182, %get3A_2183] {strides = array<i32>} : memref<128x128xf32, #tpu.memory_space<vmem>>, vector<16xf32>,
        %add3A_2185 = arith.constant 48 : i32
        %add3A_2186 = arith.addi %mul3A_2157, %add3A_2185 : i32
        %get3A_2187 = arith.index_cast %add3A_2186 : i32 to index
        %get3A_2188 = tpu.vector_load %arg8[%get3A_2187] {strides = array<i32>} : memref<51200xf32, #tpu.memory_space<vmem>>, vector<16xf32>,
        %add3A_2189 = arith.addf %get3A_2184, %get3A_2188 : vector<16xf32>
        %get3A_2190 = arith.index_cast %add3A_2153 : i32 to index
        %get3A_2191 = arith.constant 64 : index
        %get3A_2192 = tpu.vector_load %arg12[%get3A_2190, %get3A_2191] {strides = array<i32>} : memref<128x128xf32, #tpu.memory_space<vmem>>, vector<16xf32>,
        %add3A_2193 = arith.constant 64 : i32
        %add3A_2194 = arith.addi %mul3A_2157, %add3A_2193 : i32
        %get3A_2195 = arith.index_cast %add3A_2194 : i32 to index
        %get3A_2196 = tpu.vector_load %arg8[%get3A_2195] {strides = array<i32>} : memref<51200xf32, #tpu.memory_space<vmem>>, vector<16xf32>,
        %add3A_2197 = arith.addf %get3A_2192, %get3A_2196 : vector<16xf32>
        %get3A_2198 = arith.index_cast %add3A_2153 : i32 to index
        %get3A_2199 = arith.constant 80 : index
        %get3A_2200 = tpu.vector_load %arg12[%get3A_2198, %get3A_2199] {strides = array<i32>} : memref<128x128xf32, #tpu.memory_space<vmem>>, vector<16xf32>,
        %add3A_2201 = arith.constant 80 : i32
        %add3A_2202 = arith.addi %mul3A_2157, %add3A_2201 : i32
        %get3A_2203 = arith.index_cast %add3A_2202 : i32 to index
        %get3A_2204 = tpu.vector_load %arg8[%get3A_2203] {strides = array<i32>} : memref<51200xf32, #tpu.memory_space<vmem>>, vector<16xf32>,
        %add3A_2205 = arith.addf %get3A_2200, %get3A_2204 : vector<16xf32>
        %get3A_2206 = arith.index_cast %add3A_2153 : i32 to index
        %get3A_2207 = arith.constant 96 : index
        %get3A_2208 = tpu.vector_load %arg12[%get3A_2206, %get3A_2207] {strides = array<i32>} : memref<128x128xf32, #tpu.memory_space<vmem>>, vector<16xf32>,
        %add3A_2209 = arith.constant 96 : i32
        %add3A_2210 = arith.addi %mul3A_2157, %add3A_2209 : i32
        %get3A_2211 = arith.index_cast %add3A_2210 : i32 to index
        %get3A_2212 = tpu.vector_load %arg8[%get3A_2211] {strides = array<i32>} : memref<51200xf32, #tpu.memory_space<vmem>>, vector<16xf32>,
        %add3A_2213 = arith.addf %get3A_2208, %get3A_2212 : vector<16xf32>
        %get3A_2214 = arith.index_cast %add3A_2153 : i32 to index
        %get3A_2215 = arith.constant 112 : index
        %get3A_2216 = tpu.vector_load %arg12[%get3A_2214, %get3A_2215] {strides = array<i32>} : memref<128x128xf32, #tpu.memory_space<vmem>>, vector<16xf32>,
        %add3A_2217 = arith.constant 112 : i32
        %add3A_2218 = arith.addi %mul3A_2157, %add3A_2217 : i32
        %get3A_2219 = arith.index_cast %add3A_2218 : i32 to index
        %get3A_2220 = tpu.vector_load %arg8[%get3A_2219] {strides = array<i32>} : memref<51200xf32, #tpu.memory_space<vmem>>, vector<16xf32>,
        %add3A_2221 = arith.addf %get3A_2216, %get3A_2220 : vector<16xf32>
        %add3A_2222 = arith.addf %add3A_2165, %add3A_2173 : vector<16xf32>
        %add3A_2223 = arith.addf %add3A_2222, %add3A_2181 : vector<16xf32>
        %add3A_2224 = arith.addf %add3A_2223, %add3A_2189 : vector<16xf32>
        %add3A_2225 = arith.addf %add3A_2224, %add3A_2197 : vector<16xf32>
        %add3A_2226 = arith.addf %add3A_2225, %add3A_2205 : vector<16xf32>
        %add3A_2227 = arith.addf %add3A_2226, %add3A_2213 : vector<16xf32>
        %add3A_2228 = arith.addf %add3A_2227, %add3A_2221 : vector<16xf32>
        %mul3A_2229 = arith.mulf %add3A_2165, %add3A_2165 : vector<16xf32>
        %mul3A_2230 = arith.mulf %add3A_2173, %add3A_2173 : vector<16xf32>
        %add3A_2231 = arith.addf %mul3A_2229, %mul3A_2230 : vector<16xf32>
        %mul3A_2232 = arith.mulf %add3A_2181, %add3A_2181 : vector<16xf32>
        %add3A_2233 = arith.addf %add3A_2231, %mul3A_2232 : vector<16xf32>
        %mul3A_2234 = arith.mulf %add3A_2189, %add3A_2189 : vector<16xf32>
        %add3A_2235 = arith.addf %add3A_2233, %mul3A_2234 : vector<16xf32>
        %mul3A_2236 = arith.mulf %add3A_2197, %add3A_2197 : vector<16xf32>
        %add3A_2237 = arith.addf %add3A_2235, %mul3A_2236 : vector<16xf32>
        %mul3A_2238 = arith.mulf %add3A_2205, %add3A_2205 : vector<16xf32>
        %add3A_2239 = arith.addf %add3A_2237, %mul3A_2238 : vector<16xf32>
        %mul3A_2240 = arith.mulf %add3A_2213, %add3A_2213 : vector<16xf32>
        %add3A_2241 = arith.addf %add3A_2239, %mul3A_2240 : vector<16xf32>
        %mul3A_2242 = arith.mulf %add3A_2221, %add3A_2221 : vector<16xf32>
        %add3A_2243 = arith.addf %add3A_2241, %mul3A_2242 : vector<16xf32>
        %reduce_sum3A_2244 = arith.constant true
        %reduce_sum3A_2245 = vector.broadcast %reduce_sum3A_2244 : i1 to vector<16xi1>
        %reduce_sum3A_2246 = tpu.scan <sum>, %add3A_2228 masked %reduce_sum3A_2245 : vector<16xf32>, vector<16xi1> -> vector<16xf32>
        %reduce_sum3A_2247 = vector.extract %reduce_sum3A_2246[15] : f32 from vector<16xf32>
        %reduce_sum3A_2248 = arith.constant true
        %reduce_sum3A_2249 = vector.broadcast %reduce_sum3A_2248 : i1 to vector<16xi1>
        %reduce_sum3A_2250 = tpu.scan <sum>, %add3A_2243 masked %reduce_sum3A_2249 : vector<16xf32>, vector<16xi1> -> vector<16xf32>
        %reduce_sum3A_2251 = vector.extract %reduce_sum3A_2250[15] : f32 from vector<16xf32>
        %mul3A_2252 = arith.constant 7.812500e-03 : f32
        %mul3A_2253 = arith.mulf %reduce_sum3A_2247, %mul3A_2252 : f32
        %mul3A_2254 = arith.constant 7.812500e-03 : f32
        %mul3A_2255 = arith.mulf %reduce_sum3A_2251, %mul3A_2254 : f32
        %mul3A_2256 = arith.mulf %mul3A_2253, %mul3A_2253 : f32
        %sub3A_2257 = arith.subf %mul3A_2255, %mul3A_2256 : f32
        %add3A_2258 = arith.constant 9.99999996E-13 : f32
        %add3A_2259 = arith.addf %sub3A_2257, %add3A_2258 : f32
        %bitcast_convert_type3A_2260 = arith.bitcast %add3A_2259 : f32 to i32
        %shift_right_logical3A_2261 = arith.constant 1 : i32
        %shift_right_logical3A_2262 = arith.shrui %bitcast_convert_type3A_2260, %shift_right_logical3A_2261 : i32
        %sub3A_2263 = arith.constant 1597463007 : i32
        %sub3A_2264 = arith.subi %sub3A_2263, %shift_right_logical3A_2262 : i32
        %bitcast_convert_type3A_2265 = arith.bitcast %sub3A_2264 : i32 to f32
        %mul3A_2266 = arith.constant 5.000000e-01 : f32
        %mul3A_2267 = arith.mulf %mul3A_2266, %add3A_2259 : f32
        %mul3A_2268 = arith.mulf %mul3A_2267, %bitcast_convert_type3A_2265 : f32
        %mul3A_2269 = arith.mulf %mul3A_2268, %bitcast_convert_type3A_2265 : f32
        %sub3A_2270 = arith.constant 1.500000e+00 : f32
        %sub3A_2271 = arith.subf %sub3A_2270, %mul3A_2269 : f32
        %mul3A_2272 = arith.mulf %bitcast_convert_type3A_2265, %sub3A_2271 : f32
        %mul3A_2273 = arith.constant 5.000000e-01 : f32
        %mul3A_2274 = arith.mulf %mul3A_2273, %add3A_2259 : f32
        %mul3A_2275 = arith.mulf %mul3A_2274, %mul3A_2272 : f32
        %mul3A_2276 = arith.mulf %mul3A_2275, %mul3A_2272 : f32
        %sub3A_2277 = arith.constant 1.500000e+00 : f32
        %sub3A_2278 = arith.subf %sub3A_2277, %mul3A_2276 : f32
        %mul3A_2279 = arith.mulf %mul3A_2272, %sub3A_2278 : f32
        %mul3A_2280 = arith.constant 5.000000e-01 : f32
        %mul3A_2281 = arith.mulf %mul3A_2280, %add3A_2259 : f32
        %mul3A_2282 = arith.mulf %mul3A_2281, %mul3A_2279 : f32
        %mul3A_2283 = arith.mulf %mul3A_2282, %mul3A_2279 : f32
        %sub3A_2284 = arith.constant 1.500000e+00 : f32
        %sub3A_2285 = arith.subf %sub3A_2284, %mul3A_2283 : f32
        %mul3A_2286 = arith.mulf %mul3A_2279, %sub3A_2285 : f32
        %sub3A_2287 = vector.broadcast %mul3A_2253 : f32 to vector<16xf32>
        %sub3A_2288 = arith.subf %add3A_2165, %sub3A_2287 : vector<16xf32>
        %mul3A_2289 = vector.broadcast %mul3A_2286 : f32 to vector<16xf32>
        %mul3A_2290 = arith.mulf %sub3A_2288, %mul3A_2289 : vector<16xf32>
        %mul3A_2291 = arith.mulf %mul3A_2290, %get3A_29 : vector<16xf32>
        %add3A_2292 = arith.addf %mul3A_2291, %get3A_45 : vector<16xf32>
        %swap3A_2293 = arith.index_cast %add3A_2153 : i32 to index
        %swap3A_2294 = arith.constant 0 : index
        %swap3A_2295 = tpu.vector_load %arg13[%swap3A_2293, %swap3A_2294] {strides = array<i32>} : memref<128x128xf32, #tpu.memory_space<vmem>>, vector<16xf32>,
        tpu.vector_store %arg13[%swap3A_2293, %swap3A_2294], %add3A_2292 {strides = array<i32>} : memref<128x128xf32, #tpu.memory_space<vmem>>, vector<16xf32>,
        %sub3A_2296 = vector.broadcast %mul3A_2253 : f32 to vector<16xf32>
        %sub3A_2297 = arith.subf %add3A_2173, %sub3A_2296 : vector<16xf32>
        %mul3A_2298 = vector.broadcast %mul3A_2286 : f32 to vector<16xf32>
        %mul3A_2299 = arith.mulf %sub3A_2297, %mul3A_2298 : vector<16xf32>
        %mul3A_2300 = arith.mulf %mul3A_2299, %get3A_31 : vector<16xf32>
        %add3A_2301 = arith.addf %mul3A_2300, %get3A_47 : vector<16xf32>
        %swap3A_2302 = arith.index_cast %add3A_2153 : i32 to index
        %swap3A_2303 = arith.constant 16 : index
        %swap3A_2304 = tpu.vector_load %arg13[%swap3A_2302, %swap3A_2303] {strides = array<i32>} : memref<128x128xf32, #tpu.memory_space<vmem>>, vector<16xf32>,
        tpu.vector_store %arg13[%swap3A_2302, %swap3A_2303], %add3A_2301 {strides = array<i32>} : memref<128x128xf32, #tpu.memory_space<vmem>>, vector<16xf32>,
        %sub3A_2305 = vector.broadcast %mul3A_2253 : f32 to vector<16xf32>
        %sub3A_2306 = arith.subf %add3A_2181, %sub3A_2305 : vector<16xf32>
        %mul3A_2307 = vector.broadcast %mul3A_2286 : f32 to vector<16xf32>
        %mul3A_2308 = arith.mulf %sub3A_2306, %mul3A_2307 : vector<16xf32>
        %mul3A_2309 = arith.mulf %mul3A_2308, %get3A_33 : vector<16xf32>
        %add3A_2310 = arith.addf %mul3A_2309, %get3A_49 : vector<16xf32>
        %swap3A_2311 = arith.index_cast %add3A_2153 : i32 to index
        %swap3A_2312 = arith.constant 32 : index
        %swap3A_2313 = tpu.vector_load %arg13[%swap3A_2311, %swap3A_2312] {strides = array<i32>} : memref<128x128xf32, #tpu.memory_space<vmem>>, vector<16xf32>,
        tpu.vector_store %arg13[%swap3A_2311, %swap3A_2312], %add3A_2310 {strides = array<i32>} : memref<128x128xf32, #tpu.memory_space<vmem>>, vector<16xf32>,
        %sub3A_2314 = vector.broadcast %mul3A_2253 : f32 to vector<16xf32>
        %sub3A_2315 = arith.subf %add3A_2189, %sub3A_2314 : vector<16xf32>
        %mul3A_2316 = vector.broadcast %mul3A_2286 : f32 to vector<16xf32>
        %mul3A_2317 = arith.mulf %sub3A_2315, %mul3A_2316 : vector<16xf32>
        %mul3A_2318 = arith.mulf %mul3A_2317, %get3A_35 : vector<16xf32>
        %add3A_2319 = arith.addf %mul3A_2318, %get3A_51 : vector<16xf32>
        %swap3A_2320 = arith.index_cast %add3A_2153 : i32 to index
        %swap3A_2321 = arith.constant 48 : index
        %swap3A_2322 = tpu.vector_load %arg13[%swap3A_2320, %swap3A_2321] {strides = array<i32>} : memref<128x128xf32, #tpu.memory_space<vmem>>, vector<16xf32>,
        tpu.vector_store %arg13[%swap3A_2320, %swap3A_2321], %add3A_2319 {strides = array<i32>} : memref<128x128xf32, #tpu.memory_space<vmem>>, vector<16xf32>,
        %sub3A_2323 = vector.broadcast %mul3A_2253 : f32 to vector<16xf32>
        %sub3A_2324 = arith.subf %add3A_2197, %sub3A_2323 : vector<16xf32>
        %mul3A_2325 = vector.broadcast %mul3A_2286 : f32 to vector<16xf32>
        %mul3A_2326 = arith.mulf %sub3A_2324, %mul3A_2325 : vector<16xf32>
        %mul3A_2327 = arith.mulf %mul3A_2326, %get3A_37 : vector<16xf32>
        %add3A_2328 = arith.addf %mul3A_2327, %get3A_53 : vector<16xf32>
        %swap3A_2329 = arith.index_cast %add3A_2153 : i32 to index
        %swap3A_2330 = arith.constant 64 : index
        %swap3A_2331 = tpu.vector_load %arg13[%swap3A_2329, %swap3A_2330] {strides = array<i32>} : memref<128x128xf32, #tpu.memory_space<vmem>>, vector<16xf32>,
        tpu.vector_store %arg13[%swap3A_2329, %swap3A_2330], %add3A_2328 {strides = array<i32>} : memref<128x128xf32, #tpu.memory_space<vmem>>, vector<16xf32>,
        %sub3A_2332 = vector.broadcast %mul3A_2253 : f32 to vector<16xf32>
        %sub3A_2333 = arith.subf %add3A_2205, %sub3A_2332 : vector<16xf32>
        %mul3A_2334 = vector.broadcast %mul3A_2286 : f32 to vector<16xf32>
        %mul3A_2335 = arith.mulf %sub3A_2333, %mul3A_2334 : vector<16xf32>
        %mul3A_2336 = arith.mulf %mul3A_2335, %get3A_39 : vector<16xf32>
        %add3A_2337 = arith.addf %mul3A_2336, %get3A_55 : vector<16xf32>
        %swap3A_2338 = arith.index_cast %add3A_2153 : i32 to index
        %swap3A_2339 = arith.constant 80 : index
        %swap3A_2340 = tpu.vector_load %arg13[%swap3A_2338, %swap3A_2339] {strides = array<i32>} : memref<128x128xf32, #tpu.memory_space<vmem>>, vector<16xf32>,
        tpu.vector_store %arg13[%swap3A_2338, %swap3A_2339], %add3A_2337 {strides = array<i32>} : memref<128x128xf32, #tpu.memory_space<vmem>>, vector<16xf32>,
        %sub3A_2341 = vector.broadcast %mul3A_2253 : f32 to vector<16xf32>
        %sub3A_2342 = arith.subf %add3A_2213, %sub3A_2341 : vector<16xf32>
        %mul3A_2343 = vector.broadcast %mul3A_2286 : f32 to vector<16xf32>
        %mul3A_2344 = arith.mulf %sub3A_2342, %mul3A_2343 : vector<16xf32>
        %mul3A_2345 = arith.mulf %mul3A_2344, %get3A_41 : vector<16xf32>
        %add3A_2346 = arith.addf %mul3A_2345, %get3A_57 : vector<16xf32>
        %swap3A_2347 = arith.index_cast %add3A_2153 : i32 to index
        %swap3A_2348 = arith.constant 96 : index
        %swap3A_2349 = tpu.vector_load %arg13[%swap3A_2347, %swap3A_2348] {strides = array<i32>} : memref<128x128xf32, #tpu.memory_space<vmem>>, vector<16xf32>,
        tpu.vector_store %arg13[%swap3A_2347, %swap3A_2348], %add3A_2346 {strides = array<i32>} : memref<128x128xf32, #tpu.memory_space<vmem>>, vector<16xf32>,
        %sub3A_2350 = vector.broadcast %mul3A_2253 : f32 to vector<16xf32>
        %sub3A_2351 = arith.subf %add3A_2221, %sub3A_2350 : vector<16xf32>
        %mul3A_2352 = vector.broadcast %mul3A_2286 : f32 to vector<16xf32>
        %mul3A_2353 = arith.mulf %sub3A_2351, %mul3A_2352 : vector<16xf32>
        %mul3A_2354 = arith.mulf %mul3A_2353, %get3A_43 : vector<16xf32>
        %add3A_2355 = arith.addf %mul3A_2354, %get3A_59 : vector<16xf32>
        %swap3A_2356 = arith.index_cast %add3A_2153 : i32 to index
        %swap3A_2357 = arith.constant 112 : index
        %swap3A_2358 = tpu.vector_load %arg13[%swap3A_2356, %swap3A_2357] {strides = array<i32>} : memref<128x128xf32, #tpu.memory_space<vmem>>, vector<16xf32>,
        tpu.vector_store %arg13[%swap3A_2356, %swap3A_2357], %add3A_2355 {strides = array<i32>} : memref<128x128xf32, #tpu.memory_space<vmem>>, vector<16xf32>,
        %mul3A_2359 = arith.constant 16 : i32
        %mul3A_2360 = arith.muli %scan3A_28, %mul3A_2359 : i32
        %add3A_2361 = arith.constant 11 : i32
        %add3A_2362 = arith.addi %mul3A_2360, %add3A_2361 : i32
        %slice3A_2363 = vector.extract_strided_slice %get3A_66 {offsets = [11], sizes = [1], strides = [1]} : vector<16xi32> to vector<1xi32>
        %squeeze3A_2364 = vector.extract %slice3A_2363[0] : i32 from vector<1xi32>
        %mul3A_2365 = arith.constant 128 : i32
        %mul3A_2366 = arith.muli %squeeze3A_2364, %mul3A_2365 : i32
        %get3A_2367 = arith.index_cast %add3A_2362 : i32 to index
        %get3A_2368 = arith.constant 0 : index
        %get3A_2369 = tpu.vector_load %arg12[%get3A_2367, %get3A_2368] {strides = array<i32>} : memref<128x128xf32, #tpu.memory_space<vmem>>, vector<16xf32>,
        %add3A_2370 = arith.constant 0 : i32
        %add3A_2371 = arith.addi %mul3A_2366, %add3A_2370 : i32
        %get3A_2372 = arith.index_cast %add3A_2371 : i32 to index
        %get3A_2373 = tpu.vector_load %arg8[%get3A_2372] {strides = array<i32>} : memref<51200xf32, #tpu.memory_space<vmem>>, vector<16xf32>,
        %add3A_2374 = arith.addf %get3A_2369, %get3A_2373 : vector<16xf32>
        %get3A_2375 = arith.index_cast %add3A_2362 : i32 to index
        %get3A_2376 = arith.constant 16 : index
        %get3A_2377 = tpu.vector_load %arg12[%get3A_2375, %get3A_2376] {strides = array<i32>} : memref<128x128xf32, #tpu.memory_space<vmem>>, vector<16xf32>,
        %add3A_2378 = arith.constant 16 : i32
        %add3A_2379 = arith.addi %mul3A_2366, %add3A_2378 : i32
        %get3A_2380 = arith.index_cast %add3A_2379 : i32 to index
        %get3A_2381 = tpu.vector_load %arg8[%get3A_2380] {strides = array<i32>} : memref<51200xf32, #tpu.memory_space<vmem>>, vector<16xf32>,
        %add3A_2382 = arith.addf %get3A_2377, %get3A_2381 : vector<16xf32>
        %get3A_2383 = arith.index_cast %add3A_2362 : i32 to index
        %get3A_2384 = arith.constant 32 : index
        %get3A_2385 = tpu.vector_load %arg12[%get3A_2383, %get3A_2384] {strides = array<i32>} : memref<128x128xf32, #tpu.memory_space<vmem>>, vector<16xf32>,
        %add3A_2386 = arith.constant 32 : i32
        %add3A_2387 = arith.addi %mul3A_2366, %add3A_2386 : i32
        %get3A_2388 = arith.index_cast %add3A_2387 : i32 to index
        %get3A_2389 = tpu.vector_load %arg8[%get3A_2388] {strides = array<i32>} : memref<51200xf32, #tpu.memory_space<vmem>>, vector<16xf32>,
        %add3A_2390 = arith.addf %get3A_2385, %get3A_2389 : vector<16xf32>
        %get3A_2391 = arith.index_cast %add3A_2362 : i32 to index
        %get3A_2392 = arith.constant 48 : index
        %get3A_2393 = tpu.vector_load %arg12[%get3A_2391, %get3A_2392] {strides = array<i32>} : memref<128x128xf32, #tpu.memory_space<vmem>>, vector<16xf32>,
        %add3A_2394 = arith.constant 48 : i32
        %add3A_2395 = arith.addi %mul3A_2366, %add3A_2394 : i32
        %get3A_2396 = arith.index_cast %add3A_2395 : i32 to index
        %get3A_2397 = tpu.vector_load %arg8[%get3A_2396] {strides = array<i32>} : memref<51200xf32, #tpu.memory_space<vmem>>, vector<16xf32>,
        %add3A_2398 = arith.addf %get3A_2393, %get3A_2397 : vector<16xf32>
        %get3A_2399 = arith.index_cast %add3A_2362 : i32 to index
        %get3A_2400 = arith.constant 64 : index
        %get3A_2401 = tpu.vector_load %arg12[%get3A_2399, %get3A_2400] {strides = array<i32>} : memref<128x128xf32, #tpu.memory_space<vmem>>, vector<16xf32>,
        %add3A_2402 = arith.constant 64 : i32
        %add3A_2403 = arith.addi %mul3A_2366, %add3A_2402 : i32
        %get3A_2404 = arith.index_cast %add3A_2403 : i32 to index
        %get3A_2405 = tpu.vector_load %arg8[%get3A_2404] {strides = array<i32>} : memref<51200xf32, #tpu.memory_space<vmem>>, vector<16xf32>,
        %add3A_2406 = arith.addf %get3A_2401, %get3A_2405 : vector<16xf32>
        %get3A_2407 = arith.index_cast %add3A_2362 : i32 to index
        %get3A_2408 = arith.constant 80 : index
        %get3A_2409 = tpu.vector_load %arg12[%get3A_2407, %get3A_2408] {strides = array<i32>} : memref<128x128xf32, #tpu.memory_space<vmem>>, vector<16xf32>,
        %add3A_2410 = arith.constant 80 : i32
        %add3A_2411 = arith.addi %mul3A_2366, %add3A_2410 : i32
        %get3A_2412 = arith.index_cast %add3A_2411 : i32 to index
        %get3A_2413 = tpu.vector_load %arg8[%get3A_2412] {strides = array<i32>} : memref<51200xf32, #tpu.memory_space<vmem>>, vector<16xf32>,
        %add3A_2414 = arith.addf %get3A_2409, %get3A_2413 : vector<16xf32>
        %get3A_2415 = arith.index_cast %add3A_2362 : i32 to index
        %get3A_2416 = arith.constant 96 : index
        %get3A_2417 = tpu.vector_load %arg12[%get3A_2415, %get3A_2416] {strides = array<i32>} : memref<128x128xf32, #tpu.memory_space<vmem>>, vector<16xf32>,
        %add3A_2418 = arith.constant 96 : i32
        %add3A_2419 = arith.addi %mul3A_2366, %add3A_2418 : i32
        %get3A_2420 = arith.index_cast %add3A_2419 : i32 to index
        %get3A_2421 = tpu.vector_load %arg8[%get3A_2420] {strides = array<i32>} : memref<51200xf32, #tpu.memory_space<vmem>>, vector<16xf32>,
        %add3A_2422 = arith.addf %get3A_2417, %get3A_2421 : vector<16xf32>
        %get3A_2423 = arith.index_cast %add3A_2362 : i32 to index
        %get3A_2424 = arith.constant 112 : index
        %get3A_2425 = tpu.vector_load %arg12[%get3A_2423, %get3A_2424] {strides = array<i32>} : memref<128x128xf32, #tpu.memory_space<vmem>>, vector<16xf32>,
        %add3A_2426 = arith.constant 112 : i32
        %add3A_2427 = arith.addi %mul3A_2366, %add3A_2426 : i32
        %get3A_2428 = arith.index_cast %add3A_2427 : i32 to index
        %get3A_2429 = tpu.vector_load %arg8[%get3A_2428] {strides = array<i32>} : memref<51200xf32, #tpu.memory_space<vmem>>, vector<16xf32>,
        %add3A_2430 = arith.addf %get3A_2425, %get3A_2429 : vector<16xf32>
        %add3A_2431 = arith.addf %add3A_2374, %add3A_2382 : vector<16xf32>
        %add3A_2432 = arith.addf %add3A_2431, %add3A_2390 : vector<16xf32>
        %add3A_2433 = arith.addf %add3A_2432, %add3A_2398 : vector<16xf32>
        %add3A_2434 = arith.addf %add3A_2433, %add3A_2406 : vector<16xf32>
        %add3A_2435 = arith.addf %add3A_2434, %add3A_2414 : vector<16xf32>
        %add3A_2436 = arith.addf %add3A_2435, %add3A_2422 : vector<16xf32>
        %add3A_2437 = arith.addf %add3A_2436, %add3A_2430 : vector<16xf32>
        %mul3A_2438 = arith.mulf %add3A_2374, %add3A_2374 : vector<16xf32>
        %mul3A_2439 = arith.mulf %add3A_2382, %add3A_2382 : vector<16xf32>
        %add3A_2440 = arith.addf %mul3A_2438, %mul3A_2439 : vector<16xf32>
        %mul3A_2441 = arith.mulf %add3A_2390, %add3A_2390 : vector<16xf32>
        %add3A_2442 = arith.addf %add3A_2440, %mul3A_2441 : vector<16xf32>
        %mul3A_2443 = arith.mulf %add3A_2398, %add3A_2398 : vector<16xf32>
        %add3A_2444 = arith.addf %add3A_2442, %mul3A_2443 : vector<16xf32>
        %mul3A_2445 = arith.mulf %add3A_2406, %add3A_2406 : vector<16xf32>
        %add3A_2446 = arith.addf %add3A_2444, %mul3A_2445 : vector<16xf32>
        %mul3A_2447 = arith.mulf %add3A_2414, %add3A_2414 : vector<16xf32>
        %add3A_2448 = arith.addf %add3A_2446, %mul3A_2447 : vector<16xf32>
        %mul3A_2449 = arith.mulf %add3A_2422, %add3A_2422 : vector<16xf32>
        %add3A_2450 = arith.addf %add3A_2448, %mul3A_2449 : vector<16xf32>
        %mul3A_2451 = arith.mulf %add3A_2430, %add3A_2430 : vector<16xf32>
        %add3A_2452 = arith.addf %add3A_2450, %mul3A_2451 : vector<16xf32>
        %reduce_sum3A_2453 = arith.constant true
        %reduce_sum3A_2454 = vector.broadcast %reduce_sum3A_2453 : i1 to vector<16xi1>
        %reduce_sum3A_2455 = tpu.scan <sum>, %add3A_2437 masked %reduce_sum3A_2454 : vector<16xf32>, vector<16xi1> -> vector<16xf32>
        %reduce_sum3A_2456 = vector.extract %reduce_sum3A_2455[15] : f32 from vector<16xf32>
        %reduce_sum3A_2457 = arith.constant true
        %reduce_sum3A_2458 = vector.broadcast %reduce_sum3A_2457 : i1 to vector<16xi1>
        %reduce_sum3A_2459 = tpu.scan <sum>, %add3A_2452 masked %reduce_sum3A_2458 : vector<16xf32>, vector<16xi1> -> vector<16xf32>
        %reduce_sum3A_2460 = vector.extract %reduce_sum3A_2459[15] : f32 from vector<16xf32>
        %mul3A_2461 = arith.constant 7.812500e-03 : f32
        %mul3A_2462 = arith.mulf %reduce_sum3A_2456, %mul3A_2461 : f32
        %mul3A_2463 = arith.constant 7.812500e-03 : f32
        %mul3A_2464 = arith.mulf %reduce_sum3A_2460, %mul3A_2463 : f32
        %mul3A_2465 = arith.mulf %mul3A_2462, %mul3A_2462 : f32
        %sub3A_2466 = arith.subf %mul3A_2464, %mul3A_2465 : f32
        %add3A_2467 = arith.constant 9.99999996E-13 : f32
        %add3A_2468 = arith.addf %sub3A_2466, %add3A_2467 : f32
        %bitcast_convert_type3A_2469 = arith.bitcast %add3A_2468 : f32 to i32
        %shift_right_logical3A_2470 = arith.constant 1 : i32
        %shift_right_logical3A_2471 = arith.shrui %bitcast_convert_type3A_2469, %shift_right_logical3A_2470 : i32
        %sub3A_2472 = arith.constant 1597463007 : i32
        %sub3A_2473 = arith.subi %sub3A_2472, %shift_right_logical3A_2471 : i32
        %bitcast_convert_type3A_2474 = arith.bitcast %sub3A_2473 : i32 to f32
        %mul3A_2475 = arith.constant 5.000000e-01 : f32
        %mul3A_2476 = arith.mulf %mul3A_2475, %add3A_2468 : f32
        %mul3A_2477 = arith.mulf %mul3A_2476, %bitcast_convert_type3A_2474 : f32
        %mul3A_2478 = arith.mulf %mul3A_2477, %bitcast_convert_type3A_2474 : f32
        %sub3A_2479 = arith.constant 1.500000e+00 : f32
        %sub3A_2480 = arith.subf %sub3A_2479, %mul3A_2478 : f32
        %mul3A_2481 = arith.mulf %bitcast_convert_type3A_2474, %sub3A_2480 : f32
        %mul3A_2482 = arith.constant 5.000000e-01 : f32
        %mul3A_2483 = arith.mulf %mul3A_2482, %add3A_2468 : f32
        %mul3A_2484 = arith.mulf %mul3A_2483, %mul3A_2481 : f32
        %mul3A_2485 = arith.mulf %mul3A_2484, %mul3A_2481 : f32
        %sub3A_2486 = arith.constant 1.500000e+00 : f32
        %sub3A_2487 = arith.subf %sub3A_2486, %mul3A_2485 : f32
        %mul3A_2488 = arith.mulf %mul3A_2481, %sub3A_2487 : f32
        %mul3A_2489 = arith.constant 5.000000e-01 : f32
        %mul3A_2490 = arith.mulf %mul3A_2489, %add3A_2468 : f32
        %mul3A_2491 = arith.mulf %mul3A_2490, %mul3A_2488 : f32
        %mul3A_2492 = arith.mulf %mul3A_2491, %mul3A_2488 : f32
        %sub3A_2493 = arith.constant 1.500000e+00 : f32
        %sub3A_2494 = arith.subf %sub3A_2493, %mul3A_2492 : f32
        %mul3A_2495 = arith.mulf %mul3A_2488, %sub3A_2494 : f32
        %sub3A_2496 = vector.broadcast %mul3A_2462 : f32 to vector<16xf32>
        %sub3A_2497 = arith.subf %add3A_2374, %sub3A_2496 : vector<16xf32>
        %mul3A_2498 = vector.broadcast %mul3A_2495 : f32 to vector<16xf32>
        %mul3A_2499 = arith.mulf %sub3A_2497, %mul3A_2498 : vector<16xf32>
        %mul3A_2500 = arith.mulf %mul3A_2499, %get3A_29 : vector<16xf32>
        %add3A_2501 = arith.addf %mul3A_2500, %get3A_45 : vector<16xf32>
        %swap3A_2502 = arith.index_cast %add3A_2362 : i32 to index
        %swap3A_2503 = arith.constant 0 : index
        %swap3A_2504 = tpu.vector_load %arg13[%swap3A_2502, %swap3A_2503] {strides = array<i32>} : memref<128x128xf32, #tpu.memory_space<vmem>>, vector<16xf32>,
        tpu.vector_store %arg13[%swap3A_2502, %swap3A_2503], %add3A_2501 {strides = array<i32>} : memref<128x128xf32, #tpu.memory_space<vmem>>, vector<16xf32>,
        %sub3A_2505 = vector.broadcast %mul3A_2462 : f32 to vector<16xf32>
        %sub3A_2506 = arith.subf %add3A_2382, %sub3A_2505 : vector<16xf32>
        %mul3A_2507 = vector.broadcast %mul3A_2495 : f32 to vector<16xf32>
        %mul3A_2508 = arith.mulf %sub3A_2506, %mul3A_2507 : vector<16xf32>
        %mul3A_2509 = arith.mulf %mul3A_2508, %get3A_31 : vector<16xf32>
        %add3A_2510 = arith.addf %mul3A_2509, %get3A_47 : vector<16xf32>
        %swap3A_2511 = arith.index_cast %add3A_2362 : i32 to index
        %swap3A_2512 = arith.constant 16 : index
        %swap3A_2513 = tpu.vector_load %arg13[%swap3A_2511, %swap3A_2512] {strides = array<i32>} : memref<128x128xf32, #tpu.memory_space<vmem>>, vector<16xf32>,
        tpu.vector_store %arg13[%swap3A_2511, %swap3A_2512], %add3A_2510 {strides = array<i32>} : memref<128x128xf32, #tpu.memory_space<vmem>>, vector<16xf32>,
        %sub3A_2514 = vector.broadcast %mul3A_2462 : f32 to vector<16xf32>
        %sub3A_2515 = arith.subf %add3A_2390, %sub3A_2514 : vector<16xf32>
        %mul3A_2516 = vector.broadcast %mul3A_2495 : f32 to vector<16xf32>
        %mul3A_2517 = arith.mulf %sub3A_2515, %mul3A_2516 : vector<16xf32>
        %mul3A_2518 = arith.mulf %mul3A_2517, %get3A_33 : vector<16xf32>
        %add3A_2519 = arith.addf %mul3A_2518, %get3A_49 : vector<16xf32>
        %swap3A_2520 = arith.index_cast %add3A_2362 : i32 to index
        %swap3A_2521 = arith.constant 32 : index
        %swap3A_2522 = tpu.vector_load %arg13[%swap3A_2520, %swap3A_2521] {strides = array<i32>} : memref<128x128xf32, #tpu.memory_space<vmem>>, vector<16xf32>,
        tpu.vector_store %arg13[%swap3A_2520, %swap3A_2521], %add3A_2519 {strides = array<i32>} : memref<128x128xf32, #tpu.memory_space<vmem>>, vector<16xf32>,
        %sub3A_2523 = vector.broadcast %mul3A_2462 : f32 to vector<16xf32>
        %sub3A_2524 = arith.subf %add3A_2398, %sub3A_2523 : vector<16xf32>
        %mul3A_2525 = vector.broadcast %mul3A_2495 : f32 to vector<16xf32>
        %mul3A_2526 = arith.mulf %sub3A_2524, %mul3A_2525 : vector<16xf32>
        %mul3A_2527 = arith.mulf %mul3A_2526, %get3A_35 : vector<16xf32>
        %add3A_2528 = arith.addf %mul3A_2527, %get3A_51 : vector<16xf32>
        %swap3A_2529 = arith.index_cast %add3A_2362 : i32 to index
        %swap3A_2530 = arith.constant 48 : index
        %swap3A_2531 = tpu.vector_load %arg13[%swap3A_2529, %swap3A_2530] {strides = array<i32>} : memref<128x128xf32, #tpu.memory_space<vmem>>, vector<16xf32>,
        tpu.vector_store %arg13[%swap3A_2529, %swap3A_2530], %add3A_2528 {strides = array<i32>} : memref<128x128xf32, #tpu.memory_space<vmem>>, vector<16xf32>,
        %sub3A_2532 = vector.broadcast %mul3A_2462 : f32 to vector<16xf32>
        %sub3A_2533 = arith.subf %add3A_2406, %sub3A_2532 : vector<16xf32>
        %mul3A_2534 = vector.broadcast %mul3A_2495 : f32 to vector<16xf32>
        %mul3A_2535 = arith.mulf %sub3A_2533, %mul3A_2534 : vector<16xf32>
        %mul3A_2536 = arith.mulf %mul3A_2535, %get3A_37 : vector<16xf32>
        %add3A_2537 = arith.addf %mul3A_2536, %get3A_53 : vector<16xf32>
        %swap3A_2538 = arith.index_cast %add3A_2362 : i32 to index
        %swap3A_2539 = arith.constant 64 : index
        %swap3A_2540 = tpu.vector_load %arg13[%swap3A_2538, %swap3A_2539] {strides = array<i32>} : memref<128x128xf32, #tpu.memory_space<vmem>>, vector<16xf32>,
        tpu.vector_store %arg13[%swap3A_2538, %swap3A_2539], %add3A_2537 {strides = array<i32>} : memref<128x128xf32, #tpu.memory_space<vmem>>, vector<16xf32>,
        %sub3A_2541 = vector.broadcast %mul3A_2462 : f32 to vector<16xf32>
        %sub3A_2542 = arith.subf %add3A_2414, %sub3A_2541 : vector<16xf32>
        %mul3A_2543 = vector.broadcast %mul3A_2495 : f32 to vector<16xf32>
        %mul3A_2544 = arith.mulf %sub3A_2542, %mul3A_2543 : vector<16xf32>
        %mul3A_2545 = arith.mulf %mul3A_2544, %get3A_39 : vector<16xf32>
        %add3A_2546 = arith.addf %mul3A_2545, %get3A_55 : vector<16xf32>
        %swap3A_2547 = arith.index_cast %add3A_2362 : i32 to index
        %swap3A_2548 = arith.constant 80 : index
        %swap3A_2549 = tpu.vector_load %arg13[%swap3A_2547, %swap3A_2548] {strides = array<i32>} : memref<128x128xf32, #tpu.memory_space<vmem>>, vector<16xf32>,
        tpu.vector_store %arg13[%swap3A_2547, %swap3A_2548], %add3A_2546 {strides = array<i32>} : memref<128x128xf32, #tpu.memory_space<vmem>>, vector<16xf32>,
        %sub3A_2550 = vector.broadcast %mul3A_2462 : f32 to vector<16xf32>
        %sub3A_2551 = arith.subf %add3A_2422, %sub3A_2550 : vector<16xf32>
        %mul3A_2552 = vector.broadcast %mul3A_2495 : f32 to vector<16xf32>
        %mul3A_2553 = arith.mulf %sub3A_2551, %mul3A_2552 : vector<16xf32>
        %mul3A_2554 = arith.mulf %mul3A_2553, %get3A_41 : vector<16xf32>
        %add3A_2555 = arith.addf %mul3A_2554, %get3A_57 : vector<16xf32>
        %swap3A_2556 = arith.index_cast %add3A_2362 : i32 to index
        %swap3A_2557 = arith.constant 96 : index
        %swap3A_2558 = tpu.vector_load %arg13[%swap3A_2556, %swap3A_2557] {strides = array<i32>} : memref<128x128xf32, #tpu.memory_space<vmem>>, vector<16xf32>,
        tpu.vector_store %arg13[%swap3A_2556, %swap3A_2557], %add3A_2555 {strides = array<i32>} : memref<128x128xf32, #tpu.memory_space<vmem>>, vector<16xf32>,
        %sub3A_2559 = vector.broadcast %mul3A_2462 : f32 to vector<16xf32>
        %sub3A_2560 = arith.subf %add3A_2430, %sub3A_2559 : vector<16xf32>
        %mul3A_2561 = vector.broadcast %mul3A_2495 : f32 to vector<16xf32>
        %mul3A_2562 = arith.mulf %sub3A_2560, %mul3A_2561 : vector<16xf32>
        %mul3A_2563 = arith.mulf %mul3A_2562, %get3A_43 : vector<16xf32>
        %add3A_2564 = arith.addf %mul3A_2563, %get3A_59 : vector<16xf32>
        %swap3A_2565 = arith.index_cast %add3A_2362 : i32 to index
        %swap3A_2566 = arith.constant 112 : index
        %swap3A_2567 = tpu.vector_load %arg13[%swap3A_2565, %swap3A_2566] {strides = array<i32>} : memref<128x128xf32, #tpu.memory_space<vmem>>, vector<16xf32>,
        tpu.vector_store %arg13[%swap3A_2565, %swap3A_2566], %add3A_2564 {strides = array<i32>} : memref<128x128xf32, #tpu.memory_space<vmem>>, vector<16xf32>,
        %mul3A_2568 = arith.constant 16 : i32
        %mul3A_2569 = arith.muli %scan3A_28, %mul3A_2568 : i32
        %add3A_2570 = arith.constant 12 : i32
        %add3A_2571 = arith.addi %mul3A_2569, %add3A_2570 : i32
        %slice3A_2572 = vector.extract_strided_slice %get3A_66 {offsets = [12], sizes = [1], strides = [1]} : vector<16xi32> to vector<1xi32>
        %squeeze3A_2573 = vector.extract %slice3A_2572[0] : i32 from vector<1xi32>
        %mul3A_2574 = arith.constant 128 : i32
        %mul3A_2575 = arith.muli %squeeze3A_2573, %mul3A_2574 : i32
        %get3A_2576 = arith.index_cast %add3A_2571 : i32 to index
        %get3A_2577 = arith.constant 0 : index
        %get3A_2578 = tpu.vector_load %arg12[%get3A_2576, %get3A_2577] {strides = array<i32>} : memref<128x128xf32, #tpu.memory_space<vmem>>, vector<16xf32>,
        %add3A_2579 = arith.constant 0 : i32
        %add3A_2580 = arith.addi %mul3A_2575, %add3A_2579 : i32
        %get3A_2581 = arith.index_cast %add3A_2580 : i32 to index
        %get3A_2582 = tpu.vector_load %arg8[%get3A_2581] {strides = array<i32>} : memref<51200xf32, #tpu.memory_space<vmem>>, vector<16xf32>,
        %add3A_2583 = arith.addf %get3A_2578, %get3A_2582 : vector<16xf32>
        %get3A_2584 = arith.index_cast %add3A_2571 : i32 to index
        %get3A_2585 = arith.constant 16 : index
        %get3A_2586 = tpu.vector_load %arg12[%get3A_2584, %get3A_2585] {strides = array<i32>} : memref<128x128xf32, #tpu.memory_space<vmem>>, vector<16xf32>,
        %add3A_2587 = arith.constant 16 : i32
        %add3A_2588 = arith.addi %mul3A_2575, %add3A_2587 : i32
        %get3A_2589 = arith.index_cast %add3A_2588 : i32 to index
        %get3A_2590 = tpu.vector_load %arg8[%get3A_2589] {strides = array<i32>} : memref<51200xf32, #tpu.memory_space<vmem>>, vector<16xf32>,
        %add3A_2591 = arith.addf %get3A_2586, %get3A_2590 : vector<16xf32>
        %get3A_2592 = arith.index_cast %add3A_2571 : i32 to index
        %get3A_2593 = arith.constant 32 : index
        %get3A_2594 = tpu.vector_load %arg12[%get3A_2592, %get3A_2593] {strides = array<i32>} : memref<128x128xf32, #tpu.memory_space<vmem>>, vector<16xf32>,
        %add3A_2595 = arith.constant 32 : i32
        %add3A_2596 = arith.addi %mul3A_2575, %add3A_2595 : i32
        %get3A_2597 = arith.index_cast %add3A_2596 : i32 to index
        %get3A_2598 = tpu.vector_load %arg8[%get3A_2597] {strides = array<i32>} : memref<51200xf32, #tpu.memory_space<vmem>>, vector<16xf32>,
        %add3A_2599 = arith.addf %get3A_2594, %get3A_2598 : vector<16xf32>
        %get3A_2600 = arith.index_cast %add3A_2571 : i32 to index
        %get3A_2601 = arith.constant 48 : index
        %get3A_2602 = tpu.vector_load %arg12[%get3A_2600, %get3A_2601] {strides = array<i32>} : memref<128x128xf32, #tpu.memory_space<vmem>>, vector<16xf32>,
        %add3A_2603 = arith.constant 48 : i32
        %add3A_2604 = arith.addi %mul3A_2575, %add3A_2603 : i32
        %get3A_2605 = arith.index_cast %add3A_2604 : i32 to index
        %get3A_2606 = tpu.vector_load %arg8[%get3A_2605] {strides = array<i32>} : memref<51200xf32, #tpu.memory_space<vmem>>, vector<16xf32>,
        %add3A_2607 = arith.addf %get3A_2602, %get3A_2606 : vector<16xf32>
        %get3A_2608 = arith.index_cast %add3A_2571 : i32 to index
        %get3A_2609 = arith.constant 64 : index
        %get3A_2610 = tpu.vector_load %arg12[%get3A_2608, %get3A_2609] {strides = array<i32>} : memref<128x128xf32, #tpu.memory_space<vmem>>, vector<16xf32>,
        %add3A_2611 = arith.constant 64 : i32
        %add3A_2612 = arith.addi %mul3A_2575, %add3A_2611 : i32
        %get3A_2613 = arith.index_cast %add3A_2612 : i32 to index
        %get3A_2614 = tpu.vector_load %arg8[%get3A_2613] {strides = array<i32>} : memref<51200xf32, #tpu.memory_space<vmem>>, vector<16xf32>,
        %add3A_2615 = arith.addf %get3A_2610, %get3A_2614 : vector<16xf32>
        %get3A_2616 = arith.index_cast %add3A_2571 : i32 to index
        %get3A_2617 = arith.constant 80 : index
        %get3A_2618 = tpu.vector_load %arg12[%get3A_2616, %get3A_2617] {strides = array<i32>} : memref<128x128xf32, #tpu.memory_space<vmem>>, vector<16xf32>,
        %add3A_2619 = arith.constant 80 : i32
        %add3A_2620 = arith.addi %mul3A_2575, %add3A_2619 : i32
        %get3A_2621 = arith.index_cast %add3A_2620 : i32 to index
        %get3A_2622 = tpu.vector_load %arg8[%get3A_2621] {strides = array<i32>} : memref<51200xf32, #tpu.memory_space<vmem>>, vector<16xf32>,
        %add3A_2623 = arith.addf %get3A_2618, %get3A_2622 : vector<16xf32>
        %get3A_2624 = arith.index_cast %add3A_2571 : i32 to index
        %get3A_2625 = arith.constant 96 : index
        %get3A_2626 = tpu.vector_load %arg12[%get3A_2624, %get3A_2625] {strides = array<i32>} : memref<128x128xf32, #tpu.memory_space<vmem>>, vector<16xf32>,
        %add3A_2627 = arith.constant 96 : i32
        %add3A_2628 = arith.addi %mul3A_2575, %add3A_2627 : i32
        %get3A_2629 = arith.index_cast %add3A_2628 : i32 to index
        %get3A_2630 = tpu.vector_load %arg8[%get3A_2629] {strides = array<i32>} : memref<51200xf32, #tpu.memory_space<vmem>>, vector<16xf32>,
        %add3A_2631 = arith.addf %get3A_2626, %get3A_2630 : vector<16xf32>
        %get3A_2632 = arith.index_cast %add3A_2571 : i32 to index
        %get3A_2633 = arith.constant 112 : index
        %get3A_2634 = tpu.vector_load %arg12[%get3A_2632, %get3A_2633] {strides = array<i32>} : memref<128x128xf32, #tpu.memory_space<vmem>>, vector<16xf32>,
        %add3A_2635 = arith.constant 112 : i32
        %add3A_2636 = arith.addi %mul3A_2575, %add3A_2635 : i32
        %get3A_2637 = arith.index_cast %add3A_2636 : i32 to index
        %get3A_2638 = tpu.vector_load %arg8[%get3A_2637] {strides = array<i32>} : memref<51200xf32, #tpu.memory_space<vmem>>, vector<16xf32>,
        %add3A_2639 = arith.addf %get3A_2634, %get3A_2638 : vector<16xf32>
        %add3A_2640 = arith.addf %add3A_2583, %add3A_2591 : vector<16xf32>
        %add3A_2641 = arith.addf %add3A_2640, %add3A_2599 : vector<16xf32>
        %add3A_2642 = arith.addf %add3A_2641, %add3A_2607 : vector<16xf32>
        %add3A_2643 = arith.addf %add3A_2642, %add3A_2615 : vector<16xf32>
        %add3A_2644 = arith.addf %add3A_2643, %add3A_2623 : vector<16xf32>
        %add3A_2645 = arith.addf %add3A_2644, %add3A_2631 : vector<16xf32>
        %add3A_2646 = arith.addf %add3A_2645, %add3A_2639 : vector<16xf32>
        %mul3A_2647 = arith.mulf %add3A_2583, %add3A_2583 : vector<16xf32>
        %mul3A_2648 = arith.mulf %add3A_2591, %add3A_2591 : vector<16xf32>
        %add3A_2649 = arith.addf %mul3A_2647, %mul3A_2648 : vector<16xf32>
        %mul3A_2650 = arith.mulf %add3A_2599, %add3A_2599 : vector<16xf32>
        %add3A_2651 = arith.addf %add3A_2649, %mul3A_2650 : vector<16xf32>
        %mul3A_2652 = arith.mulf %add3A_2607, %add3A_2607 : vector<16xf32>
        %add3A_2653 = arith.addf %add3A_2651, %mul3A_2652 : vector<16xf32>
        %mul3A_2654 = arith.mulf %add3A_2615, %add3A_2615 : vector<16xf32>
        %add3A_2655 = arith.addf %add3A_2653, %mul3A_2654 : vector<16xf32>
        %mul3A_2656 = arith.mulf %add3A_2623, %add3A_2623 : vector<16xf32>
        %add3A_2657 = arith.addf %add3A_2655, %mul3A_2656 : vector<16xf32>
        %mul3A_2658 = arith.mulf %add3A_2631, %add3A_2631 : vector<16xf32>
        %add3A_2659 = arith.addf %add3A_2657, %mul3A_2658 : vector<16xf32>
        %mul3A_2660 = arith.mulf %add3A_2639, %add3A_2639 : vector<16xf32>
        %add3A_2661 = arith.addf %add3A_2659, %mul3A_2660 : vector<16xf32>
        %reduce_sum3A_2662 = arith.constant true
        %reduce_sum3A_2663 = vector.broadcast %reduce_sum3A_2662 : i1 to vector<16xi1>
        %reduce_sum3A_2664 = tpu.scan <sum>, %add3A_2646 masked %reduce_sum3A_2663 : vector<16xf32>, vector<16xi1> -> vector<16xf32>
        %reduce_sum3A_2665 = vector.extract %reduce_sum3A_2664[15] : f32 from vector<16xf32>
        %reduce_sum3A_2666 = arith.constant true
        %reduce_sum3A_2667 = vector.broadcast %reduce_sum3A_2666 : i1 to vector<16xi1>
        %reduce_sum3A_2668 = tpu.scan <sum>, %add3A_2661 masked %reduce_sum3A_2667 : vector<16xf32>, vector<16xi1> -> vector<16xf32>
        %reduce_sum3A_2669 = vector.extract %reduce_sum3A_2668[15] : f32 from vector<16xf32>
        %mul3A_2670 = arith.constant 7.812500e-03 : f32
        %mul3A_2671 = arith.mulf %reduce_sum3A_2665, %mul3A_2670 : f32
        %mul3A_2672 = arith.constant 7.812500e-03 : f32
        %mul3A_2673 = arith.mulf %reduce_sum3A_2669, %mul3A_2672 : f32
        %mul3A_2674 = arith.mulf %mul3A_2671, %mul3A_2671 : f32
        %sub3A_2675 = arith.subf %mul3A_2673, %mul3A_2674 : f32
        %add3A_2676 = arith.constant 9.99999996E-13 : f32
        %add3A_2677 = arith.addf %sub3A_2675, %add3A_2676 : f32
        %bitcast_convert_type3A_2678 = arith.bitcast %add3A_2677 : f32 to i32
        %shift_right_logical3A_2679 = arith.constant 1 : i32
        %shift_right_logical3A_2680 = arith.shrui %bitcast_convert_type3A_2678, %shift_right_logical3A_2679 : i32
        %sub3A_2681 = arith.constant 1597463007 : i32
        %sub3A_2682 = arith.subi %sub3A_2681, %shift_right_logical3A_2680 : i32
        %bitcast_convert_type3A_2683 = arith.bitcast %sub3A_2682 : i32 to f32
        %mul3A_2684 = arith.constant 5.000000e-01 : f32
        %mul3A_2685 = arith.mulf %mul3A_2684, %add3A_2677 : f32
        %mul3A_2686 = arith.mulf %mul3A_2685, %bitcast_convert_type3A_2683 : f32
        %mul3A_2687 = arith.mulf %mul3A_2686, %bitcast_convert_type3A_2683 : f32
        %sub3A_2688 = arith.constant 1.500000e+00 : f32
        %sub3A_2689 = arith.subf %sub3A_2688, %mul3A_2687 : f32
        %mul3A_2690 = arith.mulf %bitcast_convert_type3A_2683, %sub3A_2689 : f32
        %mul3A_2691 = arith.constant 5.000000e-01 : f32
        %mul3A_2692 = arith.mulf %mul3A_2691, %add3A_2677 : f32
        %mul3A_2693 = arith.mulf %mul3A_2692, %mul3A_2690 : f32
        %mul3A_2694 = arith.mulf %mul3A_2693, %mul3A_2690 : f32
        %sub3A_2695 = arith.constant 1.500000e+00 : f32
        %sub3A_2696 = arith.subf %sub3A_2695, %mul3A_2694 : f32
        %mul3A_2697 = arith.mulf %mul3A_2690, %sub3A_2696 : f32
        %mul3A_2698 = arith.constant 5.000000e-01 : f32
        %mul3A_2699 = arith.mulf %mul3A_2698, %add3A_2677 : f32
        %mul3A_2700 = arith.mulf %mul3A_2699, %mul3A_2697 : f32
        %mul3A_2701 = arith.mulf %mul3A_2700, %mul3A_2697 : f32
        %sub3A_2702 = arith.constant 1.500000e+00 : f32
        %sub3A_2703 = arith.subf %sub3A_2702, %mul3A_2701 : f32
        %mul3A_2704 = arith.mulf %mul3A_2697, %sub3A_2703 : f32
        %sub3A_2705 = vector.broadcast %mul3A_2671 : f32 to vector<16xf32>
        %sub3A_2706 = arith.subf %add3A_2583, %sub3A_2705 : vector<16xf32>
        %mul3A_2707 = vector.broadcast %mul3A_2704 : f32 to vector<16xf32>
        %mul3A_2708 = arith.mulf %sub3A_2706, %mul3A_2707 : vector<16xf32>
        %mul3A_2709 = arith.mulf %mul3A_2708, %get3A_29 : vector<16xf32>
        %add3A_2710 = arith.addf %mul3A_2709, %get3A_45 : vector<16xf32>
        %swap3A_2711 = arith.index_cast %add3A_2571 : i32 to index
        %swap3A_2712 = arith.constant 0 : index
        %swap3A_2713 = tpu.vector_load %arg13[%swap3A_2711, %swap3A_2712] {strides = array<i32>} : memref<128x128xf32, #tpu.memory_space<vmem>>, vector<16xf32>,
        tpu.vector_store %arg13[%swap3A_2711, %swap3A_2712], %add3A_2710 {strides = array<i32>} : memref<128x128xf32, #tpu.memory_space<vmem>>, vector<16xf32>,
        %sub3A_2714 = vector.broadcast %mul3A_2671 : f32 to vector<16xf32>
        %sub3A_2715 = arith.subf %add3A_2591, %sub3A_2714 : vector<16xf32>
        %mul3A_2716 = vector.broadcast %mul3A_2704 : f32 to vector<16xf32>
        %mul3A_2717 = arith.mulf %sub3A_2715, %mul3A_2716 : vector<16xf32>
        %mul3A_2718 = arith.mulf %mul3A_2717, %get3A_31 : vector<16xf32>
        %add3A_2719 = arith.addf %mul3A_2718, %get3A_47 : vector<16xf32>
        %swap3A_2720 = arith.index_cast %add3A_2571 : i32 to index
        %swap3A_2721 = arith.constant 16 : index
        %swap3A_2722 = tpu.vector_load %arg13[%swap3A_2720, %swap3A_2721] {strides = array<i32>} : memref<128x128xf32, #tpu.memory_space<vmem>>, vector<16xf32>,
        tpu.vector_store %arg13[%swap3A_2720, %swap3A_2721], %add3A_2719 {strides = array<i32>} : memref<128x128xf32, #tpu.memory_space<vmem>>, vector<16xf32>,
        %sub3A_2723 = vector.broadcast %mul3A_2671 : f32 to vector<16xf32>
        %sub3A_2724 = arith.subf %add3A_2599, %sub3A_2723 : vector<16xf32>
        %mul3A_2725 = vector.broadcast %mul3A_2704 : f32 to vector<16xf32>
        %mul3A_2726 = arith.mulf %sub3A_2724, %mul3A_2725 : vector<16xf32>
        %mul3A_2727 = arith.mulf %mul3A_2726, %get3A_33 : vector<16xf32>
        %add3A_2728 = arith.addf %mul3A_2727, %get3A_49 : vector<16xf32>
        %swap3A_2729 = arith.index_cast %add3A_2571 : i32 to index
        %swap3A_2730 = arith.constant 32 : index
        %swap3A_2731 = tpu.vector_load %arg13[%swap3A_2729, %swap3A_2730] {strides = array<i32>} : memref<128x128xf32, #tpu.memory_space<vmem>>, vector<16xf32>,
        tpu.vector_store %arg13[%swap3A_2729, %swap3A_2730], %add3A_2728 {strides = array<i32>} : memref<128x128xf32, #tpu.memory_space<vmem>>, vector<16xf32>,
        %sub3A_2732 = vector.broadcast %mul3A_2671 : f32 to vector<16xf32>
        %sub3A_2733 = arith.subf %add3A_2607, %sub3A_2732 : vector<16xf32>
        %mul3A_2734 = vector.broadcast %mul3A_2704 : f32 to vector<16xf32>
        %mul3A_2735 = arith.mulf %sub3A_2733, %mul3A_2734 : vector<16xf32>
        %mul3A_2736 = arith.mulf %mul3A_2735, %get3A_35 : vector<16xf32>
        %add3A_2737 = arith.addf %mul3A_2736, %get3A_51 : vector<16xf32>
        %swap3A_2738 = arith.index_cast %add3A_2571 : i32 to index
        %swap3A_2739 = arith.constant 48 : index
        %swap3A_2740 = tpu.vector_load %arg13[%swap3A_2738, %swap3A_2739] {strides = array<i32>} : memref<128x128xf32, #tpu.memory_space<vmem>>, vector<16xf32>,
        tpu.vector_store %arg13[%swap3A_2738, %swap3A_2739], %add3A_2737 {strides = array<i32>} : memref<128x128xf32, #tpu.memory_space<vmem>>, vector<16xf32>,
        %sub3A_2741 = vector.broadcast %mul3A_2671 : f32 to vector<16xf32>
        %sub3A_2742 = arith.subf %add3A_2615, %sub3A_2741 : vector<16xf32>
        %mul3A_2743 = vector.broadcast %mul3A_2704 : f32 to vector<16xf32>
        %mul3A_2744 = arith.mulf %sub3A_2742, %mul3A_2743 : vector<16xf32>
        %mul3A_2745 = arith.mulf %mul3A_2744, %get3A_37 : vector<16xf32>
        %add3A_2746 = arith.addf %mul3A_2745, %get3A_53 : vector<16xf32>
        %swap3A_2747 = arith.index_cast %add3A_2571 : i32 to index
        %swap3A_2748 = arith.constant 64 : index
        %swap3A_2749 = tpu.vector_load %arg13[%swap3A_2747, %swap3A_2748] {strides = array<i32>} : memref<128x128xf32, #tpu.memory_space<vmem>>, vector<16xf32>,
        tpu.vector_store %arg13[%swap3A_2747, %swap3A_2748], %add3A_2746 {strides = array<i32>} : memref<128x128xf32, #tpu.memory_space<vmem>>, vector<16xf32>,
        %sub3A_2750 = vector.broadcast %mul3A_2671 : f32 to vector<16xf32>
        %sub3A_2751 = arith.subf %add3A_2623, %sub3A_2750 : vector<16xf32>
        %mul3A_2752 = vector.broadcast %mul3A_2704 : f32 to vector<16xf32>
        %mul3A_2753 = arith.mulf %sub3A_2751, %mul3A_2752 : vector<16xf32>
        %mul3A_2754 = arith.mulf %mul3A_2753, %get3A_39 : vector<16xf32>
        %add3A_2755 = arith.addf %mul3A_2754, %get3A_55 : vector<16xf32>
        %swap3A_2756 = arith.index_cast %add3A_2571 : i32 to index
        %swap3A_2757 = arith.constant 80 : index
        %swap3A_2758 = tpu.vector_load %arg13[%swap3A_2756, %swap3A_2757] {strides = array<i32>} : memref<128x128xf32, #tpu.memory_space<vmem>>, vector<16xf32>,
        tpu.vector_store %arg13[%swap3A_2756, %swap3A_2757], %add3A_2755 {strides = array<i32>} : memref<128x128xf32, #tpu.memory_space<vmem>>, vector<16xf32>,
        %sub3A_2759 = vector.broadcast %mul3A_2671 : f32 to vector<16xf32>
        %sub3A_2760 = arith.subf %add3A_2631, %sub3A_2759 : vector<16xf32>
        %mul3A_2761 = vector.broadcast %mul3A_2704 : f32 to vector<16xf32>
        %mul3A_2762 = arith.mulf %sub3A_2760, %mul3A_2761 : vector<16xf32>
        %mul3A_2763 = arith.mulf %mul3A_2762, %get3A_41 : vector<16xf32>
        %add3A_2764 = arith.addf %mul3A_2763, %get3A_57 : vector<16xf32>
        %swap3A_2765 = arith.index_cast %add3A_2571 : i32 to index
        %swap3A_2766 = arith.constant 96 : index
        %swap3A_2767 = tpu.vector_load %arg13[%swap3A_2765, %swap3A_2766] {strides = array<i32>} : memref<128x128xf32, #tpu.memory_space<vmem>>, vector<16xf32>,
        tpu.vector_store %arg13[%swap3A_2765, %swap3A_2766], %add3A_2764 {strides = array<i32>} : memref<128x128xf32, #tpu.memory_space<vmem>>, vector<16xf32>,
        %sub3A_2768 = vector.broadcast %mul3A_2671 : f32 to vector<16xf32>
        %sub3A_2769 = arith.subf %add3A_2639, %sub3A_2768 : vector<16xf32>
        %mul3A_2770 = vector.broadcast %mul3A_2704 : f32 to vector<16xf32>
        %mul3A_2771 = arith.mulf %sub3A_2769, %mul3A_2770 : vector<16xf32>
        %mul3A_2772 = arith.mulf %mul3A_2771, %get3A_43 : vector<16xf32>
        %add3A_2773 = arith.addf %mul3A_2772, %get3A_59 : vector<16xf32>
        %swap3A_2774 = arith.index_cast %add3A_2571 : i32 to index
        %swap3A_2775 = arith.constant 112 : index
        %swap3A_2776 = tpu.vector_load %arg13[%swap3A_2774, %swap3A_2775] {strides = array<i32>} : memref<128x128xf32, #tpu.memory_space<vmem>>, vector<16xf32>,
        tpu.vector_store %arg13[%swap3A_2774, %swap3A_2775], %add3A_2773 {strides = array<i32>} : memref<128x128xf32, #tpu.memory_space<vmem>>, vector<16xf32>,
        %mul3A_2777 = arith.constant 16 : i32
        %mul3A_2778 = arith.muli %scan3A_28, %mul3A_2777 : i32
        %add3A_2779 = arith.constant 13 : i32
        %add3A_2780 = arith.addi %mul3A_2778, %add3A_2779 : i32
        %slice3A_2781 = vector.extract_strided_slice %get3A_66 {offsets = [13], sizes = [1], strides = [1]} : vector<16xi32> to vector<1xi32>
        %squeeze3A_2782 = vector.extract %slice3A_2781[0] : i32 from vector<1xi32>
        %mul3A_2783 = arith.constant 128 : i32
        %mul3A_2784 = arith.muli %squeeze3A_2782, %mul3A_2783 : i32
        %get3A_2785 = arith.index_cast %add3A_2780 : i32 to index
        %get3A_2786 = arith.constant 0 : index
        %get3A_2787 = tpu.vector_load %arg12[%get3A_2785, %get3A_2786] {strides = array<i32>} : memref<128x128xf32, #tpu.memory_space<vmem>>, vector<16xf32>,
        %add3A_2788 = arith.constant 0 : i32
        %add3A_2789 = arith.addi %mul3A_2784, %add3A_2788 : i32
        %get3A_2790 = arith.index_cast %add3A_2789 : i32 to index
        %get3A_2791 = tpu.vector_load %arg8[%get3A_2790] {strides = array<i32>} : memref<51200xf32, #tpu.memory_space<vmem>>, vector<16xf32>,
        %add3A_2792 = arith.addf %get3A_2787, %get3A_2791 : vector<16xf32>
        %get3A_2793 = arith.index_cast %add3A_2780 : i32 to index
        %get3A_2794 = arith.constant 16 : index
        %get3A_2795 = tpu.vector_load %arg12[%get3A_2793, %get3A_2794] {strides = array<i32>} : memref<128x128xf32, #tpu.memory_space<vmem>>, vector<16xf32>,
        %add3A_2796 = arith.constant 16 : i32
        %add3A_2797 = arith.addi %mul3A_2784, %add3A_2796 : i32
        %get3A_2798 = arith.index_cast %add3A_2797 : i32 to index
        %get3A_2799 = tpu.vector_load %arg8[%get3A_2798] {strides = array<i32>} : memref<51200xf32, #tpu.memory_space<vmem>>, vector<16xf32>,
        %add3A_2800 = arith.addf %get3A_2795, %get3A_2799 : vector<16xf32>
        %get3A_2801 = arith.index_cast %add3A_2780 : i32 to index
        %get3A_2802 = arith.constant 32 : index
        %get3A_2803 = tpu.vector_load %arg12[%get3A_2801, %get3A_2802] {strides = array<i32>} : memref<128x128xf32, #tpu.memory_space<vmem>>, vector<16xf32>,
        %add3A_2804 = arith.constant 32 : i32
        %add3A_2805 = arith.addi %mul3A_2784, %add3A_2804 : i32
        %get3A_2806 = arith.index_cast %add3A_2805 : i32 to index
        %get3A_2807 = tpu.vector_load %arg8[%get3A_2806] {strides = array<i32>} : memref<51200xf32, #tpu.memory_space<vmem>>, vector<16xf32>,
        %add3A_2808 = arith.addf %get3A_2803, %get3A_2807 : vector<16xf32>
        %get3A_2809 = arith.index_cast %add3A_2780 : i32 to index
        %get3A_2810 = arith.constant 48 : index
        %get3A_2811 = tpu.vector_load %arg12[%get3A_2809, %get3A_2810] {strides = array<i32>} : memref<128x128xf32, #tpu.memory_space<vmem>>, vector<16xf32>,
        %add3A_2812 = arith.constant 48 : i32
        %add3A_2813 = arith.addi %mul3A_2784, %add3A_2812 : i32
        %get3A_2814 = arith.index_cast %add3A_2813 : i32 to index
        %get3A_2815 = tpu.vector_load %arg8[%get3A_2814] {strides = array<i32>} : memref<51200xf32, #tpu.memory_space<vmem>>, vector<16xf32>,
        %add3A_2816 = arith.addf %get3A_2811, %get3A_2815 : vector<16xf32>
        %get3A_2817 = arith.index_cast %add3A_2780 : i32 to index
        %get3A_2818 = arith.constant 64 : index
        %get3A_2819 = tpu.vector_load %arg12[%get3A_2817, %get3A_2818] {strides = array<i32>} : memref<128x128xf32, #tpu.memory_space<vmem>>, vector<16xf32>,
        %add3A_2820 = arith.constant 64 : i32
        %add3A_2821 = arith.addi %mul3A_2784, %add3A_2820 : i32
        %get3A_2822 = arith.index_cast %add3A_2821 : i32 to index
        %get3A_2823 = tpu.vector_load %arg8[%get3A_2822] {strides = array<i32>} : memref<51200xf32, #tpu.memory_space<vmem>>, vector<16xf32>,
        %add3A_2824 = arith.addf %get3A_2819, %get3A_2823 : vector<16xf32>
        %get3A_2825 = arith.index_cast %add3A_2780 : i32 to index
        %get3A_2826 = arith.constant 80 : index
        %get3A_2827 = tpu.vector_load %arg12[%get3A_2825, %get3A_2826] {strides = array<i32>} : memref<128x128xf32, #tpu.memory_space<vmem>>, vector<16xf32>,
        %add3A_2828 = arith.constant 80 : i32
        %add3A_2829 = arith.addi %mul3A_2784, %add3A_2828 : i32
        %get3A_2830 = arith.index_cast %add3A_2829 : i32 to index
        %get3A_2831 = tpu.vector_load %arg8[%get3A_2830] {strides = array<i32>} : memref<51200xf32, #tpu.memory_space<vmem>>, vector<16xf32>,
        %add3A_2832 = arith.addf %get3A_2827, %get3A_2831 : vector<16xf32>
        %get3A_2833 = arith.index_cast %add3A_2780 : i32 to index
        %get3A_2834 = arith.constant 96 : index
        %get3A_2835 = tpu.vector_load %arg12[%get3A_2833, %get3A_2834] {strides = array<i32>} : memref<128x128xf32, #tpu.memory_space<vmem>>, vector<16xf32>,
        %add3A_2836 = arith.constant 96 : i32
        %add3A_2837 = arith.addi %mul3A_2784, %add3A_2836 : i32
        %get3A_2838 = arith.index_cast %add3A_2837 : i32 to index
        %get3A_2839 = tpu.vector_load %arg8[%get3A_2838] {strides = array<i32>} : memref<51200xf32, #tpu.memory_space<vmem>>, vector<16xf32>,
        %add3A_2840 = arith.addf %get3A_2835, %get3A_2839 : vector<16xf32>
        %get3A_2841 = arith.index_cast %add3A_2780 : i32 to index
        %get3A_2842 = arith.constant 112 : index
        %get3A_2843 = tpu.vector_load %arg12[%get3A_2841, %get3A_2842] {strides = array<i32>} : memref<128x128xf32, #tpu.memory_space<vmem>>, vector<16xf32>,
        %add3A_2844 = arith.constant 112 : i32
        %add3A_2845 = arith.addi %mul3A_2784, %add3A_2844 : i32
        %get3A_2846 = arith.index_cast %add3A_2845 : i32 to index
        %get3A_2847 = tpu.vector_load %arg8[%get3A_2846] {strides = array<i32>} : memref<51200xf32, #tpu.memory_space<vmem>>, vector<16xf32>,
        %add3A_2848 = arith.addf %get3A_2843, %get3A_2847 : vector<16xf32>
        %add3A_2849 = arith.addf %add3A_2792, %add3A_2800 : vector<16xf32>
        %add3A_2850 = arith.addf %add3A_2849, %add3A_2808 : vector<16xf32>
        %add3A_2851 = arith.addf %add3A_2850, %add3A_2816 : vector<16xf32>
        %add3A_2852 = arith.addf %add3A_2851, %add3A_2824 : vector<16xf32>
        %add3A_2853 = arith.addf %add3A_2852, %add3A_2832 : vector<16xf32>
        %add3A_2854 = arith.addf %add3A_2853, %add3A_2840 : vector<16xf32>
        %add3A_2855 = arith.addf %add3A_2854, %add3A_2848 : vector<16xf32>
        %mul3A_2856 = arith.mulf %add3A_2792, %add3A_2792 : vector<16xf32>
        %mul3A_2857 = arith.mulf %add3A_2800, %add3A_2800 : vector<16xf32>
        %add3A_2858 = arith.addf %mul3A_2856, %mul3A_2857 : vector<16xf32>
        %mul3A_2859 = arith.mulf %add3A_2808, %add3A_2808 : vector<16xf32>
        %add3A_2860 = arith.addf %add3A_2858, %mul3A_2859 : vector<16xf32>
        %mul3A_2861 = arith.mulf %add3A_2816, %add3A_2816 : vector<16xf32>
        %add3A_2862 = arith.addf %add3A_2860, %mul3A_2861 : vector<16xf32>
        %mul3A_2863 = arith.mulf %add3A_2824, %add3A_2824 : vector<16xf32>
        %add3A_2864 = arith.addf %add3A_2862, %mul3A_2863 : vector<16xf32>
        %mul3A_2865 = arith.mulf %add3A_2832, %add3A_2832 : vector<16xf32>
        %add3A_2866 = arith.addf %add3A_2864, %mul3A_2865 : vector<16xf32>
        %mul3A_2867 = arith.mulf %add3A_2840, %add3A_2840 : vector<16xf32>
        %add3A_2868 = arith.addf %add3A_2866, %mul3A_2867 : vector<16xf32>
        %mul3A_2869 = arith.mulf %add3A_2848, %add3A_2848 : vector<16xf32>
        %add3A_2870 = arith.addf %add3A_2868, %mul3A_2869 : vector<16xf32>
        %reduce_sum3A_2871 = arith.constant true
        %reduce_sum3A_2872 = vector.broadcast %reduce_sum3A_2871 : i1 to vector<16xi1>
        %reduce_sum3A_2873 = tpu.scan <sum>, %add3A_2855 masked %reduce_sum3A_2872 : vector<16xf32>, vector<16xi1> -> vector<16xf32>
        %reduce_sum3A_2874 = vector.extract %reduce_sum3A_2873[15] : f32 from vector<16xf32>
        %reduce_sum3A_2875 = arith.constant true
        %reduce_sum3A_2876 = vector.broadcast %reduce_sum3A_2875 : i1 to vector<16xi1>
        %reduce_sum3A_2877 = tpu.scan <sum>, %add3A_2870 masked %reduce_sum3A_2876 : vector<16xf32>, vector<16xi1> -> vector<16xf32>
        %reduce_sum3A_2878 = vector.extract %reduce_sum3A_2877[15] : f32 from vector<16xf32>
        %mul3A_2879 = arith.constant 7.812500e-03 : f32
        %mul3A_2880 = arith.mulf %reduce_sum3A_2874, %mul3A_2879 : f32
        %mul3A_2881 = arith.constant 7.812500e-03 : f32
        %mul3A_2882 = arith.mulf %reduce_sum3A_2878, %mul3A_2881 : f32
        %mul3A_2883 = arith.mulf %mul3A_2880, %mul3A_2880 : f32
        %sub3A_2884 = arith.subf %mul3A_2882, %mul3A_2883 : f32
        %add3A_2885 = arith.constant 9.99999996E-13 : f32
        %add3A_2886 = arith.addf %sub3A_2884, %add3A_2885 : f32
        %bitcast_convert_type3A_2887 = arith.bitcast %add3A_2886 : f32 to i32
        %shift_right_logical3A_2888 = arith.constant 1 : i32
        %shift_right_logical3A_2889 = arith.shrui %bitcast_convert_type3A_2887, %shift_right_logical3A_2888 : i32
        %sub3A_2890 = arith.constant 1597463007 : i32
        %sub3A_2891 = arith.subi %sub3A_2890, %shift_right_logical3A_2889 : i32
        %bitcast_convert_type3A_2892 = arith.bitcast %sub3A_2891 : i32 to f32
        %mul3A_2893 = arith.constant 5.000000e-01 : f32
        %mul3A_2894 = arith.mulf %mul3A_2893, %add3A_2886 : f32
        %mul3A_2895 = arith.mulf %mul3A_2894, %bitcast_convert_type3A_2892 : f32
        %mul3A_2896 = arith.mulf %mul3A_2895, %bitcast_convert_type3A_2892 : f32
        %sub3A_2897 = arith.constant 1.500000e+00 : f32
        %sub3A_2898 = arith.subf %sub3A_2897, %mul3A_2896 : f32
        %mul3A_2899 = arith.mulf %bitcast_convert_type3A_2892, %sub3A_2898 : f32
        %mul3A_2900 = arith.constant 5.000000e-01 : f32
        %mul3A_2901 = arith.mulf %mul3A_2900, %add3A_2886 : f32
        %mul3A_2902 = arith.mulf %mul3A_2901, %mul3A_2899 : f32
        %mul3A_2903 = arith.mulf %mul3A_2902, %mul3A_2899 : f32
        %sub3A_2904 = arith.constant 1.500000e+00 : f32
        %sub3A_2905 = arith.subf %sub3A_2904, %mul3A_2903 : f32
        %mul3A_2906 = arith.mulf %mul3A_2899, %sub3A_2905 : f32
        %mul3A_2907 = arith.constant 5.000000e-01 : f32
        %mul3A_2908 = arith.mulf %mul3A_2907, %add3A_2886 : f32
        %mul3A_2909 = arith.mulf %mul3A_2908, %mul3A_2906 : f32
        %mul3A_2910 = arith.mulf %mul3A_2909, %mul3A_2906 : f32
        %sub3A_2911 = arith.constant 1.500000e+00 : f32
        %sub3A_2912 = arith.subf %sub3A_2911, %mul3A_2910 : f32
        %mul3A_2913 = arith.mulf %mul3A_2906, %sub3A_2912 : f32
        %sub3A_2914 = vector.broadcast %mul3A_2880 : f32 to vector<16xf32>
        %sub3A_2915 = arith.subf %add3A_2792, %sub3A_2914 : vector<16xf32>
        %mul3A_2916 = vector.broadcast %mul3A_2913 : f32 to vector<16xf32>
        %mul3A_2917 = arith.mulf %sub3A_2915, %mul3A_2916 : vector<16xf32>
        %mul3A_2918 = arith.mulf %mul3A_2917, %get3A_29 : vector<16xf32>
        %add3A_2919 = arith.addf %mul3A_2918, %get3A_45 : vector<16xf32>
        %swap3A_2920 = arith.index_cast %add3A_2780 : i32 to index
        %swap3A_2921 = arith.constant 0 : index
        %swap3A_2922 = tpu.vector_load %arg13[%swap3A_2920, %swap3A_2921] {strides = array<i32>} : memref<128x128xf32, #tpu.memory_space<vmem>>, vector<16xf32>,
        tpu.vector_store %arg13[%swap3A_2920, %swap3A_2921], %add3A_2919 {strides = array<i32>} : memref<128x128xf32, #tpu.memory_space<vmem>>, vector<16xf32>,
        %sub3A_2923 = vector.broadcast %mul3A_2880 : f32 to vector<16xf32>
        %sub3A_2924 = arith.subf %add3A_2800, %sub3A_2923 : vector<16xf32>
        %mul3A_2925 = vector.broadcast %mul3A_2913 : f32 to vector<16xf32>
        %mul3A_2926 = arith.mulf %sub3A_2924, %mul3A_2925 : vector<16xf32>
        %mul3A_2927 = arith.mulf %mul3A_2926, %get3A_31 : vector<16xf32>
        %add3A_2928 = arith.addf %mul3A_2927, %get3A_47 : vector<16xf32>
        %swap3A_2929 = arith.index_cast %add3A_2780 : i32 to index
        %swap3A_2930 = arith.constant 16 : index
        %swap3A_2931 = tpu.vector_load %arg13[%swap3A_2929, %swap3A_2930] {strides = array<i32>} : memref<128x128xf32, #tpu.memory_space<vmem>>, vector<16xf32>,
        tpu.vector_store %arg13[%swap3A_2929, %swap3A_2930], %add3A_2928 {strides = array<i32>} : memref<128x128xf32, #tpu.memory_space<vmem>>, vector<16xf32>,
        %sub3A_2932 = vector.broadcast %mul3A_2880 : f32 to vector<16xf32>
        %sub3A_2933 = arith.subf %add3A_2808, %sub3A_2932 : vector<16xf32>
        %mul3A_2934 = vector.broadcast %mul3A_2913 : f32 to vector<16xf32>
        %mul3A_2935 = arith.mulf %sub3A_2933, %mul3A_2934 : vector<16xf32>
        %mul3A_2936 = arith.mulf %mul3A_2935, %get3A_33 : vector<16xf32>
        %add3A_2937 = arith.addf %mul3A_2936, %get3A_49 : vector<16xf32>
        %swap3A_2938 = arith.index_cast %add3A_2780 : i32 to index
        %swap3A_2939 = arith.constant 32 : index
        %swap3A_2940 = tpu.vector_load %arg13[%swap3A_2938, %swap3A_2939] {strides = array<i32>} : memref<128x128xf32, #tpu.memory_space<vmem>>, vector<16xf32>,
        tpu.vector_store %arg13[%swap3A_2938, %swap3A_2939], %add3A_2937 {strides = array<i32>} : memref<128x128xf32, #tpu.memory_space<vmem>>, vector<16xf32>,
        %sub3A_2941 = vector.broadcast %mul3A_2880 : f32 to vector<16xf32>
        %sub3A_2942 = arith.subf %add3A_2816, %sub3A_2941 : vector<16xf32>
        %mul3A_2943 = vector.broadcast %mul3A_2913 : f32 to vector<16xf32>
        %mul3A_2944 = arith.mulf %sub3A_2942, %mul3A_2943 : vector<16xf32>
        %mul3A_2945 = arith.mulf %mul3A_2944, %get3A_35 : vector<16xf32>
        %add3A_2946 = arith.addf %mul3A_2945, %get3A_51 : vector<16xf32>
        %swap3A_2947 = arith.index_cast %add3A_2780 : i32 to index
        %swap3A_2948 = arith.constant 48 : index
        %swap3A_2949 = tpu.vector_load %arg13[%swap3A_2947, %swap3A_2948] {strides = array<i32>} : memref<128x128xf32, #tpu.memory_space<vmem>>, vector<16xf32>,
        tpu.vector_store %arg13[%swap3A_2947, %swap3A_2948], %add3A_2946 {strides = array<i32>} : memref<128x128xf32, #tpu.memory_space<vmem>>, vector<16xf32>,
        %sub3A_2950 = vector.broadcast %mul3A_2880 : f32 to vector<16xf32>
        %sub3A_2951 = arith.subf %add3A_2824, %sub3A_2950 : vector<16xf32>
        %mul3A_2952 = vector.broadcast %mul3A_2913 : f32 to vector<16xf32>
        %mul3A_2953 = arith.mulf %sub3A_2951, %mul3A_2952 : vector<16xf32>
        %mul3A_2954 = arith.mulf %mul3A_2953, %get3A_37 : vector<16xf32>
        %add3A_2955 = arith.addf %mul3A_2954, %get3A_53 : vector<16xf32>
        %swap3A_2956 = arith.index_cast %add3A_2780 : i32 to index
        %swap3A_2957 = arith.constant 64 : index
        %swap3A_2958 = tpu.vector_load %arg13[%swap3A_2956, %swap3A_2957] {strides = array<i32>} : memref<128x128xf32, #tpu.memory_space<vmem>>, vector<16xf32>,
        tpu.vector_store %arg13[%swap3A_2956, %swap3A_2957], %add3A_2955 {strides = array<i32>} : memref<128x128xf32, #tpu.memory_space<vmem>>, vector<16xf32>,
        %sub3A_2959 = vector.broadcast %mul3A_2880 : f32 to vector<16xf32>
        %sub3A_2960 = arith.subf %add3A_2832, %sub3A_2959 : vector<16xf32>
        %mul3A_2961 = vector.broadcast %mul3A_2913 : f32 to vector<16xf32>
        %mul3A_2962 = arith.mulf %sub3A_2960, %mul3A_2961 : vector<16xf32>
        %mul3A_2963 = arith.mulf %mul3A_2962, %get3A_39 : vector<16xf32>
        %add3A_2964 = arith.addf %mul3A_2963, %get3A_55 : vector<16xf32>
        %swap3A_2965 = arith.index_cast %add3A_2780 : i32 to index
        %swap3A_2966 = arith.constant 80 : index
        %swap3A_2967 = tpu.vector_load %arg13[%swap3A_2965, %swap3A_2966] {strides = array<i32>} : memref<128x128xf32, #tpu.memory_space<vmem>>, vector<16xf32>,
        tpu.vector_store %arg13[%swap3A_2965, %swap3A_2966], %add3A_2964 {strides = array<i32>} : memref<128x128xf32, #tpu.memory_space<vmem>>, vector<16xf32>,
        %sub3A_2968 = vector.broadcast %mul3A_2880 : f32 to vector<16xf32>
        %sub3A_2969 = arith.subf %add3A_2840, %sub3A_2968 : vector<16xf32>
        %mul3A_2970 = vector.broadcast %mul3A_2913 : f32 to vector<16xf32>
        %mul3A_2971 = arith.mulf %sub3A_2969, %mul3A_2970 : vector<16xf32>
        %mul3A_2972 = arith.mulf %mul3A_2971, %get3A_41 : vector<16xf32>
        %add3A_2973 = arith.addf %mul3A_2972, %get3A_57 : vector<16xf32>
        %swap3A_2974 = arith.index_cast %add3A_2780 : i32 to index
        %swap3A_2975 = arith.constant 96 : index
        %swap3A_2976 = tpu.vector_load %arg13[%swap3A_2974, %swap3A_2975] {strides = array<i32>} : memref<128x128xf32, #tpu.memory_space<vmem>>, vector<16xf32>,
        tpu.vector_store %arg13[%swap3A_2974, %swap3A_2975], %add3A_2973 {strides = array<i32>} : memref<128x128xf32, #tpu.memory_space<vmem>>, vector<16xf32>,
        %sub3A_2977 = vector.broadcast %mul3A_2880 : f32 to vector<16xf32>
        %sub3A_2978 = arith.subf %add3A_2848, %sub3A_2977 : vector<16xf32>
        %mul3A_2979 = vector.broadcast %mul3A_2913 : f32 to vector<16xf32>
        %mul3A_2980 = arith.mulf %sub3A_2978, %mul3A_2979 : vector<16xf32>
        %mul3A_2981 = arith.mulf %mul3A_2980, %get3A_43 : vector<16xf32>
        %add3A_2982 = arith.addf %mul3A_2981, %get3A_59 : vector<16xf32>
        %swap3A_2983 = arith.index_cast %add3A_2780 : i32 to index
        %swap3A_2984 = arith.constant 112 : index
        %swap3A_2985 = tpu.vector_load %arg13[%swap3A_2983, %swap3A_2984] {strides = array<i32>} : memref<128x128xf32, #tpu.memory_space<vmem>>, vector<16xf32>,
        tpu.vector_store %arg13[%swap3A_2983, %swap3A_2984], %add3A_2982 {strides = array<i32>} : memref<128x128xf32, #tpu.memory_space<vmem>>, vector<16xf32>,
        %mul3A_2986 = arith.constant 16 : i32
        %mul3A_2987 = arith.muli %scan3A_28, %mul3A_2986 : i32
        %add3A_2988 = arith.constant 14 : i32
        %add3A_2989 = arith.addi %mul3A_2987, %add3A_2988 : i32
        %slice3A_2990 = vector.extract_strided_slice %get3A_66 {offsets = [14], sizes = [1], strides = [1]} : vector<16xi32> to vector<1xi32>
        %squeeze3A_2991 = vector.extract %slice3A_2990[0] : i32 from vector<1xi32>
        %mul3A_2992 = arith.constant 128 : i32
        %mul3A_2993 = arith.muli %squeeze3A_2991, %mul3A_2992 : i32
        %get3A_2994 = arith.index_cast %add3A_2989 : i32 to index
        %get3A_2995 = arith.constant 0 : index
        %get3A_2996 = tpu.vector_load %arg12[%get3A_2994, %get3A_2995] {strides = array<i32>} : memref<128x128xf32, #tpu.memory_space<vmem>>, vector<16xf32>,
        %add3A_2997 = arith.constant 0 : i32
        %add3A_2998 = arith.addi %mul3A_2993, %add3A_2997 : i32
        %get3A_2999 = arith.index_cast %add3A_2998 : i32 to index
        %get3A_3000 = tpu.vector_load %arg8[%get3A_2999] {strides = array<i32>} : memref<51200xf32, #tpu.memory_space<vmem>>, vector<16xf32>,
        %add3A_3001 = arith.addf %get3A_2996, %get3A_3000 : vector<16xf32>
        %get3A_3002 = arith.index_cast %add3A_2989 : i32 to index
        %get3A_3003 = arith.constant 16 : index
        %get3A_3004 = tpu.vector_load %arg12[%get3A_3002, %get3A_3003] {strides = array<i32>} : memref<128x128xf32, #tpu.memory_space<vmem>>, vector<16xf32>,
        %add3A_3005 = arith.constant 16 : i32
        %add3A_3006 = arith.addi %mul3A_2993, %add3A_3005 : i32
        %get3A_3007 = arith.index_cast %add3A_3006 : i32 to index
        %get3A_3008 = tpu.vector_load %arg8[%get3A_3007] {strides = array<i32>} : memref<51200xf32, #tpu.memory_space<vmem>>, vector<16xf32>,
        %add3A_3009 = arith.addf %get3A_3004, %get3A_3008 : vector<16xf32>
        %get3A_3010 = arith.index_cast %add3A_2989 : i32 to index
        %get3A_3011 = arith.constant 32 : index
        %get3A_3012 = tpu.vector_load %arg12[%get3A_3010, %get3A_3011] {strides = array<i32>} : memref<128x128xf32, #tpu.memory_space<vmem>>, vector<16xf32>,
        %add3A_3013 = arith.constant 32 : i32
        %add3A_3014 = arith.addi %mul3A_2993, %add3A_3013 : i32
        %get3A_3015 = arith.index_cast %add3A_3014 : i32 to index
        %get3A_3016 = tpu.vector_load %arg8[%get3A_3015] {strides = array<i32>} : memref<51200xf32, #tpu.memory_space<vmem>>, vector<16xf32>,
        %add3A_3017 = arith.addf %get3A_3012, %get3A_3016 : vector<16xf32>
        %get3A_3018 = arith.index_cast %add3A_2989 : i32 to index
        %get3A_3019 = arith.constant 48 : index
        %get3A_3020 = tpu.vector_load %arg12[%get3A_3018, %get3A_3019] {strides = array<i32>} : memref<128x128xf32, #tpu.memory_space<vmem>>, vector<16xf32>,
        %add3A_3021 = arith.constant 48 : i32
        %add3A_3022 = arith.addi %mul3A_2993, %add3A_3021 : i32
        %get3A_3023 = arith.index_cast %add3A_3022 : i32 to index
        %get3A_3024 = tpu.vector_load %arg8[%get3A_3023] {strides = array<i32>} : memref<51200xf32, #tpu.memory_space<vmem>>, vector<16xf32>,
        %add3A_3025 = arith.addf %get3A_3020, %get3A_3024 : vector<16xf32>
        %get3A_3026 = arith.index_cast %add3A_2989 : i32 to index
        %get3A_3027 = arith.constant 64 : index
        %get3A_3028 = tpu.vector_load %arg12[%get3A_3026, %get3A_3027] {strides = array<i32>} : memref<128x128xf32, #tpu.memory_space<vmem>>, vector<16xf32>,
        %add3A_3029 = arith.constant 64 : i32
        %add3A_3030 = arith.addi %mul3A_2993, %add3A_3029 : i32
        %get3A_3031 = arith.index_cast %add3A_3030 : i32 to index
        %get3A_3032 = tpu.vector_load %arg8[%get3A_3031] {strides = array<i32>} : memref<51200xf32, #tpu.memory_space<vmem>>, vector<16xf32>,
        %add3A_3033 = arith.addf %get3A_3028, %get3A_3032 : vector<16xf32>
        %get3A_3034 = arith.index_cast %add3A_2989 : i32 to index
        %get3A_3035 = arith.constant 80 : index
        %get3A_3036 = tpu.vector_load %arg12[%get3A_3034, %get3A_3035] {strides = array<i32>} : memref<128x128xf32, #tpu.memory_space<vmem>>, vector<16xf32>,
        %add3A_3037 = arith.constant 80 : i32
        %add3A_3038 = arith.addi %mul3A_2993, %add3A_3037 : i32
        %get3A_3039 = arith.index_cast %add3A_3038 : i32 to index
        %get3A_3040 = tpu.vector_load %arg8[%get3A_3039] {strides = array<i32>} : memref<51200xf32, #tpu.memory_space<vmem>>, vector<16xf32>,
        %add3A_3041 = arith.addf %get3A_3036, %get3A_3040 : vector<16xf32>
        %get3A_3042 = arith.index_cast %add3A_2989 : i32 to index
        %get3A_3043 = arith.constant 96 : index
        %get3A_3044 = tpu.vector_load %arg12[%get3A_3042, %get3A_3043] {strides = array<i32>} : memref<128x128xf32, #tpu.memory_space<vmem>>, vector<16xf32>,
        %add3A_3045 = arith.constant 96 : i32
        %add3A_3046 = arith.addi %mul3A_2993, %add3A_3045 : i32
        %get3A_3047 = arith.index_cast %add3A_3046 : i32 to index
        %get3A_3048 = tpu.vector_load %arg8[%get3A_3047] {strides = array<i32>} : memref<51200xf32, #tpu.memory_space<vmem>>, vector<16xf32>,
        %add3A_3049 = arith.addf %get3A_3044, %get3A_3048 : vector<16xf32>
        %get3A_3050 = arith.index_cast %add3A_2989 : i32 to index
        %get3A_3051 = arith.constant 112 : index
        %get3A_3052 = tpu.vector_load %arg12[%get3A_3050, %get3A_3051] {strides = array<i32>} : memref<128x128xf32, #tpu.memory_space<vmem>>, vector<16xf32>,
        %add3A_3053 = arith.constant 112 : i32
        %add3A_3054 = arith.addi %mul3A_2993, %add3A_3053 : i32
        %get3A_3055 = arith.index_cast %add3A_3054 : i32 to index
        %get3A_3056 = tpu.vector_load %arg8[%get3A_3055] {strides = array<i32>} : memref<51200xf32, #tpu.memory_space<vmem>>, vector<16xf32>,
        %add3A_3057 = arith.addf %get3A_3052, %get3A_3056 : vector<16xf32>
        %add3A_3058 = arith.addf %add3A_3001, %add3A_3009 : vector<16xf32>
        %add3A_3059 = arith.addf %add3A_3058, %add3A_3017 : vector<16xf32>
        %add3A_3060 = arith.addf %add3A_3059, %add3A_3025 : vector<16xf32>
        %add3A_3061 = arith.addf %add3A_3060, %add3A_3033 : vector<16xf32>
        %add3A_3062 = arith.addf %add3A_3061, %add3A_3041 : vector<16xf32>
        %add3A_3063 = arith.addf %add3A_3062, %add3A_3049 : vector<16xf32>
        %add3A_3064 = arith.addf %add3A_3063, %add3A_3057 : vector<16xf32>
        %mul3A_3065 = arith.mulf %add3A_3001, %add3A_3001 : vector<16xf32>
        %mul3A_3066 = arith.mulf %add3A_3009, %add3A_3009 : vector<16xf32>
        %add3A_3067 = arith.addf %mul3A_3065, %mul3A_3066 : vector<16xf32>
        %mul3A_3068 = arith.mulf %add3A_3017, %add3A_3017 : vector<16xf32>
        %add3A_3069 = arith.addf %add3A_3067, %mul3A_3068 : vector<16xf32>
        %mul3A_3070 = arith.mulf %add3A_3025, %add3A_3025 : vector<16xf32>
        %add3A_3071 = arith.addf %add3A_3069, %mul3A_3070 : vector<16xf32>
        %mul3A_3072 = arith.mulf %add3A_3033, %add3A_3033 : vector<16xf32>
        %add3A_3073 = arith.addf %add3A_3071, %mul3A_3072 : vector<16xf32>
        %mul3A_3074 = arith.mulf %add3A_3041, %add3A_3041 : vector<16xf32>
        %add3A_3075 = arith.addf %add3A_3073, %mul3A_3074 : vector<16xf32>
        %mul3A_3076 = arith.mulf %add3A_3049, %add3A_3049 : vector<16xf32>
        %add3A_3077 = arith.addf %add3A_3075, %mul3A_3076 : vector<16xf32>
        %mul3A_3078 = arith.mulf %add3A_3057, %add3A_3057 : vector<16xf32>
        %add3A_3079 = arith.addf %add3A_3077, %mul3A_3078 : vector<16xf32>
        %reduce_sum3A_3080 = arith.constant true
        %reduce_sum3A_3081 = vector.broadcast %reduce_sum3A_3080 : i1 to vector<16xi1>
        %reduce_sum3A_3082 = tpu.scan <sum>, %add3A_3064 masked %reduce_sum3A_3081 : vector<16xf32>, vector<16xi1> -> vector<16xf32>
        %reduce_sum3A_3083 = vector.extract %reduce_sum3A_3082[15] : f32 from vector<16xf32>
        %reduce_sum3A_3084 = arith.constant true
        %reduce_sum3A_3085 = vector.broadcast %reduce_sum3A_3084 : i1 to vector<16xi1>
        %reduce_sum3A_3086 = tpu.scan <sum>, %add3A_3079 masked %reduce_sum3A_3085 : vector<16xf32>, vector<16xi1> -> vector<16xf32>
        %reduce_sum3A_3087 = vector.extract %reduce_sum3A_3086[15] : f32 from vector<16xf32>
        %mul3A_3088 = arith.constant 7.812500e-03 : f32
        %mul3A_3089 = arith.mulf %reduce_sum3A_3083, %mul3A_3088 : f32
        %mul3A_3090 = arith.constant 7.812500e-03 : f32
        %mul3A_3091 = arith.mulf %reduce_sum3A_3087, %mul3A_3090 : f32
        %mul3A_3092 = arith.mulf %mul3A_3089, %mul3A_3089 : f32
        %sub3A_3093 = arith.subf %mul3A_3091, %mul3A_3092 : f32
        %add3A_3094 = arith.constant 9.99999996E-13 : f32
        %add3A_3095 = arith.addf %sub3A_3093, %add3A_3094 : f32
        %bitcast_convert_type3A_3096 = arith.bitcast %add3A_3095 : f32 to i32
        %shift_right_logical3A_3097 = arith.constant 1 : i32
        %shift_right_logical3A_3098 = arith.shrui %bitcast_convert_type3A_3096, %shift_right_logical3A_3097 : i32
        %sub3A_3099 = arith.constant 1597463007 : i32
        %sub3A_3100 = arith.subi %sub3A_3099, %shift_right_logical3A_3098 : i32
        %bitcast_convert_type3A_3101 = arith.bitcast %sub3A_3100 : i32 to f32
        %mul3A_3102 = arith.constant 5.000000e-01 : f32
        %mul3A_3103 = arith.mulf %mul3A_3102, %add3A_3095 : f32
        %mul3A_3104 = arith.mulf %mul3A_3103, %bitcast_convert_type3A_3101 : f32
        %mul3A_3105 = arith.mulf %mul3A_3104, %bitcast_convert_type3A_3101 : f32
        %sub3A_3106 = arith.constant 1.500000e+00 : f32
        %sub3A_3107 = arith.subf %sub3A_3106, %mul3A_3105 : f32
        %mul3A_3108 = arith.mulf %bitcast_convert_type3A_3101, %sub3A_3107 : f32
        %mul3A_3109 = arith.constant 5.000000e-01 : f32
        %mul3A_3110 = arith.mulf %mul3A_3109, %add3A_3095 : f32
        %mul3A_3111 = arith.mulf %mul3A_3110, %mul3A_3108 : f32
        %mul3A_3112 = arith.mulf %mul3A_3111, %mul3A_3108 : f32
        %sub3A_3113 = arith.constant 1.500000e+00 : f32
        %sub3A_3114 = arith.subf %sub3A_3113, %mul3A_3112 : f32
        %mul3A_3115 = arith.mulf %mul3A_3108, %sub3A_3114 : f32
        %mul3A_3116 = arith.constant 5.000000e-01 : f32
        %mul3A_3117 = arith.mulf %mul3A_3116, %add3A_3095 : f32
        %mul3A_3118 = arith.mulf %mul3A_3117, %mul3A_3115 : f32
        %mul3A_3119 = arith.mulf %mul3A_3118, %mul3A_3115 : f32
        %sub3A_3120 = arith.constant 1.500000e+00 : f32
        %sub3A_3121 = arith.subf %sub3A_3120, %mul3A_3119 : f32
        %mul3A_3122 = arith.mulf %mul3A_3115, %sub3A_3121 : f32
        %sub3A_3123 = vector.broadcast %mul3A_3089 : f32 to vector<16xf32>
        %sub3A_3124 = arith.subf %add3A_3001, %sub3A_3123 : vector<16xf32>
        %mul3A_3125 = vector.broadcast %mul3A_3122 : f32 to vector<16xf32>
        %mul3A_3126 = arith.mulf %sub3A_3124, %mul3A_3125 : vector<16xf32>
        %mul3A_3127 = arith.mulf %mul3A_3126, %get3A_29 : vector<16xf32>
        %add3A_3128 = arith.addf %mul3A_3127, %get3A_45 : vector<16xf32>
        %swap3A_3129 = arith.index_cast %add3A_2989 : i32 to index
        %swap3A_3130 = arith.constant 0 : index
        %swap3A_3131 = tpu.vector_load %arg13[%swap3A_3129, %swap3A_3130] {strides = array<i32>} : memref<128x128xf32, #tpu.memory_space<vmem>>, vector<16xf32>,
        tpu.vector_store %arg13[%swap3A_3129, %swap3A_3130], %add3A_3128 {strides = array<i32>} : memref<128x128xf32, #tpu.memory_space<vmem>>, vector<16xf32>,
        %sub3A_3132 = vector.broadcast %mul3A_3089 : f32 to vector<16xf32>
        %sub3A_3133 = arith.subf %add3A_3009, %sub3A_3132 : vector<16xf32>
        %mul3A_3134 = vector.broadcast %mul3A_3122 : f32 to vector<16xf32>
        %mul3A_3135 = arith.mulf %sub3A_3133, %mul3A_3134 : vector<16xf32>
        %mul3A_3136 = arith.mulf %mul3A_3135, %get3A_31 : vector<16xf32>
        %add3A_3137 = arith.addf %mul3A_3136, %get3A_47 : vector<16xf32>
        %swap3A_3138 = arith.index_cast %add3A_2989 : i32 to index
        %swap3A_3139 = arith.constant 16 : index
        %swap3A_3140 = tpu.vector_load %arg13[%swap3A_3138, %swap3A_3139] {strides = array<i32>} : memref<128x128xf32, #tpu.memory_space<vmem>>, vector<16xf32>,
        tpu.vector_store %arg13[%swap3A_3138, %swap3A_3139], %add3A_3137 {strides = array<i32>} : memref<128x128xf32, #tpu.memory_space<vmem>>, vector<16xf32>,
        %sub3A_3141 = vector.broadcast %mul3A_3089 : f32 to vector<16xf32>
        %sub3A_3142 = arith.subf %add3A_3017, %sub3A_3141 : vector<16xf32>
        %mul3A_3143 = vector.broadcast %mul3A_3122 : f32 to vector<16xf32>
        %mul3A_3144 = arith.mulf %sub3A_3142, %mul3A_3143 : vector<16xf32>
        %mul3A_3145 = arith.mulf %mul3A_3144, %get3A_33 : vector<16xf32>
        %add3A_3146 = arith.addf %mul3A_3145, %get3A_49 : vector<16xf32>
        %swap3A_3147 = arith.index_cast %add3A_2989 : i32 to index
        %swap3A_3148 = arith.constant 32 : index
        %swap3A_3149 = tpu.vector_load %arg13[%swap3A_3147, %swap3A_3148] {strides = array<i32>} : memref<128x128xf32, #tpu.memory_space<vmem>>, vector<16xf32>,
        tpu.vector_store %arg13[%swap3A_3147, %swap3A_3148], %add3A_3146 {strides = array<i32>} : memref<128x128xf32, #tpu.memory_space<vmem>>, vector<16xf32>,
        %sub3A_3150 = vector.broadcast %mul3A_3089 : f32 to vector<16xf32>
        %sub3A_3151 = arith.subf %add3A_3025, %sub3A_3150 : vector<16xf32>
        %mul3A_3152 = vector.broadcast %mul3A_3122 : f32 to vector<16xf32>
        %mul3A_3153 = arith.mulf %sub3A_3151, %mul3A_3152 : vector<16xf32>
        %mul3A_3154 = arith.mulf %mul3A_3153, %get3A_35 : vector<16xf32>
        %add3A_3155 = arith.addf %mul3A_3154, %get3A_51 : vector<16xf32>
        %swap3A_3156 = arith.index_cast %add3A_2989 : i32 to index
        %swap3A_3157 = arith.constant 48 : index
        %swap3A_3158 = tpu.vector_load %arg13[%swap3A_3156, %swap3A_3157] {strides = array<i32>} : memref<128x128xf32, #tpu.memory_space<vmem>>, vector<16xf32>,
        tpu.vector_store %arg13[%swap3A_3156, %swap3A_3157], %add3A_3155 {strides = array<i32>} : memref<128x128xf32, #tpu.memory_space<vmem>>, vector<16xf32>,
        %sub3A_3159 = vector.broadcast %mul3A_3089 : f32 to vector<16xf32>
        %sub3A_3160 = arith.subf %add3A_3033, %sub3A_3159 : vector<16xf32>
        %mul3A_3161 = vector.broadcast %mul3A_3122 : f32 to vector<16xf32>
        %mul3A_3162 = arith.mulf %sub3A_3160, %mul3A_3161 : vector<16xf32>
        %mul3A_3163 = arith.mulf %mul3A_3162, %get3A_37 : vector<16xf32>
        %add3A_3164 = arith.addf %mul3A_3163, %get3A_53 : vector<16xf32>
        %swap3A_3165 = arith.index_cast %add3A_2989 : i32 to index
        %swap3A_3166 = arith.constant 64 : index
        %swap3A_3167 = tpu.vector_load %arg13[%swap3A_3165, %swap3A_3166] {strides = array<i32>} : memref<128x128xf32, #tpu.memory_space<vmem>>, vector<16xf32>,
        tpu.vector_store %arg13[%swap3A_3165, %swap3A_3166], %add3A_3164 {strides = array<i32>} : memref<128x128xf32, #tpu.memory_space<vmem>>, vector<16xf32>,
        %sub3A_3168 = vector.broadcast %mul3A_3089 : f32 to vector<16xf32>
        %sub3A_3169 = arith.subf %add3A_3041, %sub3A_3168 : vector<16xf32>
        %mul3A_3170 = vector.broadcast %mul3A_3122 : f32 to vector<16xf32>
        %mul3A_3171 = arith.mulf %sub3A_3169, %mul3A_3170 : vector<16xf32>
        %mul3A_3172 = arith.mulf %mul3A_3171, %get3A_39 : vector<16xf32>
        %add3A_3173 = arith.addf %mul3A_3172, %get3A_55 : vector<16xf32>
        %swap3A_3174 = arith.index_cast %add3A_2989 : i32 to index
        %swap3A_3175 = arith.constant 80 : index
        %swap3A_3176 = tpu.vector_load %arg13[%swap3A_3174, %swap3A_3175] {strides = array<i32>} : memref<128x128xf32, #tpu.memory_space<vmem>>, vector<16xf32>,
        tpu.vector_store %arg13[%swap3A_3174, %swap3A_3175], %add3A_3173 {strides = array<i32>} : memref<128x128xf32, #tpu.memory_space<vmem>>, vector<16xf32>,
        %sub3A_3177 = vector.broadcast %mul3A_3089 : f32 to vector<16xf32>
        %sub3A_3178 = arith.subf %add3A_3049, %sub3A_3177 : vector<16xf32>
        %mul3A_3179 = vector.broadcast %mul3A_3122 : f32 to vector<16xf32>
        %mul3A_3180 = arith.mulf %sub3A_3178, %mul3A_3179 : vector<16xf32>
        %mul3A_3181 = arith.mulf %mul3A_3180, %get3A_41 : vector<16xf32>
        %add3A_3182 = arith.addf %mul3A_3181, %get3A_57 : vector<16xf32>
        %swap3A_3183 = arith.index_cast %add3A_2989 : i32 to index
        %swap3A_3184 = arith.constant 96 : index
        %swap3A_3185 = tpu.vector_load %arg13[%swap3A_3183, %swap3A_3184] {strides = array<i32>} : memref<128x128xf32, #tpu.memory_space<vmem>>, vector<16xf32>,
        tpu.vector_store %arg13[%swap3A_3183, %swap3A_3184], %add3A_3182 {strides = array<i32>} : memref<128x128xf32, #tpu.memory_space<vmem>>, vector<16xf32>,
        %sub3A_3186 = vector.broadcast %mul3A_3089 : f32 to vector<16xf32>
        %sub3A_3187 = arith.subf %add3A_3057, %sub3A_3186 : vector<16xf32>
        %mul3A_3188 = vector.broadcast %mul3A_3122 : f32 to vector<16xf32>
        %mul3A_3189 = arith.mulf %sub3A_3187, %mul3A_3188 : vector<16xf32>
        %mul3A_3190 = arith.mulf %mul3A_3189, %get3A_43 : vector<16xf32>
        %add3A_3191 = arith.addf %mul3A_3190, %get3A_59 : vector<16xf32>
        %swap3A_3192 = arith.index_cast %add3A_2989 : i32 to index
        %swap3A_3193 = arith.constant 112 : index
        %swap3A_3194 = tpu.vector_load %arg13[%swap3A_3192, %swap3A_3193] {strides = array<i32>} : memref<128x128xf32, #tpu.memory_space<vmem>>, vector<16xf32>,
        tpu.vector_store %arg13[%swap3A_3192, %swap3A_3193], %add3A_3191 {strides = array<i32>} : memref<128x128xf32, #tpu.memory_space<vmem>>, vector<16xf32>,
        %mul3A_3195 = arith.constant 16 : i32
        %mul3A_3196 = arith.muli %scan3A_28, %mul3A_3195 : i32
        %add3A_3197 = arith.constant 15 : i32
        %add3A_3198 = arith.addi %mul3A_3196, %add3A_3197 : i32
        %slice3A_3199 = vector.extract_strided_slice %get3A_66 {offsets = [15], sizes = [1], strides = [1]} : vector<16xi32> to vector<1xi32>
        %squeeze3A_3200 = vector.extract %slice3A_3199[0] : i32 from vector<1xi32>
        %mul3A_3201 = arith.constant 128 : i32
        %mul3A_3202 = arith.muli %squeeze3A_3200, %mul3A_3201 : i32
        %get3A_3203 = arith.index_cast %add3A_3198 : i32 to index
        %get3A_3204 = arith.constant 0 : index
        %get3A_3205 = tpu.vector_load %arg12[%get3A_3203, %get3A_3204] {strides = array<i32>} : memref<128x128xf32, #tpu.memory_space<vmem>>, vector<16xf32>,
        %add3A_3206 = arith.constant 0 : i32
        %add3A_3207 = arith.addi %mul3A_3202, %add3A_3206 : i32
        %get3A_3208 = arith.index_cast %add3A_3207 : i32 to index
        %get3A_3209 = tpu.vector_load %arg8[%get3A_3208] {strides = array<i32>} : memref<51200xf32, #tpu.memory_space<vmem>>, vector<16xf32>,
        %add3A_3210 = arith.addf %get3A_3205, %get3A_3209 : vector<16xf32>
        %get3A_3211 = arith.index_cast %add3A_3198 : i32 to index
        %get3A_3212 = arith.constant 16 : index
        %get3A_3213 = tpu.vector_load %arg12[%get3A_3211, %get3A_3212] {strides = array<i32>} : memref<128x128xf32, #tpu.memory_space<vmem>>, vector<16xf32>,
        %add3A_3214 = arith.constant 16 : i32
        %add3A_3215 = arith.addi %mul3A_3202, %add3A_3214 : i32
        %get3A_3216 = arith.index_cast %add3A_3215 : i32 to index
        %get3A_3217 = tpu.vector_load %arg8[%get3A_3216] {strides = array<i32>} : memref<51200xf32, #tpu.memory_space<vmem>>, vector<16xf32>,
        %add3A_3218 = arith.addf %get3A_3213, %get3A_3217 : vector<16xf32>
        %get3A_3219 = arith.index_cast %add3A_3198 : i32 to index
        %get3A_3220 = arith.constant 32 : index
        %get3A_3221 = tpu.vector_load %arg12[%get3A_3219, %get3A_3220] {strides = array<i32>} : memref<128x128xf32, #tpu.memory_space<vmem>>, vector<16xf32>,
        %add3A_3222 = arith.constant 32 : i32
        %add3A_3223 = arith.addi %mul3A_3202, %add3A_3222 : i32
        %get3A_3224 = arith.index_cast %add3A_3223 : i32 to index
        %get3A_3225 = tpu.vector_load %arg8[%get3A_3224] {strides = array<i32>} : memref<51200xf32, #tpu.memory_space<vmem>>, vector<16xf32>,
        %add3A_3226 = arith.addf %get3A_3221, %get3A_3225 : vector<16xf32>
        %get3A_3227 = arith.index_cast %add3A_3198 : i32 to index
        %get3A_3228 = arith.constant 48 : index
        %get3A_3229 = tpu.vector_load %arg12[%get3A_3227, %get3A_3228] {strides = array<i32>} : memref<128x128xf32, #tpu.memory_space<vmem>>, vector<16xf32>,
        %add3A_3230 = arith.constant 48 : i32
        %add3A_3231 = arith.addi %mul3A_3202, %add3A_3230 : i32
        %get3A_3232 = arith.index_cast %add3A_3231 : i32 to index
        %get3A_3233 = tpu.vector_load %arg8[%get3A_3232] {strides = array<i32>} : memref<51200xf32, #tpu.memory_space<vmem>>, vector<16xf32>,
        %add3A_3234 = arith.addf %get3A_3229, %get3A_3233 : vector<16xf32>
        %get3A_3235 = arith.index_cast %add3A_3198 : i32 to index
        %get3A_3236 = arith.constant 64 : index
        %get3A_3237 = tpu.vector_load %arg12[%get3A_3235, %get3A_3236] {strides = array<i32>} : memref<128x128xf32, #tpu.memory_space<vmem>>, vector<16xf32>,
        %add3A_3238 = arith.constant 64 : i32
        %add3A_3239 = arith.addi %mul3A_3202, %add3A_3238 : i32
        %get3A_3240 = arith.index_cast %add3A_3239 : i32 to index
        %get3A_3241 = tpu.vector_load %arg8[%get3A_3240] {strides = array<i32>} : memref<51200xf32, #tpu.memory_space<vmem>>, vector<16xf32>,
        %add3A_3242 = arith.addf %get3A_3237, %get3A_3241 : vector<16xf32>
        %get3A_3243 = arith.index_cast %add3A_3198 : i32 to index
        %get3A_3244 = arith.constant 80 : index
        %get3A_3245 = tpu.vector_load %arg12[%get3A_3243, %get3A_3244] {strides = array<i32>} : memref<128x128xf32, #tpu.memory_space<vmem>>, vector<16xf32>,
        %add3A_3246 = arith.constant 80 : i32
        %add3A_3247 = arith.addi %mul3A_3202, %add3A_3246 : i32
        %get3A_3248 = arith.index_cast %add3A_3247 : i32 to index
        %get3A_3249 = tpu.vector_load %arg8[%get3A_3248] {strides = array<i32>} : memref<51200xf32, #tpu.memory_space<vmem>>, vector<16xf32>,
        %add3A_3250 = arith.addf %get3A_3245, %get3A_3249 : vector<16xf32>
        %get3A_3251 = arith.index_cast %add3A_3198 : i32 to index
        %get3A_3252 = arith.constant 96 : index
        %get3A_3253 = tpu.vector_load %arg12[%get3A_3251, %get3A_3252] {strides = array<i32>} : memref<128x128xf32, #tpu.memory_space<vmem>>, vector<16xf32>,
        %add3A_3254 = arith.constant 96 : i32
        %add3A_3255 = arith.addi %mul3A_3202, %add3A_3254 : i32
        %get3A_3256 = arith.index_cast %add3A_3255 : i32 to index
        %get3A_3257 = tpu.vector_load %arg8[%get3A_3256] {strides = array<i32>} : memref<51200xf32, #tpu.memory_space<vmem>>, vector<16xf32>,
        %add3A_3258 = arith.addf %get3A_3253, %get3A_3257 : vector<16xf32>
        %get3A_3259 = arith.index_cast %add3A_3198 : i32 to index
        %get3A_3260 = arith.constant 112 : index
        %get3A_3261 = tpu.vector_load %arg12[%get3A_3259, %get3A_3260] {strides = array<i32>} : memref<128x128xf32, #tpu.memory_space<vmem>>, vector<16xf32>,
        %add3A_3262 = arith.constant 112 : i32
        %add3A_3263 = arith.addi %mul3A_3202, %add3A_3262 : i32
        %get3A_3264 = arith.index_cast %add3A_3263 : i32 to index
        %get3A_3265 = tpu.vector_load %arg8[%get3A_3264] {strides = array<i32>} : memref<51200xf32, #tpu.memory_space<vmem>>, vector<16xf32>,
        %add3A_3266 = arith.addf %get3A_3261, %get3A_3265 : vector<16xf32>
        %add3A_3267 = arith.addf %add3A_3210, %add3A_3218 : vector<16xf32>
        %add3A_3268 = arith.addf %add3A_3267, %add3A_3226 : vector<16xf32>
        %add3A_3269 = arith.addf %add3A_3268, %add3A_3234 : vector<16xf32>
        %add3A_3270 = arith.addf %add3A_3269, %add3A_3242 : vector<16xf32>
        %add3A_3271 = arith.addf %add3A_3270, %add3A_3250 : vector<16xf32>
        %add3A_3272 = arith.addf %add3A_3271, %add3A_3258 : vector<16xf32>
        %add3A_3273 = arith.addf %add3A_3272, %add3A_3266 : vector<16xf32>
        %mul3A_3274 = arith.mulf %add3A_3210, %add3A_3210 : vector<16xf32>
        %mul3A_3275 = arith.mulf %add3A_3218, %add3A_3218 : vector<16xf32>
        %add3A_3276 = arith.addf %mul3A_3274, %mul3A_3275 : vector<16xf32>
        %mul3A_3277 = arith.mulf %add3A_3226, %add3A_3226 : vector<16xf32>
        %add3A_3278 = arith.addf %add3A_3276, %mul3A_3277 : vector<16xf32>
        %mul3A_3279 = arith.mulf %add3A_3234, %add3A_3234 : vector<16xf32>
        %add3A_3280 = arith.addf %add3A_3278, %mul3A_3279 : vector<16xf32>
        %mul3A_3281 = arith.mulf %add3A_3242, %add3A_3242 : vector<16xf32>
        %add3A_3282 = arith.addf %add3A_3280, %mul3A_3281 : vector<16xf32>
        %mul3A_3283 = arith.mulf %add3A_3250, %add3A_3250 : vector<16xf32>
        %add3A_3284 = arith.addf %add3A_3282, %mul3A_3283 : vector<16xf32>
        %mul3A_3285 = arith.mulf %add3A_3258, %add3A_3258 : vector<16xf32>
        %add3A_3286 = arith.addf %add3A_3284, %mul3A_3285 : vector<16xf32>
        %mul3A_3287 = arith.mulf %add3A_3266, %add3A_3266 : vector<16xf32>
        %add3A_3288 = arith.addf %add3A_3286, %mul3A_3287 : vector<16xf32>
        %reduce_sum3A_3289 = arith.constant true
        %reduce_sum3A_3290 = vector.broadcast %reduce_sum3A_3289 : i1 to vector<16xi1>
        %reduce_sum3A_3291 = tpu.scan <sum>, %add3A_3273 masked %reduce_sum3A_3290 : vector<16xf32>, vector<16xi1> -> vector<16xf32>
        %reduce_sum3A_3292 = vector.extract %reduce_sum3A_3291[15] : f32 from vector<16xf32>
        %reduce_sum3A_3293 = arith.constant true
        %reduce_sum3A_3294 = vector.broadcast %reduce_sum3A_3293 : i1 to vector<16xi1>
        %reduce_sum3A_3295 = tpu.scan <sum>, %add3A_3288 masked %reduce_sum3A_3294 : vector<16xf32>, vector<16xi1> -> vector<16xf32>
        %reduce_sum3A_3296 = vector.extract %reduce_sum3A_3295[15] : f32 from vector<16xf32>
        %mul3A_3297 = arith.constant 7.812500e-03 : f32
        %mul3A_3298 = arith.mulf %reduce_sum3A_3292, %mul3A_3297 : f32
        %mul3A_3299 = arith.constant 7.812500e-03 : f32
        %mul3A_3300 = arith.mulf %reduce_sum3A_3296, %mul3A_3299 : f32
        %mul3A_3301 = arith.mulf %mul3A_3298, %mul3A_3298 : f32
        %sub3A_3302 = arith.subf %mul3A_3300, %mul3A_3301 : f32
        %add3A_3303 = arith.constant 9.99999996E-13 : f32
        %add3A_3304 = arith.addf %sub3A_3302, %add3A_3303 : f32
        %bitcast_convert_type3A_3305 = arith.bitcast %add3A_3304 : f32 to i32
        %shift_right_logical3A_3306 = arith.constant 1 : i32
        %shift_right_logical3A_3307 = arith.shrui %bitcast_convert_type3A_3305, %shift_right_logical3A_3306 : i32
        %sub3A_3308 = arith.constant 1597463007 : i32
        %sub3A_3309 = arith.subi %sub3A_3308, %shift_right_logical3A_3307 : i32
        %bitcast_convert_type3A_3310 = arith.bitcast %sub3A_3309 : i32 to f32
        %mul3A_3311 = arith.constant 5.000000e-01 : f32
        %mul3A_3312 = arith.mulf %mul3A_3311, %add3A_3304 : f32
        %mul3A_3313 = arith.mulf %mul3A_3312, %bitcast_convert_type3A_3310 : f32
        %mul3A_3314 = arith.mulf %mul3A_3313, %bitcast_convert_type3A_3310 : f32
        %sub3A_3315 = arith.constant 1.500000e+00 : f32
        %sub3A_3316 = arith.subf %sub3A_3315, %mul3A_3314 : f32
        %mul3A_3317 = arith.mulf %bitcast_convert_type3A_3310, %sub3A_3316 : f32
        %mul3A_3318 = arith.constant 5.000000e-01 : f32
        %mul3A_3319 = arith.mulf %mul3A_3318, %add3A_3304 : f32
        %mul3A_3320 = arith.mulf %mul3A_3319, %mul3A_3317 : f32
        %mul3A_3321 = arith.mulf %mul3A_3320, %mul3A_3317 : f32
        %sub3A_3322 = arith.constant 1.500000e+00 : f32
        %sub3A_3323 = arith.subf %sub3A_3322, %mul3A_3321 : f32
        %mul3A_3324 = arith.mulf %mul3A_3317, %sub3A_3323 : f32
        %mul3A_3325 = arith.constant 5.000000e-01 : f32
        %mul3A_3326 = arith.mulf %mul3A_3325, %add3A_3304 : f32
        %mul3A_3327 = arith.mulf %mul3A_3326, %mul3A_3324 : f32
        %mul3A_3328 = arith.mulf %mul3A_3327, %mul3A_3324 : f32
        %sub3A_3329 = arith.constant 1.500000e+00 : f32
        %sub3A_3330 = arith.subf %sub3A_3329, %mul3A_3328 : f32
        %mul3A_3331 = arith.mulf %mul3A_3324, %sub3A_3330 : f32
        %sub3A_3332 = vector.broadcast %mul3A_3298 : f32 to vector<16xf32>
        %sub3A_3333 = arith.subf %add3A_3210, %sub3A_3332 : vector<16xf32>
        %mul3A_3334 = vector.broadcast %mul3A_3331 : f32 to vector<16xf32>
        %mul3A_3335 = arith.mulf %sub3A_3333, %mul3A_3334 : vector<16xf32>
        %mul3A_3336 = arith.mulf %mul3A_3335, %get3A_29 : vector<16xf32>
        %add3A_3337 = arith.addf %mul3A_3336, %get3A_45 : vector<16xf32>
        %swap3A_3338 = arith.index_cast %add3A_3198 : i32 to index
        %swap3A_3339 = arith.constant 0 : index
        %swap3A_3340 = tpu.vector_load %arg13[%swap3A_3338, %swap3A_3339] {strides = array<i32>} : memref<128x128xf32, #tpu.memory_space<vmem>>, vector<16xf32>,
        tpu.vector_store %arg13[%swap3A_3338, %swap3A_3339], %add3A_3337 {strides = array<i32>} : memref<128x128xf32, #tpu.memory_space<vmem>>, vector<16xf32>,
        %sub3A_3341 = vector.broadcast %mul3A_3298 : f32 to vector<16xf32>
        %sub3A_3342 = arith.subf %add3A_3218, %sub3A_3341 : vector<16xf32>
        %mul3A_3343 = vector.broadcast %mul3A_3331 : f32 to vector<16xf32>
        %mul3A_3344 = arith.mulf %sub3A_3342, %mul3A_3343 : vector<16xf32>
        %mul3A_3345 = arith.mulf %mul3A_3344, %get3A_31 : vector<16xf32>
        %add3A_3346 = arith.addf %mul3A_3345, %get3A_47 : vector<16xf32>
        %swap3A_3347 = arith.index_cast %add3A_3198 : i32 to index
        %swap3A_3348 = arith.constant 16 : index
        %swap3A_3349 = tpu.vector_load %arg13[%swap3A_3347, %swap3A_3348] {strides = array<i32>} : memref<128x128xf32, #tpu.memory_space<vmem>>, vector<16xf32>,
        tpu.vector_store %arg13[%swap3A_3347, %swap3A_3348], %add3A_3346 {strides = array<i32>} : memref<128x128xf32, #tpu.memory_space<vmem>>, vector<16xf32>,
        %sub3A_3350 = vector.broadcast %mul3A_3298 : f32 to vector<16xf32>
        %sub3A_3351 = arith.subf %add3A_3226, %sub3A_3350 : vector<16xf32>
        %mul3A_3352 = vector.broadcast %mul3A_3331 : f32 to vector<16xf32>
        %mul3A_3353 = arith.mulf %sub3A_3351, %mul3A_3352 : vector<16xf32>
        %mul3A_3354 = arith.mulf %mul3A_3353, %get3A_33 : vector<16xf32>
        %add3A_3355 = arith.addf %mul3A_3354, %get3A_49 : vector<16xf32>
        %swap3A_3356 = arith.index_cast %add3A_3198 : i32 to index
        %swap3A_3357 = arith.constant 32 : index
        %swap3A_3358 = tpu.vector_load %arg13[%swap3A_3356, %swap3A_3357] {strides = array<i32>} : memref<128x128xf32, #tpu.memory_space<vmem>>, vector<16xf32>,
        tpu.vector_store %arg13[%swap3A_3356, %swap3A_3357], %add3A_3355 {strides = array<i32>} : memref<128x128xf32, #tpu.memory_space<vmem>>, vector<16xf32>,
        %sub3A_3359 = vector.broadcast %mul3A_3298 : f32 to vector<16xf32>
        %sub3A_3360 = arith.subf %add3A_3234, %sub3A_3359 : vector<16xf32>
        %mul3A_3361 = vector.broadcast %mul3A_3331 : f32 to vector<16xf32>
        %mul3A_3362 = arith.mulf %sub3A_3360, %mul3A_3361 : vector<16xf32>
        %mul3A_3363 = arith.mulf %mul3A_3362, %get3A_35 : vector<16xf32>
        %add3A_3364 = arith.addf %mul3A_3363, %get3A_51 : vector<16xf32>
        %swap3A_3365 = arith.index_cast %add3A_3198 : i32 to index
        %swap3A_3366 = arith.constant 48 : index
        %swap3A_3367 = tpu.vector_load %arg13[%swap3A_3365, %swap3A_3366] {strides = array<i32>} : memref<128x128xf32, #tpu.memory_space<vmem>>, vector<16xf32>,
        tpu.vector_store %arg13[%swap3A_3365, %swap3A_3366], %add3A_3364 {strides = array<i32>} : memref<128x128xf32, #tpu.memory_space<vmem>>, vector<16xf32>,
        %sub3A_3368 = vector.broadcast %mul3A_3298 : f32 to vector<16xf32>
        %sub3A_3369 = arith.subf %add3A_3242, %sub3A_3368 : vector<16xf32>
        %mul3A_3370 = vector.broadcast %mul3A_3331 : f32 to vector<16xf32>
        %mul3A_3371 = arith.mulf %sub3A_3369, %mul3A_3370 : vector<16xf32>
        %mul3A_3372 = arith.mulf %mul3A_3371, %get3A_37 : vector<16xf32>
        %add3A_3373 = arith.addf %mul3A_3372, %get3A_53 : vector<16xf32>
        %swap3A_3374 = arith.index_cast %add3A_3198 : i32 to index
        %swap3A_3375 = arith.constant 64 : index
        %swap3A_3376 = tpu.vector_load %arg13[%swap3A_3374, %swap3A_3375] {strides = array<i32>} : memref<128x128xf32, #tpu.memory_space<vmem>>, vector<16xf32>,
        tpu.vector_store %arg13[%swap3A_3374, %swap3A_3375], %add3A_3373 {strides = array<i32>} : memref<128x128xf32, #tpu.memory_space<vmem>>, vector<16xf32>,
        %sub3A_3377 = vector.broadcast %mul3A_3298 : f32 to vector<16xf32>
        %sub3A_3378 = arith.subf %add3A_3250, %sub3A_3377 : vector<16xf32>
        %mul3A_3379 = vector.broadcast %mul3A_3331 : f32 to vector<16xf32>
        %mul3A_3380 = arith.mulf %sub3A_3378, %mul3A_3379 : vector<16xf32>
        %mul3A_3381 = arith.mulf %mul3A_3380, %get3A_39 : vector<16xf32>
        %add3A_3382 = arith.addf %mul3A_3381, %get3A_55 : vector<16xf32>
        %swap3A_3383 = arith.index_cast %add3A_3198 : i32 to index
        %swap3A_3384 = arith.constant 80 : index
        %swap3A_3385 = tpu.vector_load %arg13[%swap3A_3383, %swap3A_3384] {strides = array<i32>} : memref<128x128xf32, #tpu.memory_space<vmem>>, vector<16xf32>,
        tpu.vector_store %arg13[%swap3A_3383, %swap3A_3384], %add3A_3382 {strides = array<i32>} : memref<128x128xf32, #tpu.memory_space<vmem>>, vector<16xf32>,
        %sub3A_3386 = vector.broadcast %mul3A_3298 : f32 to vector<16xf32>
        %sub3A_3387 = arith.subf %add3A_3258, %sub3A_3386 : vector<16xf32>
        %mul3A_3388 = vector.broadcast %mul3A_3331 : f32 to vector<16xf32>
        %mul3A_3389 = arith.mulf %sub3A_3387, %mul3A_3388 : vector<16xf32>
        %mul3A_3390 = arith.mulf %mul3A_3389, %get3A_41 : vector<16xf32>
        %add3A_3391 = arith.addf %mul3A_3390, %get3A_57 : vector<16xf32>
        %swap3A_3392 = arith.index_cast %add3A_3198 : i32 to index
        %swap3A_3393 = arith.constant 96 : index
        %swap3A_3394 = tpu.vector_load %arg13[%swap3A_3392, %swap3A_3393] {strides = array<i32>} : memref<128x128xf32, #tpu.memory_space<vmem>>, vector<16xf32>,
        tpu.vector_store %arg13[%swap3A_3392, %swap3A_3393], %add3A_3391 {strides = array<i32>} : memref<128x128xf32, #tpu.memory_space<vmem>>, vector<16xf32>,
        %sub3A_3395 = vector.broadcast %mul3A_3298 : f32 to vector<16xf32>
        %sub3A_3396 = arith.subf %add3A_3266, %sub3A_3395 : vector<16xf32>
        %mul3A_3397 = vector.broadcast %mul3A_3331 : f32 to vector<16xf32>
        %mul3A_3398 = arith.mulf %sub3A_3396, %mul3A_3397 : vector<16xf32>
        %mul3A_3399 = arith.mulf %mul3A_3398, %get3A_43 : vector<16xf32>
        %add3A_3400 = arith.addf %mul3A_3399, %get3A_59 : vector<16xf32>
        %swap3A_3401 = arith.index_cast %add3A_3198 : i32 to index
        %swap3A_3402 = arith.constant 112 : index
        %swap3A_3403 = tpu.vector_load %arg13[%swap3A_3401, %swap3A_3402] {strides = array<i32>} : memref<128x128xf32, #tpu.memory_space<vmem>>, vector<16xf32>,
        tpu.vector_store %arg13[%swap3A_3401, %swap3A_3402], %add3A_3400 {strides = array<i32>} : memref<128x128xf32, #tpu.memory_space<vmem>>, vector<16xf32>,
      }
      %scan3A_27 = arith.constant 8 : i32
      "tpu.region"() ({
        %run_scoped3A = tpu.sem_alloc : memref<!tpu.dma_semaphore, #tpu.memory_space<semaphore_mem>>
        %dma_start3A_28 = arith.constant 0 : i32
        %dma_start3A_29 = tpu.memref_slice %arg7[%add3A_21, %dma_start3A_28] : memref<204800x128xf32, #tpu.memory_space<hbm>> -> memref<128x128xf32, #tpu.memory_space<hbm>>
        %dma_start3A_30 = arith.constant 0 : i32
        %dma_start3A_31 = tpu.memref_slice %arg7[%add3A_21, %dma_start3A_30] : memref<204800x128xf32, #tpu.memory_space<hbm>> -> memref<128x128xf32, #tpu.memory_space<hbm>>
        tpu.enqueue_dma source(%arg13 : memref<128x128xf32, #tpu.memory_space<vmem>>) target(%dma_start3A_31 : memref<128x128xf32, #tpu.memory_space<hbm>>) target_semaphore(%run_scoped3A : memref<!tpu.dma_semaphore, #tpu.memory_space<semaphore_mem>>)
        %dma_wait3A_32 = arith.constant 0 : i32
        %dma_wait3A_33 = tpu.memref_slice %arg7[%add3A_21, %dma_wait3A_32] : memref<204800x128xf32, #tpu.memory_space<hbm>> -> memref<128x128xf32, #tpu.memory_space<hbm>>
        %dma_wait3A_34 = arith.constant 0 : i32
        %dma_wait3A_35 = tpu.memref_slice %arg7[%add3A_21, %dma_wait3A_34] : memref<204800x128xf32, #tpu.memory_space<hbm>> -> memref<128x128xf32, #tpu.memory_space<hbm>>
        tpu.wait_dma2 semaphore(%run_scoped3A : memref<!tpu.dma_semaphore, #tpu.memory_space<semaphore_mem>>) src(%arg13 : memref<128x128xf32, #tpu.memory_space<vmem>>) dst(%dma_wait3A_35 : memref<128x128xf32, #tpu.memory_space<hbm>>)
        tpu.yield
      }) : () -> ()
    }
    %scan3A_5 = arith.constant 50 : i32
    return
  }
}

</mosaic_0001>

<sc_bundles>
// kernel: kernel.3.cloned.1.call-start
scs
__scs_entry_jumppad:
0x0: {  	(pc) =	sbr.rel $0x88, $3  }
0x1: {  	(tag) =	ssettag $0x0;
	lr =	simm.s32 $0x1  }
0x2: {  	[smem:$0x3F9A] =	sst lr;
	_ =	strace $0xD0000000  }
0x3: {  	_ = 	snop  }
0x4: {  	_ = 	snop  }
0x5: {  	_ = 	snop  }
0x6: {  	_ = 	snop  }
0x7: {  	_ = 	snop  }
__scs_overlays_trampoline_lowered:
0x8: {  	[smem:$0x3FA9] =	sst s0  }
0x9: {  	[smem:$0x3FAA] =	sst s1  }
0xa: {  	[smem:$0x3FAB] =	sst s2  }
0xb: {  	[smem:$0x3FAC] =	sst s3  }
0xc: {  	[smem:$0x3FAD] =	sst s4  }
0xd: {  	[smem:$0x3FAE] =	sst s5  }
0xe: {  	[smem:$0x3FAF] =	sst s6  }
0xf: {  	[smem:$0x3FB0] =	sst s7  }
0x10: {  	[smem:$0x3FB1] =	sst s8  }
0x11: {  	[smem:$0x3FB2] =	sst s9;
	s0 =	simm.s32 @!p0 $0x0  }
0x12: {  	s1 =	sld [smem:$0x3F98];
	s0 =	simm.s32 @p0 $0x1  }
0x13: {  	[smem:$0x3FB3] =	sst s0;
	s0 =	simm.s32 @!p1 $0x0  }
0x14: {  	s2 =	sld [smem:$0x3F97];
	s0 =	simm.s32 @p1 $0x1  }
0x15: {  	[smem:$0x3FB4] =	sst s0;
	s0 =	simm.s32 @!p2 $0x0  }
0x16: {  	s3 =	sld [smem:$0x3FDB];
	s0 =	simm.s32 @p2 $0x1  }
0x17: {  	s4 =	simm.s32 $0x1BF5;
	[smem:$0x3FB6] =	sst s0  }
0x18: {  	s0 =	sld [smem:$0x3F99];
	_ =	swait.ge [sflag:s4], $0x0  }
0x19: {  	s7 =	sld [smem:$0x3F9A]  }
0x1a: {  	s8 =	sadd.s32 $0xFFFFE003, lr  }
0x1b: {  	s9 =	sadd.s32 $0xFFFFFEF7, lr;
	s5 =	simm.s32 $0xFFFFFFFF;
	p2 =	slt.u32 s8, $0xFFFFF086  }
0x1c: {  	p1 =	slt.u32 s9, $0xF7A;
	s5 =	simm.s32 @!p2 $0x0  }
0x1d: {  	s5 =	simm.s32 @p1 $0x1;
	p0 =	seq.s32 s7, s2  }
0x1e: {  	s7 =	smul.u32 @!p0 $0xF7A, s2;
	p2 =	seq.s32 @!p0 s5, $0x0  }
0x1f: {  	s9 =	smul.u32 $0xF7A, s1;
	s8 =	simm.s32 @!p0 $0x1BF5;
	p2 =	por !p2, p0  }
0x20: {  	[sflag:s8] =	ssyncset.s32 @!p0 $0xFFFFF086;
	s6 =	sadd.s32 @!p0 s3, s7;
	s7 =	simm.s32 @!p0 $0x108  }
0x21: {  	s3 =	sadd.s32 s3, s9;
	s6 =	sadd.s32 @!p0 $0x88, s6;
	s7 =	simm.s32 @p2 $0x1082  }
0x22: {  	[simem:s7], [sflag:s8] =	dma.local @!p0 [hbm:s6], $0xF7A  }
0x23: {  	s9 =	sor.u32 $0xD0000000, s2;
	s6 =	simm.s32 $0x108;
	_ =	swait.ge @!p0 [sflag:s8], $0x0  }
0x24: {  	s3 =	sadd.s32 $0x88, s3;
	s6 =	simm.s32 @!p1 $0x1082;
	[sflag:s4] =	ssyncset.s32 $0xFFFFF086  }
0x25: {  	[simem:s6], [sflag:s4] =	dma.local [hbm:s3], $0xF7A  }
0x26: {  	[smem:$0x3F9A] =	sst s1;
	(tag) =	ssettag s2;
	_ =	strace s9  }
0x27: {  	s1 =	sld [smem:$0x3FAA]  }
0x28: {  	s2 =	sld [smem:$0x3FAB]  }
0x29: {  	s4 =	sld [smem:$0x3FAD]  }
0x2a: {  	p0 =	seq.s32 s5, $0x0;
	s5 =	sld [smem:$0x3FAE]  }
0x2b: {  	s6 =	sld [smem:$0x3FAF]  }
0x2c: {  	s7 =	sld [smem:$0x3FB0]  }
0x2d: {  	s3 =	simm.s32 $0x108;
	s8 =	sld [smem:$0x3FB1]  }
0x2e: {  	s3 =	simm.s32 @!p0 $0x1082;
	s9 =	sld [smem:$0x3FB2]  }
0x2f: {  	lr =	sadd.s32 s0, s3;
	s0 =	sld [smem:$0x3FA9]  }
0x30: {  	s3 =	sld [smem:$0x3FAC]  }
0x31: {  	[smem:$0x3FB5] =	sst s10  }
0x32: {  	s10 =	sld [smem:$0x3FB3];
	_ =	sdelay $0x3  }
0x33: {  	p0 =	seq.s32 s10, $0x1;
	s10 =	sld [smem:$0x3FB5];
	_ =	sdelay $0x3  }
0x34: {  	[smem:$0x3FB5] =	sst s10  }
0x35: {  	s10 =	sld [smem:$0x3FB4];
	_ =	sdelay $0x3  }
0x36: {  	p1 =	seq.s32 s10, $0x1;
	s10 =	sld [smem:$0x3FB5];
	_ =	sdelay $0x3  }
0x37: {  	[smem:$0x3FB5] =	sst s10  }
0x38: {  	s10 =	sld [smem:$0x3FB6]  }
0x39: {  	_ = 	snop;
	(pc) =	sbr.ind lr, $3  }
0x3a: {  	_ = 	snop  }
0x3b: {  	_ = 	snop  }
0x3c: {  	p2 =	seq.s32 s10, $0x1;
	s10 =	sld [smem:$0x3FB5]  }
0x3d: {  	_ =	shalt  }
0x3e: {  	_ =	shalt  }
0x3f: {  	_ =	shalt  }
0x40: {  	_ =	shalt  }
0x41: {  	_ =	shalt  }
0x42: {  	_ =	shalt  }
0x43: {  	_ =	shalt  }
0x44: {  	_ =	shalt  }
0x45: {  	_ =	shalt  }
0x46: {  	_ =	shalt  }
0x47: {  	_ =	shalt  }
0x48: {  	_ =	shalt  }
0x49: {  	_ =	shalt  }
0x4a: {  	_ =	shalt  }
0x4b: {  	_ =	shalt  }
0x4c: {  	_ =	shalt  }
0x4d: {  	_ =	shalt  }
0x4e: {  	_ =	shalt  }
0x4f: {  	_ =	shalt  }
0x50: {  	_ =	shalt  }
0x51: {  	_ =	shalt  }
0x52: {  	_ =	shalt  }
0x53: {  	_ =	shalt  }
0x54: {  	_ =	shalt  }
0x55: {  	_ =	shalt  }
0x56: {  	_ =	shalt  }
0x57: {  	_ =	shalt  }
0x58: {  	_ =	shalt  }
0x59: {  	_ =	shalt  }
0x5a: {  	_ =	shalt  }
0x5b: {  	_ =	shalt  }
0x5c: {  	_ =	shalt  }
0x5d: {  	_ =	shalt  }
0x5e: {  	_ =	shalt  }
0x5f: {  	_ =	shalt  }
0x60: {  	_ =	shalt  }
0x61: {  	_ =	shalt  }
0x62: {  	_ =	shalt  }
0x63: {  	_ =	shalt  }
0x64: {  	_ =	shalt  }
0x65: {  	_ =	shalt  }
0x66: {  	_ =	shalt  }
0x67: {  	_ =	shalt  }
0x68: {  	_ =	shalt  }
0x69: {  	_ =	shalt  }
0x6a: {  	_ =	shalt  }
0x6b: {  	_ =	shalt  }
0x6c: {  	_ =	shalt  }
0x6d: {  	_ =	shalt  }
0x6e: {  	_ =	shalt  }
0x6f: {  	_ =	shalt  }
0x70: {  	_ =	shalt  }
0x71: {  	_ =	shalt  }
0x72: {  	_ =	shalt  }
0x73: {  	_ =	shalt  }
0x74: {  	_ =	shalt  }
0x75: {  	_ =	shalt  }
0x76: {  	_ =	shalt  }
0x77: {  	_ =	shalt  }
0x78: {  	_ =	shalt  }
0x79: {  	_ =	shalt  }
0x7a: {  	_ =	shalt  }
0x7b: {  	_ =	shalt  }
0x7c: {  	_ =	shalt  }
0x7d: {  	_ =	shalt  }
0x7e: {  	_ =	shalt  }
0x7f: {  	_ =	shalt  }
0x80: {  	_ =	shalt  }
0x81: {  	_ =	shalt  }
0x82: {  	_ =	shalt  }
0x83: {  	_ =	shalt  }
0x84: {  	_ =	shalt  }
0x85: {  	_ =	shalt  }
0x86: {  	_ =	shalt  }
0x87: {  	_ =	shalt  }
.Lfunc_end0:
.L_simem_size_0:
called_computation_lowered:
.L_overlay_start_0:
0x88: {  	s2 =	sld [smem:$0x3FD9]  }
0x89: {  	s3 =	sld [smem:$0x3FFE];
	_ =	sdelay $0x1  }
0x8a: {  	s1 =	srdreg.scid  }
0x8b: {  	s0 =	sand.u32 $0x1, s1  }
0x8c: {  	s17 =	sshll.u32 s0, $0xA;
	s2 =	sadd.s32 s3, s2  }
0x8d: {  	s2 =	sadd.s32 s2, s17  }
0x8e: {  	[smem:$0x3FC1] =	sst s2  }
0x8f: {  	_ = 	snop  }
0x90: {  	s2 =	sld [smem:$0x3FC7]  }
0x91: {  	s18 =	sld [smem:$0x3FD0];
	(tm) =	ssettm $0x1  }
0x92: {  	s4 =	sld [smem:$0x3FFB];
	_ =	sdelay $0x3  }
0x93: {  	_ =	strace s4  }
0x94: {  	s4 =	sld [smem:$0x3FFC];
	_ =	sdelay $0x3  }
0x95: {  	_ =	strace s4  }
0x96: {  	s4 =	sld [smem:$0x3FFD];
	_ =	sdelay $0x3  }
0x97: {  	_ =	strace s4  }
0x98: {  	_ =	strace $0x8FFFFFFF  }
0x99: {  	s19 =	sld [smem:$0x3FDB];
	_ =	sdelay $0x1  }
0x9a: {  	s5 =	simm.s32 $_scs_section_size  }
0x9b: {  	s6 =	simm.s32 $_size__tile_overlayer_lowered;
	s7 =	simm.s32 $_tile_overlayer_lowered  }
0x9c: {  	s22 =	simm.s32 $0x1BFF;
	s21 =	sshll.u32 s7, $0x1;
	s4 =	sadd.s32 s5, s19  }
0x9d: {  	s8 =	simm.s32 $0x0;
	s20 =	sshll.u32 s6, $0x1;
	s6 =	sadd.s32 s21, s4  }
0x9e: {  	[timem:s8], [sflag:s22] =	dma.local [hbm:s6], s20  }
0x9f: {  	_ =	swait.ge [sflag:s22], s20  }
0xa0: {  	s5 =	ssub.s32 $0x0, s20;
	[sflag:s22] =	ssyncset.done $0x0  }
0xa1: {  	[sflag:s22] =	ssyncadd.s32 s5;
	_ =	sdelay $0x1  }
0xa2: {  	s23 =	simm.s32 $0x1B8B  }
0xa3: {  	_ =	swait.ge [sflag:s23], $0x1  }
0xa4: {  	[sflag:s23] =	ssyncset.done $0x0  }
0xa5: {  	s25 =	simm.s32 $0x1B8E;
	s24 =	sld [smem:$0x3FFE];
	[sflag:s23] =	ssyncadd.s32 $0xFFFFFFFF  }
0xa6: {  	s26 =	simm.s32 $execute0_lowered;
	[smem:$0x3FD2] =	sst s25  }
0xa7: {  	s6 =	sshll.u32 s26, $0x1;
	_ =	strace $0x80000046;
	[dreg:$0x1] =	wrdreg $0xFFFFFFFF  }
0xa8: {  	s28 =	simm.s32 $_size_execute0_lowered;
	s4 =	sadd.s32 s4, s6;
	[dreg:$0x0] =	wrdreg $0x0  }
0xa9: {  	s6 =	sshll.u32 s28, $0x1;
	[dreg:$0x2] =	wrdreg s4  }
0xaa: {  	[dreg:$0x3] =	wrdreg s6  }
0xab: {  	[dreg:$0x4] =	wrdreg $0xC0  }
0xac: {  	_ =	task [dreg:s8], $0x5FFFF  }
0xad: {  	[dreg:$0x1] =	wrdreg $0xFFFFFFFF  }
0xae: {  	[dreg:$0x0] =	wrdreg $0x60  }
0xaf: {  	[dreg:$0x2] =	wrdreg s24  }
0xb0: {  	[dreg:$0x3] =	wrdreg s2  }
0xb1: {  	[dreg:$0x4] =	wrdreg s18  }
0xb2: {  	[dreg:$0x5] =	wrdreg $0x9  }
0xb3: {  	_ =	task.clear_ibuf [dreg:s8], $0x6FFFF;
	_ =	strace $0x90000046  }
0xb4: {  	s29 =	simm.s32 $0x9;
	_ =	strace $0x80000048  }
0xb5: {  	_ =	swait.ge [sflag:s29], $0x1  }
0xb6: {  	[sflag:s29] =	ssyncadd.s32 $0xFFFFFFFF  }
0xb7: {  	_ =	strace $0x90000048  }
0xb8: {  	_ =	sfence  }
0xb9: {  	s30 =	sld [smem:$0x0];
	_ =	sdelay $0x2  }
0xba: {  	s31 =	sshll.u32 s1, $0xD;
	s1 =	sshrl.u32 s1, $0x2  }
0xbb: {  	s3 =	sand.u32 $0x4000, s31;
	s1 =	sadd.s32 s1, s30  }
0xbc: {  	s0 =	sor.u32 s3, s0;
	s1 =	sshll.u32 s1, $0x11  }
0xbd: {  	s0 =	sor.u32 s1, s0  }
0xbe: {  	s0 =	sadd.s32 $0x8F2B, s0  }
0xbf: {  	[sflag:s0] =	ssyncadd.remote.s32 $0x1  }
0xc0: {  	_ =	sfence.sel $0xFFFF  }
0xc1: {  	[dreg:$0x0] =	wrdreg $0xFFFFFFFF;
	(pc) =	sbr.abs _section_cstart, $3  }
0xc2: {  	[dreg:$0x1] =	wrdreg $0xFFFFFFFF  }
0xc3: {  	_ =	task.clear_ibuf [dreg:s8], $0x2FFFF;
	_ =	strace $0x9FFFFFFF  }
0xc4: {  	(tm) =	ssettm $0x7FFFFFFF  }
0xc5: {  	_ =	shalt  }
tec
execute0_lowered:
.L_overlay_start_1:
0x0: {  	(tag) =	ssettag $0x1  }
0x1: {  	s1 =	srdreg.scid;
	s6 =	rddreg [dreg:$0x0]  }
0x2: {  	s0 =	stileid.u32;
	s2 =	rddreg [dreg:$0x1]  }
0x3: {  	s3 =	rddreg [dreg:$0x2];
	s4 =	simm.s32 $0x0;
	s12 =	simm.s32 $0xC800  }
0x4: {  	s13 =	simm.s32 $0xC900;
	s14 =	simm.s32 $0x80;
	s15 =	simm.s32 $0x400  }
0x5: {  	s16 =	simm.s32 $0xE500;
	s17 =	simm.s32 $0xFE00;
	s18 =	simm.s32 $0x1  }
0x6: {  	s19 =	simm.s32 $0x13E00;
	s20 =	simm.s32 $0x0;
	s5 =	sand.u32 $0x1, s1  }
0x7: {  	s26 =	sshll.u32 s0, $0x1;
	s28 =	sshrl.u32 s0, $0x2;
	s1 =	rddreg [dreg:$0x3]  }
0x8: {  	[smem:$0x7FF] =	sst s4;
	s9 =	sor.u32 s5, s26;
	s7 =	smul.u32 $0xC800, s28  }
0x9: {  	_ =	strace $0x80000047;
	s31 =	ssub.s32 $0x2, s5;
	s8 =	sshll.u32 s9, $0x7  }
0xa: {  	s5 =	sadd.s32 $0xDA00, s6;
	s10 =	smul.u32 $0x380, s9;
	s8 =	sand.u32 $0x380, s8  }
0xb: {  	s11 =	sshrl.u32 s31, $0x1;
	s9 =	smul.u32 $0x1900, s9;
	s7 =	sor.u32 s7, s8  }
0xc: {  	s11 =	ssub.s32 s31, s11;
	s29 =	sadd.s32 s10, s6;
	s7 =	sshrl.u32 s7, $0x3  }
0xd: {  	s10 =	smax.u32 s11, $0x1;
	s11 =	simm.s32 $0x2;
	s30 =	sadd.s32 s7, s6  }
0xe: {  	s6 =	sadd.s32 $0xD800, s6;
	s7 =	sadd.s32 $0x400, s29;
	s8 =	sadd.s32 $0x7400, s30  }
.LBB2_1:
0xf: {  	[tilespmem:s4], [sflag:$0x2] =	stream.linear.gather [hbm4b:s5+s4], $0xC800, $0x38;
	[tilespmem:$0x17E00] =	vst v63  }
0x10: {  	_ =	swait.ge [sflag:s11], $0xC800  }
0x11: {  	[sflag:s11] =	ssyncset.done $0x0  }
0x12: {  	[sflag:s11] =	ssyncadd.s32 $0xFFFF3800  }
0x13: {  	[tilespmem:s12], [sflag:$0x2] =	stream.linear.gather [hbm4b:s6+s4], $0x100, $0x38;
	[tilespmem:$0x17E00] =	vst v63  }
0x14: {  	_ =	swait.ge [sflag:s11], $0x100  }
0x15: {  	[sflag:s11] =	ssyncset.done $0x0  }
0x16: {  	[sflag:s11] =	ssyncadd.s32 $0xFFFFFF00  }
0x17: {  	[tilespmem:s13], [sflag:$0x2] =	stream.linear.gather [hbm4b:s7+s4], $0x1900, $0x38;
	[tilespmem:$0x17E00] =	vst v63  }
0x18: {  	_ =	swait.ge [sflag:s11], $0x1900  }
0x19: {  	[sflag:s11] =	ssyncset.done $0x0  }
0x1a: {  	[sflag:s11] =	ssyncadd.s32 $0xFFFFE700  }
0x1b: {  	[tilespmem:s16], [sflag:$0x2] =	stream.strided.gather [hbm4b:s8+s14], $0x1900, s15, s14, $0x38;
	[tilespmem:$0x17E00] =	vst v63  }
0x1c: {  	_ =	swait.ge [sflag:s11], $0x1900  }
0x1d: {  	[sflag:s11] =	ssyncset.done $0x0  }
0x1e: {  	s21 =	simm.s32 $0x0;
	[sflag:s11] =	ssyncadd.s32 $0xFFFFE700  }
.LBB2_2:
0x1f: {  	s22 =	sshll.u32 s21, $0x7  }
0x20: {  	s23 =	sadd.s32 $0xC900, s22;
	s24 =	sadd.s32 $0xE500, s22  }
0x21: {  	[tilespmem:s17], [sflag:$0x1] =	stream.indirect.gather [hbm4b:s2+s14], $0x80, s23, s14, $0xb8;
	[tilespmem:$0x17E00] =	vst v63  }
0x22: {  	v0 =	vmov s24;
	_ =	swait.ge [sflag:s18], $0x4000  }
0x23: {  	[sflag:s18] =	ssyncset.done $0x0  }
0x24: {  	s23 =	simm.s32 $0x0;
	[sflag:s18] =	ssyncadd.s32 $0xFFFFC000  }
.LBB2_3:
0x25: {  	s24 =	sshll.u32 s23, $0x4  }
0x26: {  	s24 =	sand.u32 $0x3FFFFFF0, s24  }
0x27: {  	v1 =	vld.idx.msk [tilespmem:v0+s24+$0x0 ss:$0x1], $0xffff;
	_ =	sdelay $0x4  }
0x28: {  	v1 =	vshll.u32 v1, $0x9  }
0x29: {  	v17 =	vshra.s32 v1, $0x2  }
0x2a: {  	(v2sf) =	vpush v17, $0x0;
	_ =	sdelay $0xc  }
0x2b: {  	s24 =	sshll.u32 s23, $0xB  }
0x2c: {  	v3 =	vld [tilespmem:s24+$0xFE10]  }
0x2d: {  	v1 =	vld [tilespmem:s24+$0xFE00];
	s25 =	spop (v2sf)  }
0x2e: {  	v2 =	vld [tilespmem:s25+$0x0]  }
0x2f: {  	v4 =	vld [tilespmem:s25+$0x10]  }
0x30: {  	v5 =	vld [tilespmem:s24+$0xFE20]  }
0x31: {  	v6 =	vld [tilespmem:s25+$0x20]  }
0x32: {  	v7 =	vld [tilespmem:s24+$0xFE30]  }
0x33: {  	v8 =	vld [tilespmem:s25+$0x30]  }
0x34: {  	v9 =	vadd.f32 v2, v1;
	v4 =	vadd.f32 v4, v3;
	v1 =	vld [tilespmem:s24+$0xFE40]  }
0x35: {  	v2 =	vld [tilespmem:s25+$0x40]  }
0x36: {  	v11 =	vld [tilespmem:s25+$0x50];
	v10 =	vadd.f32 v6, v5;
	v28 =	vmul.f32 v9, v9;
	v29 =	vmul.f32 v4, v4  }
0x37: {  	v3 =	vld [tilespmem:s24+$0xFE50];
	v12 =	vadd.f32 v4, v9  }
0x38: {  	v30 =	vld [tilespmem:s24+$0xFE60];
	v13 =	vadd.f32 v8, v7;
	v31 =	vmul.f32 v10, v10;
	v5 =	vadd.f32 v29, v28  }
0x39: {  	v32 =	vld [tilespmem:s25+$0x60];
	v12 =	vadd.f32 v10, v12  }
0x3a: {  	v34 =	vld [tilespmem:s25+$0x70];
	v33 =	vmul.f32 v13, v13;
	v14 =	vadd.f32 v2, v1;
	v2 =	vadd.f32 v31, v5  }
0x3b: {  	v1 =	vld [tilespmem:s24+$0xFE70];
	v12 =	vadd.f32 v13, v12  }
0x3c: {  	v18 =	vadd.f32 v11, v3;
	v3 =	vmul.f32 v14, v14;
	v2 =	vadd.f32 v33, v2  }
0x3d: {  	v35 =	vadd.f32 v14, v12  }
0x3e: {  	v19 =	vadd.f32 v32, v30;
	v2 =	vadd.f32 v3, v2;
	v3 =	vmul.f32 v18, v18  }
0x3f: {  	v5 =	vadd.f32 v18, v35  }
0x40: {  	v20 =	vadd.f32 v34, v1;
	v1 =	vadd.f32 v3, v2;
	v2 =	vmul.f32 v19, v19  }
0x41: {  	v3 =	vadd.f32 v19, v5  }
0x42: {  	v1 =	vadd.f32 v2, v1;
	v2 =	vmul.f32 v20, v20  }
0x43: {  	v3 =	vadd.f32 v20, v3  }
0x44: {  	v1 =	vadd.f32 v2, v1  }
0x45: {  	(xrf2) =	vadd.scan.msk.f32 $0xffff, v3  }
0x46: {  	(xrf2) =	vadd.scan.msk.f32 $0xffff, v1;
	_ =	sdelay $0x8  }
0x47: {  	v1, _, _ =	vpop (xrf2)  }
0x48: {  	(v2sf) =	vpush v1, $0xF;
	v1, _, _ =	vpop (xrf2)  }
0x49: {  	(v2sf) =	vpush v1, $0xF;
	_ =	sdelay $0xd  }
0x4a: {  	s28 =	spop (v2sf)  }
0x4b: {  	s25 =	smul.f32 $7.812500000e-03, s28;
	s26 =	spop (v2sf)  }
0x4c: {  	s26 =	smul.f32 $7.812500000e-03, s26  }
0x4d: {  	s28 =	smul.f32 s25, s25;
	_ =	sdelay $0x1  }
0x4e: {  	s26 =	ssub.f32 s26, s28;
	_ =	sdelay $0x1  }
0x4f: {  	s26 =	sadd.f32 $9.999999960e-13, s26;
	_ =	sdelay $0x1  }
0x50: {  	s29 =	sshrl.u32 s26, $0x1;
	s26 =	smul.f32 $5.000000000e-01, s26  }
0x51: {  	s28 =	ssub.s32 $0x5F3759DF, s29  }
0x52: {  	s29 =	smul.f32 s28, s26;
	_ =	sdelay $0x1  }
0x53: {  	s29 =	smul.f32 s28, s29;
	_ =	sdelay $0x1  }
0x54: {  	s29 =	ssub.f32 $1.500000000e+00, s29;
	_ =	sdelay $0x1  }
0x55: {  	s28 =	smul.f32 s28, s29;
	_ =	sdelay $0x1  }
0x56: {  	s29 =	smul.f32 s28, s26;
	_ =	sdelay $0x1  }
0x57: {  	s29 =	smul.f32 s29, s28;
	_ =	sdelay $0x1  }
0x58: {  	s29 =	ssub.f32 $1.500000000e+00, s29;
	_ =	sdelay $0x1  }
0x59: {  	s28 =	smul.f32 s29, s28  }
0x5a: {  	v16 =	vld [tilespmem:$0xC880]  }
0x5b: {  	v15 =	vld [tilespmem:$0xC890];
	s26 =	smul.f32 s28, s26  }
0x5c: {  	v7 =	vld [tilespmem:$0xC800]  }
0x5d: {  	v8 =	vld [tilespmem:$0xC810];
	s26 =	smul.f32 s26, s28  }
0x5e: {  	v6 =	vld [tilespmem:$0xC820]  }
0x5f: {  	v12 =	vld [tilespmem:$0xC8A0];
	s26 =	ssub.f32 $1.500000000e+00, s26  }
0x60: {  	v5 =	vld [tilespmem:$0xC830];
	v21 =	vmov s25  }
0x61: {  	v3 =	vld [tilespmem:$0xC840];
	(v2sf) =	vpush v17, $0x1;
	v9 =	vsub.f32 v9, v21;
	s30 =	smul.f32 s26, s28  }
0x62: {  	v2 =	vld [tilespmem:$0xC850];
	v36 =	vsub.f32 v4, v21;
	v23 =	vsub.f32 v10, v21  }
0x63: {  	v1 =	vld [tilespmem:$0xC860];
	v13 =	vsub.f32 v13, v21;
	v14 =	vsub.f32 v14, v21;
	v9 =	vmul.f32 s30, v9  }
0x64: {  	v4 =	vld [tilespmem:$0xC870];
	v18 =	vsub.f32 v18, v21;
	v11 =	vmul.f32 s30, v36;
	v23 =	vmul.f32 s30, v23  }
0x65: {  	v10 =	vld [tilespmem:$0xC8B0];
	v19 =	vsub.f32 v19, v21;
	v25 =	vmul.f32 s30, v13;
	v22 =	vmul.f32 v9, v7  }
0x66: {  	v20 =	vsub.f32 v20, v21;
	v13 =	vld [tilespmem:$0xC8E0];
	v26 =	vmul.f32 s30, v14;
	v24 =	vmul.f32 v11, v8  }
0x67: {  	v14 =	vld [tilespmem:$0xC8F0];
	v19 =	vmul.f32 s30, v19;
	v23 =	vmul.f32 v23, v6;
	v22 =	vadd.f32 v22, v16  }
0x68: {  	v20 =	vmul.f32 s30, v20;
	v9 =	vld [tilespmem:$0xC8C0];
	v25 =	vmul.f32 v25, v5;
	v24 =	vadd.f32 v24, v15  }
0x69: {  	v11 =	vld [tilespmem:$0xC8D0];
	v19 =	vmul.f32 v19, v1;
	v37 =	vadd.f32 v23, v12;
	[tilespmem:s24+$0x13E00] =	vst v22  }
0x6a: {  	v18 =	vmul.f32 s30, v18;
	v20 =	vmul.f32 v20, v4;
	v39 =	vadd.f32 v25, v10;
	[tilespmem:s24+$0x13E10] =	vst v24  }
0x6b: {  	v38 =	vmul.f32 v26, v3;
	v19 =	vadd.f32 v19, v13;
	[tilespmem:s24+$0x13E20] =	vst v37  }
0x6c: {  	v18 =	vmul.f32 v18, v2;
	v41 =	vadd.f32 v20, v14;
	[tilespmem:s24+$0x13E30] =	vst v39  }
0x6d: {  	v40 =	vadd.f32 v38, v9;
	[tilespmem:s24+$0x13E60] =	vst v19  }
0x6e: {  	v18 =	vadd.f32 v18, v11;
	[tilespmem:s24+$0x13E70] =	vst v41  }
0x6f: {  	v42 =	vld [tilespmem:s24+$0xFE80];
	[tilespmem:s24+$0x13E40] =	vst v40  }
0x70: {  	v43 =	vld [tilespmem:s24+$0xFE90];
	s31 =	spop (v2sf);
	[tilespmem:s24+$0x13E50] =	vst v18  }
0x71: {  	v19 =	vld [tilespmem:s31+$0x0]  }
0x72: {  	v21 =	vld [tilespmem:s31+$0x10]  }
0x73: {  	v44 =	vld [tilespmem:s24+$0xFEA0]  }
0x74: {  	v23 =	vld [tilespmem:s31+$0x20]  }
0x75: {  	v45 =	vld [tilespmem:s24+$0xFEB0]  }
0x76: {  	v46 =	vld [tilespmem:s31+$0x30]  }
0x77: {  	v48 =	vld [tilespmem:s24+$0xFEC0];
	v18 =	vadd.f32 v19, v42;
	v47 =	vadd.f32 v21, v43  }
0x78: {  	v49 =	vld [tilespmem:s31+$0x40]  }
0x79: {  	v50 =	vld [tilespmem:s24+$0xFED0];
	v22 =	vadd.f32 v23, v44;
	v51 =	vmul.f32 v18, v18;
	v27 =	vmul.f32 v47, v47  }
0x7a: {  	v28 =	vld [tilespmem:s31+$0x50];
	v29 =	vadd.f32 v47, v18  }
0x7b: {  	v52 =	vld [tilespmem:s24+$0xFEE0];
	v24 =	vadd.f32 v46, v45;
	v53 =	vmul.f32 v22, v22;
	v26 =	vadd.f32 v27, v51  }
0x7c: {  	v30 =	vld [tilespmem:s31+$0x60];
	v29 =	vadd.f32 v22, v29  }
0x7d: {  	v54 =	vld [tilespmem:s24+$0xFEF0];
	v20 =	vadd.f32 v49, v48;
	v55 =	vmul.f32 v24, v24;
	v26 =	vadd.f32 v53, v26  }
0x7e: {  	v31 =	vld [tilespmem:s31+$0x70];
	v29 =	vadd.f32 v24, v29  }
0x7f: {  	v23 =	vadd.f32 v28, v50;
	v56 =	vmul.f32 v20, v20;
	v26 =	vadd.f32 v55, v26  }
0x80: {  	v57 =	vadd.f32 v20, v29  }
0x81: {  	v25 =	vadd.f32 v30, v52;
	v58 =	vmul.f32 v23, v23;
	v26 =	vadd.f32 v56, v26  }
0x82: {  	v28 =	vadd.f32 v23, v57  }
0x83: {  	v21 =	vadd.f32 v31, v54;
	v59 =	vmul.f32 v25, v25;
	v26 =	vadd.f32 v58, v26  }
0x84: {  	v28 =	vadd.f32 v25, v28  }
0x85: {  	v60 =	vmul.f32 v21, v21;
	v26 =	vadd.f32 v59, v26  }
0x86: {  	v28 =	vadd.f32 v21, v28  }
0x87: {  	v26 =	vadd.f32 v60, v26  }
0x88: {  	(xrf2) =	vadd.scan.msk.f32 $0xffff, v28  }
0x89: {  	(xrf2) =	vadd.scan.msk.f32 $0xffff, v26;
	_ =	sdelay $0x8  }
0x8a: {  	v61, _, _ =	vpop (xrf2)  }
0x8b: {  	(v2sf) =	vpush v61, $0xF;
	v62, _, _ =	vpop (xrf2)  }
0x8c: {  	(v2sf) =	vpush v62, $0xF;
	_ =	sdelay $0xd  }
0x8d: {  	s26 =	spop (v2sf)  }
0x8e: {  	s25 =	smul.f32 $7.812500000e-03, s26;
	s28 =	spop (v2sf)  }
0x8f: {  	s26 =	smul.f32 $7.812500000e-03, s28  }
0x90: {  	s29 =	smul.f32 s25, s25;
	_ =	sdelay $0x1  }
0x91: {  	s26 =	ssub.f32 s26, s29;
	_ =	sdelay $0x1  }
0x92: {  	s26 =	sadd.f32 $9.999999960e-13, s26;
	_ =	sdelay $0x1  }
0x93: {  	s30 =	sshrl.u32 s26, $0x1;
	s26 =	smul.f32 $5.000000000e-01, s26  }
0x94: {  	s28 =	ssub.s32 $0x5F3759DF, s30  }
0x95: {  	s31 =	smul.f32 s28, s26;
	_ =	sdelay $0x1  }
0x96: {  	s29 =	smul.f32 s28, s31;
	_ =	sdelay $0x1  }
0x97: {  	s29 =	ssub.f32 $1.500000000e+00, s29;
	_ =	sdelay $0x1  }
0x98: {  	s28 =	smul.f32 s28, s29;
	_ =	sdelay $0x1  }
0x99: {  	s29 =	smul.f32 s28, s26;
	_ =	sdelay $0x1  }
0x9a: {  	s29 =	smul.f32 s29, s28;
	_ =	sdelay $0x1  }
0x9b: {  	s29 =	ssub.f32 $1.500000000e+00, s29;
	_ =	sdelay $0x1  }
0x9c: {  	s28 =	smul.f32 s29, s28;
	_ =	sdelay $0x1  }
0x9d: {  	s26 =	smul.f32 s28, s26;
	_ =	sdelay $0x1  }
0x9e: {  	s26 =	smul.f32 s26, s28;
	_ =	sdelay $0x1  }
0x9f: {  	s26 =	ssub.f32 $1.500000000e+00, s26  }
0xa0: {  	v63 =	vmov s25  }
0xa1: {  	(v2sf) =	vpush v17, $0x2;
	v18 =	vsub.f32 v18, v63;
	s30 =	smul.f32 s26, s28  }
0xa2: {  	v19 =	vsub.f32 v47, v63  }
0xa3: {  	v22 =	vsub.f32 v22, v63;
	v24 =	vsub.f32 v24, v63;
	v18 =	vmul.f32 s30, v18  }
0xa4: {  	v20 =	vsub.f32 v20, v63;
	v23 =	vsub.f32 v23, v63;
	v19 =	vmul.f32 s30, v19  }
0xa5: {  	v25 =	vsub.f32 v25, v63;
	v22 =	vmul.f32 s30, v22;
	v18 =	vmul.f32 v18, v7  }
0xa6: {  	v21 =	vsub.f32 v21, v63;
	v24 =	vmul.f32 s30, v24;
	v19 =	vmul.f32 v19, v8  }
0xa7: {  	v20 =	vmul.f32 s30, v20;
	v22 =	vmul.f32 v22, v6;
	v18 =	vadd.f32 v18, v16  }
0xa8: {  	v23 =	vmul.f32 s30, v23;
	v24 =	vmul.f32 v24, v5;
	v19 =	vadd.f32 v19, v15  }
0xa9: {  	v28 =	vmul.f32 s30, v25;
	v20 =	vmul.f32 v20, v3;
	v27 =	vadd.f32 v22, v12;
	[tilespmem:s24+$0x13E80] =	vst v18  }
0xaa: {  	v21 =	vmul.f32 s30, v21;
	v23 =	vmul.f32 v23, v2;
	v29 =	vadd.f32 v24, v10;
	[tilespmem:s24+$0x13E90] =	vst v19  }
0xab: {  	v31 =	vmul.f32 v28, v1;
	v30 =	vadd.f32 v20, v9;
	[tilespmem:s24+$0x13EA0] =	vst v27  }
0xac: {  	v21 =	vmul.f32 v21, v4;
	v32 =	vadd.f32 v23, v11;
	[tilespmem:s24+$0x13EB0] =	vst v29  }
0xad: {  	v33 =	vadd.f32 v31, v13;
	[tilespmem:s24+$0x13EC0] =	vst v30  }
0xae: {  	v34 =	vadd.f32 v21, v14;
	[tilespmem:s24+$0x13ED0] =	vst v32  }
0xaf: {  	v35 =	vld [tilespmem:s24+$0xFF00];
	[tilespmem:s24+$0x13EE0] =	vst v33  }
0xb0: {  	v36 =	vld [tilespmem:s24+$0xFF10];
	s31 =	spop (v2sf);
	[tilespmem:s24+$0x13EF0] =	vst v34  }
0xb1: {  	v19 =	vld [tilespmem:s31+$0x0]  }
0xb2: {  	v37 =	vld [tilespmem:s31+$0x10]  }
0xb3: {  	v38 =	vld [tilespmem:s24+$0xFF20]  }
0xb4: {  	v39 =	vld [tilespmem:s31+$0x20]  }
0xb5: {  	v40 =	vld [tilespmem:s24+$0xFF30]  }
0xb6: {  	v41 =	vld [tilespmem:s31+$0x30]  }
0xb7: {  	v43 =	vld [tilespmem:s24+$0xFF40];
	v18 =	vadd.f32 v19, v35;
	v42 =	vadd.f32 v37, v36  }
0xb8: {  	v44 =	vld [tilespmem:s31+$0x40]  }
0xb9: {  	v45 =	vld [tilespmem:s24+$0xFF50];
	v22 =	vadd.f32 v39, v38;
	v46 =	vmul.f32 v18, v18;
	v47 =	vmul.f32 v42, v42  }
0xba: {  	v48 =	vld [tilespmem:s31+$0x50];
	v49 =	vadd.f32 v42, v18  }
0xbb: {  	v50 =	vld [tilespmem:s24+$0xFF60];
	v24 =	vadd.f32 v41, v40;
	v51 =	vmul.f32 v22, v22;
	v26 =	vadd.f32 v47, v46  }
0xbc: {  	v52 =	vld [tilespmem:s31+$0x60];
	v29 =	vadd.f32 v22, v49  }
0xbd: {  	v53 =	vld [tilespmem:s24+$0xFF70];
	v20 =	vadd.f32 v44, v43;
	v54 =	vmul.f32 v24, v24;
	v26 =	vadd.f32 v51, v26  }
0xbe: {  	v55 =	vld [tilespmem:s31+$0x70];
	v29 =	vadd.f32 v24, v29  }
0xbf: {  	v23 =	vadd.f32 v48, v45;
	v56 =	vmul.f32 v20, v20;
	v26 =	vadd.f32 v54, v26  }
0xc0: {  	v57 =	vadd.f32 v20, v29  }
0xc1: {  	v25 =	vadd.f32 v52, v50;
	v58 =	vmul.f32 v23, v23;
	v26 =	vadd.f32 v56, v26  }
0xc2: {  	v28 =	vadd.f32 v23, v57  }
0xc3: {  	v21 =	vadd.f32 v55, v53;
	v59 =	vmul.f32 v25, v25;
	v26 =	vadd.f32 v58, v26  }
0xc4: {  	v28 =	vadd.f32 v25, v28  }
0xc5: {  	v60 =	vmul.f32 v21, v21;
	v26 =	vadd.f32 v59, v26  }
0xc6: {  	v28 =	vadd.f32 v21, v28  }
0xc7: {  	v26 =	vadd.f32 v60, v26  }
0xc8: {  	(xrf2) =	vadd.scan.msk.f32 $0xffff, v28  }
0xc9: {  	(xrf2) =	vadd.scan.msk.f32 $0xffff, v26;
	_ =	sdelay $0x8  }
0xca: {  	v61, _, _ =	vpop (xrf2)  }
0xcb: {  	(v2sf) =	vpush v61, $0xF;
	v62, _, _ =	vpop (xrf2)  }
0xcc: {  	(v2sf) =	vpush v62, $0xF;
	_ =	sdelay $0xd  }
0xcd: {  	s26 =	spop (v2sf)  }
0xce: {  	s25 =	smul.f32 $7.812500000e-03, s26;
	s28 =	spop (v2sf)  }
0xcf: {  	s26 =	smul.f32 $7.812500000e-03, s28  }
0xd0: {  	s29 =	smul.f32 s25, s25;
	_ =	sdelay $0x1  }
0xd1: {  	s26 =	ssub.f32 s26, s29;
	_ =	sdelay $0x1  }
0xd2: {  	s26 =	sadd.f32 $9.999999960e-13, s26;
	_ =	sdelay $0x1  }
0xd3: {  	s30 =	sshrl.u32 s26, $0x1;
	s26 =	smul.f32 $5.000000000e-01, s26  }
0xd4: {  	s28 =	ssub.s32 $0x5F3759DF, s30  }
0xd5: {  	s31 =	smul.f32 s28, s26;
	_ =	sdelay $0x1  }
0xd6: {  	s29 =	smul.f32 s28, s31;
	_ =	sdelay $0x1  }
0xd7: {  	s29 =	ssub.f32 $1.500000000e+00, s29;
	_ =	sdelay $0x1  }
0xd8: {  	s28 =	smul.f32 s28, s29;
	_ =	sdelay $0x1  }
0xd9: {  	s29 =	smul.f32 s28, s26;
	_ =	sdelay $0x1  }
0xda: {  	s29 =	smul.f32 s29, s28;
	_ =	sdelay $0x1  }
0xdb: {  	s29 =	ssub.f32 $1.500000000e+00, s29;
	_ =	sdelay $0x1  }
0xdc: {  	s28 =	smul.f32 s29, s28;
	_ =	sdelay $0x1  }
0xdd: {  	s26 =	smul.f32 s28, s26;
	_ =	sdelay $0x1  }
0xde: {  	s26 =	smul.f32 s26, s28;
	_ =	sdelay $0x1  }
0xdf: {  	s26 =	ssub.f32 $1.500000000e+00, s26  }
0xe0: {  	v63 =	vmov s25  }
0xe1: {  	(v2sf) =	vpush v17, $0x3;
	v18 =	vsub.f32 v18, v63;
	s30 =	smul.f32 s26, s28  }
0xe2: {  	v19 =	vsub.f32 v42, v63  }
0xe3: {  	v22 =	vsub.f32 v22, v63;
	v24 =	vsub.f32 v24, v63;
	v18 =	vmul.f32 s30, v18  }
0xe4: {  	v20 =	vsub.f32 v20, v63;
	v23 =	vsub.f32 v23, v63;
	v19 =	vmul.f32 s30, v19  }
0xe5: {  	v25 =	vsub.f32 v25, v63;
	v22 =	vmul.f32 s30, v22;
	v18 =	vmul.f32 v18, v7  }
0xe6: {  	v21 =	vsub.f32 v21, v63;
	v24 =	vmul.f32 s30, v24;
	v19 =	vmul.f32 v19, v8  }
0xe7: {  	v20 =	vmul.f32 s30, v20;
	v22 =	vmul.f32 v22, v6;
	v18 =	vadd.f32 v18, v16  }
0xe8: {  	v23 =	vmul.f32 s30, v23;
	v24 =	vmul.f32 v24, v5;
	v19 =	vadd.f32 v19, v15  }
0xe9: {  	v28 =	vmul.f32 s30, v25;
	v20 =	vmul.f32 v20, v3;
	v27 =	vadd.f32 v22, v12;
	[tilespmem:s24+$0x13F00] =	vst v18  }
0xea: {  	v21 =	vmul.f32 s30, v21;
	v23 =	vmul.f32 v23, v2;
	v29 =	vadd.f32 v24, v10;
	[tilespmem:s24+$0x13F10] =	vst v19  }
0xeb: {  	v31 =	vmul.f32 v28, v1;
	v30 =	vadd.f32 v20, v9;
	[tilespmem:s24+$0x13F20] =	vst v27  }
0xec: {  	v21 =	vmul.f32 v21, v4;
	v32 =	vadd.f32 v23, v11;
	[tilespmem:s24+$0x13F30] =	vst v29  }
0xed: {  	v33 =	vadd.f32 v31, v13;
	[tilespmem:s24+$0x13F40] =	vst v30  }
0xee: {  	v34 =	vadd.f32 v21, v14;
	[tilespmem:s24+$0x13F50] =	vst v32  }
0xef: {  	v35 =	vld [tilespmem:s24+$0xFF80];
	[tilespmem:s24+$0x13F60] =	vst v33  }
0xf0: {  	v36 =	vld [tilespmem:s24+$0xFF90];
	s31 =	spop (v2sf);
	[tilespmem:s24+$0x13F70] =	vst v34  }
0xf1: {  	v19 =	vld [tilespmem:s31+$0x0]  }
0xf2: {  	v37 =	vld [tilespmem:s31+$0x10]  }
0xf3: {  	v38 =	vld [tilespmem:s24+$0xFFA0]  }
0xf4: {  	v39 =	vld [tilespmem:s31+$0x20]  }
0xf5: {  	v40 =	vld [tilespmem:s24+$0xFFB0]  }
0xf6: {  	v41 =	vld [tilespmem:s31+$0x30]  }
0xf7: {  	v43 =	vld [tilespmem:s24+$0xFFC0];
	v18 =	vadd.f32 v19, v35;
	v42 =	vadd.f32 v37, v36  }
0xf8: {  	v44 =	vld [tilespmem:s31+$0x40]  }
0xf9: {  	v45 =	vld [tilespmem:s24+$0xFFD0];
	v22 =	vadd.f32 v39, v38;
	v46 =	vmul.f32 v18, v18;
	v47 =	vmul.f32 v42, v42  }
0xfa: {  	v48 =	vld [tilespmem:s31+$0x50];
	v49 =	vadd.f32 v42, v18  }
0xfb: {  	v50 =	vld [tilespmem:s24+$0xFFE0];
	v24 =	vadd.f32 v41, v40;
	v51 =	vmul.f32 v22, v22;
	v26 =	vadd.f32 v47, v46  }
0xfc: {  	v52 =	vld [tilespmem:s31+$0x60];
	v29 =	vadd.f32 v22, v49  }
0xfd: {  	v53 =	vld [tilespmem:s24+$0xFFF0];
	v20 =	vadd.f32 v44, v43;
	v54 =	vmul.f32 v24, v24;
	v26 =	vadd.f32 v51, v26  }
0xfe: {  	v55 =	vld [tilespmem:s31+$0x70];
	v29 =	vadd.f32 v24, v29  }
0xff: {  	v23 =	vadd.f32 v48, v45;
	v56 =	vmul.f32 v20, v20;
	v26 =	vadd.f32 v54, v26  }
0x100: {  	v57 =	vadd.f32 v20, v29  }
0x101: {  	v25 =	vadd.f32 v52, v50;
	v58 =	vmul.f32 v23, v23;
	v26 =	vadd.f32 v56, v26  }
0x102: {  	v28 =	vadd.f32 v23, v57  }
0x103: {  	v21 =	vadd.f32 v55, v53;
	v59 =	vmul.f32 v25, v25;
	v26 =	vadd.f32 v58, v26  }
0x104: {  	v28 =	vadd.f32 v25, v28  }
0x105: {  	v60 =	vmul.f32 v21, v21;
	v26 =	vadd.f32 v59, v26  }
0x106: {  	v28 =	vadd.f32 v21, v28  }
0x107: {  	v26 =	vadd.f32 v60, v26  }
0x108: {  	(xrf2) =	vadd.scan.msk.f32 $0xffff, v28  }
0x109: {  	(xrf2) =	vadd.scan.msk.f32 $0xffff, v26;
	_ =	sdelay $0x8  }
0x10a: {  	v61, _, _ =	vpop (xrf2)  }
0x10b: {  	(v2sf) =	vpush v61, $0xF;
	v62, _, _ =	vpop (xrf2)  }
0x10c: {  	(v2sf) =	vpush v62, $0xF;
	_ =	sdelay $0xd  }
0x10d: {  	s26 =	spop (v2sf)  }
0x10e: {  	s25 =	smul.f32 $7.812500000e-03, s26;
	s28 =	spop (v2sf)  }
0x10f: {  	s26 =	smul.f32 $7.812500000e-03, s28  }
0x110: {  	s29 =	smul.f32 s25, s25;
	_ =	sdelay $0x1  }
0x111: {  	s26 =	ssub.f32 s26, s29;
	_ =	sdelay $0x1  }
0x112: {  	s26 =	sadd.f32 $9.999999960e-13, s26;
	_ =	sdelay $0x1  }
0x113: {  	s30 =	sshrl.u32 s26, $0x1;
	s26 =	smul.f32 $5.000000000e-01, s26  }
0x114: {  	s28 =	ssub.s32 $0x5F3759DF, s30  }
0x115: {  	s31 =	smul.f32 s28, s26;
	_ =	sdelay $0x1  }
0x116: {  	s29 =	smul.f32 s28, s31;
	_ =	sdelay $0x1  }
0x117: {  	s29 =	ssub.f32 $1.500000000e+00, s29;
	_ =	sdelay $0x1  }
0x118: {  	s28 =	smul.f32 s28, s29;
	_ =	sdelay $0x1  }
0x119: {  	s29 =	smul.f32 s28, s26;
	_ =	sdelay $0x1  }
0x11a: {  	s29 =	smul.f32 s29, s28;
	_ =	sdelay $0x1  }
0x11b: {  	s29 =	ssub.f32 $1.500000000e+00, s29;
	_ =	sdelay $0x1  }
0x11c: {  	s28 =	smul.f32 s29, s28;
	_ =	sdelay $0x1  }
0x11d: {  	s26 =	smul.f32 s28, s26;
	_ =	sdelay $0x1  }
0x11e: {  	s26 =	smul.f32 s26, s28;
	_ =	sdelay $0x1  }
0x11f: {  	s26 =	ssub.f32 $1.500000000e+00, s26  }
0x120: {  	v63 =	vmov s25  }
0x121: {  	(v2sf) =	vpush v17, $0x4;
	v18 =	vsub.f32 v18, v63;
	s30 =	smul.f32 s26, s28  }
0x122: {  	v19 =	vsub.f32 v42, v63  }
0x123: {  	v22 =	vsub.f32 v22, v63;
	v24 =	vsub.f32 v24, v63;
	v18 =	vmul.f32 s30, v18  }
0x124: {  	v20 =	vsub.f32 v20, v63;
	v23 =	vsub.f32 v23, v63;
	v19 =	vmul.f32 s30, v19  }
0x125: {  	v25 =	vsub.f32 v25, v63;
	v22 =	vmul.f32 s30, v22;
	v18 =	vmul.f32 v18, v7  }
0x126: {  	v21 =	vsub.f32 v21, v63;
	v24 =	vmul.f32 s30, v24;
	v19 =	vmul.f32 v19, v8  }
0x127: {  	v20 =	vmul.f32 s30, v20;
	v22 =	vmul.f32 v22, v6;
	v18 =	vadd.f32 v18, v16  }
0x128: {  	v23 =	vmul.f32 s30, v23;
	v24 =	vmul.f32 v24, v5;
	v19 =	vadd.f32 v19, v15  }
0x129: {  	v28 =	vmul.f32 s30, v25;
	v20 =	vmul.f32 v20, v3;
	v27 =	vadd.f32 v22, v12;
	[tilespmem:s24+$0x13F80] =	vst v18  }
0x12a: {  	v21 =	vmul.f32 s30, v21;
	v23 =	vmul.f32 v23, v2;
	v29 =	vadd.f32 v24, v10;
	[tilespmem:s24+$0x13F90] =	vst v19  }
0x12b: {  	v31 =	vmul.f32 v28, v1;
	v30 =	vadd.f32 v20, v9;
	[tilespmem:s24+$0x13FA0] =	vst v27  }
0x12c: {  	v21 =	vmul.f32 v21, v4;
	v32 =	vadd.f32 v23, v11;
	[tilespmem:s24+$0x13FB0] =	vst v29  }
0x12d: {  	v33 =	vadd.f32 v31, v13;
	[tilespmem:s24+$0x13FC0] =	vst v30  }
0x12e: {  	v34 =	vadd.f32 v21, v14;
	[tilespmem:s24+$0x13FD0] =	vst v32  }
0x12f: {  	v35 =	vld [tilespmem:s24+$0x10000];
	[tilespmem:s24+$0x13FE0] =	vst v33  }
0x130: {  	v36 =	vld [tilespmem:s24+$0x10010];
	s31 =	spop (v2sf);
	[tilespmem:s24+$0x13FF0] =	vst v34  }
0x131: {  	v19 =	vld [tilespmem:s31+$0x0]  }
0x132: {  	v37 =	vld [tilespmem:s31+$0x10]  }
0x133: {  	v38 =	vld [tilespmem:s24+$0x10020]  }
0x134: {  	v39 =	vld [tilespmem:s31+$0x20]  }
0x135: {  	v40 =	vld [tilespmem:s24+$0x10030]  }
0x136: {  	v41 =	vld [tilespmem:s31+$0x30]  }
0x137: {  	v43 =	vld [tilespmem:s24+$0x10040];
	v18 =	vadd.f32 v19, v35;
	v42 =	vadd.f32 v37, v36  }
0x138: {  	v44 =	vld [tilespmem:s31+$0x40]  }
0x139: {  	v45 =	vld [tilespmem:s24+$0x10050];
	v22 =	vadd.f32 v39, v38;
	v46 =	vmul.f32 v18, v18;
	v47 =	vmul.f32 v42, v42  }
0x13a: {  	v48 =	vld [tilespmem:s31+$0x50];
	v49 =	vadd.f32 v42, v18  }
0x13b: {  	v50 =	vld [tilespmem:s24+$0x10060];
	v24 =	vadd.f32 v41, v40;
	v51 =	vmul.f32 v22, v22;
	v26 =	vadd.f32 v47, v46  }
0x13c: {  	v52 =	vld [tilespmem:s31+$0x60];
	v29 =	vadd.f32 v22, v49  }
0x13d: {  	v53 =	vld [tilespmem:s24+$0x10070];
	v20 =	vadd.f32 v44, v43;
	v54 =	vmul.f32 v24, v24;
	v26 =	vadd.f32 v51, v26  }
0x13e: {  	v55 =	vld [tilespmem:s31+$0x70];
	v29 =	vadd.f32 v24, v29  }
0x13f: {  	v23 =	vadd.f32 v48, v45;
	v56 =	vmul.f32 v20, v20;
	v26 =	vadd.f32 v54, v26  }
0x140: {  	v57 =	vadd.f32 v20, v29  }
0x141: {  	v25 =	vadd.f32 v52, v50;
	v58 =	vmul.f32 v23, v23;
	v26 =	vadd.f32 v56, v26  }
0x142: {  	v28 =	vadd.f32 v23, v57  }
0x143: {  	v21 =	vadd.f32 v55, v53;
	v59 =	vmul.f32 v25, v25;
	v26 =	vadd.f32 v58, v26  }
0x144: {  	v28 =	vadd.f32 v25, v28  }
0x145: {  	v60 =	vmul.f32 v21, v21;
	v26 =	vadd.f32 v59, v26  }
0x146: {  	v28 =	vadd.f32 v21, v28  }
0x147: {  	v26 =	vadd.f32 v60, v26  }
0x148: {  	(xrf2) =	vadd.scan.msk.f32 $0xffff, v28  }
0x149: {  	(xrf2) =	vadd.scan.msk.f32 $0xffff, v26;
	_ =	sdelay $0x8  }
0x14a: {  	v61, _, _ =	vpop (xrf2)  }
0x14b: {  	(v2sf) =	vpush v61, $0xF;
	v62, _, _ =	vpop (xrf2)  }
0x14c: {  	(v2sf) =	vpush v62, $0xF;
	_ =	sdelay $0xd  }
0x14d: {  	s26 =	spop (v2sf)  }
0x14e: {  	s25 =	smul.f32 $7.812500000e-03, s26;
	s28 =	spop (v2sf)  }
0x14f: {  	s26 =	smul.f32 $7.812500000e-03, s28  }
0x150: {  	s29 =	smul.f32 s25, s25;
	_ =	sdelay $0x1  }
0x151: {  	s26 =	ssub.f32 s26, s29;
	_ =	sdelay $0x1  }
0x152: {  	s26 =	sadd.f32 $9.999999960e-13, s26;
	_ =	sdelay $0x1  }
0x153: {  	s30 =	sshrl.u32 s26, $0x1;
	s26 =	smul.f32 $5.000000000e-01, s26  }
0x154: {  	s28 =	ssub.s32 $0x5F3759DF, s30  }
0x155: {  	s31 =	smul.f32 s28, s26;
	_ =	sdelay $0x1  }
0x156: {  	s29 =	smul.f32 s28, s31;
	_ =	sdelay $0x1  }
0x157: {  	s29 =	ssub.f32 $1.500000000e+00, s29;
	_ =	sdelay $0x1  }
0x158: {  	s28 =	smul.f32 s28, s29;
	_ =	sdelay $0x1  }
0x159: {  	s29 =	smul.f32 s28, s26;
	_ =	sdelay $0x1  }
0x15a: {  	s29 =	smul.f32 s29, s28;
	_ =	sdelay $0x1  }
0x15b: {  	s29 =	ssub.f32 $1.500000000e+00, s29;
	_ =	sdelay $0x1  }
0x15c: {  	s28 =	smul.f32 s29, s28;
	_ =	sdelay $0x1  }
0x15d: {  	s26 =	smul.f32 s28, s26;
	_ =	sdelay $0x1  }
0x15e: {  	s26 =	smul.f32 s26, s28;
	_ =	sdelay $0x1  }
0x15f: {  	s26 =	ssub.f32 $1.500000000e+00, s26  }
0x160: {  	v63 =	vmov s25  }
0x161: {  	(v2sf) =	vpush v17, $0x5;
	v18 =	vsub.f32 v18, v63;
	s30 =	smul.f32 s26, s28  }
0x162: {  	v19 =	vsub.f32 v42, v63  }
0x163: {  	v22 =	vsub.f32 v22, v63;
	v24 =	vsub.f32 v24, v63;
	v18 =	vmul.f32 s30, v18  }
0x164: {  	v20 =	vsub.f32 v20, v63;
	v23 =	vsub.f32 v23, v63;
	v19 =	vmul.f32 s30, v19  }
0x165: {  	v25 =	vsub.f32 v25, v63;
	v22 =	vmul.f32 s30, v22;
	v18 =	vmul.f32 v18, v7  }
0x166: {  	v21 =	vsub.f32 v21, v63;
	v24 =	vmul.f32 s30, v24;
	v19 =	vmul.f32 v19, v8  }
0x167: {  	v20 =	vmul.f32 s30, v20;
	v22 =	vmul.f32 v22, v6;
	v18 =	vadd.f32 v18, v16  }
0x168: {  	v23 =	vmul.f32 s30, v23;
	v24 =	vmul.f32 v24, v5;
	v19 =	vadd.f32 v19, v15  }
0x169: {  	v28 =	vmul.f32 s30, v25;
	v20 =	vmul.f32 v20, v3;
	v27 =	vadd.f32 v22, v12;
	[tilespmem:s24+$0x14000] =	vst v18  }
0x16a: {  	v21 =	vmul.f32 s30, v21;
	v23 =	vmul.f32 v23, v2;
	v29 =	vadd.f32 v24, v10;
	[tilespmem:s24+$0x14010] =	vst v19  }
0x16b: {  	v31 =	vmul.f32 v28, v1;
	v30 =	vadd.f32 v20, v9;
	[tilespmem:s24+$0x14020] =	vst v27  }
0x16c: {  	v21 =	vmul.f32 v21, v4;
	v32 =	vadd.f32 v23, v11;
	[tilespmem:s24+$0x14030] =	vst v29  }
0x16d: {  	v33 =	vadd.f32 v31, v13;
	[tilespmem:s24+$0x14040] =	vst v30  }
0x16e: {  	v34 =	vadd.f32 v21, v14;
	[tilespmem:s24+$0x14050] =	vst v32  }
0x16f: {  	v35 =	vld [tilespmem:s24+$0x10080];
	[tilespmem:s24+$0x14060] =	vst v33  }
0x170: {  	v36 =	vld [tilespmem:s24+$0x10090];
	s31 =	spop (v2sf);
	[tilespmem:s24+$0x14070] =	vst v34  }
0x171: {  	v19 =	vld [tilespmem:s31+$0x0]  }
0x172: {  	v37 =	vld [tilespmem:s31+$0x10]  }
0x173: {  	v38 =	vld [tilespmem:s24+$0x100A0]  }
0x174: {  	v39 =	vld [tilespmem:s31+$0x20]  }
0x175: {  	v40 =	vld [tilespmem:s24+$0x100B0]  }
0x176: {  	v41 =	vld [tilespmem:s31+$0x30]  }
0x177: {  	v43 =	vld [tilespmem:s24+$0x100C0];
	v18 =	vadd.f32 v19, v35;
	v42 =	vadd.f32 v37, v36  }
0x178: {  	v44 =	vld [tilespmem:s31+$0x40]  }
0x179: {  	v45 =	vld [tilespmem:s24+$0x100D0];
	v22 =	vadd.f32 v39, v38;
	v46 =	vmul.f32 v18, v18;
	v47 =	vmul.f32 v42, v42  }
0x17a: {  	v48 =	vld [tilespmem:s31+$0x50];
	v49 =	vadd.f32 v42, v18  }
0x17b: {  	v50 =	vld [tilespmem:s24+$0x100E0];
	v24 =	vadd.f32 v41, v40;
	v51 =	vmul.f32 v22, v22;
	v26 =	vadd.f32 v47, v46  }
0x17c: {  	v52 =	vld [tilespmem:s31+$0x60];
	v29 =	vadd.f32 v22, v49  }
0x17d: {  	v53 =	vld [tilespmem:s24+$0x100F0];
	v20 =	vadd.f32 v44, v43;
	v54 =	vmul.f32 v24, v24;
	v26 =	vadd.f32 v51, v26  }
0x17e: {  	v55 =	vld [tilespmem:s31+$0x70];
	v29 =	vadd.f32 v24, v29  }
0x17f: {  	v23 =	vadd.f32 v48, v45;
	v56 =	vmul.f32 v20, v20;
	v26 =	vadd.f32 v54, v26  }
0x180: {  	v57 =	vadd.f32 v20, v29  }
0x181: {  	v25 =	vadd.f32 v52, v50;
	v58 =	vmul.f32 v23, v23;
	v26 =	vadd.f32 v56, v26  }
0x182: {  	v28 =	vadd.f32 v23, v57  }
0x183: {  	v21 =	vadd.f32 v55, v53;
	v59 =	vmul.f32 v25, v25;
	v26 =	vadd.f32 v58, v26  }
0x184: {  	v28 =	vadd.f32 v25, v28  }
0x185: {  	v60 =	vmul.f32 v21, v21;
	v26 =	vadd.f32 v59, v26  }
0x186: {  	v28 =	vadd.f32 v21, v28  }
0x187: {  	v26 =	vadd.f32 v60, v26  }
0x188: {  	(xrf2) =	vadd.scan.msk.f32 $0xffff, v28  }
0x189: {  	(xrf2) =	vadd.scan.msk.f32 $0xffff, v26;
	_ =	sdelay $0x8  }
0x18a: {  	v61, _, _ =	vpop (xrf2)  }
0x18b: {  	(v2sf) =	vpush v61, $0xF;
	v62, _, _ =	vpop (xrf2)  }
0x18c: {  	(v2sf) =	vpush v62, $0xF;
	_ =	sdelay $0xd  }
0x18d: {  	s26 =	spop (v2sf)  }
0x18e: {  	s25 =	smul.f32 $7.812500000e-03, s26;
	s28 =	spop (v2sf)  }
0x18f: {  	s26 =	smul.f32 $7.812500000e-03, s28  }
0x190: {  	s29 =	smul.f32 s25, s25;
	_ =	sdelay $0x1  }
0x191: {  	s26 =	ssub.f32 s26, s29;
	_ =	sdelay $0x1  }
0x192: {  	s26 =	sadd.f32 $9.999999960e-13, s26;
	_ =	sdelay $0x1  }
0x193: {  	s30 =	sshrl.u32 s26, $0x1;
	s26 =	smul.f32 $5.000000000e-01, s26  }
0x194: {  	s28 =	ssub.s32 $0x5F3759DF, s30  }
0x195: {  	s31 =	smul.f32 s28, s26;
	_ =	sdelay $0x1  }
0x196: {  	s29 =	smul.f32 s28, s31;
	_ =	sdelay $0x1  }
0x197: {  	s29 =	ssub.f32 $1.500000000e+00, s29;
	_ =	sdelay $0x1  }
0x198: {  	s28 =	smul.f32 s28, s29;
	_ =	sdelay $0x1  }
0x199: {  	s29 =	smul.f32 s28, s26;
	_ =	sdelay $0x1  }
0x19a: {  	s29 =	smul.f32 s29, s28;
	_ =	sdelay $0x1  }
0x19b: {  	s29 =	ssub.f32 $1.500000000e+00, s29;
	_ =	sdelay $0x1  }
0x19c: {  	s28 =	smul.f32 s29, s28;
	_ =	sdelay $0x1  }
0x19d: {  	s26 =	smul.f32 s28, s26;
	_ =	sdelay $0x1  }
0x19e: {  	s26 =	smul.f32 s26, s28;
	_ =	sdelay $0x1  }
0x19f: {  	s26 =	ssub.f32 $1.500000000e+00, s26  }
0x1a0: {  	v63 =	vmov s25  }
0x1a1: {  	(v2sf) =	vpush v17, $0x6;
	v18 =	vsub.f32 v18, v63;
	s30 =	smul.f32 s26, s28  }
0x1a2: {  	v19 =	vsub.f32 v42, v63  }
0x1a3: {  	v22 =	vsub.f32 v22, v63;
	v24 =	vsub.f32 v24, v63;
	v18 =	vmul.f32 s30, v18  }
0x1a4: {  	v20 =	vsub.f32 v20, v63;
	v23 =	vsub.f32 v23, v63;
	v19 =	vmul.f32 s30, v19  }
0x1a5: {  	v25 =	vsub.f32 v25, v63;
	v22 =	vmul.f32 s30, v22;
	v18 =	vmul.f32 v18, v7  }
0x1a6: {  	v21 =	vsub.f32 v21, v63;
	v24 =	vmul.f32 s30, v24;
	v19 =	vmul.f32 v19, v8  }
0x1a7: {  	v20 =	vmul.f32 s30, v20;
	v22 =	vmul.f32 v22, v6;
	v18 =	vadd.f32 v18, v16  }
0x1a8: {  	v23 =	vmul.f32 s30, v23;
	v24 =	vmul.f32 v24, v5;
	v19 =	vadd.f32 v19, v15  }
0x1a9: {  	v28 =	vmul.f32 s30, v25;
	v20 =	vmul.f32 v20, v3;
	v27 =	vadd.f32 v22, v12;
	[tilespmem:s24+$0x14080] =	vst v18  }
0x1aa: {  	v21 =	vmul.f32 s30, v21;
	v23 =	vmul.f32 v23, v2;
	v29 =	vadd.f32 v24, v10;
	[tilespmem:s24+$0x14090] =	vst v19  }
0x1ab: {  	v31 =	vmul.f32 v28, v1;
	v30 =	vadd.f32 v20, v9;
	[tilespmem:s24+$0x140A0] =	vst v27  }
0x1ac: {  	v21 =	vmul.f32 v21, v4;
	v32 =	vadd.f32 v23, v11;
	[tilespmem:s24+$0x140B0] =	vst v29  }
0x1ad: {  	v33 =	vadd.f32 v31, v13;
	[tilespmem:s24+$0x140C0] =	vst v30  }
0x1ae: {  	v34 =	vadd.f32 v21, v14;
	[tilespmem:s24+$0x140D0] =	vst v32  }
0x1af: {  	v35 =	vld [tilespmem:s24+$0x10100];
	[tilespmem:s24+$0x140E0] =	vst v33  }
0x1b0: {  	v36 =	vld [tilespmem:s24+$0x10110];
	s31 =	spop (v2sf);
	[tilespmem:s24+$0x140F0] =	vst v34  }
0x1b1: {  	v19 =	vld [tilespmem:s31+$0x0]  }
0x1b2: {  	v37 =	vld [tilespmem:s31+$0x10]  }
0x1b3: {  	v38 =	vld [tilespmem:s24+$0x10120]  }
0x1b4: {  	v39 =	vld [tilespmem:s31+$0x20]  }
0x1b5: {  	v40 =	vld [tilespmem:s24+$0x10130]  }
0x1b6: {  	v41 =	vld [tilespmem:s31+$0x30]  }
0x1b7: {  	v43 =	vld [tilespmem:s24+$0x10140];
	v18 =	vadd.f32 v19, v35;
	v42 =	vadd.f32 v37, v36  }
0x1b8: {  	v44 =	vld [tilespmem:s31+$0x40]  }
0x1b9: {  	v45 =	vld [tilespmem:s24+$0x10150];
	v22 =	vadd.f32 v39, v38;
	v46 =	vmul.f32 v18, v18;
	v47 =	vmul.f32 v42, v42  }
0x1ba: {  	v48 =	vld [tilespmem:s31+$0x50];
	v49 =	vadd.f32 v42, v18  }
0x1bb: {  	v50 =	vld [tilespmem:s24+$0x10160];
	v24 =	vadd.f32 v41, v40;
	v51 =	vmul.f32 v22, v22;
	v26 =	vadd.f32 v47, v46  }
0x1bc: {  	v52 =	vld [tilespmem:s31+$0x60];
	v29 =	vadd.f32 v22, v49  }
0x1bd: {  	v53 =	vld [tilespmem:s24+$0x10170];
	v20 =	vadd.f32 v44, v43;
	v54 =	vmul.f32 v24, v24;
	v26 =	vadd.f32 v51, v26  }
0x1be: {  	v55 =	vld [tilespmem:s31+$0x70];
	v29 =	vadd.f32 v24, v29  }
0x1bf: {  	v23 =	vadd.f32 v48, v45;
	v56 =	vmul.f32 v20, v20;
	v26 =	vadd.f32 v54, v26  }
0x1c0: {  	v57 =	vadd.f32 v20, v29  }
0x1c1: {  	v25 =	vadd.f32 v52, v50;
	v58 =	vmul.f32 v23, v23;
	v26 =	vadd.f32 v56, v26  }
0x1c2: {  	v28 =	vadd.f32 v23, v57  }
0x1c3: {  	v21 =	vadd.f32 v55, v53;
	v59 =	vmul.f32 v25, v25;
	v26 =	vadd.f32 v58, v26  }
0x1c4: {  	v28 =	vadd.f32 v25, v28  }
0x1c5: {  	v60 =	vmul.f32 v21, v21;
	v26 =	vadd.f32 v59, v26  }
0x1c6: {  	v28 =	vadd.f32 v21, v28  }
0x1c7: {  	v26 =	vadd.f32 v60, v26  }
0x1c8: {  	(xrf2) =	vadd.scan.msk.f32 $0xffff, v28  }
0x1c9: {  	(xrf2) =	vadd.scan.msk.f32 $0xffff, v26;
	_ =	sdelay $0x8  }
0x1ca: {  	v61, _, _ =	vpop (xrf2)  }
0x1cb: {  	(v2sf) =	vpush v61, $0xF;
	v62, _, _ =	vpop (xrf2)  }
0x1cc: {  	(v2sf) =	vpush v62, $0xF;
	_ =	sdelay $0xd  }
0x1cd: {  	s26 =	spop (v2sf)  }
0x1ce: {  	s25 =	smul.f32 $7.812500000e-03, s26;
	s28 =	spop (v2sf)  }
0x1cf: {  	s26 =	smul.f32 $7.812500000e-03, s28  }
0x1d0: {  	s29 =	smul.f32 s25, s25;
	_ =	sdelay $0x1  }
0x1d1: {  	s26 =	ssub.f32 s26, s29;
	_ =	sdelay $0x1  }
0x1d2: {  	s26 =	sadd.f32 $9.999999960e-13, s26;
	_ =	sdelay $0x1  }
0x1d3: {  	s30 =	sshrl.u32 s26, $0x1;
	s26 =	smul.f32 $5.000000000e-01, s26  }
0x1d4: {  	s28 =	ssub.s32 $0x5F3759DF, s30  }
0x1d5: {  	s31 =	smul.f32 s28, s26;
	_ =	sdelay $0x1  }
0x1d6: {  	s29 =	smul.f32 s28, s31;
	_ =	sdelay $0x1  }
0x1d7: {  	s29 =	ssub.f32 $1.500000000e+00, s29;
	_ =	sdelay $0x1  }
0x1d8: {  	s28 =	smul.f32 s28, s29;
	_ =	sdelay $0x1  }
0x1d9: {  	s29 =	smul.f32 s28, s26;
	_ =	sdelay $0x1  }
0x1da: {  	s29 =	smul.f32 s29, s28;
	_ =	sdelay $0x1  }
0x1db: {  	s29 =	ssub.f32 $1.500000000e+00, s29;
	_ =	sdelay $0x1  }
0x1dc: {  	s28 =	smul.f32 s29, s28;
	_ =	sdelay $0x1  }
0x1dd: {  	s26 =	smul.f32 s28, s26;
	_ =	sdelay $0x1  }
0x1de: {  	s26 =	smul.f32 s26, s28;
	_ =	sdelay $0x1  }
0x1df: {  	s26 =	ssub.f32 $1.500000000e+00, s26  }
0x1e0: {  	v63 =	vmov s25  }
0x1e1: {  	(v2sf) =	vpush v17, $0x7;
	v18 =	vsub.f32 v18, v63;
	s30 =	smul.f32 s26, s28  }
0x1e2: {  	v19 =	vsub.f32 v42, v63  }
0x1e3: {  	v22 =	vsub.f32 v22, v63;
	v24 =	vsub.f32 v24, v63;
	v18 =	vmul.f32 s30, v18  }
0x1e4: {  	v20 =	vsub.f32 v20, v63;
	v23 =	vsub.f32 v23, v63;
	v19 =	vmul.f32 s30, v19  }
0x1e5: {  	v25 =	vsub.f32 v25, v63;
	v22 =	vmul.f32 s30, v22;
	v18 =	vmul.f32 v18, v7  }
0x1e6: {  	v21 =	vsub.f32 v21, v63;
	v24 =	vmul.f32 s30, v24;
	v19 =	vmul.f32 v19, v8  }
0x1e7: {  	v20 =	vmul.f32 s30, v20;
	v22 =	vmul.f32 v22, v6;
	v18 =	vadd.f32 v18, v16  }
0x1e8: {  	v23 =	vmul.f32 s30, v23;
	v24 =	vmul.f32 v24, v5;
	v19 =	vadd.f32 v19, v15  }
0x1e9: {  	v28 =	vmul.f32 s30, v25;
	v20 =	vmul.f32 v20, v3;
	v27 =	vadd.f32 v22, v12;
	[tilespmem:s24+$0x14100] =	vst v18  }
0x1ea: {  	v21 =	vmul.f32 s30, v21;
	v23 =	vmul.f32 v23, v2;
	v29 =	vadd.f32 v24, v10;
	[tilespmem:s24+$0x14110] =	vst v19  }
0x1eb: {  	v31 =	vmul.f32 v28, v1;
	v30 =	vadd.f32 v20, v9;
	[tilespmem:s24+$0x14120] =	vst v27  }
0x1ec: {  	v21 =	vmul.f32 v21, v4;
	v32 =	vadd.f32 v23, v11;
	[tilespmem:s24+$0x14130] =	vst v29  }
0x1ed: {  	v33 =	vadd.f32 v31, v13;
	[tilespmem:s24+$0x14140] =	vst v30  }
0x1ee: {  	v34 =	vadd.f32 v21, v14;
	[tilespmem:s24+$0x14150] =	vst v32  }
0x1ef: {  	v35 =	vld [tilespmem:s24+$0x10180];
	[tilespmem:s24+$0x14160] =	vst v33  }
0x1f0: {  	v36 =	vld [tilespmem:s24+$0x10190];
	s31 =	spop (v2sf);
	[tilespmem:s24+$0x14170] =	vst v34  }
0x1f1: {  	v19 =	vld [tilespmem:s31+$0x0]  }
0x1f2: {  	v37 =	vld [tilespmem:s31+$0x10]  }
0x1f3: {  	v38 =	vld [tilespmem:s24+$0x101A0]  }
0x1f4: {  	v39 =	vld [tilespmem:s31+$0x20]  }
0x1f5: {  	v40 =	vld [tilespmem:s24+$0x101B0]  }
0x1f6: {  	v41 =	vld [tilespmem:s31+$0x30]  }
0x1f7: {  	v43 =	vld [tilespmem:s24+$0x101C0];
	v18 =	vadd.f32 v19, v35;
	v42 =	vadd.f32 v37, v36  }
0x1f8: {  	v44 =	vld [tilespmem:s31+$0x40]  }
0x1f9: {  	v45 =	vld [tilespmem:s24+$0x101D0];
	v22 =	vadd.f32 v39, v38;
	v46 =	vmul.f32 v18, v18;
	v47 =	vmul.f32 v42, v42  }
0x1fa: {  	v48 =	vld [tilespmem:s31+$0x50];
	v49 =	vadd.f32 v42, v18  }
0x1fb: {  	v50 =	vld [tilespmem:s24+$0x101E0];
	v24 =	vadd.f32 v41, v40;
	v51 =	vmul.f32 v22, v22;
	v26 =	vadd.f32 v47, v46  }
0x1fc: {  	v52 =	vld [tilespmem:s31+$0x60];
	v29 =	vadd.f32 v22, v49  }
0x1fd: {  	v53 =	vld [tilespmem:s24+$0x101F0];
	v20 =	vadd.f32 v44, v43;
	v54 =	vmul.f32 v24, v24;
	v26 =	vadd.f32 v51, v26  }
0x1fe: {  	v55 =	vld [tilespmem:s31+$0x70];
	v29 =	vadd.f32 v24, v29  }
0x1ff: {  	v23 =	vadd.f32 v48, v45;
	v56 =	vmul.f32 v20, v20;
	v26 =	vadd.f32 v54, v26  }
0x200: {  	v57 =	vadd.f32 v20, v29  }
0x201: {  	v25 =	vadd.f32 v52, v50;
	v58 =	vmul.f32 v23, v23;
	v26 =	vadd.f32 v56, v26  }
0x202: {  	v28 =	vadd.f32 v23, v57  }
0x203: {  	v21 =	vadd.f32 v55, v53;
	v59 =	vmul.f32 v25, v25;
	v26 =	vadd.f32 v58, v26  }
0x204: {  	v28 =	vadd.f32 v25, v28  }
0x205: {  	v60 =	vmul.f32 v21, v21;
	v26 =	vadd.f32 v59, v26  }
0x206: {  	v28 =	vadd.f32 v21, v28  }
0x207: {  	v26 =	vadd.f32 v60, v26  }
0x208: {  	(xrf2) =	vadd.scan.msk.f32 $0xffff, v28  }
0x209: {  	(xrf2) =	vadd.scan.msk.f32 $0xffff, v26;
	_ =	sdelay $0x8  }
0x20a: {  	v61, _, _ =	vpop (xrf2)  }
0x20b: {  	(v2sf) =	vpush v61, $0xF;
	v62, _, _ =	vpop (xrf2)  }
0x20c: {  	(v2sf) =	vpush v62, $0xF;
	_ =	sdelay $0xd  }
0x20d: {  	s26 =	spop (v2sf)  }
0x20e: {  	s25 =	smul.f32 $7.812500000e-03, s26;
	s28 =	spop (v2sf)  }
0x20f: {  	s26 =	smul.f32 $7.812500000e-03, s28  }
0x210: {  	s29 =	smul.f32 s25, s25;
	_ =	sdelay $0x1  }
0x211: {  	s26 =	ssub.f32 s26, s29;
	_ =	sdelay $0x1  }
0x212: {  	s26 =	sadd.f32 $9.999999960e-13, s26;
	_ =	sdelay $0x1  }
0x213: {  	s30 =	sshrl.u32 s26, $0x1;
	s26 =	smul.f32 $5.000000000e-01, s26  }
0x214: {  	s28 =	ssub.s32 $0x5F3759DF, s30  }
0x215: {  	s31 =	smul.f32 s28, s26;
	_ =	sdelay $0x1  }
0x216: {  	s29 =	smul.f32 s28, s31;
	_ =	sdelay $0x1  }
0x217: {  	s29 =	ssub.f32 $1.500000000e+00, s29;
	_ =	sdelay $0x1  }
0x218: {  	s28 =	smul.f32 s28, s29;
	_ =	sdelay $0x1  }
0x219: {  	s29 =	smul.f32 s28, s26;
	_ =	sdelay $0x1  }
0x21a: {  	s29 =	smul.f32 s29, s28;
	_ =	sdelay $0x1  }
0x21b: {  	s29 =	ssub.f32 $1.500000000e+00, s29;
	_ =	sdelay $0x1  }
0x21c: {  	s28 =	smul.f32 s29, s28;
	_ =	sdelay $0x1  }
0x21d: {  	s26 =	smul.f32 s28, s26;
	_ =	sdelay $0x1  }
0x21e: {  	s26 =	smul.f32 s26, s28;
	_ =	sdelay $0x1  }
0x21f: {  	s26 =	ssub.f32 $1.500000000e+00, s26  }
0x220: {  	v63 =	vmov s25  }
0x221: {  	(v2sf) =	vpush v17, $0x8;
	v18 =	vsub.f32 v18, v63;
	s30 =	smul.f32 s26, s28  }
0x222: {  	v19 =	vsub.f32 v42, v63  }
0x223: {  	v22 =	vsub.f32 v22, v63;
	v24 =	vsub.f32 v24, v63;
	v18 =	vmul.f32 s30, v18  }
0x224: {  	v20 =	vsub.f32 v20, v63;
	v23 =	vsub.f32 v23, v63;
	v19 =	vmul.f32 s30, v19  }
0x225: {  	v25 =	vsub.f32 v25, v63;
	v22 =	vmul.f32 s30, v22;
	v18 =	vmul.f32 v18, v7  }
0x226: {  	v21 =	vsub.f32 v21, v63;
	v24 =	vmul.f32 s30, v24;
	v19 =	vmul.f32 v19, v8  }
0x227: {  	v20 =	vmul.f32 s30, v20;
	v22 =	vmul.f32 v22, v6;
	v18 =	vadd.f32 v18, v16  }
0x228: {  	v23 =	vmul.f32 s30, v23;
	v24 =	vmul.f32 v24, v5;
	v19 =	vadd.f32 v19, v15  }
0x229: {  	v28 =	vmul.f32 s30, v25;
	v20 =	vmul.f32 v20, v3;
	v27 =	vadd.f32 v22, v12;
	[tilespmem:s24+$0x14180] =	vst v18  }
0x22a: {  	v21 =	vmul.f32 s30, v21;
	v23 =	vmul.f32 v23, v2;
	v29 =	vadd.f32 v24, v10;
	[tilespmem:s24+$0x14190] =	vst v19  }
0x22b: {  	v31 =	vmul.f32 v28, v1;
	v30 =	vadd.f32 v20, v9;
	[tilespmem:s24+$0x141A0] =	vst v27  }
0x22c: {  	v21 =	vmul.f32 v21, v4;
	v32 =	vadd.f32 v23, v11;
	[tilespmem:s24+$0x141B0] =	vst v29  }
0x22d: {  	v33 =	vadd.f32 v31, v13;
	[tilespmem:s24+$0x141C0] =	vst v30  }
0x22e: {  	v34 =	vadd.f32 v21, v14;
	[tilespmem:s24+$0x141D0] =	vst v32  }
0x22f: {  	v35 =	vld [tilespmem:s24+$0x10200];
	[tilespmem:s24+$0x141E0] =	vst v33  }
0x230: {  	v36 =	vld [tilespmem:s24+$0x10210];
	s31 =	spop (v2sf);
	[tilespmem:s24+$0x141F0] =	vst v34  }
0x231: {  	v19 =	vld [tilespmem:s31+$0x0]  }
0x232: {  	v37 =	vld [tilespmem:s31+$0x10]  }
0x233: {  	v38 =	vld [tilespmem:s24+$0x10220]  }
0x234: {  	v39 =	vld [tilespmem:s31+$0x20]  }
0x235: {  	v40 =	vld [tilespmem:s24+$0x10230]  }
0x236: {  	v41 =	vld [tilespmem:s31+$0x30]  }
0x237: {  	v43 =	vld [tilespmem:s24+$0x10240];
	v18 =	vadd.f32 v19, v35;
	v42 =	vadd.f32 v37, v36  }
0x238: {  	v44 =	vld [tilespmem:s31+$0x40]  }
0x239: {  	v45 =	vld [tilespmem:s24+$0x10250];
	v22 =	vadd.f32 v39, v38;
	v46 =	vmul.f32 v18, v18;
	v47 =	vmul.f32 v42, v42  }
0x23a: {  	v48 =	vld [tilespmem:s31+$0x50];
	v49 =	vadd.f32 v42, v18  }
0x23b: {  	v50 =	vld [tilespmem:s24+$0x10260];
	v24 =	vadd.f32 v41, v40;
	v51 =	vmul.f32 v22, v22;
	v26 =	vadd.f32 v47, v46  }
0x23c: {  	v52 =	vld [tilespmem:s31+$0x60];
	v29 =	vadd.f32 v22, v49  }
0x23d: {  	v53 =	vld [tilespmem:s24+$0x10270];
	v20 =	vadd.f32 v44, v43;
	v54 =	vmul.f32 v24, v24;
	v26 =	vadd.f32 v51, v26  }
0x23e: {  	v55 =	vld [tilespmem:s31+$0x70];
	v29 =	vadd.f32 v24, v29  }
0x23f: {  	v23 =	vadd.f32 v48, v45;
	v56 =	vmul.f32 v20, v20;
	v26 =	vadd.f32 v54, v26  }
0x240: {  	v57 =	vadd.f32 v20, v29  }
0x241: {  	v25 =	vadd.f32 v52, v50;
	v58 =	vmul.f32 v23, v23;
	v26 =	vadd.f32 v56, v26  }
0x242: {  	v28 =	vadd.f32 v23, v57  }
0x243: {  	v21 =	vadd.f32 v55, v53;
	v59 =	vmul.f32 v25, v25;
	v26 =	vadd.f32 v58, v26  }
0x244: {  	v28 =	vadd.f32 v25, v28  }
0x245: {  	v60 =	vmul.f32 v21, v21;
	v26 =	vadd.f32 v59, v26  }
0x246: {  	v28 =	vadd.f32 v21, v28  }
0x247: {  	v26 =	vadd.f32 v60, v26  }
0x248: {  	(xrf2) =	vadd.scan.msk.f32 $0xffff, v28  }
0x249: {  	(xrf2) =	vadd.scan.msk.f32 $0xffff, v26;
	_ =	sdelay $0x8  }
0x24a: {  	v61, _, _ =	vpop (xrf2)  }
0x24b: {  	(v2sf) =	vpush v61, $0xF;
	v62, _, _ =	vpop (xrf2)  }
0x24c: {  	(v2sf) =	vpush v62, $0xF;
	_ =	sdelay $0xd  }
0x24d: {  	s26 =	spop (v2sf)  }
0x24e: {  	s25 =	smul.f32 $7.812500000e-03, s26;
	s28 =	spop (v2sf)  }
0x24f: {  	s26 =	smul.f32 $7.812500000e-03, s28  }
0x250: {  	s29 =	smul.f32 s25, s25;
	_ =	sdelay $0x1  }
0x251: {  	s26 =	ssub.f32 s26, s29;
	_ =	sdelay $0x1  }
0x252: {  	s26 =	sadd.f32 $9.999999960e-13, s26;
	_ =	sdelay $0x1  }
0x253: {  	s30 =	sshrl.u32 s26, $0x1;
	s26 =	smul.f32 $5.000000000e-01, s26  }
0x254: {  	s28 =	ssub.s32 $0x5F3759DF, s30  }
0x255: {  	s31 =	smul.f32 s28, s26;
	_ =	sdelay $0x1  }
0x256: {  	s29 =	smul.f32 s28, s31;
	_ =	sdelay $0x1  }
0x257: {  	s29 =	ssub.f32 $1.500000000e+00, s29;
	_ =	sdelay $0x1  }
0x258: {  	s28 =	smul.f32 s28, s29;
	_ =	sdelay $0x1  }
0x259: {  	s29 =	smul.f32 s28, s26;
	_ =	sdelay $0x1  }
0x25a: {  	s29 =	smul.f32 s29, s28;
	_ =	sdelay $0x1  }
0x25b: {  	s29 =	ssub.f32 $1.500000000e+00, s29;
	_ =	sdelay $0x1  }
0x25c: {  	s28 =	smul.f32 s29, s28;
	_ =	sdelay $0x1  }
0x25d: {  	s26 =	smul.f32 s28, s26;
	_ =	sdelay $0x1  }
0x25e: {  	s26 =	smul.f32 s26, s28;
	_ =	sdelay $0x1  }
0x25f: {  	s26 =	ssub.f32 $1.500000000e+00, s26  }
0x260: {  	v63 =	vmov s25  }
0x261: {  	(v2sf) =	vpush v17, $0x9;
	v18 =	vsub.f32 v18, v63;
	s30 =	smul.f32 s26, s28  }
0x262: {  	v19 =	vsub.f32 v42, v63  }
0x263: {  	v22 =	vsub.f32 v22, v63;
	v24 =	vsub.f32 v24, v63;
	v18 =	vmul.f32 s30, v18  }
0x264: {  	v20 =	vsub.f32 v20, v63;
	v23 =	vsub.f32 v23, v63;
	v19 =	vmul.f32 s30, v19  }
0x265: {  	v25 =	vsub.f32 v25, v63;
	v22 =	vmul.f32 s30, v22;
	v18 =	vmul.f32 v18, v7  }
0x266: {  	v21 =	vsub.f32 v21, v63;
	v24 =	vmul.f32 s30, v24;
	v19 =	vmul.f32 v19, v8  }
0x267: {  	v20 =	vmul.f32 s30, v20;
	v22 =	vmul.f32 v22, v6;
	v18 =	vadd.f32 v18, v16  }
0x268: {  	v23 =	vmul.f32 s30, v23;
	v24 =	vmul.f32 v24, v5;
	v19 =	vadd.f32 v19, v15  }
0x269: {  	v28 =	vmul.f32 s30, v25;
	v20 =	vmul.f32 v20, v3;
	v27 =	vadd.f32 v22, v12;
	[tilespmem:s24+$0x14200] =	vst v18  }
0x26a: {  	v21 =	vmul.f32 s30, v21;
	v23 =	vmul.f32 v23, v2;
	v29 =	vadd.f32 v24, v10;
	[tilespmem:s24+$0x14210] =	vst v19  }
0x26b: {  	v31 =	vmul.f32 v28, v1;
	v30 =	vadd.f32 v20, v9;
	[tilespmem:s24+$0x14220] =	vst v27  }
0x26c: {  	v21 =	vmul.f32 v21, v4;
	v32 =	vadd.f32 v23, v11;
	[tilespmem:s24+$0x14230] =	vst v29  }
0x26d: {  	v33 =	vadd.f32 v31, v13;
	[tilespmem:s24+$0x14240] =	vst v30  }
0x26e: {  	v34 =	vadd.f32 v21, v14;
	[tilespmem:s24+$0x14250] =	vst v32  }
0x26f: {  	v35 =	vld [tilespmem:s24+$0x10280];
	[tilespmem:s24+$0x14260] =	vst v33  }
0x270: {  	v36 =	vld [tilespmem:s24+$0x10290];
	s31 =	spop (v2sf);
	[tilespmem:s24+$0x14270] =	vst v34  }
0x271: {  	v19 =	vld [tilespmem:s31+$0x0]  }
0x272: {  	v37 =	vld [tilespmem:s31+$0x10]  }
0x273: {  	v38 =	vld [tilespmem:s24+$0x102A0]  }
0x274: {  	v39 =	vld [tilespmem:s31+$0x20]  }
0x275: {  	v40 =	vld [tilespmem:s24+$0x102B0]  }
0x276: {  	v41 =	vld [tilespmem:s31+$0x30]  }
0x277: {  	v43 =	vld [tilespmem:s24+$0x102C0];
	v18 =	vadd.f32 v19, v35;
	v42 =	vadd.f32 v37, v36  }
0x278: {  	v44 =	vld [tilespmem:s31+$0x40]  }
0x279: {  	v45 =	vld [tilespmem:s24+$0x102D0];
	v22 =	vadd.f32 v39, v38;
	v46 =	vmul.f32 v18, v18;
	v47 =	vmul.f32 v42, v42  }
0x27a: {  	v48 =	vld [tilespmem:s31+$0x50];
	v49 =	vadd.f32 v42, v18  }
0x27b: {  	v50 =	vld [tilespmem:s24+$0x102E0];
	v24 =	vadd.f32 v41, v40;
	v51 =	vmul.f32 v22, v22;
	v26 =	vadd.f32 v47, v46  }
0x27c: {  	v52 =	vld [tilespmem:s31+$0x60];
	v29 =	vadd.f32 v22, v49  }
0x27d: {  	v53 =	vld [tilespmem:s24+$0x102F0];
	v20 =	vadd.f32 v44, v43;
	v54 =	vmul.f32 v24, v24;
	v26 =	vadd.f32 v51, v26  }
0x27e: {  	v55 =	vld [tilespmem:s31+$0x70];
	v29 =	vadd.f32 v24, v29  }
0x27f: {  	v23 =	vadd.f32 v48, v45;
	v56 =	vmul.f32 v20, v20;
	v26 =	vadd.f32 v54, v26  }
0x280: {  	v57 =	vadd.f32 v20, v29  }
0x281: {  	v25 =	vadd.f32 v52, v50;
	v58 =	vmul.f32 v23, v23;
	v26 =	vadd.f32 v56, v26  }
0x282: {  	v28 =	vadd.f32 v23, v57  }
0x283: {  	v21 =	vadd.f32 v55, v53;
	v59 =	vmul.f32 v25, v25;
	v26 =	vadd.f32 v58, v26  }
0x284: {  	v28 =	vadd.f32 v25, v28  }
0x285: {  	v60 =	vmul.f32 v21, v21;
	v26 =	vadd.f32 v59, v26  }
0x286: {  	v28 =	vadd.f32 v21, v28  }
0x287: {  	v26 =	vadd.f32 v60, v26  }
0x288: {  	(xrf2) =	vadd.scan.msk.f32 $0xffff, v28  }
0x289: {  	(xrf2) =	vadd.scan.msk.f32 $0xffff, v26;
	_ =	sdelay $0x8  }
0x28a: {  	v61, _, _ =	vpop (xrf2)  }
0x28b: {  	(v2sf) =	vpush v61, $0xF;
	v62, _, _ =	vpop (xrf2)  }
0x28c: {  	(v2sf) =	vpush v62, $0xF;
	_ =	sdelay $0xd  }
0x28d: {  	s26 =	spop (v2sf)  }
0x28e: {  	s25 =	smul.f32 $7.812500000e-03, s26;
	s28 =	spop (v2sf)  }
0x28f: {  	s26 =	smul.f32 $7.812500000e-03, s28  }
0x290: {  	s29 =	smul.f32 s25, s25;
	_ =	sdelay $0x1  }
0x291: {  	s26 =	ssub.f32 s26, s29;
	_ =	sdelay $0x1  }
0x292: {  	s26 =	sadd.f32 $9.999999960e-13, s26;
	_ =	sdelay $0x1  }
0x293: {  	s30 =	sshrl.u32 s26, $0x1;
	s26 =	smul.f32 $5.000000000e-01, s26  }
0x294: {  	s28 =	ssub.s32 $0x5F3759DF, s30  }
0x295: {  	s31 =	smul.f32 s28, s26;
	_ =	sdelay $0x1  }
0x296: {  	s29 =	smul.f32 s28, s31;
	_ =	sdelay $0x1  }
0x297: {  	s29 =	ssub.f32 $1.500000000e+00, s29;
	_ =	sdelay $0x1  }
0x298: {  	s28 =	smul.f32 s28, s29;
	_ =	sdelay $0x1  }
0x299: {  	s29 =	smul.f32 s28, s26;
	_ =	sdelay $0x1  }
0x29a: {  	s29 =	smul.f32 s29, s28;
	_ =	sdelay $0x1  }
0x29b: {  	s29 =	ssub.f32 $1.500000000e+00, s29;
	_ =	sdelay $0x1  }
0x29c: {  	s28 =	smul.f32 s29, s28;
	_ =	sdelay $0x1  }
0x29d: {  	s26 =	smul.f32 s28, s26;
	_ =	sdelay $0x1  }
0x29e: {  	s26 =	smul.f32 s26, s28;
	_ =	sdelay $0x1  }
0x29f: {  	s26 =	ssub.f32 $1.500000000e+00, s26  }
0x2a0: {  	v63 =	vmov s25  }
0x2a1: {  	(v2sf) =	vpush v17, $0xA;
	v18 =	vsub.f32 v18, v63;
	s30 =	smul.f32 s26, s28  }
0x2a2: {  	v19 =	vsub.f32 v42, v63  }
0x2a3: {  	v22 =	vsub.f32 v22, v63;
	v24 =	vsub.f32 v24, v63;
	v18 =	vmul.f32 s30, v18  }
0x2a4: {  	v20 =	vsub.f32 v20, v63;
	v23 =	vsub.f32 v23, v63;
	v19 =	vmul.f32 s30, v19  }
0x2a5: {  	v25 =	vsub.f32 v25, v63;
	v22 =	vmul.f32 s30, v22;
	v18 =	vmul.f32 v18, v7  }
0x2a6: {  	v21 =	vsub.f32 v21, v63;
	v24 =	vmul.f32 s30, v24;
	v19 =	vmul.f32 v19, v8  }
0x2a7: {  	v20 =	vmul.f32 s30, v20;
	v22 =	vmul.f32 v22, v6;
	v18 =	vadd.f32 v18, v16  }
0x2a8: {  	v23 =	vmul.f32 s30, v23;
	v24 =	vmul.f32 v24, v5;
	v19 =	vadd.f32 v19, v15  }
0x2a9: {  	v28 =	vmul.f32 s30, v25;
	v20 =	vmul.f32 v20, v3;
	v27 =	vadd.f32 v22, v12;
	[tilespmem:s24+$0x14280] =	vst v18  }
0x2aa: {  	v21 =	vmul.f32 s30, v21;
	v23 =	vmul.f32 v23, v2;
	v29 =	vadd.f32 v24, v10;
	[tilespmem:s24+$0x14290] =	vst v19  }
0x2ab: {  	v31 =	vmul.f32 v28, v1;
	v30 =	vadd.f32 v20, v9;
	[tilespmem:s24+$0x142A0] =	vst v27  }
0x2ac: {  	v21 =	vmul.f32 v21, v4;
	v32 =	vadd.f32 v23, v11;
	[tilespmem:s24+$0x142B0] =	vst v29  }
0x2ad: {  	v33 =	vadd.f32 v31, v13;
	[tilespmem:s24+$0x142C0] =	vst v30  }
0x2ae: {  	v34 =	vadd.f32 v21, v14;
	[tilespmem:s24+$0x142D0] =	vst v32  }
0x2af: {  	v35 =	vld [tilespmem:s24+$0x10300];
	[tilespmem:s24+$0x142E0] =	vst v33  }
0x2b0: {  	v36 =	vld [tilespmem:s24+$0x10310];
	s31 =	spop (v2sf);
	[tilespmem:s24+$0x142F0] =	vst v34  }
0x2b1: {  	v19 =	vld [tilespmem:s31+$0x0]  }
0x2b2: {  	v37 =	vld [tilespmem:s31+$0x10]  }
0x2b3: {  	v38 =	vld [tilespmem:s24+$0x10320]  }
0x2b4: {  	v39 =	vld [tilespmem:s31+$0x20]  }
0x2b5: {  	v40 =	vld [tilespmem:s24+$0x10330]  }
0x2b6: {  	v41 =	vld [tilespmem:s31+$0x30]  }
0x2b7: {  	v43 =	vld [tilespmem:s24+$0x10340];
	v18 =	vadd.f32 v19, v35;
	v42 =	vadd.f32 v37, v36  }
0x2b8: {  	v44 =	vld [tilespmem:s31+$0x40]  }
0x2b9: {  	v45 =	vld [tilespmem:s24+$0x10350];
	v22 =	vadd.f32 v39, v38;
	v46 =	vmul.f32 v18, v18;
	v47 =	vmul.f32 v42, v42  }
0x2ba: {  	v48 =	vld [tilespmem:s31+$0x50];
	v49 =	vadd.f32 v42, v18  }
0x2bb: {  	v50 =	vld [tilespmem:s24+$0x10360];
	v24 =	vadd.f32 v41, v40;
	v51 =	vmul.f32 v22, v22;
	v26 =	vadd.f32 v47, v46  }
0x2bc: {  	v52 =	vld [tilespmem:s31+$0x60];
	v29 =	vadd.f32 v22, v49  }
0x2bd: {  	v53 =	vld [tilespmem:s24+$0x10370];
	v20 =	vadd.f32 v44, v43;
	v54 =	vmul.f32 v24, v24;
	v26 =	vadd.f32 v51, v26  }
0x2be: {  	v55 =	vld [tilespmem:s31+$0x70];
	v29 =	vadd.f32 v24, v29  }
0x2bf: {  	v23 =	vadd.f32 v48, v45;
	v56 =	vmul.f32 v20, v20;
	v26 =	vadd.f32 v54, v26  }
0x2c0: {  	v57 =	vadd.f32 v20, v29  }
0x2c1: {  	v25 =	vadd.f32 v52, v50;
	v58 =	vmul.f32 v23, v23;
	v26 =	vadd.f32 v56, v26  }
0x2c2: {  	v28 =	vadd.f32 v23, v57  }
0x2c3: {  	v21 =	vadd.f32 v55, v53;
	v59 =	vmul.f32 v25, v25;
	v26 =	vadd.f32 v58, v26  }
0x2c4: {  	v28 =	vadd.f32 v25, v28  }
0x2c5: {  	v60 =	vmul.f32 v21, v21;
	v26 =	vadd.f32 v59, v26  }
0x2c6: {  	v28 =	vadd.f32 v21, v28  }
0x2c7: {  	v26 =	vadd.f32 v60, v26  }
0x2c8: {  	(xrf2) =	vadd.scan.msk.f32 $0xffff, v28  }
0x2c9: {  	(xrf2) =	vadd.scan.msk.f32 $0xffff, v26;
	_ =	sdelay $0x8  }
0x2ca: {  	v61, _, _ =	vpop (xrf2)  }
0x2cb: {  	(v2sf) =	vpush v61, $0xF;
	v62, _, _ =	vpop (xrf2)  }
0x2cc: {  	(v2sf) =	vpush v62, $0xF;
	_ =	sdelay $0xd  }
0x2cd: {  	s26 =	spop (v2sf)  }
0x2ce: {  	s25 =	smul.f32 $7.812500000e-03, s26;
	s28 =	spop (v2sf)  }
0x2cf: {  	s26 =	smul.f32 $7.812500000e-03, s28  }
0x2d0: {  	s29 =	smul.f32 s25, s25;
	_ =	sdelay $0x1  }
0x2d1: {  	s26 =	ssub.f32 s26, s29;
	_ =	sdelay $0x1  }
0x2d2: {  	s26 =	sadd.f32 $9.999999960e-13, s26;
	_ =	sdelay $0x1  }
0x2d3: {  	s30 =	sshrl.u32 s26, $0x1;
	s26 =	smul.f32 $5.000000000e-01, s26  }
0x2d4: {  	s28 =	ssub.s32 $0x5F3759DF, s30  }
0x2d5: {  	s31 =	smul.f32 s28, s26;
	_ =	sdelay $0x1  }
0x2d6: {  	s29 =	smul.f32 s28, s31;
	_ =	sdelay $0x1  }
0x2d7: {  	s29 =	ssub.f32 $1.500000000e+00, s29;
	_ =	sdelay $0x1  }
0x2d8: {  	s28 =	smul.f32 s28, s29;
	_ =	sdelay $0x1  }
0x2d9: {  	s29 =	smul.f32 s28, s26;
	_ =	sdelay $0x1  }
0x2da: {  	s29 =	smul.f32 s29, s28;
	_ =	sdelay $0x1  }
0x2db: {  	s29 =	ssub.f32 $1.500000000e+00, s29;
	_ =	sdelay $0x1  }
0x2dc: {  	s28 =	smul.f32 s29, s28;
	_ =	sdelay $0x1  }
0x2dd: {  	s26 =	smul.f32 s28, s26;
	_ =	sdelay $0x1  }
0x2de: {  	s26 =	smul.f32 s26, s28;
	_ =	sdelay $0x1  }
0x2df: {  	s26 =	ssub.f32 $1.500000000e+00, s26  }
0x2e0: {  	v63 =	vmov s25  }
0x2e1: {  	(v2sf) =	vpush v17, $0xB;
	v18 =	vsub.f32 v18, v63;
	s30 =	smul.f32 s26, s28  }
0x2e2: {  	v19 =	vsub.f32 v42, v63  }
0x2e3: {  	v22 =	vsub.f32 v22, v63;
	v24 =	vsub.f32 v24, v63;
	v18 =	vmul.f32 s30, v18  }
0x2e4: {  	v20 =	vsub.f32 v20, v63;
	v23 =	vsub.f32 v23, v63;
	v19 =	vmul.f32 s30, v19  }
0x2e5: {  	v25 =	vsub.f32 v25, v63;
	v22 =	vmul.f32 s30, v22;
	v18 =	vmul.f32 v18, v7  }
0x2e6: {  	v21 =	vsub.f32 v21, v63;
	v24 =	vmul.f32 s30, v24;
	v19 =	vmul.f32 v19, v8  }
0x2e7: {  	v20 =	vmul.f32 s30, v20;
	v22 =	vmul.f32 v22, v6;
	v18 =	vadd.f32 v18, v16  }
0x2e8: {  	v23 =	vmul.f32 s30, v23;
	v24 =	vmul.f32 v24, v5;
	v19 =	vadd.f32 v19, v15  }
0x2e9: {  	v29 =	vmul.f32 s30, v25;
	v20 =	vmul.f32 v20, v3;
	v28 =	vadd.f32 v22, v12;
	[tilespmem:s24+$0x14300] =	vst v18  }
0x2ea: {  	v21 =	vmul.f32 s30, v21;
	v23 =	vmul.f32 v23, v2;
	v30 =	vadd.f32 v24, v10;
	[tilespmem:s24+$0x14310] =	vst v19  }
0x2eb: {  	v32 =	vmul.f32 v29, v1;
	v31 =	vadd.f32 v20, v9;
	[tilespmem:s24+$0x14320] =	vst v28  }
0x2ec: {  	v21 =	vmul.f32 v21, v4;
	v33 =	vadd.f32 v23, v11;
	[tilespmem:s24+$0x14330] =	vst v30  }
0x2ed: {  	v34 =	vadd.f32 v32, v13;
	[tilespmem:s24+$0x14340] =	vst v31  }
0x2ee: {  	v35 =	vadd.f32 v21, v14;
	[tilespmem:s24+$0x14350] =	vst v33  }
0x2ef: {  	v36 =	vld [tilespmem:s24+$0x10380];
	[tilespmem:s24+$0x14360] =	vst v34  }
0x2f0: {  	v37 =	vld [tilespmem:s24+$0x10390];
	s31 =	spop (v2sf);
	[tilespmem:s24+$0x14370] =	vst v35  }
0x2f1: {  	v19 =	vld [tilespmem:s31+$0x0]  }
0x2f2: {  	v38 =	vld [tilespmem:s31+$0x10]  }
0x2f3: {  	v39 =	vld [tilespmem:s24+$0x103A0]  }
0x2f4: {  	v40 =	vld [tilespmem:s31+$0x20]  }
0x2f5: {  	v41 =	vld [tilespmem:s24+$0x103B0]  }
0x2f6: {  	v42 =	vld [tilespmem:s31+$0x30]  }
0x2f7: {  	v44 =	vld [tilespmem:s24+$0x103C0];
	v18 =	vadd.f32 v19, v36;
	v43 =	vadd.f32 v38, v37  }
0x2f8: {  	v45 =	vld [tilespmem:s31+$0x40]  }
0x2f9: {  	v46 =	vld [tilespmem:s24+$0x103D0];
	v22 =	vadd.f32 v40, v39;
	v47 =	vmul.f32 v18, v18;
	v48 =	vmul.f32 v43, v43  }
0x2fa: {  	v49 =	vld [tilespmem:s31+$0x50];
	v50 =	vadd.f32 v43, v18  }
0x2fb: {  	v51 =	vld [tilespmem:s24+$0x103E0];
	v24 =	vadd.f32 v42, v41;
	v52 =	vmul.f32 v22, v22;
	v26 =	vadd.f32 v48, v47  }
0x2fc: {  	v53 =	vld [tilespmem:s31+$0x60];
	v29 =	vadd.f32 v22, v50  }
0x2fd: {  	v54 =	vld [tilespmem:s24+$0x103F0];
	v20 =	vadd.f32 v45, v44;
	v55 =	vmul.f32 v24, v24;
	v26 =	vadd.f32 v52, v26  }
0x2fe: {  	v56 =	vld [tilespmem:s31+$0x70];
	v29 =	vadd.f32 v24, v29  }
0x2ff: {  	v23 =	vadd.f32 v49, v46;
	v57 =	vmul.f32 v20, v20;
	v26 =	vadd.f32 v55, v26  }
0x300: {  	v58 =	vadd.f32 v20, v29  }
0x301: {  	v25 =	vadd.f32 v53, v51;
	v59 =	vmul.f32 v23, v23;
	v26 =	vadd.f32 v57, v26  }
0x302: {  	v28 =	vadd.f32 v23, v58  }
0x303: {  	v21 =	vadd.f32 v56, v54;
	v60 =	vmul.f32 v25, v25;
	v26 =	vadd.f32 v59, v26  }
0x304: {  	v28 =	vadd.f32 v25, v28  }
0x305: {  	v61 =	vmul.f32 v21, v21;
	v26 =	vadd.f32 v60, v26  }
0x306: {  	v28 =	vadd.f32 v21, v28  }
0x307: {  	v26 =	vadd.f32 v61, v26  }
0x308: {  	(xrf2) =	vadd.scan.msk.f32 $0xffff, v28  }
0x309: {  	(xrf2) =	vadd.scan.msk.f32 $0xffff, v26;
	_ =	sdelay $0x8  }
0x30a: {  	v62, _, _ =	vpop (xrf2)  }
0x30b: {  	(v2sf) =	vpush v62, $0xF;
	v63, _, _ =	vpop (xrf2)  }
0x30c: {  	(v2sf) =	vpush v63, $0xF;
	_ =	sdelay $0xd  }
0x30d: {  	s26 =	spop (v2sf)  }
0x30e: {  	s25 =	smul.f32 $7.812500000e-03, s26;
	s28 =	spop (v2sf)  }
0x30f: {  	s26 =	smul.f32 $7.812500000e-03, s28  }
0x310: {  	s29 =	smul.f32 s25, s25;
	_ =	sdelay $0x1  }
0x311: {  	s26 =	ssub.f32 s26, s29;
	_ =	sdelay $0x1  }
0x312: {  	s26 =	sadd.f32 $9.999999960e-13, s26;
	_ =	sdelay $0x1  }
0x313: {  	s30 =	sshrl.u32 s26, $0x1;
	s26 =	smul.f32 $5.000000000e-01, s26  }
0x314: {  	s28 =	ssub.s32 $0x5F3759DF, s30  }
0x315: {  	s31 =	smul.f32 s28, s26;
	_ =	sdelay $0x1  }
0x316: {  	s29 =	smul.f32 s28, s31;
	_ =	sdelay $0x1  }
0x317: {  	s29 =	ssub.f32 $1.500000000e+00, s29;
	_ =	sdelay $0x1  }
0x318: {  	s28 =	smul.f32 s28, s29;
	_ =	sdelay $0x1  }
0x319: {  	s29 =	smul.f32 s28, s26;
	_ =	sdelay $0x1  }
0x31a: {  	s29 =	smul.f32 s29, s28;
	_ =	sdelay $0x1  }
0x31b: {  	s29 =	ssub.f32 $1.500000000e+00, s29;
	_ =	sdelay $0x1  }
0x31c: {  	s28 =	smul.f32 s29, s28;
	_ =	sdelay $0x1  }
0x31d: {  	s26 =	smul.f32 s28, s26;
	_ =	sdelay $0x1  }
0x31e: {  	s26 =	smul.f32 s26, s28;
	_ =	sdelay $0x1  }
0x31f: {  	s26 =	ssub.f32 $1.500000000e+00, s26  }
0x320: {  	v28 =	vmov s25  }
0x321: {  	(v2sf) =	vpush v17, $0xC;
	v18 =	vsub.f32 v18, v28;
	s30 =	smul.f32 s26, s28  }
0x322: {  	v19 =	vsub.f32 v43, v28  }
0x323: {  	v22 =	vsub.f32 v22, v28;
	v24 =	vsub.f32 v24, v28;
	v18 =	vmul.f32 s30, v18  }
0x324: {  	v20 =	vsub.f32 v20, v28;
	v23 =	vsub.f32 v23, v28;
	v19 =	vmul.f32 s30, v19  }
0x325: {  	v25 =	vsub.f32 v25, v28;
	v22 =	vmul.f32 s30, v22;
	v18 =	vmul.f32 v18, v7  }
0x326: {  	v21 =	vsub.f32 v21, v28;
	v24 =	vmul.f32 s30, v24;
	v19 =	vmul.f32 v19, v8  }
0x327: {  	v20 =	vmul.f32 s30, v20;
	v22 =	vmul.f32 v22, v6;
	v18 =	vadd.f32 v18, v16  }
0x328: {  	v23 =	vmul.f32 s30, v23;
	v24 =	vmul.f32 v24, v5;
	v19 =	vadd.f32 v19, v15  }
0x329: {  	v30 =	vmul.f32 s30, v25;
	v20 =	vmul.f32 v20, v3;
	v29 =	vadd.f32 v22, v12;
	[tilespmem:s24+$0x14380] =	vst v18  }
0x32a: {  	v21 =	vmul.f32 s30, v21;
	v23 =	vmul.f32 v23, v2;
	v31 =	vadd.f32 v24, v10;
	[tilespmem:s24+$0x14390] =	vst v19  }
0x32b: {  	v33 =	vmul.f32 v30, v1;
	v32 =	vadd.f32 v20, v9;
	[tilespmem:s24+$0x143A0] =	vst v29  }
0x32c: {  	v21 =	vmul.f32 v21, v4;
	v34 =	vadd.f32 v23, v11;
	[tilespmem:s24+$0x143B0] =	vst v31  }
0x32d: {  	v35 =	vadd.f32 v33, v13;
	[tilespmem:s24+$0x143C0] =	vst v32  }
0x32e: {  	v36 =	vadd.f32 v21, v14;
	[tilespmem:s24+$0x143D0] =	vst v34  }
0x32f: {  	v37 =	vld [tilespmem:s24+$0x10400];
	[tilespmem:s24+$0x143E0] =	vst v35  }
0x330: {  	v38 =	vld [tilespmem:s24+$0x10410];
	s31 =	spop (v2sf);
	[tilespmem:s24+$0x143F0] =	vst v36  }
0x331: {  	v19 =	vld [tilespmem:s31+$0x0]  }
0x332: {  	v39 =	vld [tilespmem:s31+$0x10]  }
0x333: {  	v40 =	vld [tilespmem:s24+$0x10420]  }
0x334: {  	v41 =	vld [tilespmem:s31+$0x20]  }
0x335: {  	v42 =	vld [tilespmem:s24+$0x10430]  }
0x336: {  	v43 =	vld [tilespmem:s31+$0x30]  }
0x337: {  	v45 =	vld [tilespmem:s24+$0x10440];
	v18 =	vadd.f32 v19, v37;
	v44 =	vadd.f32 v39, v38  }
0x338: {  	v46 =	vld [tilespmem:s31+$0x40]  }
0x339: {  	v47 =	vld [tilespmem:s24+$0x10450];
	v22 =	vadd.f32 v41, v40;
	v48 =	vmul.f32 v18, v18;
	v49 =	vmul.f32 v44, v44  }
0x33a: {  	v50 =	vld [tilespmem:s31+$0x50];
	v51 =	vadd.f32 v44, v18  }
0x33b: {  	v52 =	vld [tilespmem:s24+$0x10460];
	v24 =	vadd.f32 v43, v42;
	v53 =	vmul.f32 v22, v22;
	v26 =	vadd.f32 v49, v48  }
0x33c: {  	v54 =	vld [tilespmem:s31+$0x60];
	v29 =	vadd.f32 v22, v51  }
0x33d: {  	v55 =	vld [tilespmem:s24+$0x10470];
	v20 =	vadd.f32 v46, v45;
	v56 =	vmul.f32 v24, v24;
	v26 =	vadd.f32 v53, v26  }
0x33e: {  	v57 =	vld [tilespmem:s31+$0x70];
	v29 =	vadd.f32 v24, v29  }
0x33f: {  	v23 =	vadd.f32 v50, v47;
	v58 =	vmul.f32 v20, v20;
	v26 =	vadd.f32 v56, v26  }
0x340: {  	v59 =	vadd.f32 v20, v29  }
0x341: {  	v25 =	vadd.f32 v54, v52;
	v60 =	vmul.f32 v23, v23;
	v26 =	vadd.f32 v58, v26  }
0x342: {  	v28 =	vadd.f32 v23, v59  }
0x343: {  	v21 =	vadd.f32 v57, v55;
	v61 =	vmul.f32 v25, v25;
	v26 =	vadd.f32 v60, v26  }
0x344: {  	v28 =	vadd.f32 v25, v28  }
0x345: {  	v62 =	vmul.f32 v21, v21;
	v26 =	vadd.f32 v61, v26  }
0x346: {  	v28 =	vadd.f32 v21, v28  }
0x347: {  	v26 =	vadd.f32 v62, v26  }
0x348: {  	(xrf2) =	vadd.scan.msk.f32 $0xffff, v28  }
0x349: {  	(xrf2) =	vadd.scan.msk.f32 $0xffff, v26;
	_ =	sdelay $0x8  }
0x34a: {  	v63, _, _ =	vpop (xrf2)  }
0x34b: {  	(v2sf) =	vpush v63, $0xF;
	v28, _, _ =	vpop (xrf2)  }
0x34c: {  	(v2sf) =	vpush v28, $0xF;
	_ =	sdelay $0xd  }
0x34d: {  	s26 =	spop (v2sf)  }
0x34e: {  	s25 =	smul.f32 $7.812500000e-03, s26;
	s28 =	spop (v2sf)  }
0x34f: {  	s26 =	smul.f32 $7.812500000e-03, s28  }
0x350: {  	s29 =	smul.f32 s25, s25;
	_ =	sdelay $0x1  }
0x351: {  	s26 =	ssub.f32 s26, s29;
	_ =	sdelay $0x1  }
0x352: {  	s26 =	sadd.f32 $9.999999960e-13, s26;
	_ =	sdelay $0x1  }
0x353: {  	s30 =	sshrl.u32 s26, $0x1;
	s26 =	smul.f32 $5.000000000e-01, s26  }
0x354: {  	s28 =	ssub.s32 $0x5F3759DF, s30  }
0x355: {  	s31 =	smul.f32 s28, s26;
	_ =	sdelay $0x1  }
0x356: {  	s29 =	smul.f32 s28, s31;
	_ =	sdelay $0x1  }
0x357: {  	s29 =	ssub.f32 $1.500000000e+00, s29;
	_ =	sdelay $0x1  }
0x358: {  	s28 =	smul.f32 s28, s29;
	_ =	sdelay $0x1  }
0x359: {  	s29 =	smul.f32 s28, s26;
	_ =	sdelay $0x1  }
0x35a: {  	s29 =	smul.f32 s29, s28;
	_ =	sdelay $0x1  }
0x35b: {  	s29 =	ssub.f32 $1.500000000e+00, s29;
	_ =	sdelay $0x1  }
0x35c: {  	s28 =	smul.f32 s29, s28;
	_ =	sdelay $0x1  }
0x35d: {  	s26 =	smul.f32 s28, s26;
	_ =	sdelay $0x1  }
0x35e: {  	s26 =	smul.f32 s26, s28;
	_ =	sdelay $0x1  }
0x35f: {  	s26 =	ssub.f32 $1.500000000e+00, s26  }
0x360: {  	v29 =	vmov s25  }
0x361: {  	(v2sf) =	vpush v17, $0xD;
	v18 =	vsub.f32 v18, v29;
	s30 =	smul.f32 s26, s28  }
0x362: {  	v19 =	vsub.f32 v44, v29  }
0x363: {  	v22 =	vsub.f32 v22, v29;
	v24 =	vsub.f32 v24, v29;
	v18 =	vmul.f32 s30, v18  }
0x364: {  	v20 =	vsub.f32 v20, v29;
	v23 =	vsub.f32 v23, v29;
	v19 =	vmul.f32 s30, v19  }
0x365: {  	v25 =	vsub.f32 v25, v29;
	v22 =	vmul.f32 s30, v22;
	v18 =	vmul.f32 v18, v7  }
0x366: {  	v21 =	vsub.f32 v21, v29;
	v24 =	vmul.f32 s30, v24;
	v19 =	vmul.f32 v19, v8  }
0x367: {  	v20 =	vmul.f32 s30, v20;
	v22 =	vmul.f32 v22, v6;
	v18 =	vadd.f32 v18, v16  }
0x368: {  	v23 =	vmul.f32 s30, v23;
	v24 =	vmul.f32 v24, v5;
	v19 =	vadd.f32 v19, v15  }
0x369: {  	v31 =	vmul.f32 s30, v25;
	v20 =	vmul.f32 v20, v3;
	v30 =	vadd.f32 v22, v12;
	[tilespmem:s24+$0x14400] =	vst v18  }
0x36a: {  	v21 =	vmul.f32 s30, v21;
	v23 =	vmul.f32 v23, v2;
	v32 =	vadd.f32 v24, v10;
	[tilespmem:s24+$0x14410] =	vst v19  }
0x36b: {  	v34 =	vmul.f32 v31, v1;
	v33 =	vadd.f32 v20, v9;
	[tilespmem:s24+$0x14420] =	vst v30  }
0x36c: {  	v21 =	vmul.f32 v21, v4;
	v35 =	vadd.f32 v23, v11;
	[tilespmem:s24+$0x14430] =	vst v32  }
0x36d: {  	v36 =	vadd.f32 v34, v13;
	[tilespmem:s24+$0x14440] =	vst v33  }
0x36e: {  	v37 =	vadd.f32 v21, v14;
	[tilespmem:s24+$0x14450] =	vst v35  }
0x36f: {  	v38 =	vld [tilespmem:s24+$0x10480];
	[tilespmem:s24+$0x14460] =	vst v36  }
0x370: {  	v39 =	vld [tilespmem:s24+$0x10490];
	s31 =	spop (v2sf);
	[tilespmem:s24+$0x14470] =	vst v37  }
0x371: {  	v19 =	vld [tilespmem:s31+$0x0]  }
0x372: {  	v40 =	vld [tilespmem:s31+$0x10]  }
0x373: {  	v41 =	vld [tilespmem:s24+$0x104A0]  }
0x374: {  	v42 =	vld [tilespmem:s31+$0x20]  }
0x375: {  	v43 =	vld [tilespmem:s24+$0x104B0]  }
0x376: {  	v44 =	vld [tilespmem:s31+$0x30]  }
0x377: {  	v46 =	vld [tilespmem:s24+$0x104C0];
	v18 =	vadd.f32 v19, v38;
	v45 =	vadd.f32 v40, v39  }
0x378: {  	v47 =	vld [tilespmem:s31+$0x40]  }
0x379: {  	v48 =	vld [tilespmem:s24+$0x104D0];
	v22 =	vadd.f32 v42, v41;
	v49 =	vmul.f32 v18, v18;
	v50 =	vmul.f32 v45, v45  }
0x37a: {  	v51 =	vld [tilespmem:s31+$0x50];
	v52 =	vadd.f32 v45, v18  }
0x37b: {  	v53 =	vld [tilespmem:s24+$0x104E0];
	v24 =	vadd.f32 v44, v43;
	v54 =	vmul.f32 v22, v22;
	v26 =	vadd.f32 v50, v49  }
0x37c: {  	v55 =	vld [tilespmem:s31+$0x60];
	v29 =	vadd.f32 v22, v52  }
0x37d: {  	v56 =	vld [tilespmem:s24+$0x104F0];
	v20 =	vadd.f32 v47, v46;
	v57 =	vmul.f32 v24, v24;
	v26 =	vadd.f32 v54, v26  }
0x37e: {  	v58 =	vld [tilespmem:s31+$0x70];
	v29 =	vadd.f32 v24, v29  }
0x37f: {  	v23 =	vadd.f32 v51, v48;
	v59 =	vmul.f32 v20, v20;
	v26 =	vadd.f32 v57, v26  }
0x380: {  	v60 =	vadd.f32 v20, v29  }
0x381: {  	v25 =	vadd.f32 v55, v53;
	v61 =	vmul.f32 v23, v23;
	v26 =	vadd.f32 v59, v26  }
0x382: {  	v28 =	vadd.f32 v23, v60  }
0x383: {  	v21 =	vadd.f32 v58, v56;
	v62 =	vmul.f32 v25, v25;
	v26 =	vadd.f32 v61, v26  }
0x384: {  	v28 =	vadd.f32 v25, v28  }
0x385: {  	v63 =	vmul.f32 v21, v21;
	v26 =	vadd.f32 v62, v26  }
0x386: {  	v28 =	vadd.f32 v21, v28  }
0x387: {  	v26 =	vadd.f32 v63, v26  }
0x388: {  	(xrf2) =	vadd.scan.msk.f32 $0xffff, v28  }
0x389: {  	(xrf2) =	vadd.scan.msk.f32 $0xffff, v26;
	_ =	sdelay $0x8  }
0x38a: {  	v32, _, _ =	vpop (xrf2)  }
0x38b: {  	(v2sf) =	vpush v32, $0xF;
	v33, _, _ =	vpop (xrf2)  }
0x38c: {  	(v2sf) =	vpush v33, $0xF;
	_ =	sdelay $0xd  }
0x38d: {  	s26 =	spop (v2sf)  }
0x38e: {  	s25 =	smul.f32 $7.812500000e-03, s26;
	s28 =	spop (v2sf)  }
0x38f: {  	s26 =	smul.f32 $7.812500000e-03, s28  }
0x390: {  	s29 =	smul.f32 s25, s25;
	_ =	sdelay $0x1  }
0x391: {  	s26 =	ssub.f32 s26, s29;
	_ =	sdelay $0x1  }
0x392: {  	s26 =	sadd.f32 $9.999999960e-13, s26;
	_ =	sdelay $0x1  }
0x393: {  	s30 =	sshrl.u32 s26, $0x1;
	s26 =	smul.f32 $5.000000000e-01, s26  }
0x394: {  	s28 =	ssub.s32 $0x5F3759DF, s30  }
0x395: {  	s31 =	smul.f32 s28, s26;
	_ =	sdelay $0x1  }
0x396: {  	s29 =	smul.f32 s28, s31;
	_ =	sdelay $0x1  }
0x397: {  	s29 =	ssub.f32 $1.500000000e+00, s29;
	_ =	sdelay $0x1  }
0x398: {  	s28 =	smul.f32 s28, s29;
	_ =	sdelay $0x1  }
0x399: {  	s29 =	smul.f32 s28, s26;
	_ =	sdelay $0x1  }
0x39a: {  	s29 =	smul.f32 s29, s28;
	_ =	sdelay $0x1  }
0x39b: {  	s29 =	ssub.f32 $1.500000000e+00, s29;
	_ =	sdelay $0x1  }
0x39c: {  	s28 =	smul.f32 s29, s28;
	_ =	sdelay $0x1  }
0x39d: {  	s26 =	smul.f32 s28, s26;
	_ =	sdelay $0x1  }
0x39e: {  	s26 =	smul.f32 s26, s28;
	_ =	sdelay $0x1  }
0x39f: {  	s26 =	ssub.f32 $1.500000000e+00, s26  }
0x3a0: {  	v34 =	vmov s25  }
0x3a1: {  	(v2sf) =	vpush v17, $0xE;
	v18 =	vsub.f32 v18, v34;
	s30 =	smul.f32 s26, s28  }
0x3a2: {  	v19 =	vsub.f32 v45, v34  }
0x3a3: {  	v22 =	vsub.f32 v22, v34;
	v24 =	vsub.f32 v24, v34;
	v18 =	vmul.f32 s30, v18  }
0x3a4: {  	v20 =	vsub.f32 v20, v34;
	v23 =	vsub.f32 v23, v34;
	v19 =	vmul.f32 s30, v19  }
0x3a5: {  	v25 =	vsub.f32 v25, v34;
	v22 =	vmul.f32 s30, v22;
	v18 =	vmul.f32 v18, v7  }
0x3a6: {  	v21 =	vsub.f32 v21, v34;
	v24 =	vmul.f32 s30, v24;
	v19 =	vmul.f32 v19, v8  }
0x3a7: {  	v20 =	vmul.f32 s30, v20;
	v22 =	vmul.f32 v22, v6;
	v18 =	vadd.f32 v18, v16  }
0x3a8: {  	v23 =	vmul.f32 s30, v23;
	v24 =	vmul.f32 v24, v5;
	v19 =	vadd.f32 v19, v15  }
0x3a9: {  	v36 =	vmul.f32 s30, v25;
	v20 =	vmul.f32 v20, v3;
	v35 =	vadd.f32 v22, v12;
	[tilespmem:s24+$0x14480] =	vst v18  }
0x3aa: {  	v21 =	vmul.f32 s30, v21;
	v23 =	vmul.f32 v23, v2;
	v37 =	vadd.f32 v24, v10;
	[tilespmem:s24+$0x14490] =	vst v19  }
0x3ab: {  	v39 =	vmul.f32 v36, v1;
	v38 =	vadd.f32 v20, v9;
	[tilespmem:s24+$0x144A0] =	vst v35  }
0x3ac: {  	v21 =	vmul.f32 v21, v4;
	v40 =	vadd.f32 v23, v11;
	[tilespmem:s24+$0x144B0] =	vst v37  }
0x3ad: {  	v41 =	vadd.f32 v39, v13;
	[tilespmem:s24+$0x144C0] =	vst v38  }
0x3ae: {  	v42 =	vadd.f32 v21, v14;
	[tilespmem:s24+$0x144D0] =	vst v40  }
0x3af: {  	v43 =	vld [tilespmem:s24+$0x10500];
	[tilespmem:s24+$0x144E0] =	vst v41  }
0x3b0: {  	v44 =	vld [tilespmem:s24+$0x10510];
	s31 =	spop (v2sf);
	[tilespmem:s24+$0x144F0] =	vst v42  }
0x3b1: {  	v19 =	vld [tilespmem:s31+$0x0]  }
0x3b2: {  	v45 =	vld [tilespmem:s31+$0x10]  }
0x3b3: {  	v46 =	vld [tilespmem:s24+$0x10520]  }
0x3b4: {  	v47 =	vld [tilespmem:s31+$0x20]  }
0x3b5: {  	v48 =	vld [tilespmem:s24+$0x10530]  }
0x3b6: {  	v49 =	vld [tilespmem:s31+$0x30]  }
0x3b7: {  	v51 =	vld [tilespmem:s24+$0x10540];
	v18 =	vadd.f32 v19, v43;
	v50 =	vadd.f32 v45, v44  }
0x3b8: {  	v52 =	vld [tilespmem:s31+$0x40]  }
0x3b9: {  	v53 =	vld [tilespmem:s24+$0x10550];
	v22 =	vadd.f32 v47, v46;
	v54 =	vmul.f32 v18, v18;
	v55 =	vmul.f32 v50, v50  }
0x3ba: {  	v56 =	vld [tilespmem:s31+$0x50];
	v57 =	vadd.f32 v50, v18  }
0x3bb: {  	v58 =	vld [tilespmem:s24+$0x10560];
	v24 =	vadd.f32 v49, v48;
	v59 =	vmul.f32 v22, v22;
	v26 =	vadd.f32 v55, v54  }
0x3bc: {  	v60 =	vld [tilespmem:s31+$0x60];
	v29 =	vadd.f32 v22, v57  }
0x3bd: {  	v61 =	vld [tilespmem:s24+$0x10570];
	v20 =	vadd.f32 v52, v51;
	v62 =	vmul.f32 v24, v24;
	v26 =	vadd.f32 v59, v26  }
0x3be: {  	v63 =	vld [tilespmem:s31+$0x70];
	v29 =	vadd.f32 v24, v29  }
0x3bf: {  	v23 =	vadd.f32 v56, v53;
	v32 =	vmul.f32 v20, v20;
	v26 =	vadd.f32 v62, v26  }
0x3c0: {  	v33 =	vadd.f32 v20, v29  }
0x3c1: {  	v25 =	vadd.f32 v60, v58;
	v34 =	vmul.f32 v23, v23;
	v26 =	vadd.f32 v32, v26  }
0x3c2: {  	v28 =	vadd.f32 v23, v33  }
0x3c3: {  	v21 =	vadd.f32 v63, v61;
	v35 =	vmul.f32 v25, v25;
	v26 =	vadd.f32 v34, v26  }
0x3c4: {  	v28 =	vadd.f32 v25, v28  }
0x3c5: {  	v36 =	vmul.f32 v21, v21;
	v26 =	vadd.f32 v35, v26  }
0x3c6: {  	v28 =	vadd.f32 v21, v28  }
0x3c7: {  	v26 =	vadd.f32 v36, v26  }
0x3c8: {  	(xrf2) =	vadd.scan.msk.f32 $0xffff, v28  }
0x3c9: {  	(xrf2) =	vadd.scan.msk.f32 $0xffff, v26;
	_ =	sdelay $0x8  }
0x3ca: {  	v37, _, _ =	vpop (xrf2)  }
0x3cb: {  	(v2sf) =	vpush v37, $0xF;
	v38, _, _ =	vpop (xrf2)  }
0x3cc: {  	(v2sf) =	vpush v38, $0xF;
	_ =	sdelay $0xd  }
0x3cd: {  	s26 =	spop (v2sf)  }
0x3ce: {  	s25 =	smul.f32 $7.812500000e-03, s26;
	s28 =	spop (v2sf)  }
0x3cf: {  	s26 =	smul.f32 $7.812500000e-03, s28  }
0x3d0: {  	s29 =	smul.f32 s25, s25;
	_ =	sdelay $0x1  }
0x3d1: {  	s26 =	ssub.f32 s26, s29;
	_ =	sdelay $0x1  }
0x3d2: {  	s26 =	sadd.f32 $9.999999960e-13, s26;
	_ =	sdelay $0x1  }
0x3d3: {  	s30 =	sshrl.u32 s26, $0x1;
	s26 =	smul.f32 $5.000000000e-01, s26  }
0x3d4: {  	s28 =	ssub.s32 $0x5F3759DF, s30  }
0x3d5: {  	s31 =	smul.f32 s28, s26;
	_ =	sdelay $0x1  }
0x3d6: {  	s29 =	smul.f32 s28, s31;
	_ =	sdelay $0x1  }
0x3d7: {  	s29 =	ssub.f32 $1.500000000e+00, s29;
	_ =	sdelay $0x1  }
0x3d8: {  	s28 =	smul.f32 s28, s29;
	_ =	sdelay $0x1  }
0x3d9: {  	s29 =	smul.f32 s28, s26;
	_ =	sdelay $0x1  }
0x3da: {  	s29 =	smul.f32 s29, s28;
	_ =	sdelay $0x1  }
0x3db: {  	s29 =	ssub.f32 $1.500000000e+00, s29;
	_ =	sdelay $0x1  }
0x3dc: {  	s28 =	smul.f32 s29, s28;
	_ =	sdelay $0x1  }
0x3dd: {  	s26 =	smul.f32 s28, s26;
	_ =	sdelay $0x1  }
0x3de: {  	s26 =	smul.f32 s26, s28;
	_ =	sdelay $0x1  }
0x3df: {  	s26 =	ssub.f32 $1.500000000e+00, s26  }
0x3e0: {  	v39 =	vmov s25  }
0x3e1: {  	(v2sf) =	vpush v17, $0xF;
	v18 =	vsub.f32 v18, v39;
	s26 =	smul.f32 s26, s28  }
0x3e2: {  	v19 =	vsub.f32 v50, v39  }
0x3e3: {  	v41 =	vsub.f32 v22, v39;
	v42 =	vsub.f32 v24, v39;
	v18 =	vmul.f32 s26, v18  }
0x3e4: {  	v20 =	vsub.f32 v20, v39;
	v23 =	vsub.f32 v23, v39;
	v40 =	vmul.f32 s26, v19  }
0x3e5: {  	v43 =	vsub.f32 v25, v39;
	v19 =	vmul.f32 s26, v41;
	v18 =	vmul.f32 v18, v7  }
0x3e6: {  	v21 =	vsub.f32 v21, v39;
	v22 =	vmul.f32 s26, v42;
	v17 =	vmul.f32 v40, v8  }
0x3e7: {  	v20 =	vmul.f32 s26, v20;
	v19 =	vmul.f32 v19, v6;
	v18 =	vadd.f32 v18, v16  }
0x3e8: {  	v23 =	vmul.f32 s26, v23;
	v22 =	vmul.f32 v22, v5;
	v17 =	vadd.f32 v17, v15  }
0x3e9: {  	v46 =	vmul.f32 s26, v43;
	v45 =	vmul.f32 v20, v3;
	v44 =	vadd.f32 v19, v12;
	[tilespmem:s24+$0x14500] =	vst v18  }
0x3ea: {  	v21 =	vmul.f32 s26, v21;
	v48 =	vmul.f32 v23, v2;
	v47 =	vadd.f32 v22, v10;
	[tilespmem:s24+$0x14510] =	vst v17  }
0x3eb: {  	v50 =	vmul.f32 v46, v1;
	v49 =	vadd.f32 v45, v9;
	[tilespmem:s24+$0x14520] =	vst v44  }
0x3ec: {  	v52 =	vmul.f32 v21, v4;
	v51 =	vadd.f32 v48, v11;
	[tilespmem:s24+$0x14530] =	vst v47  }
0x3ed: {  	v53 =	vadd.f32 v50, v13;
	[tilespmem:s24+$0x14540] =	vst v49  }
0x3ee: {  	v54 =	vadd.f32 v52, v14;
	[tilespmem:s24+$0x14550] =	vst v51  }
0x3ef: {  	v56 =	vld [tilespmem:s24+$0x10590];
	[tilespmem:s24+$0x14560] =	vst v53  }
0x3f0: {  	v55 =	vld [tilespmem:s24+$0x10580];
	s28 =	spop (v2sf);
	[tilespmem:s24+$0x14570] =	vst v54  }
0x3f1: {  	v18 =	vld [tilespmem:s28+$0x0]  }
0x3f2: {  	v57 =	vld [tilespmem:s28+$0x10]  }
0x3f3: {  	v58 =	vld [tilespmem:s24+$0x105A0]  }
0x3f4: {  	v59 =	vld [tilespmem:s28+$0x20]  }
0x3f5: {  	v60 =	vld [tilespmem:s24+$0x105B0]  }
0x3f6: {  	v61 =	vld [tilespmem:s28+$0x30]  }
0x3f7: {  	v63 =	vld [tilespmem:s24+$0x105C0];
	v17 =	vadd.f32 v18, v55;
	v62 =	vadd.f32 v57, v56  }
0x3f8: {  	v32 =	vld [tilespmem:s28+$0x40]  }
0x3f9: {  	v33 =	vld [tilespmem:s24+$0x105D0];
	v21 =	vadd.f32 v59, v58;
	v34 =	vmul.f32 v17, v17;
	v35 =	vmul.f32 v62, v62  }
0x3fa: {  	v36 =	vld [tilespmem:s28+$0x50];
	v37 =	vadd.f32 v62, v17  }
0x3fb: {  	v38 =	vld [tilespmem:s24+$0x105E0];
	v23 =	vadd.f32 v61, v60;
	v39 =	vmul.f32 v21, v21;
	v25 =	vadd.f32 v35, v34  }
0x3fc: {  	v40 =	vld [tilespmem:s28+$0x60];
	v28 =	vadd.f32 v21, v37  }
0x3fd: {  	v41 =	vld [tilespmem:s24+$0x105F0];
	v19 =	vadd.f32 v32, v63;
	v42 =	vmul.f32 v23, v23;
	v25 =	vadd.f32 v39, v25  }
0x3fe: {  	v43 =	vld [tilespmem:s28+$0x70];
	v28 =	vadd.f32 v23, v28  }
0x3ff: {  	v22 =	vadd.f32 v36, v33;
	v44 =	vmul.f32 v19, v19;
	v25 =	vadd.f32 v42, v25  }
0x400: {  	v45 =	vadd.f32 v19, v28  }
0x401: {  	v24 =	vadd.f32 v40, v38;
	v46 =	vmul.f32 v22, v22;
	v25 =	vadd.f32 v44, v25  }
0x402: {  	v27 =	vadd.f32 v22, v45  }
0x403: {  	v20 =	vadd.f32 v43, v41;
	v47 =	vmul.f32 v24, v24;
	v25 =	vadd.f32 v46, v25  }
0x404: {  	v27 =	vadd.f32 v24, v27  }
0x405: {  	v48 =	vmul.f32 v20, v20;
	v25 =	vadd.f32 v47, v25  }
0x406: {  	v27 =	vadd.f32 v20, v27  }
0x407: {  	v25 =	vadd.f32 v48, v25  }
0x408: {  	(xrf2) =	vadd.scan.msk.f32 $0xffff, v27  }
0x409: {  	(xrf2) =	vadd.scan.msk.f32 $0xffff, v25;
	_ =	sdelay $0x8  }
0x40a: {  	v49, _, _ =	vpop (xrf2)  }
0x40b: {  	(v2sf) =	vpush v49, $0xF;
	v50, _, _ =	vpop (xrf2)  }
0x40c: {  	(v2sf) =	vpush v50, $0xF;
	_ =	sdelay $0xd  }
0x40d: {  	s29 =	spop (v2sf)  }
0x40e: {  	s25 =	smul.f32 $7.812500000e-03, s29;
	s30 =	spop (v2sf)  }
0x40f: {  	s26 =	smul.f32 $7.812500000e-03, s30  }
0x410: {  	s31 =	smul.f32 s25, s25;
	_ =	sdelay $0x1  }
0x411: {  	s26 =	ssub.f32 s26, s31;
	_ =	sdelay $0x1  }
0x412: {  	s26 =	sadd.f32 $9.999999960e-13, s26;
	_ =	sdelay $0x1  }
0x413: {  	s29 =	sshrl.u32 s26, $0x1;
	s26 =	smul.f32 $5.000000000e-01, s26  }
0x414: {  	s28 =	ssub.s32 $0x5F3759DF, s29  }
0x415: {  	s30 =	smul.f32 s28, s26;
	_ =	sdelay $0x1  }
0x416: {  	s29 =	smul.f32 s28, s30;
	_ =	sdelay $0x1  }
0x417: {  	s29 =	ssub.f32 $1.500000000e+00, s29;
	_ =	sdelay $0x1  }
0x418: {  	s28 =	smul.f32 s28, s29;
	_ =	sdelay $0x1  }
0x419: {  	s29 =	smul.f32 s28, s26;
	_ =	sdelay $0x1  }
0x41a: {  	s29 =	smul.f32 s29, s28;
	_ =	sdelay $0x1  }
0x41b: {  	s29 =	ssub.f32 $1.500000000e+00, s29;
	_ =	sdelay $0x1  }
0x41c: {  	s28 =	smul.f32 s29, s28;
	_ =	sdelay $0x1  }
0x41d: {  	s26 =	smul.f32 s28, s26;
	_ =	sdelay $0x1  }
0x41e: {  	s26 =	smul.f32 s26, s28;
	_ =	sdelay $0x1  }
0x41f: {  	s26 =	ssub.f32 $1.500000000e+00, s26  }
0x420: {  	v51 =	vmov s25  }
0x421: {  	v17 =	vsub.f32 v17, v51;
	s31 =	smul.f32 s26, s28  }
0x422: {  	v18 =	vsub.f32 v62, v51  }
0x423: {  	v52 =	vsub.f32 v21, v51;
	v53 =	vsub.f32 v23, v51;
	v17 =	vmul.f32 s31, v17  }
0x424: {  	v55 =	vsub.f32 v19, v51;
	v57 =	vsub.f32 v22, v51;
	v18 =	vmul.f32 s31, v18  }
0x425: {  	v59 =	vsub.f32 v24, v51;
	v54 =	vmul.f32 s31, v52;
	v7 =	vmul.f32 v17, v7  }
0x426: {  	v61 =	vsub.f32 v20, v51;
	v56 =	vmul.f32 s31, v53;
	v8 =	vmul.f32 v18, v8  }
0x427: {  	v58 =	vmul.f32 s31, v55;
	v6 =	vmul.f32 v54, v6;
	v7 =	vadd.f32 v7, v16  }
0x428: {  	v60 =	vmul.f32 s31, v57;
	v5 =	vmul.f32 v56, v5;
	v8 =	vadd.f32 v8, v15  }
0x429: {  	v62 =	vmul.f32 s31, v59;
	v3 =	vmul.f32 v58, v3;
	v6 =	vadd.f32 v6, v12;
	[tilespmem:s24+$0x14580] =	vst v7  }
0x42a: {  	v63 =	vmul.f32 s31, v61;
	v2 =	vmul.f32 v60, v2;
	v5 =	vadd.f32 v5, v10;
	[tilespmem:s24+$0x14590] =	vst v8  }
0x42b: {  	p0 =	sne.s32 s23, $0x7;
	v1 =	vmul.f32 v62, v1;
	v3 =	vadd.f32 v3, v9;
	[tilespmem:s24+$0x145A0] =	vst v6  }
.Ltmp0:
0x42c: {  	v4 =	vmul.f32 v63, v4;
	v2 =	vadd.f32 v2, v11;
	[tilespmem:s24+$0x145B0] =	vst v5;
	(pc) =	sbr.rel @p0 .LBB2_3-.Ltmp0, $4  }
0x42d: {  	v1 =	vadd.f32 v1, v13;
	[tilespmem:s24+$0x145C0] =	vst v3  }
0x42e: {  	[tilespmem:s24+$0x145D0] =	vst v2;
	v2 =	vadd.f32 v4, v14  }
0x42f: {  	[tilespmem:s24+$0x145E0] =	vst v1  }
0x430: {  	s23 =	sadd.s32 $0x1, s23;
	[tilespmem:s24+$0x145F0] =	vst v2  }
0x431: {  	s22 =	sadd.s32 s9, s22;
	s21 =	sadd.s32 $0x1, s21  }
0x432: {  	s22 =	sshll.u32 s22, $0x4;
	p0 =	sne.s32 s21, $0x32  }
.Ltmp1:
0x433: {  	s22 =	sadd.s32 s3, s22;
	(pc) =	sbr.rel @p0 .LBB2_2-.Ltmp1, $4  }
0x434: {  	[hbm4b:s22+s4] =	stream.linear.scatter [tilespmem:s19], [sflag:$0x2], $0x4000, $0x38;
	[tilespmem:$0x17E00] =	vst v63  }
0x435: {  	_ =	swait.ge [sflag:s11], $0x4000  }
0x436: {  	[sflag:s11] =	ssyncset.done $0x0  }
0x437: {  	[sflag:s11] =	ssyncadd.s32 $0xFFFFC000  }
0x438: {  	s20 =	sadd.s32 $0x1, s20  }
0x439: {  	p0 =	sne.s32 s20, s10  }
.Ltmp2:
0x43a: {  	_ = 	snop;
	(pc) =	sbr.rel @p0 .LBB2_1-.Ltmp2, $1  }
0x43b: {  	_ =	sdelay $0x3  }
0x43c: {  	_ =	sfence.sel $0x180000  }
0x43d: {  	[bflag:$0x0] =	sbarrier.arrive $0xFFFF  }
0x43e: {  	p0 =	sne.s32 s0, $0x0;
	_ =	strace $0x90000047  }
0x43f: {  	s0 =	sadd.s32 @!p0 $0x100000, s1;
	[bflag:$0x2] =	sbarrier.arrive $0xFFFF  }
0x440: {  	[sflag:s0] =	ssyncadd.tile.s32 @!p0 $0x1;
	_ =	shalt  }
.Lfunc_end2:
_tile_overlayer_lowered:
.L_overlay_start_2:
0x441: {  	(tag) =	ssettag $0x2  }
0x442: {  	s0 =	rddreg [dreg:$0x0];
	s2 =	stileid.u32  }
0x443: {  	s1 =	rddreg [dreg:$0x1];
	p0 =	sne.s32 s2, $0x0  }
0x444: {  	s3 =	rddreg [dreg:$0x2];
	[bflag:$0x3] =	sbarrier.arrive $0xFFFF;
	s2 =	simm.s32 @!p0 $0x1C02  }
0x445: {  	[timem:s3], [sflag:s2] =	dma.local @!p0 [hbm:s0], s1  }
0x446: {  	s0 =	simm.s32 @!p0 $0x2  }
0x447: {  	_ =	swait.ge @!p0 [sflag:s0], s1  }
0x448: {  	s1 =	ssub.s32 @!p0 $0x0, s1;
	[sflag:s0] =	ssyncset.done @!p0 $0x0  }
0x449: {  	[sflag:s0] =	ssyncadd.s32 @!p0 s1  }
0x44a: {  	[bflag:$0x3] =	sbarrier.arrive $0xFFFF  }
0x44b: {  	_ =	shalt  }

</sc_bundles>
